<compile_context>
chip_gen: v7x
topology: tpu7x:2x2x1
jax: 0.10.2.dev20260603
libtpu: 0.0.44.dev20260713+nightly
codegen_flags: <defaults>
</compile_context>

<pallas_src>
import jax
import jax.numpy as jnp
from jax import lax
from jax.experimental import pallas as pl
from jax.experimental.pallas import tpu as pltpu
from jax.experimental.pallas import tpu_sc as plsc

N_NODES = 10000
D = 128
HID = 64
N_SEG = 10000
E = 320000

DH = 64
TW = 80
NC, NS = 2, 16
NW = NC * NS
CHUNK = 80
E_PER_SUB = E // NS
CHUNKS_PER_SUB = E_PER_SUB // CHUNK
NBUF = 4
ROUNDS = CHUNKS_PER_SUB // NBUF
TAIL = CHUNKS_PER_SUB - ROUNDS * NBUF
ROWS_PER_SUB = N_SEG // NS
WB = 125
DROW = 640
E_BETA = E // NW


def _prep_body(x_ref, w1_ref, b1_ref, w2_ref, b2_ref, y0_ref, y1_ref, ew_ref):
    x = x_ref[...]
    z = jnp.dot(x, w1_ref[...], preferred_element_type=jnp.float32) + b1_ref[...]
    h = jnp.where(z >= 0, z, 0.01 * z)
    w = jnp.dot(h, w2_ref[...], preferred_element_type=jnp.float32) + b2_ref[...]
    ew = jnp.exp(w)
    blk = x.shape[0]
    pad = jnp.zeros((blk, TW - DH - 1), jnp.float32)
    y0_ref[...] = jnp.concatenate([x[:, :DH] * ew, ew, pad], axis=1)
    y1_ref[...] = jnp.concatenate([x[:, DH:] * ew, ew, pad], axis=1)
    ew_ref[...] = ew


def _prep(X, W1, b1, W2, b2):
    blk = 1000
    return pl.pallas_call(
        _prep_body,
        grid=(N_NODES // blk,),
        in_specs=[
            pl.BlockSpec((blk, D), lambda i: (i, 0)),
            pl.BlockSpec((D, HID), lambda i: (0, 0)),
            pl.BlockSpec((1, HID), lambda i: (0, 0)),
            pl.BlockSpec((HID, 1), lambda i: (0, 0)),
            pl.BlockSpec((1, 1), lambda i: (0, 0)),
        ],
        out_specs=[
            pl.BlockSpec((blk, TW), lambda i: (i, 0)),
            pl.BlockSpec((blk, TW), lambda i: (i, 0)),
            pl.BlockSpec((blk, 1), lambda i: (i, 0)),
        ],
        out_shape=[
            jax.ShapeDtypeStruct((N_NODES, TW), jnp.float32),
            jax.ShapeDtypeStruct((N_NODES, TW), jnp.float32),
            jax.ShapeDtypeStruct((N_NODES, 1), jnp.float32),
        ],
    )(X, W1, b1.reshape(1, HID), W2, b2.reshape(1, 1))


def _accum_body(y0_hbm, y1_hbm, nidx_hbm, sidx_hbm, zeros_hbm,
                ud_hbm, den_hbm,
                nidx_v, sidx_v, rows_v, blk_v, den_v, ud_sp,
                gs0, gs1, gs2, gs3, ss0, ss1, ss2, ss3, wsem):
    c = lax.axis_index("c")
    s = lax.axis_index("s")
    gsems = (gs0, gs1, gs2, gs3)
    ssems = (ss0, ss1, ss2, ss3)

    pltpu.sync_copy(zeros_hbm, blk_v)
    row0 = s * ROWS_PER_SUB
    for k in range(ROWS_PER_SUB // WB):
        pltpu.sync_copy(blk_v, ud_sp.at[pl.ds(row0 + k * WB, WB)])

    pltpu.sync_copy(nidx_hbm.at[pl.ds(s * CHUNKS_PER_SUB, CHUNKS_PER_SUB)],
                    nidx_v)
    pltpu.sync_copy(sidx_hbm.at[pl.ds(s * CHUNKS_PER_SUB, CHUNKS_PER_SUB)],
                    sidx_v)
    plsc.subcore_barrier()

    def run(y_hbm):
        def gstart(b, g):
            pltpu.async_copy(y_hbm.at[nidx_v.at[g]], rows_v.at[b], gsems[b])

        def gwait(b, g):
            pltpu.make_async_copy(y_hbm.at[nidx_v.at[g]], rows_v.at[b],
                                  gsems[b]).wait()

        def sstart(b, g):
            pltpu.async_copy(rows_v.at[b], ud_sp.at[sidx_v.at[g]], ssems[b],
                             add=True)

        def swait(b, g):
            pltpu.make_async_copy(rows_v.at[b], ud_sp.at[sidx_v.at[g]],
                                  ssems[b]).wait()

        for b in range(NBUF):
            gstart(b, b)

        def round_(r, _):
            for b in range(NBUF):
                g = r * NBUF + b
                gwait(b, g)
                sstart(b, g)
            for b in range(NBUF):
                g = r * NBUF + b
                swait(b, g)

                @pl.when(g + NBUF < CHUNKS_PER_SUB)
                def _():
                    gstart(b, g + NBUF)
            return 0

        lax.fori_loop(0, ROUNDS, round_, 0)
        for b in range(TAIL):
            g = ROUNDS * NBUF + b
            gwait(b, g)
            sstart(b, g)
        for b in range(TAIL):
            swait(b, ROUNDS * NBUF + b)

    @pl.when(c == 0)
    def _():
        run(y0_hbm)

    @pl.when(c == 1)
    def _():
        run(y1_hbm)

    plsc.subcore_barrier()

    lanes = lax.iota(jnp.int32, 16)
    for cc in range(NC):
        @pl.when(c == cc)
        def _():
            for k in range(ROWS_PER_SUB // WB):
                r = row0 + k * WB
                pltpu.sync_copy(ud_sp.at[pl.ds(r, WB)], blk_v)
                pltpu.async_copy(blk_v, ud_hbm.at[cc, pl.ds(r, WB)], wsem)
                for j in range(8):
                    rows16 = lanes + j * 16
                    dvals = plsc.load_gather(blk_v, [rows16, lanes * 0 + DH],
                                             mask=rows16 < WB)
                    den_v[pl.ds(k * WB + j * 16, 16)] = dvals
                pltpu.make_async_copy(blk_v, ud_hbm.at[cc, pl.ds(r, WB)],
                                      wsem).wait()

    @pl.when(c == 0)
    def _():
        pltpu.sync_copy(den_v, den_hbm.at[s])


def _accum(y0, y1, nidx2d, sidx2d, zeros):
    mesh = plsc.VectorSubcoreMesh(core_axis_name="c", subcore_axis_name="s")
    return pl.kernel(
        _accum_body,
        out_type=[
            jax.ShapeDtypeStruct((NC, N_SEG, TW), jnp.float32),
            jax.ShapeDtypeStruct((NS, DROW), jnp.float32),
        ],
        mesh=mesh,
        scratch_types=[
            pltpu.VMEM((CHUNKS_PER_SUB, CHUNK), jnp.int32),
            pltpu.VMEM((CHUNKS_PER_SUB, CHUNK), jnp.int32),
            pltpu.VMEM((NBUF, CHUNK, TW), jnp.float32),
            pltpu.VMEM((WB, TW), jnp.float32),
            pltpu.VMEM((DROW,), jnp.float32),
            pltpu.VMEM_SHARED((N_SEG, TW), jnp.float32),
        ] + [pltpu.SemaphoreType.DMA] * (2 * NBUF + 1),
        compiler_params=pltpu.CompilerParams(use_tc_tiling_on_sc=False,
                                             needs_layout_passes=False),
    )(y0, y1, nidx2d, sidx2d, zeros)


def _beta_body(ew_hbm, den_hbm, nidx_hbm, sidx_hbm, beta_hbm,
               ew_v, dtab_v, ni_v, si_v, beta_v):
    c = lax.axis_index("c")
    s = lax.axis_index("s")
    wid = c * NS + s
    base = wid * E_BETA

    pltpu.sync_copy(ew_hbm, ew_v)
    pltpu.sync_copy(den_hbm, dtab_v)
    pltpu.sync_copy(nidx_hbm.at[pl.ds(base, E_BETA)], ni_v)
    pltpu.sync_copy(sidx_hbm.at[pl.ds(base, E_BETA)], si_v)

    def bstep(i, _):
        off = i * 16
        ni = ni_v[pl.ds(off, 16)]
        si = si_v[pl.ds(off, 16)]
        e = plsc.load_gather(ew_v, [ni])
        d = plsc.load_gather(dtab_v, [si // ROWS_PER_SUB,
                                      si % ROWS_PER_SUB])
        beta_v[pl.ds(off, 16)] = e / d
        return 0

    lax.fori_loop(0, E_BETA // 16, bstep, 0)
    pltpu.sync_copy(beta_v, beta_hbm.at[pl.ds(base, E_BETA)])


def _beta(ew1d, den, node_index, segment_ids):
    mesh = plsc.VectorSubcoreMesh(core_axis_name="c", subcore_axis_name="s")
    return pl.kernel(
        _beta_body,
        out_type=jax.ShapeDtypeStruct((E,), jnp.float32),
        mesh=mesh,
        scratch_types=[
            pltpu.VMEM((N_NODES,), jnp.float32),
            pltpu.VMEM((NS, DROW), jnp.float32),
            pltpu.VMEM((E_BETA,), jnp.int32),
            pltpu.VMEM((E_BETA,), jnp.int32),
            pltpu.VMEM((E_BETA,), jnp.float32),
        ],
        compiler_params=pltpu.CompilerParams(use_tc_tiling_on_sc=False,
                                             needs_layout_passes=False),
    )(ew1d, den, node_index, segment_ids)


def _final_body(ud0_ref, ud1_ref, z_ref):
    u0 = ud0_ref[...]
    u1 = ud1_ref[...]
    d = u0[:, DH:DH + 1]
    rcp = jnp.where(d > 0, 1.0 / d, 0.0)
    zp = jnp.concatenate([u0[:, :DH], u1[:, :DH]], axis=1) * rcp
    z_ref[...] = jnp.tanh(jnp.where(zp >= 0, zp, 0.01 * zp))


def _final(ud0, ud1):
    blk = 1000
    return pl.pallas_call(
        _final_body,
        grid=(N_SEG // blk,),
        in_specs=[
            pl.BlockSpec((blk, TW), lambda i: (i, 0)),
            pl.BlockSpec((blk, TW), lambda i: (i, 0)),
        ],
        out_specs=pl.BlockSpec((blk, D), lambda i: (i, 0)),
        out_shape=jax.ShapeDtypeStruct((N_SEG, D), jnp.float32),
    )(ud0, ud1)


@jax.jit
def kernel(X, node_index, segment_ids, W1, b1, W2, b2):
    y0, y1, ew = _prep(X, W1, b1, W2, b2)
    nidx2d = node_index.reshape(E // CHUNK, CHUNK)
    sidx2d = segment_ids.reshape(E // CHUNK, CHUNK)
    zeros = jnp.zeros((WB, TW), jnp.float32)
    ud, den = _accum(y0, y1, nidx2d, sidx2d, zeros)
    beta = _beta(ew.reshape(N_NODES), den, node_index, segment_ids)
    z = _final(ud[0], ud[1])
    return z, beta

# --- scband reference (transcript-rebuilt; emitter-appended) ---
"""Pipeline reference for scband-attention-54872502174186 (READ-ONLY COPY).

The authoritative reference and input builder live on the scoring server;
editing this copy changes nothing except your own understanding.
"""

import jax, jax.numpy as jnp
import numpy as np

N_NODES = 10000
D_FEAT = 128
HIDDEN = 64
N_HYPEREDGES = 10000
E_TOTAL = 320000


def leaky_relu(x, slope=0.01):
    return jnp.where(x >= 0, x, slope * x)


def setup_inputs(seed: int = 0):
    key = jax.random.key(seed)
    k1, k2, k3, k4, k5 = jax.random.split(key, 5)
    X = jax.random.normal(k1, (N_NODES, D_FEAT), dtype=jnp.float32)
    node_index = jax.random.randint(k2, (E_TOTAL,), 0, N_NODES, dtype=jnp.int32)
    segment_ids = jnp.sort(jax.random.randint(k3, (E_TOTAL,), 0, N_HYPEREDGES, dtype=jnp.int32))
    W1 = jax.random.normal(k4, (D_FEAT, HIDDEN), dtype=jnp.float32) * (1.0 / np.sqrt(D_FEAT))
    b1 = jnp.zeros((HIDDEN,), dtype=jnp.float32)
    W2 = jax.random.normal(k5, (HIDDEN, 1), dtype=jnp.float32) * (1.0 / np.sqrt(HIDDEN))
    b2 = jnp.zeros((1,), dtype=jnp.float32)
    return {"X": X, "node_index": node_index, "segment_ids": segment_ids,
            "W1": W1, "b1": b1, "W2": W2, "b2": b2}


def reference(X, node_index, segment_ids, W1, b1, W2, b2):
    # Gather member node features for every hyperedge membership entry
    x_he = jnp.take(X, node_index, axis=0)            # [E_TOTAL, D_FEAT]
    # projection: Linear -> leaky_relu -> Linear
    h = leaky_relu(x_he @ W1 + b1)                     # [E_TOTAL, HIDDEN]
    w = (h @ W2 + b2)[:, 0]                            # [E_TOTAL]
    # per-hyperedge softmax (segment softmax, numerically stable)
    seg_max = jax.ops.segment_max(w, segment_ids, num_segments=N_HYPEREDGES)
    w_shift = w - seg_max[segment_ids]
    ew = jnp.exp(w_shift)
    denom = jax.ops.segment_sum(ew, segment_ids, num_segments=N_HYPEREDGES)
    beta = ew / denom[segment_ids]                     # [E_TOTAL]
    # attention-weighted sum per hyperedge
    Z = jax.ops.segment_sum(beta[:, None] * x_he, segment_ids, num_segments=N_HYPEREDGES)
    Z = leaky_relu(Z)
    return jnp.tanh(Z), beta

if __name__ == "__main__":
    import jax
    _d = setup_inputs()
    print(jax.jit(kernel)(*tuple(_d.values())))

</pallas_src>

<mosaic_0001>
#map = affine_map<(d0, d1) -> (0)>
#map1 = affine_map<(d0, d1) -> (0, 0)>
module attributes {stable_mosaic.version = 14 : i64} {
  func.func @_beta_body(%arg0: i32, %arg1: i32, %arg2: memref<10000xf32, #tpu.memory_space<hbm>>, %arg3: memref<16x640xf32, #tpu.memory_space<hbm>>, %arg4: memref<320000xi32, #tpu.memory_space<hbm>>, %arg5: memref<320000xi32, #tpu.memory_space<hbm>>, %arg6: memref<320000xf32, #tpu.memory_space<hbm>>, %arg7: memref<10000xf32, #tpu.memory_space<vmem>>, %arg8: memref<16x640xf32, #tpu.memory_space<vmem>>, %arg9: memref<10000xi32, #tpu.memory_space<vmem>>, %arg10: memref<10000xi32, #tpu.memory_space<vmem>>, %arg11: memref<10000xf32, #tpu.memory_space<vmem>>) attributes {dimension_semantics = [#tpu.dimension_semantics<core_parallel>, #tpu.dimension_semantics<subcore_parallel>], iteration_bounds = array<i64: 2, 16>, scalar_prefetch = 0 : i64, scratch_operands = 5 : i64, tpu.core_type = #tpu.core_type<sc_vector_subcore>, window_params = [{transform_indices = #map}, {transform_indices = #map1}, {transform_indices = #map}, {transform_indices = #map}, {transform_indices = #map}]} {
    %mul3A = arith.constant 16 : i32
    %mul3A_0 = arith.muli %arg0, %mul3A : i32
    %add3A = arith.addi %mul3A_0, %arg1 : i32
    %mul3A_1 = arith.constant 10000 : i32
    %mul3A_2 = arith.muli %add3A, %mul3A_1 : i32
    "tpu.region"() ({
      %run_scoped3A = tpu.sem_alloc : memref<!tpu.dma_semaphore, #tpu.memory_space<semaphore_mem>>
      tpu.enqueue_dma source(%arg2 : memref<10000xf32, #tpu.memory_space<hbm>>) target(%arg7 : memref<10000xf32, #tpu.memory_space<vmem>>) target_semaphore(%run_scoped3A : memref<!tpu.dma_semaphore, #tpu.memory_space<semaphore_mem>>)
      tpu.wait_dma2 semaphore(%run_scoped3A : memref<!tpu.dma_semaphore, #tpu.memory_space<semaphore_mem>>) src(%arg2 : memref<10000xf32, #tpu.memory_space<hbm>>) dst(%arg7 : memref<10000xf32, #tpu.memory_space<vmem>>)
      tpu.yield
    }) : () -> ()
    "tpu.region"() ({
      %run_scoped3A = tpu.sem_alloc : memref<!tpu.dma_semaphore, #tpu.memory_space<semaphore_mem>>
      tpu.enqueue_dma source(%arg3 : memref<16x640xf32, #tpu.memory_space<hbm>>) target(%arg8 : memref<16x640xf32, #tpu.memory_space<vmem>>) target_semaphore(%run_scoped3A : memref<!tpu.dma_semaphore, #tpu.memory_space<semaphore_mem>>)
      tpu.wait_dma2 semaphore(%run_scoped3A : memref<!tpu.dma_semaphore, #tpu.memory_space<semaphore_mem>>) src(%arg3 : memref<16x640xf32, #tpu.memory_space<hbm>>) dst(%arg8 : memref<16x640xf32, #tpu.memory_space<vmem>>)
      tpu.yield
    }) : () -> ()
    "tpu.region"() ({
      %run_scoped3A = tpu.sem_alloc : memref<!tpu.dma_semaphore, #tpu.memory_space<semaphore_mem>>
      %dma_start3A = tpu.memref_slice %arg4[%mul3A_2] : memref<320000xi32, #tpu.memory_space<hbm>> -> memref<10000xi32, #tpu.memory_space<hbm>>
      %dma_start3A_9 = tpu.memref_slice %arg4[%mul3A_2] : memref<320000xi32, #tpu.memory_space<hbm>> -> memref<10000xi32, #tpu.memory_space<hbm>>
      tpu.enqueue_dma source(%dma_start3A_9 : memref<10000xi32, #tpu.memory_space<hbm>>) target(%arg9 : memref<10000xi32, #tpu.memory_space<vmem>>) target_semaphore(%run_scoped3A : memref<!tpu.dma_semaphore, #tpu.memory_space<semaphore_mem>>)
      %dma_wait3A = tpu.memref_slice %arg4[%mul3A_2] : memref<320000xi32, #tpu.memory_space<hbm>> -> memref<10000xi32, #tpu.memory_space<hbm>>
      %dma_wait3A_10 = tpu.memref_slice %arg4[%mul3A_2] : memref<320000xi32, #tpu.memory_space<hbm>> -> memref<10000xi32, #tpu.memory_space<hbm>>
      tpu.wait_dma2 semaphore(%run_scoped3A : memref<!tpu.dma_semaphore, #tpu.memory_space<semaphore_mem>>) src(%dma_wait3A_10 : memref<10000xi32, #tpu.memory_space<hbm>>) dst(%arg9 : memref<10000xi32, #tpu.memory_space<vmem>>)
      tpu.yield
    }) : () -> ()
    "tpu.region"() ({
      %run_scoped3A = tpu.sem_alloc : memref<!tpu.dma_semaphore, #tpu.memory_space<semaphore_mem>>
      %dma_start3A = tpu.memref_slice %arg5[%mul3A_2] : memref<320000xi32, #tpu.memory_space<hbm>> -> memref<10000xi32, #tpu.memory_space<hbm>>
      %dma_start3A_9 = tpu.memref_slice %arg5[%mul3A_2] : memref<320000xi32, #tpu.memory_space<hbm>> -> memref<10000xi32, #tpu.memory_space<hbm>>
      tpu.enqueue_dma source(%dma_start3A_9 : memref<10000xi32, #tpu.memory_space<hbm>>) target(%arg10 : memref<10000xi32, #tpu.memory_space<vmem>>) target_semaphore(%run_scoped3A : memref<!tpu.dma_semaphore, #tpu.memory_space<semaphore_mem>>)
      %dma_wait3A = tpu.memref_slice %arg5[%mul3A_2] : memref<320000xi32, #tpu.memory_space<hbm>> -> memref<10000xi32, #tpu.memory_space<hbm>>
      %dma_wait3A_10 = tpu.memref_slice %arg5[%mul3A_2] : memref<320000xi32, #tpu.memory_space<hbm>> -> memref<10000xi32, #tpu.memory_space<hbm>>
      tpu.wait_dma2 semaphore(%run_scoped3A : memref<!tpu.dma_semaphore, #tpu.memory_space<semaphore_mem>>) src(%dma_wait3A_10 : memref<10000xi32, #tpu.memory_space<hbm>>) dst(%arg10 : memref<10000xi32, #tpu.memory_space<vmem>>)
      tpu.yield
    }) : () -> ()
    %scan3A = arith.constant 0 : i32
    %scan3A_3 = arith.constant 0 : i32
    %scan3A_4 = arith.constant 625 : i32
    %scan3A_5 = arith.addi %scan3A_3, %scan3A_4 : i32
    %scan3A_6 = arith.constant 1 : i32
    %scan3A_7 = scf.for %scan3A_9 = %scan3A_3 to %scan3A_5 step %scan3A_6 iter_args(%scan3A_10 = %scan3A) -> (i32)  : i32 {
      %mul3A_11 = arith.constant 16 : i32
      %mul3A_12 = arith.muli %scan3A_9, %mul3A_11 : i32
      %get3A = arith.index_cast %mul3A_12 : i32 to index
      %get3A_13 = tpu.vector_load %arg9[%get3A] {strides = array<i32>} : memref<10000xi32, #tpu.memory_space<vmem>>, vector<16xi32>,
      %get3A_14 = arith.index_cast %mul3A_12 : i32 to index
      %get3A_15 = tpu.vector_load %arg10[%get3A_14] {strides = array<i32>} : memref<10000xi32, #tpu.memory_space<vmem>>, vector<16xi32>,
      %gather3A = tpu.vector_load_idx %arg7[%get3A_13] : memref<10000xf32, #tpu.memory_space<vmem>>[vector<16xi32>], vector<16xf32>,
      %jit3A = arith.constant 625 : i32
      %div3A = vector.broadcast %jit3A : i32 to vector<16xi32>
      %div3A_16 = arith.divsi %get3A_15, %div3A : vector<16xi32>
      %sign3A = arith.constant 0 : i32
      %sign3A_17 = vector.broadcast %sign3A : i32 to vector<16xi32>
      %sign3A_18 = arith.cmpi sgt, %get3A_15, %sign3A_17 : vector<16xi32>
      %sign3A_19 = arith.extui %sign3A_18 : vector<16xi1> to vector<16xi32>
      %sign3A_20 = arith.constant 0 : i32
      %sign3A_21 = vector.broadcast %sign3A_20 : i32 to vector<16xi32>
      %sign3A_22 = arith.cmpi slt, %get3A_15, %sign3A_21 : vector<16xi32>
      %sign3A_23 = arith.extui %sign3A_22 : vector<16xi1> to vector<16xi32>
      %sign3A_24 = arith.subi %sign3A_19, %sign3A_23 : vector<16xi32>
      %sign3A_25 = arith.constant 0 : i32
      %sign3A_26 = arith.cmpi sgt, %jit3A, %sign3A_25 : i32
      %sign3A_27 = arith.extui %sign3A_26 : i1 to i32
      %sign3A_28 = arith.constant 0 : i32
      %sign3A_29 = arith.cmpi slt, %jit3A, %sign3A_28 : i32
      %sign3A_30 = arith.extui %sign3A_29 : i1 to i32
      %sign3A_31 = arith.subi %sign3A_27, %sign3A_30 : i32
      %ne3A = vector.broadcast %sign3A_31 : i32 to vector<16xi32>
      %ne3A_32 = arith.cmpi ne, %sign3A_24, %ne3A : vector<16xi32>
      %rem3A = vector.broadcast %jit3A : i32 to vector<16xi32>
      %rem3A_33 = arith.remsi %get3A_15, %rem3A : vector<16xi32>
      %ne3A_34 = arith.constant 0 : i32
      %ne3A_35 = vector.broadcast %ne3A_34 : i32 to vector<16xi32>
      %ne3A_36 = arith.cmpi ne, %rem3A_33, %ne3A_35 : vector<16xi32>
      %and3A = arith.andi %ne3A_32, %ne3A_36 : vector<16xi1>
      %sub3A = arith.constant 1 : i32
      %sub3A_37 = vector.broadcast %sub3A : i32 to vector<16xi32>
      %sub3A_38 = arith.subi %div3A_16, %sub3A_37 : vector<16xi32>
      %select_n3A = arith.select %and3A, %sub3A_38, %div3A_16 : vector<16xi1>, vector<16xi32>
      %jit3A_39 = arith.constant 625 : i32
      %eq3A = arith.constant 0 : i32
      %eq3A_40 = arith.cmpi eq, %jit3A_39, %eq3A : i32
      %jit3A_41 = arith.constant 1 : i32
      %select_n3A_42 = arith.select %eq3A_40, %jit3A_41, %jit3A_39 : i32
      %rem3A_43 = vector.broadcast %select_n3A_42 : i32 to vector<16xi32>
      %rem3A_44 = arith.remsi %get3A_15, %rem3A_43 : vector<16xi32>
      %ne3A_45 = arith.constant 0 : i32
      %ne3A_46 = vector.broadcast %ne3A_45 : i32 to vector<16xi32>
      %ne3A_47 = arith.cmpi ne, %rem3A_44, %ne3A_46 : vector<16xi32>
      %lt3A = arith.constant 0 : i32
      %lt3A_48 = vector.broadcast %lt3A : i32 to vector<16xi32>
      %lt3A_49 = arith.cmpi slt, %rem3A_44, %lt3A_48 : vector<16xi32>
      %lt3A_50 = arith.constant 0 : i32
      %lt3A_51 = arith.cmpi slt, %select_n3A_42, %lt3A_50 : i32
      %ne3A_52 = vector.broadcast %lt3A_51 : i1 to vector<16xi1>
      %ne3A_53 = vector.broadcast %ne3A_52 : vector<16xi1> to vector<16xi1>
      %ne3A_54 = arith.xori %lt3A_49, %ne3A_53 : vector<16xi1>
      %and3A_55 = arith.andi %ne3A_54, %ne3A_47 : vector<16xi1>
      %add3A_56 = vector.broadcast %select_n3A_42 : i32 to vector<16xi32>
      %add3A_57 = arith.addi %rem3A_44, %add3A_56 : vector<16xi32>
      %select_n3A_58 = arith.select %and3A_55, %add3A_57, %rem3A_44 : vector<16xi1>, vector<16xi32>
      %gather3A_59 = tpu.vector_load_idx %arg8[%select_n3A, %select_n3A_58] : memref<16x640xf32, #tpu.memory_space<vmem>>[vector<16xi32>, vector<16xi32>], vector<16xf32>,
      %div3A_60 = arith.divf %gather3A, %gather3A_59 : vector<16xf32>
      %swap3A = arith.index_cast %mul3A_12 : i32 to index
      %swap3A_61 = tpu.vector_load %arg11[%swap3A] {strides = array<i32>} : memref<10000xf32, #tpu.memory_space<vmem>>, vector<16xf32>,
      tpu.vector_store %arg11[%swap3A], %div3A_60 {strides = array<i32>} : memref<10000xf32, #tpu.memory_space<vmem>>, vector<16xf32>,
      %scan3A_62 = arith.constant 0 : i32
      scf.yield %scan3A_62 : i32
    }
    %scan3A_8 = arith.constant 625 : i32
    "tpu.region"() ({
      %run_scoped3A = tpu.sem_alloc : memref<!tpu.dma_semaphore, #tpu.memory_space<semaphore_mem>>
      %dma_start3A = tpu.memref_slice %arg6[%mul3A_2] : memref<320000xf32, #tpu.memory_space<hbm>> -> memref<10000xf32, #tpu.memory_space<hbm>>
      %dma_start3A_9 = tpu.memref_slice %arg6[%mul3A_2] : memref<320000xf32, #tpu.memory_space<hbm>> -> memref<10000xf32, #tpu.memory_space<hbm>>
      tpu.enqueue_dma source(%arg11 : memref<10000xf32, #tpu.memory_space<vmem>>) target(%dma_start3A_9 : memref<10000xf32, #tpu.memory_space<hbm>>) target_semaphore(%run_scoped3A : memref<!tpu.dma_semaphore, #tpu.memory_space<semaphore_mem>>)
      %dma_wait3A = tpu.memref_slice %arg6[%mul3A_2] : memref<320000xf32, #tpu.memory_space<hbm>> -> memref<10000xf32, #tpu.memory_space<hbm>>
      %dma_wait3A_10 = tpu.memref_slice %arg6[%mul3A_2] : memref<320000xf32, #tpu.memory_space<hbm>> -> memref<10000xf32, #tpu.memory_space<hbm>>
      tpu.wait_dma2 semaphore(%run_scoped3A : memref<!tpu.dma_semaphore, #tpu.memory_space<semaphore_mem>>) src(%arg11 : memref<10000xf32, #tpu.memory_space<vmem>>) dst(%dma_wait3A_10 : memref<10000xf32, #tpu.memory_space<hbm>>)
      tpu.yield
    }) : () -> ()
    return
  }
}

#map = affine_map<(d0, d1) -> (0, 0)>
#map1 = affine_map<(d0, d1) -> (0, 0, 0)>
module attributes {stable_mosaic.version = 14 : i64} {
  func.func @_accum_body(%arg0: i32, %arg1: i32, %arg2: memref<10000x80xf32, #tpu.memory_space<hbm>>, %arg3: memref<10000x80xf32, #tpu.memory_space<hbm>>, %arg4: memref<4000x80xi32, #tpu.memory_space<hbm>>, %arg5: memref<4000x80xi32, #tpu.memory_space<hbm>>, %arg6: memref<125x80xf32, #tpu.memory_space<hbm>>, %arg7: memref<2x10000x80xf32, #tpu.memory_space<hbm>>, %arg8: memref<16x640xf32, #tpu.memory_space<hbm>>, %arg9: memref<250x80xi32, #tpu.memory_space<vmem>>, %arg10: memref<250x80xi32, #tpu.memory_space<vmem>>, %arg11: memref<4x80x80xf32, #tpu.memory_space<vmem>>, %arg12: memref<125x80xf32, #tpu.memory_space<vmem>>, %arg13: memref<640xf32, #tpu.memory_space<vmem>>, %arg14: memref<10000x80xf32, #tpu.memory_space<vmem_shared>>, %arg15: memref<!tpu.dma_semaphore, #tpu.memory_space<semaphore_mem>>, %arg16: memref<!tpu.dma_semaphore, #tpu.memory_space<semaphore_mem>>, %arg17: memref<!tpu.dma_semaphore, #tpu.memory_space<semaphore_mem>>, %arg18: memref<!tpu.dma_semaphore, #tpu.memory_space<semaphore_mem>>, %arg19: memref<!tpu.dma_semaphore, #tpu.memory_space<semaphore_mem>>, %arg20: memref<!tpu.dma_semaphore, #tpu.memory_space<semaphore_mem>>, %arg21: memref<!tpu.dma_semaphore, #tpu.memory_space<semaphore_mem>>, %arg22: memref<!tpu.dma_semaphore, #tpu.memory_space<semaphore_mem>>, %arg23: memref<!tpu.dma_semaphore, #tpu.memory_space<semaphore_mem>>) attributes {dimension_semantics = [#tpu.dimension_semantics<core_parallel>, #tpu.dimension_semantics<subcore_parallel>], iteration_bounds = array<i64: 2, 16>, scalar_prefetch = 0 : i64, scratch_operands = 15 : i64, tpu.core_type = #tpu.core_type<sc_vector_subcore>, window_params = [{transform_indices = #map}, {transform_indices = #map}, {transform_indices = #map}, {transform_indices = #map}, {transform_indices = #map}, {transform_indices = #map1}, {transform_indices = #map}]} {
    "tpu.region"() ({
      %run_scoped3A = tpu.sem_alloc : memref<!tpu.dma_semaphore, #tpu.memory_space<semaphore_mem>>
      tpu.enqueue_dma source(%arg6 : memref<125x80xf32, #tpu.memory_space<hbm>>) target(%arg12 : memref<125x80xf32, #tpu.memory_space<vmem>>) target_semaphore(%run_scoped3A : memref<!tpu.dma_semaphore, #tpu.memory_space<semaphore_mem>>)
      tpu.wait_dma2 semaphore(%run_scoped3A : memref<!tpu.dma_semaphore, #tpu.memory_space<semaphore_mem>>) src(%arg6 : memref<125x80xf32, #tpu.memory_space<hbm>>) dst(%arg12 : memref<125x80xf32, #tpu.memory_space<vmem>>)
      tpu.yield
    }) : () -> ()
    %mul3A = arith.constant 625 : i32
    %mul3A_0 = arith.muli %arg1, %mul3A : i32
    %add3A = arith.constant 0 : i32
    %add3A_1 = arith.addi %mul3A_0, %add3A : i32
    "tpu.region"() ({
      %run_scoped3A = tpu.sem_alloc : memref<!tpu.dma_semaphore, #tpu.memory_space<semaphore_mem>>
      %dma_start3A = arith.constant 0 : i32
      %dma_start3A_37 = tpu.memref_slice %arg14[%add3A_1, %dma_start3A] : memref<10000x80xf32, #tpu.memory_space<vmem_shared>> -> memref<125x80xf32, #tpu.memory_space<vmem_shared>>
      %dma_start3A_38 = arith.constant 0 : i32
      %dma_start3A_39 = tpu.memref_slice %arg14[%add3A_1, %dma_start3A_38] : memref<10000x80xf32, #tpu.memory_space<vmem_shared>> -> memref<125x80xf32, #tpu.memory_space<vmem_shared>>
      tpu.enqueue_dma source(%arg12 : memref<125x80xf32, #tpu.memory_space<vmem>>) target(%dma_start3A_39 : memref<125x80xf32, #tpu.memory_space<vmem_shared>>) target_semaphore(%run_scoped3A : memref<!tpu.dma_semaphore, #tpu.memory_space<semaphore_mem>>)
      %dma_wait3A = arith.constant 0 : i32
      %dma_wait3A_40 = tpu.memref_slice %arg14[%add3A_1, %dma_wait3A] : memref<10000x80xf32, #tpu.memory_space<vmem_shared>> -> memref<125x80xf32, #tpu.memory_space<vmem_shared>>
      %dma_wait3A_41 = arith.constant 0 : i32
      %dma_wait3A_42 = tpu.memref_slice %arg14[%add3A_1, %dma_wait3A_41] : memref<10000x80xf32, #tpu.memory_space<vmem_shared>> -> memref<125x80xf32, #tpu.memory_space<vmem_shared>>
      tpu.wait_dma2 semaphore(%run_scoped3A : memref<!tpu.dma_semaphore, #tpu.memory_space<semaphore_mem>>) src(%arg12 : memref<125x80xf32, #tpu.memory_space<vmem>>) dst(%dma_wait3A_42 : memref<125x80xf32, #tpu.memory_space<vmem_shared>>)
      tpu.yield
    }) : () -> ()
    %add3A_2 = arith.constant 125 : i32
    %add3A_3 = arith.addi %mul3A_0, %add3A_2 : i32
    "tpu.region"() ({
      %run_scoped3A = tpu.sem_alloc : memref<!tpu.dma_semaphore, #tpu.memory_space<semaphore_mem>>
      %dma_start3A = arith.constant 0 : i32
      %dma_start3A_37 = tpu.memref_slice %arg14[%add3A_3, %dma_start3A] : memref<10000x80xf32, #tpu.memory_space<vmem_shared>> -> memref<125x80xf32, #tpu.memory_space<vmem_shared>>
      %dma_start3A_38 = arith.constant 0 : i32
      %dma_start3A_39 = tpu.memref_slice %arg14[%add3A_3, %dma_start3A_38] : memref<10000x80xf32, #tpu.memory_space<vmem_shared>> -> memref<125x80xf32, #tpu.memory_space<vmem_shared>>
      tpu.enqueue_dma source(%arg12 : memref<125x80xf32, #tpu.memory_space<vmem>>) target(%dma_start3A_39 : memref<125x80xf32, #tpu.memory_space<vmem_shared>>) target_semaphore(%run_scoped3A : memref<!tpu.dma_semaphore, #tpu.memory_space<semaphore_mem>>)
      %dma_wait3A = arith.constant 0 : i32
      %dma_wait3A_40 = tpu.memref_slice %arg14[%add3A_3, %dma_wait3A] : memref<10000x80xf32, #tpu.memory_space<vmem_shared>> -> memref<125x80xf32, #tpu.memory_space<vmem_shared>>
      %dma_wait3A_41 = arith.constant 0 : i32
      %dma_wait3A_42 = tpu.memref_slice %arg14[%add3A_3, %dma_wait3A_41] : memref<10000x80xf32, #tpu.memory_space<vmem_shared>> -> memref<125x80xf32, #tpu.memory_space<vmem_shared>>
      tpu.wait_dma2 semaphore(%run_scoped3A : memref<!tpu.dma_semaphore, #tpu.memory_space<semaphore_mem>>) src(%arg12 : memref<125x80xf32, #tpu.memory_space<vmem>>) dst(%dma_wait3A_42 : memref<125x80xf32, #tpu.memory_space<vmem_shared>>)
      tpu.yield
    }) : () -> ()
    %add3A_4 = arith.constant 250 : i32
    %add3A_5 = arith.addi %mul3A_0, %add3A_4 : i32
    "tpu.region"() ({
      %run_scoped3A = tpu.sem_alloc : memref<!tpu.dma_semaphore, #tpu.memory_space<semaphore_mem>>
      %dma_start3A = arith.constant 0 : i32
      %dma_start3A_37 = tpu.memref_slice %arg14[%add3A_5, %dma_start3A] : memref<10000x80xf32, #tpu.memory_space<vmem_shared>> -> memref<125x80xf32, #tpu.memory_space<vmem_shared>>
      %dma_start3A_38 = arith.constant 0 : i32
      %dma_start3A_39 = tpu.memref_slice %arg14[%add3A_5, %dma_start3A_38] : memref<10000x80xf32, #tpu.memory_space<vmem_shared>> -> memref<125x80xf32, #tpu.memory_space<vmem_shared>>
      tpu.enqueue_dma source(%arg12 : memref<125x80xf32, #tpu.memory_space<vmem>>) target(%dma_start3A_39 : memref<125x80xf32, #tpu.memory_space<vmem_shared>>) target_semaphore(%run_scoped3A : memref<!tpu.dma_semaphore, #tpu.memory_space<semaphore_mem>>)
      %dma_wait3A = arith.constant 0 : i32
      %dma_wait3A_40 = tpu.memref_slice %arg14[%add3A_5, %dma_wait3A] : memref<10000x80xf32, #tpu.memory_space<vmem_shared>> -> memref<125x80xf32, #tpu.memory_space<vmem_shared>>
      %dma_wait3A_41 = arith.constant 0 : i32
      %dma_wait3A_42 = tpu.memref_slice %arg14[%add3A_5, %dma_wait3A_41] : memref<10000x80xf32, #tpu.memory_space<vmem_shared>> -> memref<125x80xf32, #tpu.memory_space<vmem_shared>>
      tpu.wait_dma2 semaphore(%run_scoped3A : memref<!tpu.dma_semaphore, #tpu.memory_space<semaphore_mem>>) src(%arg12 : memref<125x80xf32, #tpu.memory_space<vmem>>) dst(%dma_wait3A_42 : memref<125x80xf32, #tpu.memory_space<vmem_shared>>)
      tpu.yield
    }) : () -> ()
    %add3A_6 = arith.constant 375 : i32
    %add3A_7 = arith.addi %mul3A_0, %add3A_6 : i32
    "tpu.region"() ({
      %run_scoped3A = tpu.sem_alloc : memref<!tpu.dma_semaphore, #tpu.memory_space<semaphore_mem>>
      %dma_start3A = arith.constant 0 : i32
      %dma_start3A_37 = tpu.memref_slice %arg14[%add3A_7, %dma_start3A] : memref<10000x80xf32, #tpu.memory_space<vmem_shared>> -> memref<125x80xf32, #tpu.memory_space<vmem_shared>>
      %dma_start3A_38 = arith.constant 0 : i32
      %dma_start3A_39 = tpu.memref_slice %arg14[%add3A_7, %dma_start3A_38] : memref<10000x80xf32, #tpu.memory_space<vmem_shared>> -> memref<125x80xf32, #tpu.memory_space<vmem_shared>>
      tpu.enqueue_dma source(%arg12 : memref<125x80xf32, #tpu.memory_space<vmem>>) target(%dma_start3A_39 : memref<125x80xf32, #tpu.memory_space<vmem_shared>>) target_semaphore(%run_scoped3A : memref<!tpu.dma_semaphore, #tpu.memory_space<semaphore_mem>>)
      %dma_wait3A = arith.constant 0 : i32
      %dma_wait3A_40 = tpu.memref_slice %arg14[%add3A_7, %dma_wait3A] : memref<10000x80xf32, #tpu.memory_space<vmem_shared>> -> memref<125x80xf32, #tpu.memory_space<vmem_shared>>
      %dma_wait3A_41 = arith.constant 0 : i32
      %dma_wait3A_42 = tpu.memref_slice %arg14[%add3A_7, %dma_wait3A_41] : memref<10000x80xf32, #tpu.memory_space<vmem_shared>> -> memref<125x80xf32, #tpu.memory_space<vmem_shared>>
      tpu.wait_dma2 semaphore(%run_scoped3A : memref<!tpu.dma_semaphore, #tpu.memory_space<semaphore_mem>>) src(%arg12 : memref<125x80xf32, #tpu.memory_space<vmem>>) dst(%dma_wait3A_42 : memref<125x80xf32, #tpu.memory_space<vmem_shared>>)
      tpu.yield
    }) : () -> ()
    %add3A_8 = arith.constant 500 : i32
    %add3A_9 = arith.addi %mul3A_0, %add3A_8 : i32
    "tpu.region"() ({
      %run_scoped3A = tpu.sem_alloc : memref<!tpu.dma_semaphore, #tpu.memory_space<semaphore_mem>>
      %dma_start3A = arith.constant 0 : i32
      %dma_start3A_37 = tpu.memref_slice %arg14[%add3A_9, %dma_start3A] : memref<10000x80xf32, #tpu.memory_space<vmem_shared>> -> memref<125x80xf32, #tpu.memory_space<vmem_shared>>
      %dma_start3A_38 = arith.constant 0 : i32
      %dma_start3A_39 = tpu.memref_slice %arg14[%add3A_9, %dma_start3A_38] : memref<10000x80xf32, #tpu.memory_space<vmem_shared>> -> memref<125x80xf32, #tpu.memory_space<vmem_shared>>
      tpu.enqueue_dma source(%arg12 : memref<125x80xf32, #tpu.memory_space<vmem>>) target(%dma_start3A_39 : memref<125x80xf32, #tpu.memory_space<vmem_shared>>) target_semaphore(%run_scoped3A : memref<!tpu.dma_semaphore, #tpu.memory_space<semaphore_mem>>)
      %dma_wait3A = arith.constant 0 : i32
      %dma_wait3A_40 = tpu.memref_slice %arg14[%add3A_9, %dma_wait3A] : memref<10000x80xf32, #tpu.memory_space<vmem_shared>> -> memref<125x80xf32, #tpu.memory_space<vmem_shared>>
      %dma_wait3A_41 = arith.constant 0 : i32
      %dma_wait3A_42 = tpu.memref_slice %arg14[%add3A_9, %dma_wait3A_41] : memref<10000x80xf32, #tpu.memory_space<vmem_shared>> -> memref<125x80xf32, #tpu.memory_space<vmem_shared>>
      tpu.wait_dma2 semaphore(%run_scoped3A : memref<!tpu.dma_semaphore, #tpu.memory_space<semaphore_mem>>) src(%arg12 : memref<125x80xf32, #tpu.memory_space<vmem>>) dst(%dma_wait3A_42 : memref<125x80xf32, #tpu.memory_space<vmem_shared>>)
      tpu.yield
    }) : () -> ()
    %mul3A_10 = arith.constant 250 : i32
    %mul3A_11 = arith.muli %arg1, %mul3A_10 : i32
    "tpu.region"() ({
      %run_scoped3A = tpu.sem_alloc : memref<!tpu.dma_semaphore, #tpu.memory_space<semaphore_mem>>
      %dma_start3A = arith.constant 0 : i32
      %dma_start3A_37 = tpu.memref_slice %arg4[%mul3A_11, %dma_start3A] : memref<4000x80xi32, #tpu.memory_space<hbm>> -> memref<250x80xi32, #tpu.memory_space<hbm>>
      %dma_start3A_38 = arith.constant 0 : i32
      %dma_start3A_39 = tpu.memref_slice %arg4[%mul3A_11, %dma_start3A_38] : memref<4000x80xi32, #tpu.memory_space<hbm>> -> memref<250x80xi32, #tpu.memory_space<hbm>>
      tpu.enqueue_dma source(%dma_start3A_39 : memref<250x80xi32, #tpu.memory_space<hbm>>) target(%arg9 : memref<250x80xi32, #tpu.memory_space<vmem>>) target_semaphore(%run_scoped3A : memref<!tpu.dma_semaphore, #tpu.memory_space<semaphore_mem>>)
      %dma_wait3A = arith.constant 0 : i32
      %dma_wait3A_40 = tpu.memref_slice %arg4[%mul3A_11, %dma_wait3A] : memref<4000x80xi32, #tpu.memory_space<hbm>> -> memref<250x80xi32, #tpu.memory_space<hbm>>
      %dma_wait3A_41 = arith.constant 0 : i32
      %dma_wait3A_42 = tpu.memref_slice %arg4[%mul3A_11, %dma_wait3A_41] : memref<4000x80xi32, #tpu.memory_space<hbm>> -> memref<250x80xi32, #tpu.memory_space<hbm>>
      tpu.wait_dma2 semaphore(%run_scoped3A : memref<!tpu.dma_semaphore, #tpu.memory_space<semaphore_mem>>) src(%dma_wait3A_42 : memref<250x80xi32, #tpu.memory_space<hbm>>) dst(%arg9 : memref<250x80xi32, #tpu.memory_space<vmem>>)
      tpu.yield
    }) : () -> ()
    %mul3A_12 = arith.constant 250 : i32
    %mul3A_13 = arith.muli %arg1, %mul3A_12 : i32
    "tpu.region"() ({
      %run_scoped3A = tpu.sem_alloc : memref<!tpu.dma_semaphore, #tpu.memory_space<semaphore_mem>>
      %dma_start3A = arith.constant 0 : i32
      %dma_start3A_37 = tpu.memref_slice %arg5[%mul3A_13, %dma_start3A] : memref<4000x80xi32, #tpu.memory_space<hbm>> -> memref<250x80xi32, #tpu.memory_space<hbm>>
      %dma_start3A_38 = arith.constant 0 : i32
      %dma_start3A_39 = tpu.memref_slice %arg5[%mul3A_13, %dma_start3A_38] : memref<4000x80xi32, #tpu.memory_space<hbm>> -> memref<250x80xi32, #tpu.memory_space<hbm>>
      tpu.enqueue_dma source(%dma_start3A_39 : memref<250x80xi32, #tpu.memory_space<hbm>>) target(%arg10 : memref<250x80xi32, #tpu.memory_space<vmem>>) target_semaphore(%run_scoped3A : memref<!tpu.dma_semaphore, #tpu.memory_space<semaphore_mem>>)
      %dma_wait3A = arith.constant 0 : i32
      %dma_wait3A_40 = tpu.memref_slice %arg5[%mul3A_13, %dma_wait3A] : memref<4000x80xi32, #tpu.memory_space<hbm>> -> memref<250x80xi32, #tpu.memory_space<hbm>>
      %dma_wait3A_41 = arith.constant 0 : i32
      %dma_wait3A_42 = tpu.memref_slice %arg5[%mul3A_13, %dma_wait3A_41] : memref<4000x80xi32, #tpu.memory_space<hbm>> -> memref<250x80xi32, #tpu.memory_space<hbm>>
      tpu.wait_dma2 semaphore(%run_scoped3A : memref<!tpu.dma_semaphore, #tpu.memory_space<semaphore_mem>>) src(%dma_wait3A_42 : memref<250x80xi32, #tpu.memory_space<hbm>>) dst(%arg10 : memref<250x80xi32, #tpu.memory_space<vmem>>)
      tpu.yield
    }) : () -> ()
    %barrier3A = arith.constant 0 : index
    tpu.barrier barrier_id(%barrier3A)
    %eq3A = arith.constant 0 : i32
    %eq3A_14 = arith.cmpi eq, %arg0, %eq3A : i32
    %convert_element_type3A = arith.extui %eq3A_14 : i1 to i32
    %cond3A = arith.constant 0 : i32
    %cond3A_15 = arith.cmpi ne, %convert_element_type3A, %cond3A : i32
    scf.if %cond3A_15 {
      %dma_start3A = arith.constant 0 : i32
      %dma_start3A_37 = arith.constant 0 : i32
      %dma_start3A_38 = arith.constant 0 : i32
      %dma_start3A_39 = arith.constant 0 : i32
      %dma_start3A_40 = tpu.memref_slice %arg11[%dma_start3A_37, %dma_start3A_38, %dma_start3A_39] : memref<4x80x80xf32, #tpu.memory_space<vmem>> -> memref<1x80x80xf32, #tpu.memory_space<vmem>>
      %dma_start3A_41 = tpu.memref_squeeze %dma_start3A_40 : memref<1x80x80xf32, #tpu.memory_space<vmem>> -> memref<80x80xf32, #tpu.memory_space<vmem>>
      %dma_start3A_42 = arith.constant 0 : i32
      %dma_start3A_43 = tpu.memref_slice %arg9[%dma_start3A, %dma_start3A_42] : memref<250x80xi32, #tpu.memory_space<vmem>> -> memref<1x80xi32, #tpu.memory_space<vmem>>
      %dma_start3A_44 = tpu.memref_squeeze %dma_start3A_43 : memref<1x80xi32, #tpu.memory_space<vmem>> -> memref<80xi32, #tpu.memory_space<vmem>>
      %dma_start3A_45 = arith.constant 0 : i32
      %dma_start3A_46 = arith.constant 0 : i32
      %dma_start3A_47 = tpu.memref_slice %arg2[%dma_start3A_45, %dma_start3A_46] : memref<10000x80xf32, #tpu.memory_space<hbm>> -> memref<10000x80xf32, #tpu.memory_space<hbm>>
      tpu.enqueue_indirect_dma source(%dma_start3A_47 : memref<10000x80xf32, #tpu.memory_space<hbm>>) target(%dma_start3A_41 : memref<80x80xf32, #tpu.memory_space<vmem>>) offsets(%dma_start3A_44 : memref<80xi32, #tpu.memory_space<vmem>>) semaphore(%arg15 : memref<!tpu.dma_semaphore, #tpu.memory_space<semaphore_mem>>)
      %dma_start3A_48 = arith.constant 1 : i32
      %dma_start3A_49 = arith.constant 1 : i32
      %dma_start3A_50 = arith.constant 0 : i32
      %dma_start3A_51 = arith.constant 0 : i32
      %dma_start3A_52 = tpu.memref_slice %arg11[%dma_start3A_49, %dma_start3A_50, %dma_start3A_51] : memref<4x80x80xf32, #tpu.memory_space<vmem>> -> memref<1x80x80xf32, #tpu.memory_space<vmem>>
      %dma_start3A_53 = tpu.memref_squeeze %dma_start3A_52 : memref<1x80x80xf32, #tpu.memory_space<vmem>> -> memref<80x80xf32, #tpu.memory_space<vmem>>
      %dma_start3A_54 = arith.constant 0 : i32
      %dma_start3A_55 = tpu.memref_slice %arg9[%dma_start3A_48, %dma_start3A_54] : memref<250x80xi32, #tpu.memory_space<vmem>> -> memref<1x80xi32, #tpu.memory_space<vmem>>
      %dma_start3A_56 = tpu.memref_squeeze %dma_start3A_55 : memref<1x80xi32, #tpu.memory_space<vmem>> -> memref<80xi32, #tpu.memory_space<vmem>>
      %dma_start3A_57 = arith.constant 0 : i32
      %dma_start3A_58 = arith.constant 0 : i32
      %dma_start3A_59 = tpu.memref_slice %arg2[%dma_start3A_57, %dma_start3A_58] : memref<10000x80xf32, #tpu.memory_space<hbm>> -> memref<10000x80xf32, #tpu.memory_space<hbm>>
      tpu.enqueue_indirect_dma source(%dma_start3A_59 : memref<10000x80xf32, #tpu.memory_space<hbm>>) target(%dma_start3A_53 : memref<80x80xf32, #tpu.memory_space<vmem>>) offsets(%dma_start3A_56 : memref<80xi32, #tpu.memory_space<vmem>>) semaphore(%arg16 : memref<!tpu.dma_semaphore, #tpu.memory_space<semaphore_mem>>)
      %dma_start3A_60 = arith.constant 2 : i32
      %dma_start3A_61 = arith.constant 2 : i32
      %dma_start3A_62 = arith.constant 0 : i32
      %dma_start3A_63 = arith.constant 0 : i32
      %dma_start3A_64 = tpu.memref_slice %arg11[%dma_start3A_61, %dma_start3A_62, %dma_start3A_63] : memref<4x80x80xf32, #tpu.memory_space<vmem>> -> memref<1x80x80xf32, #tpu.memory_space<vmem>>
      %dma_start3A_65 = tpu.memref_squeeze %dma_start3A_64 : memref<1x80x80xf32, #tpu.memory_space<vmem>> -> memref<80x80xf32, #tpu.memory_space<vmem>>
      %dma_start3A_66 = arith.constant 0 : i32
      %dma_start3A_67 = tpu.memref_slice %arg9[%dma_start3A_60, %dma_start3A_66] : memref<250x80xi32, #tpu.memory_space<vmem>> -> memref<1x80xi32, #tpu.memory_space<vmem>>
      %dma_start3A_68 = tpu.memref_squeeze %dma_start3A_67 : memref<1x80xi32, #tpu.memory_space<vmem>> -> memref<80xi32, #tpu.memory_space<vmem>>
      %dma_start3A_69 = arith.constant 0 : i32
      %dma_start3A_70 = arith.constant 0 : i32
      %dma_start3A_71 = tpu.memref_slice %arg2[%dma_start3A_69, %dma_start3A_70] : memref<10000x80xf32, #tpu.memory_space<hbm>> -> memref<10000x80xf32, #tpu.memory_space<hbm>>
      tpu.enqueue_indirect_dma source(%dma_start3A_71 : memref<10000x80xf32, #tpu.memory_space<hbm>>) target(%dma_start3A_65 : memref<80x80xf32, #tpu.memory_space<vmem>>) offsets(%dma_start3A_68 : memref<80xi32, #tpu.memory_space<vmem>>) semaphore(%arg17 : memref<!tpu.dma_semaphore, #tpu.memory_space<semaphore_mem>>)
      %dma_start3A_72 = arith.constant 3 : i32
      %dma_start3A_73 = arith.constant 3 : i32
      %dma_start3A_74 = arith.constant 0 : i32
      %dma_start3A_75 = arith.constant 0 : i32
      %dma_start3A_76 = tpu.memref_slice %arg11[%dma_start3A_73, %dma_start3A_74, %dma_start3A_75] : memref<4x80x80xf32, #tpu.memory_space<vmem>> -> memref<1x80x80xf32, #tpu.memory_space<vmem>>
      %dma_start3A_77 = tpu.memref_squeeze %dma_start3A_76 : memref<1x80x80xf32, #tpu.memory_space<vmem>> -> memref<80x80xf32, #tpu.memory_space<vmem>>
      %dma_start3A_78 = arith.constant 0 : i32
      %dma_start3A_79 = tpu.memref_slice %arg9[%dma_start3A_72, %dma_start3A_78] : memref<250x80xi32, #tpu.memory_space<vmem>> -> memref<1x80xi32, #tpu.memory_space<vmem>>
      %dma_start3A_80 = tpu.memref_squeeze %dma_start3A_79 : memref<1x80xi32, #tpu.memory_space<vmem>> -> memref<80xi32, #tpu.memory_space<vmem>>
      %dma_start3A_81 = arith.constant 0 : i32
      %dma_start3A_82 = arith.constant 0 : i32
      %dma_start3A_83 = tpu.memref_slice %arg2[%dma_start3A_81, %dma_start3A_82] : memref<10000x80xf32, #tpu.memory_space<hbm>> -> memref<10000x80xf32, #tpu.memory_space<hbm>>
      tpu.enqueue_indirect_dma source(%dma_start3A_83 : memref<10000x80xf32, #tpu.memory_space<hbm>>) target(%dma_start3A_77 : memref<80x80xf32, #tpu.memory_space<vmem>>) offsets(%dma_start3A_80 : memref<80xi32, #tpu.memory_space<vmem>>) semaphore(%arg18 : memref<!tpu.dma_semaphore, #tpu.memory_space<semaphore_mem>>)
      %scan3A = arith.constant 0 : i32
      %scan3A_84 = arith.constant 0 : i32
      %scan3A_85 = arith.constant 62 : i32
      %scan3A_86 = arith.addi %scan3A_84, %scan3A_85 : i32
      %scan3A_87 = arith.constant 1 : i32
      %scan3A_88 = scf.for %scan3A_161 = %scan3A_84 to %scan3A_86 step %scan3A_87 iter_args(%scan3A_162 = %scan3A) -> (i32)  : i32 {
        %mul3A_163 = arith.constant 4 : i32
        %mul3A_164 = arith.muli %scan3A_161, %mul3A_163 : i32
        %add3A_165 = arith.constant 0 : i32
        %add3A_166 = arith.addi %mul3A_164, %add3A_165 : i32
        %dma_wait3A_167 = arith.constant 0 : i32
        %dma_wait3A_168 = arith.constant 0 : i32
        %dma_wait3A_169 = arith.constant 0 : i32
        %dma_wait3A_170 = tpu.memref_slice %arg11[%dma_wait3A_167, %dma_wait3A_168, %dma_wait3A_169] : memref<4x80x80xf32, #tpu.memory_space<vmem>> -> memref<1x80x80xf32, #tpu.memory_space<vmem>>
        %dma_wait3A_171 = tpu.memref_squeeze %dma_wait3A_170 : memref<1x80x80xf32, #tpu.memory_space<vmem>> -> memref<80x80xf32, #tpu.memory_space<vmem>>
        %dma_wait3A_172 = arith.constant 0 : i32
        %dma_wait3A_173 = tpu.memref_slice %arg9[%add3A_166, %dma_wait3A_172] : memref<250x80xi32, #tpu.memory_space<vmem>> -> memref<1x80xi32, #tpu.memory_space<vmem>>
        %dma_wait3A_174 = tpu.memref_squeeze %dma_wait3A_173 : memref<1x80xi32, #tpu.memory_space<vmem>> -> memref<80xi32, #tpu.memory_space<vmem>>
        %dma_wait3A_175 = arith.constant 0 : i32
        %dma_wait3A_176 = arith.constant 0 : i32
        %dma_wait3A_177 = tpu.memref_slice %arg2[%dma_wait3A_175, %dma_wait3A_176] : memref<10000x80xf32, #tpu.memory_space<hbm>> -> memref<10000x80xf32, #tpu.memory_space<hbm>>
        tpu.wait_indirect_dma semaphore(%arg15 : memref<!tpu.dma_semaphore, #tpu.memory_space<semaphore_mem>>) src(%dma_wait3A_177 : memref<10000x80xf32, #tpu.memory_space<hbm>>) dst(%dma_wait3A_171 : memref<80x80xf32, #tpu.memory_space<vmem>>)
        %dma_start3A_178 = arith.constant 0 : i32
        %dma_start3A_179 = arith.constant 0 : i32
        %dma_start3A_180 = arith.constant 0 : i32
        %dma_start3A_181 = tpu.memref_slice %arg11[%dma_start3A_178, %dma_start3A_179, %dma_start3A_180] : memref<4x80x80xf32, #tpu.memory_space<vmem>> -> memref<1x80x80xf32, #tpu.memory_space<vmem>>
        %dma_start3A_182 = tpu.memref_squeeze %dma_start3A_181 : memref<1x80x80xf32, #tpu.memory_space<vmem>> -> memref<80x80xf32, #tpu.memory_space<vmem>>
        %dma_start3A_183 = arith.constant 0 : i32
        %dma_start3A_184 = tpu.memref_slice %arg10[%add3A_166, %dma_start3A_183] : memref<250x80xi32, #tpu.memory_space<vmem>> -> memref<1x80xi32, #tpu.memory_space<vmem>>
        %dma_start3A_185 = tpu.memref_squeeze %dma_start3A_184 : memref<1x80xi32, #tpu.memory_space<vmem>> -> memref<80xi32, #tpu.memory_space<vmem>>
        %dma_start3A_186 = arith.constant 0 : i32
        %dma_start3A_187 = arith.constant 0 : i32
        %dma_start3A_188 = tpu.memref_slice %arg14[%dma_start3A_186, %dma_start3A_187] : memref<10000x80xf32, #tpu.memory_space<vmem_shared>> -> memref<10000x80xf32, #tpu.memory_space<vmem_shared>>
        tpu.enqueue_indirect_dma source(%dma_start3A_182 : memref<80x80xf32, #tpu.memory_space<vmem>>) target(%dma_start3A_188 : memref<10000x80xf32, #tpu.memory_space<vmem_shared>>) offsets(%dma_start3A_185 : memref<80xi32, #tpu.memory_space<vmem>>) semaphore(%arg19 : memref<!tpu.dma_semaphore, #tpu.memory_space<semaphore_mem>>) {add = true}
        %mul3A_189 = arith.constant 4 : i32
        %mul3A_190 = arith.muli %scan3A_161, %mul3A_189 : i32
        %add3A_191 = arith.constant 1 : i32
        %add3A_192 = arith.addi %mul3A_190, %add3A_191 : i32
        %dma_wait3A_193 = arith.constant 1 : i32
        %dma_wait3A_194 = arith.constant 0 : i32
        %dma_wait3A_195 = arith.constant 0 : i32
        %dma_wait3A_196 = tpu.memref_slice %arg11[%dma_wait3A_193, %dma_wait3A_194, %dma_wait3A_195] : memref<4x80x80xf32, #tpu.memory_space<vmem>> -> memref<1x80x80xf32, #tpu.memory_space<vmem>>
        %dma_wait3A_197 = tpu.memref_squeeze %dma_wait3A_196 : memref<1x80x80xf32, #tpu.memory_space<vmem>> -> memref<80x80xf32, #tpu.memory_space<vmem>>
        %dma_wait3A_198 = arith.constant 0 : i32
        %dma_wait3A_199 = tpu.memref_slice %arg9[%add3A_192, %dma_wait3A_198] : memref<250x80xi32, #tpu.memory_space<vmem>> -> memref<1x80xi32, #tpu.memory_space<vmem>>
        %dma_wait3A_200 = tpu.memref_squeeze %dma_wait3A_199 : memref<1x80xi32, #tpu.memory_space<vmem>> -> memref<80xi32, #tpu.memory_space<vmem>>
        %dma_wait3A_201 = arith.constant 0 : i32
        %dma_wait3A_202 = arith.constant 0 : i32
        %dma_wait3A_203 = tpu.memref_slice %arg2[%dma_wait3A_201, %dma_wait3A_202] : memref<10000x80xf32, #tpu.memory_space<hbm>> -> memref<10000x80xf32, #tpu.memory_space<hbm>>
        tpu.wait_indirect_dma semaphore(%arg16 : memref<!tpu.dma_semaphore, #tpu.memory_space<semaphore_mem>>) src(%dma_wait3A_203 : memref<10000x80xf32, #tpu.memory_space<hbm>>) dst(%dma_wait3A_197 : memref<80x80xf32, #tpu.memory_space<vmem>>)
        %dma_start3A_204 = arith.constant 1 : i32
        %dma_start3A_205 = arith.constant 0 : i32
        %dma_start3A_206 = arith.constant 0 : i32
        %dma_start3A_207 = tpu.memref_slice %arg11[%dma_start3A_204, %dma_start3A_205, %dma_start3A_206] : memref<4x80x80xf32, #tpu.memory_space<vmem>> -> memref<1x80x80xf32, #tpu.memory_space<vmem>>
        %dma_start3A_208 = tpu.memref_squeeze %dma_start3A_207 : memref<1x80x80xf32, #tpu.memory_space<vmem>> -> memref<80x80xf32, #tpu.memory_space<vmem>>
        %dma_start3A_209 = arith.constant 0 : i32
        %dma_start3A_210 = tpu.memref_slice %arg10[%add3A_192, %dma_start3A_209] : memref<250x80xi32, #tpu.memory_space<vmem>> -> memref<1x80xi32, #tpu.memory_space<vmem>>
        %dma_start3A_211 = tpu.memref_squeeze %dma_start3A_210 : memref<1x80xi32, #tpu.memory_space<vmem>> -> memref<80xi32, #tpu.memory_space<vmem>>
        %dma_start3A_212 = arith.constant 0 : i32
        %dma_start3A_213 = arith.constant 0 : i32
        %dma_start3A_214 = tpu.memref_slice %arg14[%dma_start3A_212, %dma_start3A_213] : memref<10000x80xf32, #tpu.memory_space<vmem_shared>> -> memref<10000x80xf32, #tpu.memory_space<vmem_shared>>
        tpu.enqueue_indirect_dma source(%dma_start3A_208 : memref<80x80xf32, #tpu.memory_space<vmem>>) target(%dma_start3A_214 : memref<10000x80xf32, #tpu.memory_space<vmem_shared>>) offsets(%dma_start3A_211 : memref<80xi32, #tpu.memory_space<vmem>>) semaphore(%arg20 : memref<!tpu.dma_semaphore, #tpu.memory_space<semaphore_mem>>) {add = true}
        %mul3A_215 = arith.constant 4 : i32
        %mul3A_216 = arith.muli %scan3A_161, %mul3A_215 : i32
        %add3A_217 = arith.constant 2 : i32
        %add3A_218 = arith.addi %mul3A_216, %add3A_217 : i32
        %dma_wait3A_219 = arith.constant 2 : i32
        %dma_wait3A_220 = arith.constant 0 : i32
        %dma_wait3A_221 = arith.constant 0 : i32
        %dma_wait3A_222 = tpu.memref_slice %arg11[%dma_wait3A_219, %dma_wait3A_220, %dma_wait3A_221] : memref<4x80x80xf32, #tpu.memory_space<vmem>> -> memref<1x80x80xf32, #tpu.memory_space<vmem>>
        %dma_wait3A_223 = tpu.memref_squeeze %dma_wait3A_222 : memref<1x80x80xf32, #tpu.memory_space<vmem>> -> memref<80x80xf32, #tpu.memory_space<vmem>>
        %dma_wait3A_224 = arith.constant 0 : i32
        %dma_wait3A_225 = tpu.memref_slice %arg9[%add3A_218, %dma_wait3A_224] : memref<250x80xi32, #tpu.memory_space<vmem>> -> memref<1x80xi32, #tpu.memory_space<vmem>>
        %dma_wait3A_226 = tpu.memref_squeeze %dma_wait3A_225 : memref<1x80xi32, #tpu.memory_space<vmem>> -> memref<80xi32, #tpu.memory_space<vmem>>
        %dma_wait3A_227 = arith.constant 0 : i32
        %dma_wait3A_228 = arith.constant 0 : i32
        %dma_wait3A_229 = tpu.memref_slice %arg2[%dma_wait3A_227, %dma_wait3A_228] : memref<10000x80xf32, #tpu.memory_space<hbm>> -> memref<10000x80xf32, #tpu.memory_space<hbm>>
        tpu.wait_indirect_dma semaphore(%arg17 : memref<!tpu.dma_semaphore, #tpu.memory_space<semaphore_mem>>) src(%dma_wait3A_229 : memref<10000x80xf32, #tpu.memory_space<hbm>>) dst(%dma_wait3A_223 : memref<80x80xf32, #tpu.memory_space<vmem>>)
        %dma_start3A_230 = arith.constant 2 : i32
        %dma_start3A_231 = arith.constant 0 : i32
        %dma_start3A_232 = arith.constant 0 : i32
        %dma_start3A_233 = tpu.memref_slice %arg11[%dma_start3A_230, %dma_start3A_231, %dma_start3A_232] : memref<4x80x80xf32, #tpu.memory_space<vmem>> -> memref<1x80x80xf32, #tpu.memory_space<vmem>>
        %dma_start3A_234 = tpu.memref_squeeze %dma_start3A_233 : memref<1x80x80xf32, #tpu.memory_space<vmem>> -> memref<80x80xf32, #tpu.memory_space<vmem>>
        %dma_start3A_235 = arith.constant 0 : i32
        %dma_start3A_236 = tpu.memref_slice %arg10[%add3A_218, %dma_start3A_235] : memref<250x80xi32, #tpu.memory_space<vmem>> -> memref<1x80xi32, #tpu.memory_space<vmem>>
        %dma_start3A_237 = tpu.memref_squeeze %dma_start3A_236 : memref<1x80xi32, #tpu.memory_space<vmem>> -> memref<80xi32, #tpu.memory_space<vmem>>
        %dma_start3A_238 = arith.constant 0 : i32
        %dma_start3A_239 = arith.constant 0 : i32
        %dma_start3A_240 = tpu.memref_slice %arg14[%dma_start3A_238, %dma_start3A_239] : memref<10000x80xf32, #tpu.memory_space<vmem_shared>> -> memref<10000x80xf32, #tpu.memory_space<vmem_shared>>
        tpu.enqueue_indirect_dma source(%dma_start3A_234 : memref<80x80xf32, #tpu.memory_space<vmem>>) target(%dma_start3A_240 : memref<10000x80xf32, #tpu.memory_space<vmem_shared>>) offsets(%dma_start3A_237 : memref<80xi32, #tpu.memory_space<vmem>>) semaphore(%arg21 : memref<!tpu.dma_semaphore, #tpu.memory_space<semaphore_mem>>) {add = true}
        %mul3A_241 = arith.constant 4 : i32
        %mul3A_242 = arith.muli %scan3A_161, %mul3A_241 : i32
        %add3A_243 = arith.constant 3 : i32
        %add3A_244 = arith.addi %mul3A_242, %add3A_243 : i32
        %dma_wait3A_245 = arith.constant 3 : i32
        %dma_wait3A_246 = arith.constant 0 : i32
        %dma_wait3A_247 = arith.constant 0 : i32
        %dma_wait3A_248 = tpu.memref_slice %arg11[%dma_wait3A_245, %dma_wait3A_246, %dma_wait3A_247] : memref<4x80x80xf32, #tpu.memory_space<vmem>> -> memref<1x80x80xf32, #tpu.memory_space<vmem>>
        %dma_wait3A_249 = tpu.memref_squeeze %dma_wait3A_248 : memref<1x80x80xf32, #tpu.memory_space<vmem>> -> memref<80x80xf32, #tpu.memory_space<vmem>>
        %dma_wait3A_250 = arith.constant 0 : i32
        %dma_wait3A_251 = tpu.memref_slice %arg9[%add3A_244, %dma_wait3A_250] : memref<250x80xi32, #tpu.memory_space<vmem>> -> memref<1x80xi32, #tpu.memory_space<vmem>>
        %dma_wait3A_252 = tpu.memref_squeeze %dma_wait3A_251 : memref<1x80xi32, #tpu.memory_space<vmem>> -> memref<80xi32, #tpu.memory_space<vmem>>
        %dma_wait3A_253 = arith.constant 0 : i32
        %dma_wait3A_254 = arith.constant 0 : i32
        %dma_wait3A_255 = tpu.memref_slice %arg2[%dma_wait3A_253, %dma_wait3A_254] : memref<10000x80xf32, #tpu.memory_space<hbm>> -> memref<10000x80xf32, #tpu.memory_space<hbm>>
        tpu.wait_indirect_dma semaphore(%arg18 : memref<!tpu.dma_semaphore, #tpu.memory_space<semaphore_mem>>) src(%dma_wait3A_255 : memref<10000x80xf32, #tpu.memory_space<hbm>>) dst(%dma_wait3A_249 : memref<80x80xf32, #tpu.memory_space<vmem>>)
        %dma_start3A_256 = arith.constant 3 : i32
        %dma_start3A_257 = arith.constant 0 : i32
        %dma_start3A_258 = arith.constant 0 : i32
        %dma_start3A_259 = tpu.memref_slice %arg11[%dma_start3A_256, %dma_start3A_257, %dma_start3A_258] : memref<4x80x80xf32, #tpu.memory_space<vmem>> -> memref<1x80x80xf32, #tpu.memory_space<vmem>>
        %dma_start3A_260 = tpu.memref_squeeze %dma_start3A_259 : memref<1x80x80xf32, #tpu.memory_space<vmem>> -> memref<80x80xf32, #tpu.memory_space<vmem>>
        %dma_start3A_261 = arith.constant 0 : i32
        %dma_start3A_262 = tpu.memref_slice %arg10[%add3A_244, %dma_start3A_261] : memref<250x80xi32, #tpu.memory_space<vmem>> -> memref<1x80xi32, #tpu.memory_space<vmem>>
        %dma_start3A_263 = tpu.memref_squeeze %dma_start3A_262 : memref<1x80xi32, #tpu.memory_space<vmem>> -> memref<80xi32, #tpu.memory_space<vmem>>
        %dma_start3A_264 = arith.constant 0 : i32
        %dma_start3A_265 = arith.constant 0 : i32
        %dma_start3A_266 = tpu.memref_slice %arg14[%dma_start3A_264, %dma_start3A_265] : memref<10000x80xf32, #tpu.memory_space<vmem_shared>> -> memref<10000x80xf32, #tpu.memory_space<vmem_shared>>
        tpu.enqueue_indirect_dma source(%dma_start3A_260 : memref<80x80xf32, #tpu.memory_space<vmem>>) target(%dma_start3A_266 : memref<10000x80xf32, #tpu.memory_space<vmem_shared>>) offsets(%dma_start3A_263 : memref<80xi32, #tpu.memory_space<vmem>>) semaphore(%arg22 : memref<!tpu.dma_semaphore, #tpu.memory_space<semaphore_mem>>) {add = true}
        %mul3A_267 = arith.constant 4 : i32
        %mul3A_268 = arith.muli %scan3A_161, %mul3A_267 : i32
        %add3A_269 = arith.constant 0 : i32
        %add3A_270 = arith.addi %mul3A_268, %add3A_269 : i32
        %dma_wait3A_271 = arith.constant 0 : i32
        %dma_wait3A_272 = arith.constant 0 : i32
        %dma_wait3A_273 = arith.constant 0 : i32
        %dma_wait3A_274 = tpu.memref_slice %arg11[%dma_wait3A_271, %dma_wait3A_272, %dma_wait3A_273] : memref<4x80x80xf32, #tpu.memory_space<vmem>> -> memref<1x80x80xf32, #tpu.memory_space<vmem>>
        %dma_wait3A_275 = tpu.memref_squeeze %dma_wait3A_274 : memref<1x80x80xf32, #tpu.memory_space<vmem>> -> memref<80x80xf32, #tpu.memory_space<vmem>>
        %dma_wait3A_276 = arith.constant 0 : i32
        %dma_wait3A_277 = tpu.memref_slice %arg10[%add3A_270, %dma_wait3A_276] : memref<250x80xi32, #tpu.memory_space<vmem>> -> memref<1x80xi32, #tpu.memory_space<vmem>>
        %dma_wait3A_278 = tpu.memref_squeeze %dma_wait3A_277 : memref<1x80xi32, #tpu.memory_space<vmem>> -> memref<80xi32, #tpu.memory_space<vmem>>
        %dma_wait3A_279 = arith.constant 0 : i32
        %dma_wait3A_280 = arith.constant 0 : i32
        %dma_wait3A_281 = tpu.memref_slice %arg14[%dma_wait3A_279, %dma_wait3A_280] : memref<10000x80xf32, #tpu.memory_space<vmem_shared>> -> memref<10000x80xf32, #tpu.memory_space<vmem_shared>>
        tpu.wait_indirect_dma semaphore(%arg19 : memref<!tpu.dma_semaphore, #tpu.memory_space<semaphore_mem>>) src(%dma_wait3A_275 : memref<80x80xf32, #tpu.memory_space<vmem>>) dst(%dma_wait3A_281 : memref<10000x80xf32, #tpu.memory_space<vmem_shared>>)
        %add3A_282 = arith.constant 4 : i32
        %add3A_283 = arith.addi %add3A_270, %add3A_282 : i32
        %lt3A = arith.constant 250 : i32
        %lt3A_284 = arith.cmpi slt, %add3A_283, %lt3A : i32
        %convert_element_type3A_285 = arith.extui %lt3A_284 : i1 to i32
        %cond3A_286 = arith.constant 0 : i32
        %cond3A_287 = arith.cmpi ne, %convert_element_type3A_285, %cond3A_286 : i32
        scf.if %cond3A_287 {
          %add3A_355 = arith.constant 4 : i32
          %add3A_356 = arith.addi %add3A_270, %add3A_355 : i32
          %dma_start3A_357 = arith.constant 0 : i32
          %dma_start3A_358 = arith.constant 0 : i32
          %dma_start3A_359 = arith.constant 0 : i32
          %dma_start3A_360 = tpu.memref_slice %arg11[%dma_start3A_357, %dma_start3A_358, %dma_start3A_359] : memref<4x80x80xf32, #tpu.memory_space<vmem>> -> memref<1x80x80xf32, #tpu.memory_space<vmem>>
          %dma_start3A_361 = tpu.memref_squeeze %dma_start3A_360 : memref<1x80x80xf32, #tpu.memory_space<vmem>> -> memref<80x80xf32, #tpu.memory_space<vmem>>
          %dma_start3A_362 = arith.constant 0 : i32
          %dma_start3A_363 = tpu.memref_slice %arg9[%add3A_356, %dma_start3A_362] : memref<250x80xi32, #tpu.memory_space<vmem>> -> memref<1x80xi32, #tpu.memory_space<vmem>>
          %dma_start3A_364 = tpu.memref_squeeze %dma_start3A_363 : memref<1x80xi32, #tpu.memory_space<vmem>> -> memref<80xi32, #tpu.memory_space<vmem>>
          %dma_start3A_365 = arith.constant 0 : i32
          %dma_start3A_366 = arith.constant 0 : i32
          %dma_start3A_367 = tpu.memref_slice %arg2[%dma_start3A_365, %dma_start3A_366] : memref<10000x80xf32, #tpu.memory_space<hbm>> -> memref<10000x80xf32, #tpu.memory_space<hbm>>
          tpu.enqueue_indirect_dma source(%dma_start3A_367 : memref<10000x80xf32, #tpu.memory_space<hbm>>) target(%dma_start3A_361 : memref<80x80xf32, #tpu.memory_space<vmem>>) offsets(%dma_start3A_364 : memref<80xi32, #tpu.memory_space<vmem>>) semaphore(%arg15 : memref<!tpu.dma_semaphore, #tpu.memory_space<semaphore_mem>>)
        } else {
        }
        %mul3A_288 = arith.constant 4 : i32
        %mul3A_289 = arith.muli %scan3A_161, %mul3A_288 : i32
        %add3A_290 = arith.constant 1 : i32
        %add3A_291 = arith.addi %mul3A_289, %add3A_290 : i32
        %dma_wait3A_292 = arith.constant 1 : i32
        %dma_wait3A_293 = arith.constant 0 : i32
        %dma_wait3A_294 = arith.constant 0 : i32
        %dma_wait3A_295 = tpu.memref_slice %arg11[%dma_wait3A_292, %dma_wait3A_293, %dma_wait3A_294] : memref<4x80x80xf32, #tpu.memory_space<vmem>> -> memref<1x80x80xf32, #tpu.memory_space<vmem>>
        %dma_wait3A_296 = tpu.memref_squeeze %dma_wait3A_295 : memref<1x80x80xf32, #tpu.memory_space<vmem>> -> memref<80x80xf32, #tpu.memory_space<vmem>>
        %dma_wait3A_297 = arith.constant 0 : i32
        %dma_wait3A_298 = tpu.memref_slice %arg10[%add3A_291, %dma_wait3A_297] : memref<250x80xi32, #tpu.memory_space<vmem>> -> memref<1x80xi32, #tpu.memory_space<vmem>>
        %dma_wait3A_299 = tpu.memref_squeeze %dma_wait3A_298 : memref<1x80xi32, #tpu.memory_space<vmem>> -> memref<80xi32, #tpu.memory_space<vmem>>
        %dma_wait3A_300 = arith.constant 0 : i32
        %dma_wait3A_301 = arith.constant 0 : i32
        %dma_wait3A_302 = tpu.memref_slice %arg14[%dma_wait3A_300, %dma_wait3A_301] : memref<10000x80xf32, #tpu.memory_space<vmem_shared>> -> memref<10000x80xf32, #tpu.memory_space<vmem_shared>>
        tpu.wait_indirect_dma semaphore(%arg20 : memref<!tpu.dma_semaphore, #tpu.memory_space<semaphore_mem>>) src(%dma_wait3A_296 : memref<80x80xf32, #tpu.memory_space<vmem>>) dst(%dma_wait3A_302 : memref<10000x80xf32, #tpu.memory_space<vmem_shared>>)
        %add3A_303 = arith.constant 4 : i32
        %add3A_304 = arith.addi %add3A_291, %add3A_303 : i32
        %lt3A_305 = arith.constant 250 : i32
        %lt3A_306 = arith.cmpi slt, %add3A_304, %lt3A_305 : i32
        %convert_element_type3A_307 = arith.extui %lt3A_306 : i1 to i32
        %cond3A_308 = arith.constant 0 : i32
        %cond3A_309 = arith.cmpi ne, %convert_element_type3A_307, %cond3A_308 : i32
        scf.if %cond3A_309 {
          %add3A_355 = arith.constant 4 : i32
          %add3A_356 = arith.addi %add3A_291, %add3A_355 : i32
          %dma_start3A_357 = arith.constant 1 : i32
          %dma_start3A_358 = arith.constant 0 : i32
          %dma_start3A_359 = arith.constant 0 : i32
          %dma_start3A_360 = tpu.memref_slice %arg11[%dma_start3A_357, %dma_start3A_358, %dma_start3A_359] : memref<4x80x80xf32, #tpu.memory_space<vmem>> -> memref<1x80x80xf32, #tpu.memory_space<vmem>>
          %dma_start3A_361 = tpu.memref_squeeze %dma_start3A_360 : memref<1x80x80xf32, #tpu.memory_space<vmem>> -> memref<80x80xf32, #tpu.memory_space<vmem>>
          %dma_start3A_362 = arith.constant 0 : i32
          %dma_start3A_363 = tpu.memref_slice %arg9[%add3A_356, %dma_start3A_362] : memref<250x80xi32, #tpu.memory_space<vmem>> -> memref<1x80xi32, #tpu.memory_space<vmem>>
          %dma_start3A_364 = tpu.memref_squeeze %dma_start3A_363 : memref<1x80xi32, #tpu.memory_space<vmem>> -> memref<80xi32, #tpu.memory_space<vmem>>
          %dma_start3A_365 = arith.constant 0 : i32
          %dma_start3A_366 = arith.constant 0 : i32
          %dma_start3A_367 = tpu.memref_slice %arg2[%dma_start3A_365, %dma_start3A_366] : memref<10000x80xf32, #tpu.memory_space<hbm>> -> memref<10000x80xf32, #tpu.memory_space<hbm>>
          tpu.enqueue_indirect_dma source(%dma_start3A_367 : memref<10000x80xf32, #tpu.memory_space<hbm>>) target(%dma_start3A_361 : memref<80x80xf32, #tpu.memory_space<vmem>>) offsets(%dma_start3A_364 : memref<80xi32, #tpu.memory_space<vmem>>) semaphore(%arg16 : memref<!tpu.dma_semaphore, #tpu.memory_space<semaphore_mem>>)
        } else {
        }
        %mul3A_310 = arith.constant 4 : i32
        %mul3A_311 = arith.muli %scan3A_161, %mul3A_310 : i32
        %add3A_312 = arith.constant 2 : i32
        %add3A_313 = arith.addi %mul3A_311, %add3A_312 : i32
        %dma_wait3A_314 = arith.constant 2 : i32
        %dma_wait3A_315 = arith.constant 0 : i32
        %dma_wait3A_316 = arith.constant 0 : i32
        %dma_wait3A_317 = tpu.memref_slice %arg11[%dma_wait3A_314, %dma_wait3A_315, %dma_wait3A_316] : memref<4x80x80xf32, #tpu.memory_space<vmem>> -> memref<1x80x80xf32, #tpu.memory_space<vmem>>
        %dma_wait3A_318 = tpu.memref_squeeze %dma_wait3A_317 : memref<1x80x80xf32, #tpu.memory_space<vmem>> -> memref<80x80xf32, #tpu.memory_space<vmem>>
        %dma_wait3A_319 = arith.constant 0 : i32
        %dma_wait3A_320 = tpu.memref_slice %arg10[%add3A_313, %dma_wait3A_319] : memref<250x80xi32, #tpu.memory_space<vmem>> -> memref<1x80xi32, #tpu.memory_space<vmem>>
        %dma_wait3A_321 = tpu.memref_squeeze %dma_wait3A_320 : memref<1x80xi32, #tpu.memory_space<vmem>> -> memref<80xi32, #tpu.memory_space<vmem>>
        %dma_wait3A_322 = arith.constant 0 : i32
        %dma_wait3A_323 = arith.constant 0 : i32
        %dma_wait3A_324 = tpu.memref_slice %arg14[%dma_wait3A_322, %dma_wait3A_323] : memref<10000x80xf32, #tpu.memory_space<vmem_shared>> -> memref<10000x80xf32, #tpu.memory_space<vmem_shared>>
        tpu.wait_indirect_dma semaphore(%arg21 : memref<!tpu.dma_semaphore, #tpu.memory_space<semaphore_mem>>) src(%dma_wait3A_318 : memref<80x80xf32, #tpu.memory_space<vmem>>) dst(%dma_wait3A_324 : memref<10000x80xf32, #tpu.memory_space<vmem_shared>>)
        %add3A_325 = arith.constant 4 : i32
        %add3A_326 = arith.addi %add3A_313, %add3A_325 : i32
        %lt3A_327 = arith.constant 250 : i32
        %lt3A_328 = arith.cmpi slt, %add3A_326, %lt3A_327 : i32
        %convert_element_type3A_329 = arith.extui %lt3A_328 : i1 to i32
        %cond3A_330 = arith.constant 0 : i32
        %cond3A_331 = arith.cmpi ne, %convert_element_type3A_329, %cond3A_330 : i32
        scf.if %cond3A_331 {
          %add3A_355 = arith.constant 4 : i32
          %add3A_356 = arith.addi %add3A_313, %add3A_355 : i32
          %dma_start3A_357 = arith.constant 2 : i32
          %dma_start3A_358 = arith.constant 0 : i32
          %dma_start3A_359 = arith.constant 0 : i32
          %dma_start3A_360 = tpu.memref_slice %arg11[%dma_start3A_357, %dma_start3A_358, %dma_start3A_359] : memref<4x80x80xf32, #tpu.memory_space<vmem>> -> memref<1x80x80xf32, #tpu.memory_space<vmem>>
          %dma_start3A_361 = tpu.memref_squeeze %dma_start3A_360 : memref<1x80x80xf32, #tpu.memory_space<vmem>> -> memref<80x80xf32, #tpu.memory_space<vmem>>
          %dma_start3A_362 = arith.constant 0 : i32
          %dma_start3A_363 = tpu.memref_slice %arg9[%add3A_356, %dma_start3A_362] : memref<250x80xi32, #tpu.memory_space<vmem>> -> memref<1x80xi32, #tpu.memory_space<vmem>>
          %dma_start3A_364 = tpu.memref_squeeze %dma_start3A_363 : memref<1x80xi32, #tpu.memory_space<vmem>> -> memref<80xi32, #tpu.memory_space<vmem>>
          %dma_start3A_365 = arith.constant 0 : i32
          %dma_start3A_366 = arith.constant 0 : i32
          %dma_start3A_367 = tpu.memref_slice %arg2[%dma_start3A_365, %dma_start3A_366] : memref<10000x80xf32, #tpu.memory_space<hbm>> -> memref<10000x80xf32, #tpu.memory_space<hbm>>
          tpu.enqueue_indirect_dma source(%dma_start3A_367 : memref<10000x80xf32, #tpu.memory_space<hbm>>) target(%dma_start3A_361 : memref<80x80xf32, #tpu.memory_space<vmem>>) offsets(%dma_start3A_364 : memref<80xi32, #tpu.memory_space<vmem>>) semaphore(%arg17 : memref<!tpu.dma_semaphore, #tpu.memory_space<semaphore_mem>>)
        } else {
        }
        %mul3A_332 = arith.constant 4 : i32
        %mul3A_333 = arith.muli %scan3A_161, %mul3A_332 : i32
        %add3A_334 = arith.constant 3 : i32
        %add3A_335 = arith.addi %mul3A_333, %add3A_334 : i32
        %dma_wait3A_336 = arith.constant 3 : i32
        %dma_wait3A_337 = arith.constant 0 : i32
        %dma_wait3A_338 = arith.constant 0 : i32
        %dma_wait3A_339 = tpu.memref_slice %arg11[%dma_wait3A_336, %dma_wait3A_337, %dma_wait3A_338] : memref<4x80x80xf32, #tpu.memory_space<vmem>> -> memref<1x80x80xf32, #tpu.memory_space<vmem>>
        %dma_wait3A_340 = tpu.memref_squeeze %dma_wait3A_339 : memref<1x80x80xf32, #tpu.memory_space<vmem>> -> memref<80x80xf32, #tpu.memory_space<vmem>>
        %dma_wait3A_341 = arith.constant 0 : i32
        %dma_wait3A_342 = tpu.memref_slice %arg10[%add3A_335, %dma_wait3A_341] : memref<250x80xi32, #tpu.memory_space<vmem>> -> memref<1x80xi32, #tpu.memory_space<vmem>>
        %dma_wait3A_343 = tpu.memref_squeeze %dma_wait3A_342 : memref<1x80xi32, #tpu.memory_space<vmem>> -> memref<80xi32, #tpu.memory_space<vmem>>
        %dma_wait3A_344 = arith.constant 0 : i32
        %dma_wait3A_345 = arith.constant 0 : i32
        %dma_wait3A_346 = tpu.memref_slice %arg14[%dma_wait3A_344, %dma_wait3A_345] : memref<10000x80xf32, #tpu.memory_space<vmem_shared>> -> memref<10000x80xf32, #tpu.memory_space<vmem_shared>>
        tpu.wait_indirect_dma semaphore(%arg22 : memref<!tpu.dma_semaphore, #tpu.memory_space<semaphore_mem>>) src(%dma_wait3A_340 : memref<80x80xf32, #tpu.memory_space<vmem>>) dst(%dma_wait3A_346 : memref<10000x80xf32, #tpu.memory_space<vmem_shared>>)
        %add3A_347 = arith.constant 4 : i32
        %add3A_348 = arith.addi %add3A_335, %add3A_347 : i32
        %lt3A_349 = arith.constant 250 : i32
        %lt3A_350 = arith.cmpi slt, %add3A_348, %lt3A_349 : i32
        %convert_element_type3A_351 = arith.extui %lt3A_350 : i1 to i32
        %cond3A_352 = arith.constant 0 : i32
        %cond3A_353 = arith.cmpi ne, %convert_element_type3A_351, %cond3A_352 : i32
        scf.if %cond3A_353 {
          %add3A_355 = arith.constant 4 : i32
          %add3A_356 = arith.addi %add3A_335, %add3A_355 : i32
          %dma_start3A_357 = arith.constant 3 : i32
          %dma_start3A_358 = arith.constant 0 : i32
          %dma_start3A_359 = arith.constant 0 : i32
          %dma_start3A_360 = tpu.memref_slice %arg11[%dma_start3A_357, %dma_start3A_358, %dma_start3A_359] : memref<4x80x80xf32, #tpu.memory_space<vmem>> -> memref<1x80x80xf32, #tpu.memory_space<vmem>>
          %dma_start3A_361 = tpu.memref_squeeze %dma_start3A_360 : memref<1x80x80xf32, #tpu.memory_space<vmem>> -> memref<80x80xf32, #tpu.memory_space<vmem>>
          %dma_start3A_362 = arith.constant 0 : i32
          %dma_start3A_363 = tpu.memref_slice %arg9[%add3A_356, %dma_start3A_362] : memref<250x80xi32, #tpu.memory_space<vmem>> -> memref<1x80xi32, #tpu.memory_space<vmem>>
          %dma_start3A_364 = tpu.memref_squeeze %dma_start3A_363 : memref<1x80xi32, #tpu.memory_space<vmem>> -> memref<80xi32, #tpu.memory_space<vmem>>
          %dma_start3A_365 = arith.constant 0 : i32
          %dma_start3A_366 = arith.constant 0 : i32
          %dma_start3A_367 = tpu.memref_slice %arg2[%dma_start3A_365, %dma_start3A_366] : memref<10000x80xf32, #tpu.memory_space<hbm>> -> memref<10000x80xf32, #tpu.memory_space<hbm>>
          tpu.enqueue_indirect_dma source(%dma_start3A_367 : memref<10000x80xf32, #tpu.memory_space<hbm>>) target(%dma_start3A_361 : memref<80x80xf32, #tpu.memory_space<vmem>>) offsets(%dma_start3A_364 : memref<80xi32, #tpu.memory_space<vmem>>) semaphore(%arg18 : memref<!tpu.dma_semaphore, #tpu.memory_space<semaphore_mem>>)
        } else {
        }
        %scan3A_354 = arith.constant 0 : i32
        scf.yield %scan3A_354 : i32
      }
      %scan3A_89 = arith.constant 62 : i32
      %dma_wait3A = arith.constant 248 : i32
      %dma_wait3A_90 = arith.constant 0 : i32
      %dma_wait3A_91 = arith.constant 0 : i32
      %dma_wait3A_92 = arith.constant 0 : i32
      %dma_wait3A_93 = tpu.memref_slice %arg11[%dma_wait3A_90, %dma_wait3A_91, %dma_wait3A_92] : memref<4x80x80xf32, #tpu.memory_space<vmem>> -> memref<1x80x80xf32, #tpu.memory_space<vmem>>
      %dma_wait3A_94 = tpu.memref_squeeze %dma_wait3A_93 : memref<1x80x80xf32, #tpu.memory_space<vmem>> -> memref<80x80xf32, #tpu.memory_space<vmem>>
      %dma_wait3A_95 = arith.constant 0 : i32
      %dma_wait3A_96 = tpu.memref_slice %arg9[%dma_wait3A, %dma_wait3A_95] : memref<250x80xi32, #tpu.memory_space<vmem>> -> memref<1x80xi32, #tpu.memory_space<vmem>>
      %dma_wait3A_97 = tpu.memref_squeeze %dma_wait3A_96 : memref<1x80xi32, #tpu.memory_space<vmem>> -> memref<80xi32, #tpu.memory_space<vmem>>
      %dma_wait3A_98 = arith.constant 0 : i32
      %dma_wait3A_99 = arith.constant 0 : i32
      %dma_wait3A_100 = tpu.memref_slice %arg2[%dma_wait3A_98, %dma_wait3A_99] : memref<10000x80xf32, #tpu.memory_space<hbm>> -> memref<10000x80xf32, #tpu.memory_space<hbm>>
      tpu.wait_indirect_dma semaphore(%arg15 : memref<!tpu.dma_semaphore, #tpu.memory_space<semaphore_mem>>) src(%dma_wait3A_100 : memref<10000x80xf32, #tpu.memory_space<hbm>>) dst(%dma_wait3A_94 : memref<80x80xf32, #tpu.memory_space<vmem>>)
      %dma_start3A_101 = arith.constant 0 : i32
      %dma_start3A_102 = arith.constant 248 : i32
      %dma_start3A_103 = arith.constant 0 : i32
      %dma_start3A_104 = arith.constant 0 : i32
      %dma_start3A_105 = tpu.memref_slice %arg11[%dma_start3A_101, %dma_start3A_103, %dma_start3A_104] : memref<4x80x80xf32, #tpu.memory_space<vmem>> -> memref<1x80x80xf32, #tpu.memory_space<vmem>>
      %dma_start3A_106 = tpu.memref_squeeze %dma_start3A_105 : memref<1x80x80xf32, #tpu.memory_space<vmem>> -> memref<80x80xf32, #tpu.memory_space<vmem>>
      %dma_start3A_107 = arith.constant 0 : i32
      %dma_start3A_108 = tpu.memref_slice %arg10[%dma_start3A_102, %dma_start3A_107] : memref<250x80xi32, #tpu.memory_space<vmem>> -> memref<1x80xi32, #tpu.memory_space<vmem>>
      %dma_start3A_109 = tpu.memref_squeeze %dma_start3A_108 : memref<1x80xi32, #tpu.memory_space<vmem>> -> memref<80xi32, #tpu.memory_space<vmem>>
      %dma_start3A_110 = arith.constant 0 : i32
      %dma_start3A_111 = arith.constant 0 : i32
      %dma_start3A_112 = tpu.memref_slice %arg14[%dma_start3A_110, %dma_start3A_111] : memref<10000x80xf32, #tpu.memory_space<vmem_shared>> -> memref<10000x80xf32, #tpu.memory_space<vmem_shared>>
      tpu.enqueue_indirect_dma source(%dma_start3A_106 : memref<80x80xf32, #tpu.memory_space<vmem>>) target(%dma_start3A_112 : memref<10000x80xf32, #tpu.memory_space<vmem_shared>>) offsets(%dma_start3A_109 : memref<80xi32, #tpu.memory_space<vmem>>) semaphore(%arg19 : memref<!tpu.dma_semaphore, #tpu.memory_space<semaphore_mem>>) {add = true}
      %dma_wait3A_113 = arith.constant 249 : i32
      %dma_wait3A_114 = arith.constant 1 : i32
      %dma_wait3A_115 = arith.constant 0 : i32
      %dma_wait3A_116 = arith.constant 0 : i32
      %dma_wait3A_117 = tpu.memref_slice %arg11[%dma_wait3A_114, %dma_wait3A_115, %dma_wait3A_116] : memref<4x80x80xf32, #tpu.memory_space<vmem>> -> memref<1x80x80xf32, #tpu.memory_space<vmem>>
      %dma_wait3A_118 = tpu.memref_squeeze %dma_wait3A_117 : memref<1x80x80xf32, #tpu.memory_space<vmem>> -> memref<80x80xf32, #tpu.memory_space<vmem>>
      %dma_wait3A_119 = arith.constant 0 : i32
      %dma_wait3A_120 = tpu.memref_slice %arg9[%dma_wait3A_113, %dma_wait3A_119] : memref<250x80xi32, #tpu.memory_space<vmem>> -> memref<1x80xi32, #tpu.memory_space<vmem>>
      %dma_wait3A_121 = tpu.memref_squeeze %dma_wait3A_120 : memref<1x80xi32, #tpu.memory_space<vmem>> -> memref<80xi32, #tpu.memory_space<vmem>>
      %dma_wait3A_122 = arith.constant 0 : i32
      %dma_wait3A_123 = arith.constant 0 : i32
      %dma_wait3A_124 = tpu.memref_slice %arg2[%dma_wait3A_122, %dma_wait3A_123] : memref<10000x80xf32, #tpu.memory_space<hbm>> -> memref<10000x80xf32, #tpu.memory_space<hbm>>
      tpu.wait_indirect_dma semaphore(%arg16 : memref<!tpu.dma_semaphore, #tpu.memory_space<semaphore_mem>>) src(%dma_wait3A_124 : memref<10000x80xf32, #tpu.memory_space<hbm>>) dst(%dma_wait3A_118 : memref<80x80xf32, #tpu.memory_space<vmem>>)
      %dma_start3A_125 = arith.constant 1 : i32
      %dma_start3A_126 = arith.constant 249 : i32
      %dma_start3A_127 = arith.constant 0 : i32
      %dma_start3A_128 = arith.constant 0 : i32
      %dma_start3A_129 = tpu.memref_slice %arg11[%dma_start3A_125, %dma_start3A_127, %dma_start3A_128] : memref<4x80x80xf32, #tpu.memory_space<vmem>> -> memref<1x80x80xf32, #tpu.memory_space<vmem>>
      %dma_start3A_130 = tpu.memref_squeeze %dma_start3A_129 : memref<1x80x80xf32, #tpu.memory_space<vmem>> -> memref<80x80xf32, #tpu.memory_space<vmem>>
      %dma_start3A_131 = arith.constant 0 : i32
      %dma_start3A_132 = tpu.memref_slice %arg10[%dma_start3A_126, %dma_start3A_131] : memref<250x80xi32, #tpu.memory_space<vmem>> -> memref<1x80xi32, #tpu.memory_space<vmem>>
      %dma_start3A_133 = tpu.memref_squeeze %dma_start3A_132 : memref<1x80xi32, #tpu.memory_space<vmem>> -> memref<80xi32, #tpu.memory_space<vmem>>
      %dma_start3A_134 = arith.constant 0 : i32
      %dma_start3A_135 = arith.constant 0 : i32
      %dma_start3A_136 = tpu.memref_slice %arg14[%dma_start3A_134, %dma_start3A_135] : memref<10000x80xf32, #tpu.memory_space<vmem_shared>> -> memref<10000x80xf32, #tpu.memory_space<vmem_shared>>
      tpu.enqueue_indirect_dma source(%dma_start3A_130 : memref<80x80xf32, #tpu.memory_space<vmem>>) target(%dma_start3A_136 : memref<10000x80xf32, #tpu.memory_space<vmem_shared>>) offsets(%dma_start3A_133 : memref<80xi32, #tpu.memory_space<vmem>>) semaphore(%arg20 : memref<!tpu.dma_semaphore, #tpu.memory_space<semaphore_mem>>) {add = true}
      %dma_wait3A_137 = arith.constant 0 : i32
      %dma_wait3A_138 = arith.constant 248 : i32
      %dma_wait3A_139 = arith.constant 0 : i32
      %dma_wait3A_140 = arith.constant 0 : i32
      %dma_wait3A_141 = tpu.memref_slice %arg11[%dma_wait3A_137, %dma_wait3A_139, %dma_wait3A_140] : memref<4x80x80xf32, #tpu.memory_space<vmem>> -> memref<1x80x80xf32, #tpu.memory_space<vmem>>
      %dma_wait3A_142 = tpu.memref_squeeze %dma_wait3A_141 : memref<1x80x80xf32, #tpu.memory_space<vmem>> -> memref<80x80xf32, #tpu.memory_space<vmem>>
      %dma_wait3A_143 = arith.constant 0 : i32
      %dma_wait3A_144 = tpu.memref_slice %arg10[%dma_wait3A_138, %dma_wait3A_143] : memref<250x80xi32, #tpu.memory_space<vmem>> -> memref<1x80xi32, #tpu.memory_space<vmem>>
      %dma_wait3A_145 = tpu.memref_squeeze %dma_wait3A_144 : memref<1x80xi32, #tpu.memory_space<vmem>> -> memref<80xi32, #tpu.memory_space<vmem>>
      %dma_wait3A_146 = arith.constant 0 : i32
      %dma_wait3A_147 = arith.constant 0 : i32
      %dma_wait3A_148 = tpu.memref_slice %arg14[%dma_wait3A_146, %dma_wait3A_147] : memref<10000x80xf32, #tpu.memory_space<vmem_shared>> -> memref<10000x80xf32, #tpu.memory_space<vmem_shared>>
      tpu.wait_indirect_dma semaphore(%arg19 : memref<!tpu.dma_semaphore, #tpu.memory_space<semaphore_mem>>) src(%dma_wait3A_142 : memref<80x80xf32, #tpu.memory_space<vmem>>) dst(%dma_wait3A_148 : memref<10000x80xf32, #tpu.memory_space<vmem_shared>>)
      %dma_wait3A_149 = arith.constant 1 : i32
      %dma_wait3A_150 = arith.constant 249 : i32
      %dma_wait3A_151 = arith.constant 0 : i32
      %dma_wait3A_152 = arith.constant 0 : i32
      %dma_wait3A_153 = tpu.memref_slice %arg11[%dma_wait3A_149, %dma_wait3A_151, %dma_wait3A_152] : memref<4x80x80xf32, #tpu.memory_space<vmem>> -> memref<1x80x80xf32, #tpu.memory_space<vmem>>
      %dma_wait3A_154 = tpu.memref_squeeze %dma_wait3A_153 : memref<1x80x80xf32, #tpu.memory_space<vmem>> -> memref<80x80xf32, #tpu.memory_space<vmem>>
      %dma_wait3A_155 = arith.constant 0 : i32
      %dma_wait3A_156 = tpu.memref_slice %arg10[%dma_wait3A_150, %dma_wait3A_155] : memref<250x80xi32, #tpu.memory_space<vmem>> -> memref<1x80xi32, #tpu.memory_space<vmem>>
      %dma_wait3A_157 = tpu.memref_squeeze %dma_wait3A_156 : memref<1x80xi32, #tpu.memory_space<vmem>> -> memref<80xi32, #tpu.memory_space<vmem>>
      %dma_wait3A_158 = arith.constant 0 : i32
      %dma_wait3A_159 = arith.constant 0 : i32
      %dma_wait3A_160 = tpu.memref_slice %arg14[%dma_wait3A_158, %dma_wait3A_159] : memref<10000x80xf32, #tpu.memory_space<vmem_shared>> -> memref<10000x80xf32, #tpu.memory_space<vmem_shared>>
      tpu.wait_indirect_dma semaphore(%arg20 : memref<!tpu.dma_semaphore, #tpu.memory_space<semaphore_mem>>) src(%dma_wait3A_154 : memref<80x80xf32, #tpu.memory_space<vmem>>) dst(%dma_wait3A_160 : memref<10000x80xf32, #tpu.memory_space<vmem_shared>>)
    } else {
    }
    %eq3A_16 = arith.constant 1 : i32
    %eq3A_17 = arith.cmpi eq, %arg0, %eq3A_16 : i32
    %convert_element_type3A_18 = arith.extui %eq3A_17 : i1 to i32
    %cond3A_19 = arith.constant 0 : i32
    %cond3A_20 = arith.cmpi ne, %convert_element_type3A_18, %cond3A_19 : i32
    scf.if %cond3A_20 {
      %dma_start3A = arith.constant 0 : i32
      %dma_start3A_37 = arith.constant 0 : i32
      %dma_start3A_38 = arith.constant 0 : i32
      %dma_start3A_39 = arith.constant 0 : i32
      %dma_start3A_40 = tpu.memref_slice %arg11[%dma_start3A_37, %dma_start3A_38, %dma_start3A_39] : memref<4x80x80xf32, #tpu.memory_space<vmem>> -> memref<1x80x80xf32, #tpu.memory_space<vmem>>
      %dma_start3A_41 = tpu.memref_squeeze %dma_start3A_40 : memref<1x80x80xf32, #tpu.memory_space<vmem>> -> memref<80x80xf32, #tpu.memory_space<vmem>>
      %dma_start3A_42 = arith.constant 0 : i32
      %dma_start3A_43 = tpu.memref_slice %arg9[%dma_start3A, %dma_start3A_42] : memref<250x80xi32, #tpu.memory_space<vmem>> -> memref<1x80xi32, #tpu.memory_space<vmem>>
      %dma_start3A_44 = tpu.memref_squeeze %dma_start3A_43 : memref<1x80xi32, #tpu.memory_space<vmem>> -> memref<80xi32, #tpu.memory_space<vmem>>
      %dma_start3A_45 = arith.constant 0 : i32
      %dma_start3A_46 = arith.constant 0 : i32
      %dma_start3A_47 = tpu.memref_slice %arg3[%dma_start3A_45, %dma_start3A_46] : memref<10000x80xf32, #tpu.memory_space<hbm>> -> memref<10000x80xf32, #tpu.memory_space<hbm>>
      tpu.enqueue_indirect_dma source(%dma_start3A_47 : memref<10000x80xf32, #tpu.memory_space<hbm>>) target(%dma_start3A_41 : memref<80x80xf32, #tpu.memory_space<vmem>>) offsets(%dma_start3A_44 : memref<80xi32, #tpu.memory_space<vmem>>) semaphore(%arg15 : memref<!tpu.dma_semaphore, #tpu.memory_space<semaphore_mem>>)
      %dma_start3A_48 = arith.constant 1 : i32
      %dma_start3A_49 = arith.constant 1 : i32
      %dma_start3A_50 = arith.constant 0 : i32
      %dma_start3A_51 = arith.constant 0 : i32
      %dma_start3A_52 = tpu.memref_slice %arg11[%dma_start3A_49, %dma_start3A_50, %dma_start3A_51] : memref<4x80x80xf32, #tpu.memory_space<vmem>> -> memref<1x80x80xf32, #tpu.memory_space<vmem>>
      %dma_start3A_53 = tpu.memref_squeeze %dma_start3A_52 : memref<1x80x80xf32, #tpu.memory_space<vmem>> -> memref<80x80xf32, #tpu.memory_space<vmem>>
      %dma_start3A_54 = arith.constant 0 : i32
      %dma_start3A_55 = tpu.memref_slice %arg9[%dma_start3A_48, %dma_start3A_54] : memref<250x80xi32, #tpu.memory_space<vmem>> -> memref<1x80xi32, #tpu.memory_space<vmem>>
      %dma_start3A_56 = tpu.memref_squeeze %dma_start3A_55 : memref<1x80xi32, #tpu.memory_space<vmem>> -> memref<80xi32, #tpu.memory_space<vmem>>
      %dma_start3A_57 = arith.constant 0 : i32
      %dma_start3A_58 = arith.constant 0 : i32
      %dma_start3A_59 = tpu.memref_slice %arg3[%dma_start3A_57, %dma_start3A_58] : memref<10000x80xf32, #tpu.memory_space<hbm>> -> memref<10000x80xf32, #tpu.memory_space<hbm>>
      tpu.enqueue_indirect_dma source(%dma_start3A_59 : memref<10000x80xf32, #tpu.memory_space<hbm>>) target(%dma_start3A_53 : memref<80x80xf32, #tpu.memory_space<vmem>>) offsets(%dma_start3A_56 : memref<80xi32, #tpu.memory_space<vmem>>) semaphore(%arg16 : memref<!tpu.dma_semaphore, #tpu.memory_space<semaphore_mem>>)
      %dma_start3A_60 = arith.constant 2 : i32
      %dma_start3A_61 = arith.constant 2 : i32
      %dma_start3A_62 = arith.constant 0 : i32
      %dma_start3A_63 = arith.constant 0 : i32
      %dma_start3A_64 = tpu.memref_slice %arg11[%dma_start3A_61, %dma_start3A_62, %dma_start3A_63] : memref<4x80x80xf32, #tpu.memory_space<vmem>> -> memref<1x80x80xf32, #tpu.memory_space<vmem>>
      %dma_start3A_65 = tpu.memref_squeeze %dma_start3A_64 : memref<1x80x80xf32, #tpu.memory_space<vmem>> -> memref<80x80xf32, #tpu.memory_space<vmem>>
      %dma_start3A_66 = arith.constant 0 : i32
      %dma_start3A_67 = tpu.memref_slice %arg9[%dma_start3A_60, %dma_start3A_66] : memref<250x80xi32, #tpu.memory_space<vmem>> -> memref<1x80xi32, #tpu.memory_space<vmem>>
      %dma_start3A_68 = tpu.memref_squeeze %dma_start3A_67 : memref<1x80xi32, #tpu.memory_space<vmem>> -> memref<80xi32, #tpu.memory_space<vmem>>
      %dma_start3A_69 = arith.constant 0 : i32
      %dma_start3A_70 = arith.constant 0 : i32
      %dma_start3A_71 = tpu.memref_slice %arg3[%dma_start3A_69, %dma_start3A_70] : memref<10000x80xf32, #tpu.memory_space<hbm>> -> memref<10000x80xf32, #tpu.memory_space<hbm>>
      tpu.enqueue_indirect_dma source(%dma_start3A_71 : memref<10000x80xf32, #tpu.memory_space<hbm>>) target(%dma_start3A_65 : memref<80x80xf32, #tpu.memory_space<vmem>>) offsets(%dma_start3A_68 : memref<80xi32, #tpu.memory_space<vmem>>) semaphore(%arg17 : memref<!tpu.dma_semaphore, #tpu.memory_space<semaphore_mem>>)
      %dma_start3A_72 = arith.constant 3 : i32
      %dma_start3A_73 = arith.constant 3 : i32
      %dma_start3A_74 = arith.constant 0 : i32
      %dma_start3A_75 = arith.constant 0 : i32
      %dma_start3A_76 = tpu.memref_slice %arg11[%dma_start3A_73, %dma_start3A_74, %dma_start3A_75] : memref<4x80x80xf32, #tpu.memory_space<vmem>> -> memref<1x80x80xf32, #tpu.memory_space<vmem>>
      %dma_start3A_77 = tpu.memref_squeeze %dma_start3A_76 : memref<1x80x80xf32, #tpu.memory_space<vmem>> -> memref<80x80xf32, #tpu.memory_space<vmem>>
      %dma_start3A_78 = arith.constant 0 : i32
      %dma_start3A_79 = tpu.memref_slice %arg9[%dma_start3A_72, %dma_start3A_78] : memref<250x80xi32, #tpu.memory_space<vmem>> -> memref<1x80xi32, #tpu.memory_space<vmem>>
      %dma_start3A_80 = tpu.memref_squeeze %dma_start3A_79 : memref<1x80xi32, #tpu.memory_space<vmem>> -> memref<80xi32, #tpu.memory_space<vmem>>
      %dma_start3A_81 = arith.constant 0 : i32
      %dma_start3A_82 = arith.constant 0 : i32
      %dma_start3A_83 = tpu.memref_slice %arg3[%dma_start3A_81, %dma_start3A_82] : memref<10000x80xf32, #tpu.memory_space<hbm>> -> memref<10000x80xf32, #tpu.memory_space<hbm>>
      tpu.enqueue_indirect_dma source(%dma_start3A_83 : memref<10000x80xf32, #tpu.memory_space<hbm>>) target(%dma_start3A_77 : memref<80x80xf32, #tpu.memory_space<vmem>>) offsets(%dma_start3A_80 : memref<80xi32, #tpu.memory_space<vmem>>) semaphore(%arg18 : memref<!tpu.dma_semaphore, #tpu.memory_space<semaphore_mem>>)
      %scan3A = arith.constant 0 : i32
      %scan3A_84 = arith.constant 0 : i32
      %scan3A_85 = arith.constant 62 : i32
      %scan3A_86 = arith.addi %scan3A_84, %scan3A_85 : i32
      %scan3A_87 = arith.constant 1 : i32
      %scan3A_88 = scf.for %scan3A_161 = %scan3A_84 to %scan3A_86 step %scan3A_87 iter_args(%scan3A_162 = %scan3A) -> (i32)  : i32 {
        %mul3A_163 = arith.constant 4 : i32
        %mul3A_164 = arith.muli %scan3A_161, %mul3A_163 : i32
        %add3A_165 = arith.constant 0 : i32
        %add3A_166 = arith.addi %mul3A_164, %add3A_165 : i32
        %dma_wait3A_167 = arith.constant 0 : i32
        %dma_wait3A_168 = arith.constant 0 : i32
        %dma_wait3A_169 = arith.constant 0 : i32
        %dma_wait3A_170 = tpu.memref_slice %arg11[%dma_wait3A_167, %dma_wait3A_168, %dma_wait3A_169] : memref<4x80x80xf32, #tpu.memory_space<vmem>> -> memref<1x80x80xf32, #tpu.memory_space<vmem>>
        %dma_wait3A_171 = tpu.memref_squeeze %dma_wait3A_170 : memref<1x80x80xf32, #tpu.memory_space<vmem>> -> memref<80x80xf32, #tpu.memory_space<vmem>>
        %dma_wait3A_172 = arith.constant 0 : i32
        %dma_wait3A_173 = tpu.memref_slice %arg9[%add3A_166, %dma_wait3A_172] : memref<250x80xi32, #tpu.memory_space<vmem>> -> memref<1x80xi32, #tpu.memory_space<vmem>>
        %dma_wait3A_174 = tpu.memref_squeeze %dma_wait3A_173 : memref<1x80xi32, #tpu.memory_space<vmem>> -> memref<80xi32, #tpu.memory_space<vmem>>
        %dma_wait3A_175 = arith.constant 0 : i32
        %dma_wait3A_176 = arith.constant 0 : i32
        %dma_wait3A_177 = tpu.memref_slice %arg3[%dma_wait3A_175, %dma_wait3A_176] : memref<10000x80xf32, #tpu.memory_space<hbm>> -> memref<10000x80xf32, #tpu.memory_space<hbm>>
        tpu.wait_indirect_dma semaphore(%arg15 : memref<!tpu.dma_semaphore, #tpu.memory_space<semaphore_mem>>) src(%dma_wait3A_177 : memref<10000x80xf32, #tpu.memory_space<hbm>>) dst(%dma_wait3A_171 : memref<80x80xf32, #tpu.memory_space<vmem>>)
        %dma_start3A_178 = arith.constant 0 : i32
        %dma_start3A_179 = arith.constant 0 : i32
        %dma_start3A_180 = arith.constant 0 : i32
        %dma_start3A_181 = tpu.memref_slice %arg11[%dma_start3A_178, %dma_start3A_179, %dma_start3A_180] : memref<4x80x80xf32, #tpu.memory_space<vmem>> -> memref<1x80x80xf32, #tpu.memory_space<vmem>>
        %dma_start3A_182 = tpu.memref_squeeze %dma_start3A_181 : memref<1x80x80xf32, #tpu.memory_space<vmem>> -> memref<80x80xf32, #tpu.memory_space<vmem>>
        %dma_start3A_183 = arith.constant 0 : i32
        %dma_start3A_184 = tpu.memref_slice %arg10[%add3A_166, %dma_start3A_183] : memref<250x80xi32, #tpu.memory_space<vmem>> -> memref<1x80xi32, #tpu.memory_space<vmem>>
        %dma_start3A_185 = tpu.memref_squeeze %dma_start3A_184 : memref<1x80xi32, #tpu.memory_space<vmem>> -> memref<80xi32, #tpu.memory_space<vmem>>
        %dma_start3A_186 = arith.constant 0 : i32
        %dma_start3A_187 = arith.constant 0 : i32
        %dma_start3A_188 = tpu.memref_slice %arg14[%dma_start3A_186, %dma_start3A_187] : memref<10000x80xf32, #tpu.memory_space<vmem_shared>> -> memref<10000x80xf32, #tpu.memory_space<vmem_shared>>
        tpu.enqueue_indirect_dma source(%dma_start3A_182 : memref<80x80xf32, #tpu.memory_space<vmem>>) target(%dma_start3A_188 : memref<10000x80xf32, #tpu.memory_space<vmem_shared>>) offsets(%dma_start3A_185 : memref<80xi32, #tpu.memory_space<vmem>>) semaphore(%arg19 : memref<!tpu.dma_semaphore, #tpu.memory_space<semaphore_mem>>) {add = true}
        %mul3A_189 = arith.constant 4 : i32
        %mul3A_190 = arith.muli %scan3A_161, %mul3A_189 : i32
        %add3A_191 = arith.constant 1 : i32
        %add3A_192 = arith.addi %mul3A_190, %add3A_191 : i32
        %dma_wait3A_193 = arith.constant 1 : i32
        %dma_wait3A_194 = arith.constant 0 : i32
        %dma_wait3A_195 = arith.constant 0 : i32
        %dma_wait3A_196 = tpu.memref_slice %arg11[%dma_wait3A_193, %dma_wait3A_194, %dma_wait3A_195] : memref<4x80x80xf32, #tpu.memory_space<vmem>> -> memref<1x80x80xf32, #tpu.memory_space<vmem>>
        %dma_wait3A_197 = tpu.memref_squeeze %dma_wait3A_196 : memref<1x80x80xf32, #tpu.memory_space<vmem>> -> memref<80x80xf32, #tpu.memory_space<vmem>>
        %dma_wait3A_198 = arith.constant 0 : i32
        %dma_wait3A_199 = tpu.memref_slice %arg9[%add3A_192, %dma_wait3A_198] : memref<250x80xi32, #tpu.memory_space<vmem>> -> memref<1x80xi32, #tpu.memory_space<vmem>>
        %dma_wait3A_200 = tpu.memref_squeeze %dma_wait3A_199 : memref<1x80xi32, #tpu.memory_space<vmem>> -> memref<80xi32, #tpu.memory_space<vmem>>
        %dma_wait3A_201 = arith.constant 0 : i32
        %dma_wait3A_202 = arith.constant 0 : i32
        %dma_wait3A_203 = tpu.memref_slice %arg3[%dma_wait3A_201, %dma_wait3A_202] : memref<10000x80xf32, #tpu.memory_space<hbm>> -> memref<10000x80xf32, #tpu.memory_space<hbm>>
        tpu.wait_indirect_dma semaphore(%arg16 : memref<!tpu.dma_semaphore, #tpu.memory_space<semaphore_mem>>) src(%dma_wait3A_203 : memref<10000x80xf32, #tpu.memory_space<hbm>>) dst(%dma_wait3A_197 : memref<80x80xf32, #tpu.memory_space<vmem>>)
        %dma_start3A_204 = arith.constant 1 : i32
        %dma_start3A_205 = arith.constant 0 : i32
        %dma_start3A_206 = arith.constant 0 : i32
        %dma_start3A_207 = tpu.memref_slice %arg11[%dma_start3A_204, %dma_start3A_205, %dma_start3A_206] : memref<4x80x80xf32, #tpu.memory_space<vmem>> -> memref<1x80x80xf32, #tpu.memory_space<vmem>>
        %dma_start3A_208 = tpu.memref_squeeze %dma_start3A_207 : memref<1x80x80xf32, #tpu.memory_space<vmem>> -> memref<80x80xf32, #tpu.memory_space<vmem>>
        %dma_start3A_209 = arith.constant 0 : i32
        %dma_start3A_210 = tpu.memref_slice %arg10[%add3A_192, %dma_start3A_209] : memref<250x80xi32, #tpu.memory_space<vmem>> -> memref<1x80xi32, #tpu.memory_space<vmem>>
        %dma_start3A_211 = tpu.memref_squeeze %dma_start3A_210 : memref<1x80xi32, #tpu.memory_space<vmem>> -> memref<80xi32, #tpu.memory_space<vmem>>
        %dma_start3A_212 = arith.constant 0 : i32
        %dma_start3A_213 = arith.constant 0 : i32
        %dma_start3A_214 = tpu.memref_slice %arg14[%dma_start3A_212, %dma_start3A_213] : memref<10000x80xf32, #tpu.memory_space<vmem_shared>> -> memref<10000x80xf32, #tpu.memory_space<vmem_shared>>
        tpu.enqueue_indirect_dma source(%dma_start3A_208 : memref<80x80xf32, #tpu.memory_space<vmem>>) target(%dma_start3A_214 : memref<10000x80xf32, #tpu.memory_space<vmem_shared>>) offsets(%dma_start3A_211 : memref<80xi32, #tpu.memory_space<vmem>>) semaphore(%arg20 : memref<!tpu.dma_semaphore, #tpu.memory_space<semaphore_mem>>) {add = true}
        %mul3A_215 = arith.constant 4 : i32
        %mul3A_216 = arith.muli %scan3A_161, %mul3A_215 : i32
        %add3A_217 = arith.constant 2 : i32
        %add3A_218 = arith.addi %mul3A_216, %add3A_217 : i32
        %dma_wait3A_219 = arith.constant 2 : i32
        %dma_wait3A_220 = arith.constant 0 : i32
        %dma_wait3A_221 = arith.constant 0 : i32
        %dma_wait3A_222 = tpu.memref_slice %arg11[%dma_wait3A_219, %dma_wait3A_220, %dma_wait3A_221] : memref<4x80x80xf32, #tpu.memory_space<vmem>> -> memref<1x80x80xf32, #tpu.memory_space<vmem>>
        %dma_wait3A_223 = tpu.memref_squeeze %dma_wait3A_222 : memref<1x80x80xf32, #tpu.memory_space<vmem>> -> memref<80x80xf32, #tpu.memory_space<vmem>>
        %dma_wait3A_224 = arith.constant 0 : i32
        %dma_wait3A_225 = tpu.memref_slice %arg9[%add3A_218, %dma_wait3A_224] : memref<250x80xi32, #tpu.memory_space<vmem>> -> memref<1x80xi32, #tpu.memory_space<vmem>>
        %dma_wait3A_226 = tpu.memref_squeeze %dma_wait3A_225 : memref<1x80xi32, #tpu.memory_space<vmem>> -> memref<80xi32, #tpu.memory_space<vmem>>
        %dma_wait3A_227 = arith.constant 0 : i32
        %dma_wait3A_228 = arith.constant 0 : i32
        %dma_wait3A_229 = tpu.memref_slice %arg3[%dma_wait3A_227, %dma_wait3A_228] : memref<10000x80xf32, #tpu.memory_space<hbm>> -> memref<10000x80xf32, #tpu.memory_space<hbm>>
        tpu.wait_indirect_dma semaphore(%arg17 : memref<!tpu.dma_semaphore, #tpu.memory_space<semaphore_mem>>) src(%dma_wait3A_229 : memref<10000x80xf32, #tpu.memory_space<hbm>>) dst(%dma_wait3A_223 : memref<80x80xf32, #tpu.memory_space<vmem>>)
        %dma_start3A_230 = arith.constant 2 : i32
        %dma_start3A_231 = arith.constant 0 : i32
        %dma_start3A_232 = arith.constant 0 : i32
        %dma_start3A_233 = tpu.memref_slice %arg11[%dma_start3A_230, %dma_start3A_231, %dma_start3A_232] : memref<4x80x80xf32, #tpu.memory_space<vmem>> -> memref<1x80x80xf32, #tpu.memory_space<vmem>>
        %dma_start3A_234 = tpu.memref_squeeze %dma_start3A_233 : memref<1x80x80xf32, #tpu.memory_space<vmem>> -> memref<80x80xf32, #tpu.memory_space<vmem>>
        %dma_start3A_235 = arith.constant 0 : i32
        %dma_start3A_236 = tpu.memref_slice %arg10[%add3A_218, %dma_start3A_235] : memref<250x80xi32, #tpu.memory_space<vmem>> -> memref<1x80xi32, #tpu.memory_space<vmem>>
        %dma_start3A_237 = tpu.memref_squeeze %dma_start3A_236 : memref<1x80xi32, #tpu.memory_space<vmem>> -> memref<80xi32, #tpu.memory_space<vmem>>
        %dma_start3A_238 = arith.constant 0 : i32
        %dma_start3A_239 = arith.constant 0 : i32
        %dma_start3A_240 = tpu.memref_slice %arg14[%dma_start3A_238, %dma_start3A_239] : memref<10000x80xf32, #tpu.memory_space<vmem_shared>> -> memref<10000x80xf32, #tpu.memory_space<vmem_shared>>
        tpu.enqueue_indirect_dma source(%dma_start3A_234 : memref<80x80xf32, #tpu.memory_space<vmem>>) target(%dma_start3A_240 : memref<10000x80xf32, #tpu.memory_space<vmem_shared>>) offsets(%dma_start3A_237 : memref<80xi32, #tpu.memory_space<vmem>>) semaphore(%arg21 : memref<!tpu.dma_semaphore, #tpu.memory_space<semaphore_mem>>) {add = true}
        %mul3A_241 = arith.constant 4 : i32
        %mul3A_242 = arith.muli %scan3A_161, %mul3A_241 : i32
        %add3A_243 = arith.constant 3 : i32
        %add3A_244 = arith.addi %mul3A_242, %add3A_243 : i32
        %dma_wait3A_245 = arith.constant 3 : i32
        %dma_wait3A_246 = arith.constant 0 : i32
        %dma_wait3A_247 = arith.constant 0 : i32
        %dma_wait3A_248 = tpu.memref_slice %arg11[%dma_wait3A_245, %dma_wait3A_246, %dma_wait3A_247] : memref<4x80x80xf32, #tpu.memory_space<vmem>> -> memref<1x80x80xf32, #tpu.memory_space<vmem>>
        %dma_wait3A_249 = tpu.memref_squeeze %dma_wait3A_248 : memref<1x80x80xf32, #tpu.memory_space<vmem>> -> memref<80x80xf32, #tpu.memory_space<vmem>>
        %dma_wait3A_250 = arith.constant 0 : i32
        %dma_wait3A_251 = tpu.memref_slice %arg9[%add3A_244, %dma_wait3A_250] : memref<250x80xi32, #tpu.memory_space<vmem>> -> memref<1x80xi32, #tpu.memory_space<vmem>>
        %dma_wait3A_252 = tpu.memref_squeeze %dma_wait3A_251 : memref<1x80xi32, #tpu.memory_space<vmem>> -> memref<80xi32, #tpu.memory_space<vmem>>
        %dma_wait3A_253 = arith.constant 0 : i32
        %dma_wait3A_254 = arith.constant 0 : i32
        %dma_wait3A_255 = tpu.memref_slice %arg3[%dma_wait3A_253, %dma_wait3A_254] : memref<10000x80xf32, #tpu.memory_space<hbm>> -> memref<10000x80xf32, #tpu.memory_space<hbm>>
        tpu.wait_indirect_dma semaphore(%arg18 : memref<!tpu.dma_semaphore, #tpu.memory_space<semaphore_mem>>) src(%dma_wait3A_255 : memref<10000x80xf32, #tpu.memory_space<hbm>>) dst(%dma_wait3A_249 : memref<80x80xf32, #tpu.memory_space<vmem>>)
        %dma_start3A_256 = arith.constant 3 : i32
        %dma_start3A_257 = arith.constant 0 : i32
        %dma_start3A_258 = arith.constant 0 : i32
        %dma_start3A_259 = tpu.memref_slice %arg11[%dma_start3A_256, %dma_start3A_257, %dma_start3A_258] : memref<4x80x80xf32, #tpu.memory_space<vmem>> -> memref<1x80x80xf32, #tpu.memory_space<vmem>>
        %dma_start3A_260 = tpu.memref_squeeze %dma_start3A_259 : memref<1x80x80xf32, #tpu.memory_space<vmem>> -> memref<80x80xf32, #tpu.memory_space<vmem>>
        %dma_start3A_261 = arith.constant 0 : i32
        %dma_start3A_262 = tpu.memref_slice %arg10[%add3A_244, %dma_start3A_261] : memref<250x80xi32, #tpu.memory_space<vmem>> -> memref<1x80xi32, #tpu.memory_space<vmem>>
        %dma_start3A_263 = tpu.memref_squeeze %dma_start3A_262 : memref<1x80xi32, #tpu.memory_space<vmem>> -> memref<80xi32, #tpu.memory_space<vmem>>
        %dma_start3A_264 = arith.constant 0 : i32
        %dma_start3A_265 = arith.constant 0 : i32
        %dma_start3A_266 = tpu.memref_slice %arg14[%dma_start3A_264, %dma_start3A_265] : memref<10000x80xf32, #tpu.memory_space<vmem_shared>> -> memref<10000x80xf32, #tpu.memory_space<vmem_shared>>
        tpu.enqueue_indirect_dma source(%dma_start3A_260 : memref<80x80xf32, #tpu.memory_space<vmem>>) target(%dma_start3A_266 : memref<10000x80xf32, #tpu.memory_space<vmem_shared>>) offsets(%dma_start3A_263 : memref<80xi32, #tpu.memory_space<vmem>>) semaphore(%arg22 : memref<!tpu.dma_semaphore, #tpu.memory_space<semaphore_mem>>) {add = true}
        %mul3A_267 = arith.constant 4 : i32
        %mul3A_268 = arith.muli %scan3A_161, %mul3A_267 : i32
        %add3A_269 = arith.constant 0 : i32
        %add3A_270 = arith.addi %mul3A_268, %add3A_269 : i32
        %dma_wait3A_271 = arith.constant 0 : i32
        %dma_wait3A_272 = arith.constant 0 : i32
        %dma_wait3A_273 = arith.constant 0 : i32
        %dma_wait3A_274 = tpu.memref_slice %arg11[%dma_wait3A_271, %dma_wait3A_272, %dma_wait3A_273] : memref<4x80x80xf32, #tpu.memory_space<vmem>> -> memref<1x80x80xf32, #tpu.memory_space<vmem>>
        %dma_wait3A_275 = tpu.memref_squeeze %dma_wait3A_274 : memref<1x80x80xf32, #tpu.memory_space<vmem>> -> memref<80x80xf32, #tpu.memory_space<vmem>>
        %dma_wait3A_276 = arith.constant 0 : i32
        %dma_wait3A_277 = tpu.memref_slice %arg10[%add3A_270, %dma_wait3A_276] : memref<250x80xi32, #tpu.memory_space<vmem>> -> memref<1x80xi32, #tpu.memory_space<vmem>>
        %dma_wait3A_278 = tpu.memref_squeeze %dma_wait3A_277 : memref<1x80xi32, #tpu.memory_space<vmem>> -> memref<80xi32, #tpu.memory_space<vmem>>
        %dma_wait3A_279 = arith.constant 0 : i32
        %dma_wait3A_280 = arith.constant 0 : i32
        %dma_wait3A_281 = tpu.memref_slice %arg14[%dma_wait3A_279, %dma_wait3A_280] : memref<10000x80xf32, #tpu.memory_space<vmem_shared>> -> memref<10000x80xf32, #tpu.memory_space<vmem_shared>>
        tpu.wait_indirect_dma semaphore(%arg19 : memref<!tpu.dma_semaphore, #tpu.memory_space<semaphore_mem>>) src(%dma_wait3A_275 : memref<80x80xf32, #tpu.memory_space<vmem>>) dst(%dma_wait3A_281 : memref<10000x80xf32, #tpu.memory_space<vmem_shared>>)
        %add3A_282 = arith.constant 4 : i32
        %add3A_283 = arith.addi %add3A_270, %add3A_282 : i32
        %lt3A = arith.constant 250 : i32
        %lt3A_284 = arith.cmpi slt, %add3A_283, %lt3A : i32
        %convert_element_type3A_285 = arith.extui %lt3A_284 : i1 to i32
        %cond3A_286 = arith.constant 0 : i32
        %cond3A_287 = arith.cmpi ne, %convert_element_type3A_285, %cond3A_286 : i32
        scf.if %cond3A_287 {
          %add3A_355 = arith.constant 4 : i32
          %add3A_356 = arith.addi %add3A_270, %add3A_355 : i32
          %dma_start3A_357 = arith.constant 0 : i32
          %dma_start3A_358 = arith.constant 0 : i32
          %dma_start3A_359 = arith.constant 0 : i32
          %dma_start3A_360 = tpu.memref_slice %arg11[%dma_start3A_357, %dma_start3A_358, %dma_start3A_359] : memref<4x80x80xf32, #tpu.memory_space<vmem>> -> memref<1x80x80xf32, #tpu.memory_space<vmem>>
          %dma_start3A_361 = tpu.memref_squeeze %dma_start3A_360 : memref<1x80x80xf32, #tpu.memory_space<vmem>> -> memref<80x80xf32, #tpu.memory_space<vmem>>
          %dma_start3A_362 = arith.constant 0 : i32
          %dma_start3A_363 = tpu.memref_slice %arg9[%add3A_356, %dma_start3A_362] : memref<250x80xi32, #tpu.memory_space<vmem>> -> memref<1x80xi32, #tpu.memory_space<vmem>>
          %dma_start3A_364 = tpu.memref_squeeze %dma_start3A_363 : memref<1x80xi32, #tpu.memory_space<vmem>> -> memref<80xi32, #tpu.memory_space<vmem>>
          %dma_start3A_365 = arith.constant 0 : i32
          %dma_start3A_366 = arith.constant 0 : i32
          %dma_start3A_367 = tpu.memref_slice %arg3[%dma_start3A_365, %dma_start3A_366] : memref<10000x80xf32, #tpu.memory_space<hbm>> -> memref<10000x80xf32, #tpu.memory_space<hbm>>
          tpu.enqueue_indirect_dma source(%dma_start3A_367 : memref<10000x80xf32, #tpu.memory_space<hbm>>) target(%dma_start3A_361 : memref<80x80xf32, #tpu.memory_space<vmem>>) offsets(%dma_start3A_364 : memref<80xi32, #tpu.memory_space<vmem>>) semaphore(%arg15 : memref<!tpu.dma_semaphore, #tpu.memory_space<semaphore_mem>>)
        } else {
        }
        %mul3A_288 = arith.constant 4 : i32
        %mul3A_289 = arith.muli %scan3A_161, %mul3A_288 : i32
        %add3A_290 = arith.constant 1 : i32
        %add3A_291 = arith.addi %mul3A_289, %add3A_290 : i32
        %dma_wait3A_292 = arith.constant 1 : i32
        %dma_wait3A_293 = arith.constant 0 : i32
        %dma_wait3A_294 = arith.constant 0 : i32
        %dma_wait3A_295 = tpu.memref_slice %arg11[%dma_wait3A_292, %dma_wait3A_293, %dma_wait3A_294] : memref<4x80x80xf32, #tpu.memory_space<vmem>> -> memref<1x80x80xf32, #tpu.memory_space<vmem>>
        %dma_wait3A_296 = tpu.memref_squeeze %dma_wait3A_295 : memref<1x80x80xf32, #tpu.memory_space<vmem>> -> memref<80x80xf32, #tpu.memory_space<vmem>>
        %dma_wait3A_297 = arith.constant 0 : i32
        %dma_wait3A_298 = tpu.memref_slice %arg10[%add3A_291, %dma_wait3A_297] : memref<250x80xi32, #tpu.memory_space<vmem>> -> memref<1x80xi32, #tpu.memory_space<vmem>>
        %dma_wait3A_299 = tpu.memref_squeeze %dma_wait3A_298 : memref<1x80xi32, #tpu.memory_space<vmem>> -> memref<80xi32, #tpu.memory_space<vmem>>
        %dma_wait3A_300 = arith.constant 0 : i32
        %dma_wait3A_301 = arith.constant 0 : i32
        %dma_wait3A_302 = tpu.memref_slice %arg14[%dma_wait3A_300, %dma_wait3A_301] : memref<10000x80xf32, #tpu.memory_space<vmem_shared>> -> memref<10000x80xf32, #tpu.memory_space<vmem_shared>>
        tpu.wait_indirect_dma semaphore(%arg20 : memref<!tpu.dma_semaphore, #tpu.memory_space<semaphore_mem>>) src(%dma_wait3A_296 : memref<80x80xf32, #tpu.memory_space<vmem>>) dst(%dma_wait3A_302 : memref<10000x80xf32, #tpu.memory_space<vmem_shared>>)
        %add3A_303 = arith.constant 4 : i32
        %add3A_304 = arith.addi %add3A_291, %add3A_303 : i32
        %lt3A_305 = arith.constant 250 : i32
        %lt3A_306 = arith.cmpi slt, %add3A_304, %lt3A_305 : i32
        %convert_element_type3A_307 = arith.extui %lt3A_306 : i1 to i32
        %cond3A_308 = arith.constant 0 : i32
        %cond3A_309 = arith.cmpi ne, %convert_element_type3A_307, %cond3A_308 : i32
        scf.if %cond3A_309 {
          %add3A_355 = arith.constant 4 : i32
          %add3A_356 = arith.addi %add3A_291, %add3A_355 : i32
          %dma_start3A_357 = arith.constant 1 : i32
          %dma_start3A_358 = arith.constant 0 : i32
          %dma_start3A_359 = arith.constant 0 : i32
          %dma_start3A_360 = tpu.memref_slice %arg11[%dma_start3A_357, %dma_start3A_358, %dma_start3A_359] : memref<4x80x80xf32, #tpu.memory_space<vmem>> -> memref<1x80x80xf32, #tpu.memory_space<vmem>>
          %dma_start3A_361 = tpu.memref_squeeze %dma_start3A_360 : memref<1x80x80xf32, #tpu.memory_space<vmem>> -> memref<80x80xf32, #tpu.memory_space<vmem>>
          %dma_start3A_362 = arith.constant 0 : i32
          %dma_start3A_363 = tpu.memref_slice %arg9[%add3A_356, %dma_start3A_362] : memref<250x80xi32, #tpu.memory_space<vmem>> -> memref<1x80xi32, #tpu.memory_space<vmem>>
          %dma_start3A_364 = tpu.memref_squeeze %dma_start3A_363 : memref<1x80xi32, #tpu.memory_space<vmem>> -> memref<80xi32, #tpu.memory_space<vmem>>
          %dma_start3A_365 = arith.constant 0 : i32
          %dma_start3A_366 = arith.constant 0 : i32
          %dma_start3A_367 = tpu.memref_slice %arg3[%dma_start3A_365, %dma_start3A_366] : memref<10000x80xf32, #tpu.memory_space<hbm>> -> memref<10000x80xf32, #tpu.memory_space<hbm>>
          tpu.enqueue_indirect_dma source(%dma_start3A_367 : memref<10000x80xf32, #tpu.memory_space<hbm>>) target(%dma_start3A_361 : memref<80x80xf32, #tpu.memory_space<vmem>>) offsets(%dma_start3A_364 : memref<80xi32, #tpu.memory_space<vmem>>) semaphore(%arg16 : memref<!tpu.dma_semaphore, #tpu.memory_space<semaphore_mem>>)
        } else {
        }
        %mul3A_310 = arith.constant 4 : i32
        %mul3A_311 = arith.muli %scan3A_161, %mul3A_310 : i32
        %add3A_312 = arith.constant 2 : i32
        %add3A_313 = arith.addi %mul3A_311, %add3A_312 : i32
        %dma_wait3A_314 = arith.constant 2 : i32
        %dma_wait3A_315 = arith.constant 0 : i32
        %dma_wait3A_316 = arith.constant 0 : i32
        %dma_wait3A_317 = tpu.memref_slice %arg11[%dma_wait3A_314, %dma_wait3A_315, %dma_wait3A_316] : memref<4x80x80xf32, #tpu.memory_space<vmem>> -> memref<1x80x80xf32, #tpu.memory_space<vmem>>
        %dma_wait3A_318 = tpu.memref_squeeze %dma_wait3A_317 : memref<1x80x80xf32, #tpu.memory_space<vmem>> -> memref<80x80xf32, #tpu.memory_space<vmem>>
        %dma_wait3A_319 = arith.constant 0 : i32
        %dma_wait3A_320 = tpu.memref_slice %arg10[%add3A_313, %dma_wait3A_319] : memref<250x80xi32, #tpu.memory_space<vmem>> -> memref<1x80xi32, #tpu.memory_space<vmem>>
        %dma_wait3A_321 = tpu.memref_squeeze %dma_wait3A_320 : memref<1x80xi32, #tpu.memory_space<vmem>> -> memref<80xi32, #tpu.memory_space<vmem>>
        %dma_wait3A_322 = arith.constant 0 : i32
        %dma_wait3A_323 = arith.constant 0 : i32
        %dma_wait3A_324 = tpu.memref_slice %arg14[%dma_wait3A_322, %dma_wait3A_323] : memref<10000x80xf32, #tpu.memory_space<vmem_shared>> -> memref<10000x80xf32, #tpu.memory_space<vmem_shared>>
        tpu.wait_indirect_dma semaphore(%arg21 : memref<!tpu.dma_semaphore, #tpu.memory_space<semaphore_mem>>) src(%dma_wait3A_318 : memref<80x80xf32, #tpu.memory_space<vmem>>) dst(%dma_wait3A_324 : memref<10000x80xf32, #tpu.memory_space<vmem_shared>>)
        %add3A_325 = arith.constant 4 : i32
        %add3A_326 = arith.addi %add3A_313, %add3A_325 : i32
        %lt3A_327 = arith.constant 250 : i32
        %lt3A_328 = arith.cmpi slt, %add3A_326, %lt3A_327 : i32
        %convert_element_type3A_329 = arith.extui %lt3A_328 : i1 to i32
        %cond3A_330 = arith.constant 0 : i32
        %cond3A_331 = arith.cmpi ne, %convert_element_type3A_329, %cond3A_330 : i32
        scf.if %cond3A_331 {
          %add3A_355 = arith.constant 4 : i32
          %add3A_356 = arith.addi %add3A_313, %add3A_355 : i32
          %dma_start3A_357 = arith.constant 2 : i32
          %dma_start3A_358 = arith.constant 0 : i32
          %dma_start3A_359 = arith.constant 0 : i32
          %dma_start3A_360 = tpu.memref_slice %arg11[%dma_start3A_357, %dma_start3A_358, %dma_start3A_359] : memref<4x80x80xf32, #tpu.memory_space<vmem>> -> memref<1x80x80xf32, #tpu.memory_space<vmem>>
          %dma_start3A_361 = tpu.memref_squeeze %dma_start3A_360 : memref<1x80x80xf32, #tpu.memory_space<vmem>> -> memref<80x80xf32, #tpu.memory_space<vmem>>
          %dma_start3A_362 = arith.constant 0 : i32
          %dma_start3A_363 = tpu.memref_slice %arg9[%add3A_356, %dma_start3A_362] : memref<250x80xi32, #tpu.memory_space<vmem>> -> memref<1x80xi32, #tpu.memory_space<vmem>>
          %dma_start3A_364 = tpu.memref_squeeze %dma_start3A_363 : memref<1x80xi32, #tpu.memory_space<vmem>> -> memref<80xi32, #tpu.memory_space<vmem>>
          %dma_start3A_365 = arith.constant 0 : i32
          %dma_start3A_366 = arith.constant 0 : i32
          %dma_start3A_367 = tpu.memref_slice %arg3[%dma_start3A_365, %dma_start3A_366] : memref<10000x80xf32, #tpu.memory_space<hbm>> -> memref<10000x80xf32, #tpu.memory_space<hbm>>
          tpu.enqueue_indirect_dma source(%dma_start3A_367 : memref<10000x80xf32, #tpu.memory_space<hbm>>) target(%dma_start3A_361 : memref<80x80xf32, #tpu.memory_space<vmem>>) offsets(%dma_start3A_364 : memref<80xi32, #tpu.memory_space<vmem>>) semaphore(%arg17 : memref<!tpu.dma_semaphore, #tpu.memory_space<semaphore_mem>>)
        } else {
        }
        %mul3A_332 = arith.constant 4 : i32
        %mul3A_333 = arith.muli %scan3A_161, %mul3A_332 : i32
        %add3A_334 = arith.constant 3 : i32
        %add3A_335 = arith.addi %mul3A_333, %add3A_334 : i32
        %dma_wait3A_336 = arith.constant 3 : i32
        %dma_wait3A_337 = arith.constant 0 : i32
        %dma_wait3A_338 = arith.constant 0 : i32
        %dma_wait3A_339 = tpu.memref_slice %arg11[%dma_wait3A_336, %dma_wait3A_337, %dma_wait3A_338] : memref<4x80x80xf32, #tpu.memory_space<vmem>> -> memref<1x80x80xf32, #tpu.memory_space<vmem>>
        %dma_wait3A_340 = tpu.memref_squeeze %dma_wait3A_339 : memref<1x80x80xf32, #tpu.memory_space<vmem>> -> memref<80x80xf32, #tpu.memory_space<vmem>>
        %dma_wait3A_341 = arith.constant 0 : i32
        %dma_wait3A_342 = tpu.memref_slice %arg10[%add3A_335, %dma_wait3A_341] : memref<250x80xi32, #tpu.memory_space<vmem>> -> memref<1x80xi32, #tpu.memory_space<vmem>>
        %dma_wait3A_343 = tpu.memref_squeeze %dma_wait3A_342 : memref<1x80xi32, #tpu.memory_space<vmem>> -> memref<80xi32, #tpu.memory_space<vmem>>
        %dma_wait3A_344 = arith.constant 0 : i32
        %dma_wait3A_345 = arith.constant 0 : i32
        %dma_wait3A_346 = tpu.memref_slice %arg14[%dma_wait3A_344, %dma_wait3A_345] : memref<10000x80xf32, #tpu.memory_space<vmem_shared>> -> memref<10000x80xf32, #tpu.memory_space<vmem_shared>>
        tpu.wait_indirect_dma semaphore(%arg22 : memref<!tpu.dma_semaphore, #tpu.memory_space<semaphore_mem>>) src(%dma_wait3A_340 : memref<80x80xf32, #tpu.memory_space<vmem>>) dst(%dma_wait3A_346 : memref<10000x80xf32, #tpu.memory_space<vmem_shared>>)
        %add3A_347 = arith.constant 4 : i32
        %add3A_348 = arith.addi %add3A_335, %add3A_347 : i32
        %lt3A_349 = arith.constant 250 : i32
        %lt3A_350 = arith.cmpi slt, %add3A_348, %lt3A_349 : i32
        %convert_element_type3A_351 = arith.extui %lt3A_350 : i1 to i32
        %cond3A_352 = arith.constant 0 : i32
        %cond3A_353 = arith.cmpi ne, %convert_element_type3A_351, %cond3A_352 : i32
        scf.if %cond3A_353 {
          %add3A_355 = arith.constant 4 : i32
          %add3A_356 = arith.addi %add3A_335, %add3A_355 : i32
          %dma_start3A_357 = arith.constant 3 : i32
          %dma_start3A_358 = arith.constant 0 : i32
          %dma_start3A_359 = arith.constant 0 : i32
          %dma_start3A_360 = tpu.memref_slice %arg11[%dma_start3A_357, %dma_start3A_358, %dma_start3A_359] : memref<4x80x80xf32, #tpu.memory_space<vmem>> -> memref<1x80x80xf32, #tpu.memory_space<vmem>>
          %dma_start3A_361 = tpu.memref_squeeze %dma_start3A_360 : memref<1x80x80xf32, #tpu.memory_space<vmem>> -> memref<80x80xf32, #tpu.memory_space<vmem>>
          %dma_start3A_362 = arith.constant 0 : i32
          %dma_start3A_363 = tpu.memref_slice %arg9[%add3A_356, %dma_start3A_362] : memref<250x80xi32, #tpu.memory_space<vmem>> -> memref<1x80xi32, #tpu.memory_space<vmem>>
          %dma_start3A_364 = tpu.memref_squeeze %dma_start3A_363 : memref<1x80xi32, #tpu.memory_space<vmem>> -> memref<80xi32, #tpu.memory_space<vmem>>
          %dma_start3A_365 = arith.constant 0 : i32
          %dma_start3A_366 = arith.constant 0 : i32
          %dma_start3A_367 = tpu.memref_slice %arg3[%dma_start3A_365, %dma_start3A_366] : memref<10000x80xf32, #tpu.memory_space<hbm>> -> memref<10000x80xf32, #tpu.memory_space<hbm>>
          tpu.enqueue_indirect_dma source(%dma_start3A_367 : memref<10000x80xf32, #tpu.memory_space<hbm>>) target(%dma_start3A_361 : memref<80x80xf32, #tpu.memory_space<vmem>>) offsets(%dma_start3A_364 : memref<80xi32, #tpu.memory_space<vmem>>) semaphore(%arg18 : memref<!tpu.dma_semaphore, #tpu.memory_space<semaphore_mem>>)
        } else {
        }
        %scan3A_354 = arith.constant 0 : i32
        scf.yield %scan3A_354 : i32
      }
      %scan3A_89 = arith.constant 62 : i32
      %dma_wait3A = arith.constant 248 : i32
      %dma_wait3A_90 = arith.constant 0 : i32
      %dma_wait3A_91 = arith.constant 0 : i32
      %dma_wait3A_92 = arith.constant 0 : i32
      %dma_wait3A_93 = tpu.memref_slice %arg11[%dma_wait3A_90, %dma_wait3A_91, %dma_wait3A_92] : memref<4x80x80xf32, #tpu.memory_space<vmem>> -> memref<1x80x80xf32, #tpu.memory_space<vmem>>
      %dma_wait3A_94 = tpu.memref_squeeze %dma_wait3A_93 : memref<1x80x80xf32, #tpu.memory_space<vmem>> -> memref<80x80xf32, #tpu.memory_space<vmem>>
      %dma_wait3A_95 = arith.constant 0 : i32
      %dma_wait3A_96 = tpu.memref_slice %arg9[%dma_wait3A, %dma_wait3A_95] : memref<250x80xi32, #tpu.memory_space<vmem>> -> memref<1x80xi32, #tpu.memory_space<vmem>>
      %dma_wait3A_97 = tpu.memref_squeeze %dma_wait3A_96 : memref<1x80xi32, #tpu.memory_space<vmem>> -> memref<80xi32, #tpu.memory_space<vmem>>
      %dma_wait3A_98 = arith.constant 0 : i32
      %dma_wait3A_99 = arith.constant 0 : i32
      %dma_wait3A_100 = tpu.memref_slice %arg3[%dma_wait3A_98, %dma_wait3A_99] : memref<10000x80xf32, #tpu.memory_space<hbm>> -> memref<10000x80xf32, #tpu.memory_space<hbm>>
      tpu.wait_indirect_dma semaphore(%arg15 : memref<!tpu.dma_semaphore, #tpu.memory_space<semaphore_mem>>) src(%dma_wait3A_100 : memref<10000x80xf32, #tpu.memory_space<hbm>>) dst(%dma_wait3A_94 : memref<80x80xf32, #tpu.memory_space<vmem>>)
      %dma_start3A_101 = arith.constant 0 : i32
      %dma_start3A_102 = arith.constant 248 : i32
      %dma_start3A_103 = arith.constant 0 : i32
      %dma_start3A_104 = arith.constant 0 : i32
      %dma_start3A_105 = tpu.memref_slice %arg11[%dma_start3A_101, %dma_start3A_103, %dma_start3A_104] : memref<4x80x80xf32, #tpu.memory_space<vmem>> -> memref<1x80x80xf32, #tpu.memory_space<vmem>>
      %dma_start3A_106 = tpu.memref_squeeze %dma_start3A_105 : memref<1x80x80xf32, #tpu.memory_space<vmem>> -> memref<80x80xf32, #tpu.memory_space<vmem>>
      %dma_start3A_107 = arith.constant 0 : i32
      %dma_start3A_108 = tpu.memref_slice %arg10[%dma_start3A_102, %dma_start3A_107] : memref<250x80xi32, #tpu.memory_space<vmem>> -> memref<1x80xi32, #tpu.memory_space<vmem>>
      %dma_start3A_109 = tpu.memref_squeeze %dma_start3A_108 : memref<1x80xi32, #tpu.memory_space<vmem>> -> memref<80xi32, #tpu.memory_space<vmem>>
      %dma_start3A_110 = arith.constant 0 : i32
      %dma_start3A_111 = arith.constant 0 : i32
      %dma_start3A_112 = tpu.memref_slice %arg14[%dma_start3A_110, %dma_start3A_111] : memref<10000x80xf32, #tpu.memory_space<vmem_shared>> -> memref<10000x80xf32, #tpu.memory_space<vmem_shared>>
      tpu.enqueue_indirect_dma source(%dma_start3A_106 : memref<80x80xf32, #tpu.memory_space<vmem>>) target(%dma_start3A_112 : memref<10000x80xf32, #tpu.memory_space<vmem_shared>>) offsets(%dma_start3A_109 : memref<80xi32, #tpu.memory_space<vmem>>) semaphore(%arg19 : memref<!tpu.dma_semaphore, #tpu.memory_space<semaphore_mem>>) {add = true}
      %dma_wait3A_113 = arith.constant 249 : i32
      %dma_wait3A_114 = arith.constant 1 : i32
      %dma_wait3A_115 = arith.constant 0 : i32
      %dma_wait3A_116 = arith.constant 0 : i32
      %dma_wait3A_117 = tpu.memref_slice %arg11[%dma_wait3A_114, %dma_wait3A_115, %dma_wait3A_116] : memref<4x80x80xf32, #tpu.memory_space<vmem>> -> memref<1x80x80xf32, #tpu.memory_space<vmem>>
      %dma_wait3A_118 = tpu.memref_squeeze %dma_wait3A_117 : memref<1x80x80xf32, #tpu.memory_space<vmem>> -> memref<80x80xf32, #tpu.memory_space<vmem>>
      %dma_wait3A_119 = arith.constant 0 : i32
      %dma_wait3A_120 = tpu.memref_slice %arg9[%dma_wait3A_113, %dma_wait3A_119] : memref<250x80xi32, #tpu.memory_space<vmem>> -> memref<1x80xi32, #tpu.memory_space<vmem>>
      %dma_wait3A_121 = tpu.memref_squeeze %dma_wait3A_120 : memref<1x80xi32, #tpu.memory_space<vmem>> -> memref<80xi32, #tpu.memory_space<vmem>>
      %dma_wait3A_122 = arith.constant 0 : i32
      %dma_wait3A_123 = arith.constant 0 : i32
      %dma_wait3A_124 = tpu.memref_slice %arg3[%dma_wait3A_122, %dma_wait3A_123] : memref<10000x80xf32, #tpu.memory_space<hbm>> -> memref<10000x80xf32, #tpu.memory_space<hbm>>
      tpu.wait_indirect_dma semaphore(%arg16 : memref<!tpu.dma_semaphore, #tpu.memory_space<semaphore_mem>>) src(%dma_wait3A_124 : memref<10000x80xf32, #tpu.memory_space<hbm>>) dst(%dma_wait3A_118 : memref<80x80xf32, #tpu.memory_space<vmem>>)
      %dma_start3A_125 = arith.constant 1 : i32
      %dma_start3A_126 = arith.constant 249 : i32
      %dma_start3A_127 = arith.constant 0 : i32
      %dma_start3A_128 = arith.constant 0 : i32
      %dma_start3A_129 = tpu.memref_slice %arg11[%dma_start3A_125, %dma_start3A_127, %dma_start3A_128] : memref<4x80x80xf32, #tpu.memory_space<vmem>> -> memref<1x80x80xf32, #tpu.memory_space<vmem>>
      %dma_start3A_130 = tpu.memref_squeeze %dma_start3A_129 : memref<1x80x80xf32, #tpu.memory_space<vmem>> -> memref<80x80xf32, #tpu.memory_space<vmem>>
      %dma_start3A_131 = arith.constant 0 : i32
      %dma_start3A_132 = tpu.memref_slice %arg10[%dma_start3A_126, %dma_start3A_131] : memref<250x80xi32, #tpu.memory_space<vmem>> -> memref<1x80xi32, #tpu.memory_space<vmem>>
      %dma_start3A_133 = tpu.memref_squeeze %dma_start3A_132 : memref<1x80xi32, #tpu.memory_space<vmem>> -> memref<80xi32, #tpu.memory_space<vmem>>
      %dma_start3A_134 = arith.constant 0 : i32
      %dma_start3A_135 = arith.constant 0 : i32
      %dma_start3A_136 = tpu.memref_slice %arg14[%dma_start3A_134, %dma_start3A_135] : memref<10000x80xf32, #tpu.memory_space<vmem_shared>> -> memref<10000x80xf32, #tpu.memory_space<vmem_shared>>
      tpu.enqueue_indirect_dma source(%dma_start3A_130 : memref<80x80xf32, #tpu.memory_space<vmem>>) target(%dma_start3A_136 : memref<10000x80xf32, #tpu.memory_space<vmem_shared>>) offsets(%dma_start3A_133 : memref<80xi32, #tpu.memory_space<vmem>>) semaphore(%arg20 : memref<!tpu.dma_semaphore, #tpu.memory_space<semaphore_mem>>) {add = true}
      %dma_wait3A_137 = arith.constant 0 : i32
      %dma_wait3A_138 = arith.constant 248 : i32
      %dma_wait3A_139 = arith.constant 0 : i32
      %dma_wait3A_140 = arith.constant 0 : i32
      %dma_wait3A_141 = tpu.memref_slice %arg11[%dma_wait3A_137, %dma_wait3A_139, %dma_wait3A_140] : memref<4x80x80xf32, #tpu.memory_space<vmem>> -> memref<1x80x80xf32, #tpu.memory_space<vmem>>
      %dma_wait3A_142 = tpu.memref_squeeze %dma_wait3A_141 : memref<1x80x80xf32, #tpu.memory_space<vmem>> -> memref<80x80xf32, #tpu.memory_space<vmem>>
      %dma_wait3A_143 = arith.constant 0 : i32
      %dma_wait3A_144 = tpu.memref_slice %arg10[%dma_wait3A_138, %dma_wait3A_143] : memref<250x80xi32, #tpu.memory_space<vmem>> -> memref<1x80xi32, #tpu.memory_space<vmem>>
      %dma_wait3A_145 = tpu.memref_squeeze %dma_wait3A_144 : memref<1x80xi32, #tpu.memory_space<vmem>> -> memref<80xi32, #tpu.memory_space<vmem>>
      %dma_wait3A_146 = arith.constant 0 : i32
      %dma_wait3A_147 = arith.constant 0 : i32
      %dma_wait3A_148 = tpu.memref_slice %arg14[%dma_wait3A_146, %dma_wait3A_147] : memref<10000x80xf32, #tpu.memory_space<vmem_shared>> -> memref<10000x80xf32, #tpu.memory_space<vmem_shared>>
      tpu.wait_indirect_dma semaphore(%arg19 : memref<!tpu.dma_semaphore, #tpu.memory_space<semaphore_mem>>) src(%dma_wait3A_142 : memref<80x80xf32, #tpu.memory_space<vmem>>) dst(%dma_wait3A_148 : memref<10000x80xf32, #tpu.memory_space<vmem_shared>>)
      %dma_wait3A_149 = arith.constant 1 : i32
      %dma_wait3A_150 = arith.constant 249 : i32
      %dma_wait3A_151 = arith.constant 0 : i32
      %dma_wait3A_152 = arith.constant 0 : i32
      %dma_wait3A_153 = tpu.memref_slice %arg11[%dma_wait3A_149, %dma_wait3A_151, %dma_wait3A_152] : memref<4x80x80xf32, #tpu.memory_space<vmem>> -> memref<1x80x80xf32, #tpu.memory_space<vmem>>
      %dma_wait3A_154 = tpu.memref_squeeze %dma_wait3A_153 : memref<1x80x80xf32, #tpu.memory_space<vmem>> -> memref<80x80xf32, #tpu.memory_space<vmem>>
      %dma_wait3A_155 = arith.constant 0 : i32
      %dma_wait3A_156 = tpu.memref_slice %arg10[%dma_wait3A_150, %dma_wait3A_155] : memref<250x80xi32, #tpu.memory_space<vmem>> -> memref<1x80xi32, #tpu.memory_space<vmem>>
      %dma_wait3A_157 = tpu.memref_squeeze %dma_wait3A_156 : memref<1x80xi32, #tpu.memory_space<vmem>> -> memref<80xi32, #tpu.memory_space<vmem>>
      %dma_wait3A_158 = arith.constant 0 : i32
      %dma_wait3A_159 = arith.constant 0 : i32
      %dma_wait3A_160 = tpu.memref_slice %arg14[%dma_wait3A_158, %dma_wait3A_159] : memref<10000x80xf32, #tpu.memory_space<vmem_shared>> -> memref<10000x80xf32, #tpu.memory_space<vmem_shared>>
      tpu.wait_indirect_dma semaphore(%arg20 : memref<!tpu.dma_semaphore, #tpu.memory_space<semaphore_mem>>) src(%dma_wait3A_154 : memref<80x80xf32, #tpu.memory_space<vmem>>) dst(%dma_wait3A_160 : memref<10000x80xf32, #tpu.memory_space<vmem_shared>>)
    } else {
    }
    %barrier3A_21 = arith.constant 0 : index
    tpu.barrier barrier_id(%barrier3A_21)
    %iota3A = tpu.iota {dimensions = array<i32: 0>} : vector<16xi32>
    %eq3A_22 = arith.constant 0 : i32
    %eq3A_23 = arith.cmpi eq, %arg0, %eq3A_22 : i32
    %convert_element_type3A_24 = arith.extui %eq3A_23 : i1 to i32
    %cond3A_25 = arith.constant 0 : i32
    %cond3A_26 = arith.cmpi ne, %convert_element_type3A_24, %cond3A_25 : i32
    scf.if %cond3A_26 {
      %add3A_37 = arith.constant 0 : i32
      %add3A_38 = arith.addi %mul3A_0, %add3A_37 : i32
      "tpu.region"() ({
        %run_scoped3A = tpu.sem_alloc : memref<!tpu.dma_semaphore, #tpu.memory_space<semaphore_mem>>
        %dma_start3A_712 = arith.constant 0 : i32
        %dma_start3A_713 = tpu.memref_slice %arg14[%add3A_38, %dma_start3A_712] : memref<10000x80xf32, #tpu.memory_space<vmem_shared>> -> memref<125x80xf32, #tpu.memory_space<vmem_shared>>
        %dma_start3A_714 = arith.constant 0 : i32
        %dma_start3A_715 = tpu.memref_slice %arg14[%add3A_38, %dma_start3A_714] : memref<10000x80xf32, #tpu.memory_space<vmem_shared>> -> memref<125x80xf32, #tpu.memory_space<vmem_shared>>
        tpu.enqueue_dma source(%dma_start3A_715 : memref<125x80xf32, #tpu.memory_space<vmem_shared>>) target(%arg12 : memref<125x80xf32, #tpu.memory_space<vmem>>) target_semaphore(%run_scoped3A : memref<!tpu.dma_semaphore, #tpu.memory_space<semaphore_mem>>)
        %dma_wait3A_716 = arith.constant 0 : i32
        %dma_wait3A_717 = tpu.memref_slice %arg14[%add3A_38, %dma_wait3A_716] : memref<10000x80xf32, #tpu.memory_space<vmem_shared>> -> memref<125x80xf32, #tpu.memory_space<vmem_shared>>
        %dma_wait3A_718 = arith.constant 0 : i32
        %dma_wait3A_719 = tpu.memref_slice %arg14[%add3A_38, %dma_wait3A_718] : memref<10000x80xf32, #tpu.memory_space<vmem_shared>> -> memref<125x80xf32, #tpu.memory_space<vmem_shared>>
        tpu.wait_dma2 semaphore(%run_scoped3A : memref<!tpu.dma_semaphore, #tpu.memory_space<semaphore_mem>>) src(%dma_wait3A_719 : memref<125x80xf32, #tpu.memory_space<vmem_shared>>) dst(%arg12 : memref<125x80xf32, #tpu.memory_space<vmem>>)
        tpu.yield
      }) : () -> ()
      %dma_start3A = arith.constant 0 : i32
      %dma_start3A_39 = arith.constant 0 : i32
      %dma_start3A_40 = tpu.memref_slice %arg7[%dma_start3A, %add3A_38, %dma_start3A_39] : memref<2x10000x80xf32, #tpu.memory_space<hbm>> -> memref<1x125x80xf32, #tpu.memory_space<hbm>>
      %dma_start3A_41 = tpu.memref_squeeze %dma_start3A_40 : memref<1x125x80xf32, #tpu.memory_space<hbm>> -> memref<125x80xf32, #tpu.memory_space<hbm>>
      %dma_start3A_42 = arith.constant 0 : i32
      %dma_start3A_43 = tpu.memref_slice %arg7[%dma_start3A, %add3A_38, %dma_start3A_42] : memref<2x10000x80xf32, #tpu.memory_space<hbm>> -> memref<1x125x80xf32, #tpu.memory_space<hbm>>
      %dma_start3A_44 = tpu.memref_squeeze %dma_start3A_43 : memref<1x125x80xf32, #tpu.memory_space<hbm>> -> memref<125x80xf32, #tpu.memory_space<hbm>>
      tpu.enqueue_dma source(%arg12 : memref<125x80xf32, #tpu.memory_space<vmem>>) target(%dma_start3A_44 : memref<125x80xf32, #tpu.memory_space<hbm>>) target_semaphore(%arg23 : memref<!tpu.dma_semaphore, #tpu.memory_space<semaphore_mem>>)
      %add3A_45 = arith.constant 0 : i32
      %add3A_46 = vector.broadcast %add3A_45 : i32 to vector<16xi32>
      %add3A_47 = arith.addi %iota3A, %add3A_46 : vector<16xi32>
      %mul3A_48 = arith.constant 0 : i32
      %mul3A_49 = vector.broadcast %mul3A_48 : i32 to vector<16xi32>
      %mul3A_50 = arith.muli %iota3A, %mul3A_49 : vector<16xi32>
      %add3A_51 = arith.constant 64 : i32
      %add3A_52 = vector.broadcast %add3A_51 : i32 to vector<16xi32>
      %add3A_53 = arith.addi %mul3A_50, %add3A_52 : vector<16xi32>
      %lt3A = arith.constant 125 : i32
      %lt3A_54 = vector.broadcast %lt3A : i32 to vector<16xi32>
      %lt3A_55 = arith.cmpi slt, %add3A_47, %lt3A_54 : vector<16xi32>
      %gather3A = tpu.vector_load_idx %arg12[%add3A_47, %add3A_53] masked %lt3A_55 : memref<125x80xf32, #tpu.memory_space<vmem>>[vector<16xi32>, vector<16xi32>], vector<16xf32>, vector<16xi1>
      %swap3A = arith.constant 0 : index
      %swap3A_56 = tpu.vector_load %arg13[%swap3A] {strides = array<i32>} : memref<640xf32, #tpu.memory_space<vmem>>, vector<16xf32>,
      tpu.vector_store %arg13[%swap3A], %gather3A {strides = array<i32>} : memref<640xf32, #tpu.memory_space<vmem>>, vector<16xf32>,
      %add3A_57 = arith.constant 16 : i32
      %add3A_58 = vector.broadcast %add3A_57 : i32 to vector<16xi32>
      %add3A_59 = arith.addi %iota3A, %add3A_58 : vector<16xi32>
      %mul3A_60 = arith.constant 0 : i32
      %mul3A_61 = vector.broadcast %mul3A_60 : i32 to vector<16xi32>
      %mul3A_62 = arith.muli %iota3A, %mul3A_61 : vector<16xi32>
      %add3A_63 = arith.constant 64 : i32
      %add3A_64 = vector.broadcast %add3A_63 : i32 to vector<16xi32>
      %add3A_65 = arith.addi %mul3A_62, %add3A_64 : vector<16xi32>
      %lt3A_66 = arith.constant 125 : i32
      %lt3A_67 = vector.broadcast %lt3A_66 : i32 to vector<16xi32>
      %lt3A_68 = arith.cmpi slt, %add3A_59, %lt3A_67 : vector<16xi32>
      %gather3A_69 = tpu.vector_load_idx %arg12[%add3A_59, %add3A_65] masked %lt3A_68 : memref<125x80xf32, #tpu.memory_space<vmem>>[vector<16xi32>, vector<16xi32>], vector<16xf32>, vector<16xi1>
      %swap3A_70 = arith.constant 16 : index
      %swap3A_71 = tpu.vector_load %arg13[%swap3A_70] {strides = array<i32>} : memref<640xf32, #tpu.memory_space<vmem>>, vector<16xf32>,
      tpu.vector_store %arg13[%swap3A_70], %gather3A_69 {strides = array<i32>} : memref<640xf32, #tpu.memory_space<vmem>>, vector<16xf32>,
      %add3A_72 = arith.constant 32 : i32
      %add3A_73 = vector.broadcast %add3A_72 : i32 to vector<16xi32>
      %add3A_74 = arith.addi %iota3A, %add3A_73 : vector<16xi32>
      %mul3A_75 = arith.constant 0 : i32
      %mul3A_76 = vector.broadcast %mul3A_75 : i32 to vector<16xi32>
      %mul3A_77 = arith.muli %iota3A, %mul3A_76 : vector<16xi32>
      %add3A_78 = arith.constant 64 : i32
      %add3A_79 = vector.broadcast %add3A_78 : i32 to vector<16xi32>
      %add3A_80 = arith.addi %mul3A_77, %add3A_79 : vector<16xi32>
      %lt3A_81 = arith.constant 125 : i32
      %lt3A_82 = vector.broadcast %lt3A_81 : i32 to vector<16xi32>
      %lt3A_83 = arith.cmpi slt, %add3A_74, %lt3A_82 : vector<16xi32>
      %gather3A_84 = tpu.vector_load_idx %arg12[%add3A_74, %add3A_80] masked %lt3A_83 : memref<125x80xf32, #tpu.memory_space<vmem>>[vector<16xi32>, vector<16xi32>], vector<16xf32>, vector<16xi1>
      %swap3A_85 = arith.constant 32 : index
      %swap3A_86 = tpu.vector_load %arg13[%swap3A_85] {strides = array<i32>} : memref<640xf32, #tpu.memory_space<vmem>>, vector<16xf32>,
      tpu.vector_store %arg13[%swap3A_85], %gather3A_84 {strides = array<i32>} : memref<640xf32, #tpu.memory_space<vmem>>, vector<16xf32>,
      %add3A_87 = arith.constant 48 : i32
      %add3A_88 = vector.broadcast %add3A_87 : i32 to vector<16xi32>
      %add3A_89 = arith.addi %iota3A, %add3A_88 : vector<16xi32>
      %mul3A_90 = arith.constant 0 : i32
      %mul3A_91 = vector.broadcast %mul3A_90 : i32 to vector<16xi32>
      %mul3A_92 = arith.muli %iota3A, %mul3A_91 : vector<16xi32>
      %add3A_93 = arith.constant 64 : i32
      %add3A_94 = vector.broadcast %add3A_93 : i32 to vector<16xi32>
      %add3A_95 = arith.addi %mul3A_92, %add3A_94 : vector<16xi32>
      %lt3A_96 = arith.constant 125 : i32
      %lt3A_97 = vector.broadcast %lt3A_96 : i32 to vector<16xi32>
      %lt3A_98 = arith.cmpi slt, %add3A_89, %lt3A_97 : vector<16xi32>
      %gather3A_99 = tpu.vector_load_idx %arg12[%add3A_89, %add3A_95] masked %lt3A_98 : memref<125x80xf32, #tpu.memory_space<vmem>>[vector<16xi32>, vector<16xi32>], vector<16xf32>, vector<16xi1>
      %swap3A_100 = arith.constant 48 : index
      %swap3A_101 = tpu.vector_load %arg13[%swap3A_100] {strides = array<i32>} : memref<640xf32, #tpu.memory_space<vmem>>, vector<16xf32>,
      tpu.vector_store %arg13[%swap3A_100], %gather3A_99 {strides = array<i32>} : memref<640xf32, #tpu.memory_space<vmem>>, vector<16xf32>,
      %add3A_102 = arith.constant 64 : i32
      %add3A_103 = vector.broadcast %add3A_102 : i32 to vector<16xi32>
      %add3A_104 = arith.addi %iota3A, %add3A_103 : vector<16xi32>
      %mul3A_105 = arith.constant 0 : i32
      %mul3A_106 = vector.broadcast %mul3A_105 : i32 to vector<16xi32>
      %mul3A_107 = arith.muli %iota3A, %mul3A_106 : vector<16xi32>
      %add3A_108 = arith.constant 64 : i32
      %add3A_109 = vector.broadcast %add3A_108 : i32 to vector<16xi32>
      %add3A_110 = arith.addi %mul3A_107, %add3A_109 : vector<16xi32>
      %lt3A_111 = arith.constant 125 : i32
      %lt3A_112 = vector.broadcast %lt3A_111 : i32 to vector<16xi32>
      %lt3A_113 = arith.cmpi slt, %add3A_104, %lt3A_112 : vector<16xi32>
      %gather3A_114 = tpu.vector_load_idx %arg12[%add3A_104, %add3A_110] masked %lt3A_113 : memref<125x80xf32, #tpu.memory_space<vmem>>[vector<16xi32>, vector<16xi32>], vector<16xf32>, vector<16xi1>
      %swap3A_115 = arith.constant 64 : index
      %swap3A_116 = tpu.vector_load %arg13[%swap3A_115] {strides = array<i32>} : memref<640xf32, #tpu.memory_space<vmem>>, vector<16xf32>,
      tpu.vector_store %arg13[%swap3A_115], %gather3A_114 {strides = array<i32>} : memref<640xf32, #tpu.memory_space<vmem>>, vector<16xf32>,
      %add3A_117 = arith.constant 80 : i32
      %add3A_118 = vector.broadcast %add3A_117 : i32 to vector<16xi32>
      %add3A_119 = arith.addi %iota3A, %add3A_118 : vector<16xi32>
      %mul3A_120 = arith.constant 0 : i32
      %mul3A_121 = vector.broadcast %mul3A_120 : i32 to vector<16xi32>
      %mul3A_122 = arith.muli %iota3A, %mul3A_121 : vector<16xi32>
      %add3A_123 = arith.constant 64 : i32
      %add3A_124 = vector.broadcast %add3A_123 : i32 to vector<16xi32>
      %add3A_125 = arith.addi %mul3A_122, %add3A_124 : vector<16xi32>
      %lt3A_126 = arith.constant 125 : i32
      %lt3A_127 = vector.broadcast %lt3A_126 : i32 to vector<16xi32>
      %lt3A_128 = arith.cmpi slt, %add3A_119, %lt3A_127 : vector<16xi32>
      %gather3A_129 = tpu.vector_load_idx %arg12[%add3A_119, %add3A_125] masked %lt3A_128 : memref<125x80xf32, #tpu.memory_space<vmem>>[vector<16xi32>, vector<16xi32>], vector<16xf32>, vector<16xi1>
      %swap3A_130 = arith.constant 80 : index
      %swap3A_131 = tpu.vector_load %arg13[%swap3A_130] {strides = array<i32>} : memref<640xf32, #tpu.memory_space<vmem>>, vector<16xf32>,
      tpu.vector_store %arg13[%swap3A_130], %gather3A_129 {strides = array<i32>} : memref<640xf32, #tpu.memory_space<vmem>>, vector<16xf32>,
      %add3A_132 = arith.constant 96 : i32
      %add3A_133 = vector.broadcast %add3A_132 : i32 to vector<16xi32>
      %add3A_134 = arith.addi %iota3A, %add3A_133 : vector<16xi32>
      %mul3A_135 = arith.constant 0 : i32
      %mul3A_136 = vector.broadcast %mul3A_135 : i32 to vector<16xi32>
      %mul3A_137 = arith.muli %iota3A, %mul3A_136 : vector<16xi32>
      %add3A_138 = arith.constant 64 : i32
      %add3A_139 = vector.broadcast %add3A_138 : i32 to vector<16xi32>
      %add3A_140 = arith.addi %mul3A_137, %add3A_139 : vector<16xi32>
      %lt3A_141 = arith.constant 125 : i32
      %lt3A_142 = vector.broadcast %lt3A_141 : i32 to vector<16xi32>
      %lt3A_143 = arith.cmpi slt, %add3A_134, %lt3A_142 : vector<16xi32>
      %gather3A_144 = tpu.vector_load_idx %arg12[%add3A_134, %add3A_140] masked %lt3A_143 : memref<125x80xf32, #tpu.memory_space<vmem>>[vector<16xi32>, vector<16xi32>], vector<16xf32>, vector<16xi1>
      %swap3A_145 = arith.constant 96 : index
      %swap3A_146 = tpu.vector_load %arg13[%swap3A_145] {strides = array<i32>} : memref<640xf32, #tpu.memory_space<vmem>>, vector<16xf32>,
      tpu.vector_store %arg13[%swap3A_145], %gather3A_144 {strides = array<i32>} : memref<640xf32, #tpu.memory_space<vmem>>, vector<16xf32>,
      %add3A_147 = arith.constant 112 : i32
      %add3A_148 = vector.broadcast %add3A_147 : i32 to vector<16xi32>
      %add3A_149 = arith.addi %iota3A, %add3A_148 : vector<16xi32>
      %mul3A_150 = arith.constant 0 : i32
      %mul3A_151 = vector.broadcast %mul3A_150 : i32 to vector<16xi32>
      %mul3A_152 = arith.muli %iota3A, %mul3A_151 : vector<16xi32>
      %add3A_153 = arith.constant 64 : i32
      %add3A_154 = vector.broadcast %add3A_153 : i32 to vector<16xi32>
      %add3A_155 = arith.addi %mul3A_152, %add3A_154 : vector<16xi32>
      %lt3A_156 = arith.constant 125 : i32
      %lt3A_157 = vector.broadcast %lt3A_156 : i32 to vector<16xi32>
      %lt3A_158 = arith.cmpi slt, %add3A_149, %lt3A_157 : vector<16xi32>
      %gather3A_159 = tpu.vector_load_idx %arg12[%add3A_149, %add3A_155] masked %lt3A_158 : memref<125x80xf32, #tpu.memory_space<vmem>>[vector<16xi32>, vector<16xi32>], vector<16xf32>, vector<16xi1>
      %swap3A_160 = arith.constant 112 : index
      %swap3A_161 = tpu.vector_load %arg13[%swap3A_160] {strides = array<i32>} : memref<640xf32, #tpu.memory_space<vmem>>, vector<16xf32>,
      tpu.vector_store %arg13[%swap3A_160], %gather3A_159 {strides = array<i32>} : memref<640xf32, #tpu.memory_space<vmem>>, vector<16xf32>,
      %dma_wait3A = arith.constant 0 : i32
      %dma_wait3A_162 = arith.constant 0 : i32
      %dma_wait3A_163 = tpu.memref_slice %arg7[%dma_wait3A, %add3A_38, %dma_wait3A_162] : memref<2x10000x80xf32, #tpu.memory_space<hbm>> -> memref<1x125x80xf32, #tpu.memory_space<hbm>>
      %dma_wait3A_164 = tpu.memref_squeeze %dma_wait3A_163 : memref<1x125x80xf32, #tpu.memory_space<hbm>> -> memref<125x80xf32, #tpu.memory_space<hbm>>
      %dma_wait3A_165 = arith.constant 0 : i32
      %dma_wait3A_166 = tpu.memref_slice %arg7[%dma_wait3A, %add3A_38, %dma_wait3A_165] : memref<2x10000x80xf32, #tpu.memory_space<hbm>> -> memref<1x125x80xf32, #tpu.memory_space<hbm>>
      %dma_wait3A_167 = tpu.memref_squeeze %dma_wait3A_166 : memref<1x125x80xf32, #tpu.memory_space<hbm>> -> memref<125x80xf32, #tpu.memory_space<hbm>>
      tpu.wait_dma2 semaphore(%arg23 : memref<!tpu.dma_semaphore, #tpu.memory_space<semaphore_mem>>) src(%arg12 : memref<125x80xf32, #tpu.memory_space<vmem>>) dst(%dma_wait3A_167 : memref<125x80xf32, #tpu.memory_space<hbm>>)
      %add3A_168 = arith.constant 125 : i32
      %add3A_169 = arith.addi %mul3A_0, %add3A_168 : i32
      "tpu.region"() ({
        %run_scoped3A = tpu.sem_alloc : memref<!tpu.dma_semaphore, #tpu.memory_space<semaphore_mem>>
        %dma_start3A_712 = arith.constant 0 : i32
        %dma_start3A_713 = tpu.memref_slice %arg14[%add3A_169, %dma_start3A_712] : memref<10000x80xf32, #tpu.memory_space<vmem_shared>> -> memref<125x80xf32, #tpu.memory_space<vmem_shared>>
        %dma_start3A_714 = arith.constant 0 : i32
        %dma_start3A_715 = tpu.memref_slice %arg14[%add3A_169, %dma_start3A_714] : memref<10000x80xf32, #tpu.memory_space<vmem_shared>> -> memref<125x80xf32, #tpu.memory_space<vmem_shared>>
        tpu.enqueue_dma source(%dma_start3A_715 : memref<125x80xf32, #tpu.memory_space<vmem_shared>>) target(%arg12 : memref<125x80xf32, #tpu.memory_space<vmem>>) target_semaphore(%run_scoped3A : memref<!tpu.dma_semaphore, #tpu.memory_space<semaphore_mem>>)
        %dma_wait3A_716 = arith.constant 0 : i32
        %dma_wait3A_717 = tpu.memref_slice %arg14[%add3A_169, %dma_wait3A_716] : memref<10000x80xf32, #tpu.memory_space<vmem_shared>> -> memref<125x80xf32, #tpu.memory_space<vmem_shared>>
        %dma_wait3A_718 = arith.constant 0 : i32
        %dma_wait3A_719 = tpu.memref_slice %arg14[%add3A_169, %dma_wait3A_718] : memref<10000x80xf32, #tpu.memory_space<vmem_shared>> -> memref<125x80xf32, #tpu.memory_space<vmem_shared>>
        tpu.wait_dma2 semaphore(%run_scoped3A : memref<!tpu.dma_semaphore, #tpu.memory_space<semaphore_mem>>) src(%dma_wait3A_719 : memref<125x80xf32, #tpu.memory_space<vmem_shared>>) dst(%arg12 : memref<125x80xf32, #tpu.memory_space<vmem>>)
        tpu.yield
      }) : () -> ()
      %dma_start3A_170 = arith.constant 0 : i32
      %dma_start3A_171 = arith.constant 0 : i32
      %dma_start3A_172 = tpu.memref_slice %arg7[%dma_start3A_170, %add3A_169, %dma_start3A_171] : memref<2x10000x80xf32, #tpu.memory_space<hbm>> -> memref<1x125x80xf32, #tpu.memory_space<hbm>>
      %dma_start3A_173 = tpu.memref_squeeze %dma_start3A_172 : memref<1x125x80xf32, #tpu.memory_space<hbm>> -> memref<125x80xf32, #tpu.memory_space<hbm>>
      %dma_start3A_174 = arith.constant 0 : i32
      %dma_start3A_175 = tpu.memref_slice %arg7[%dma_start3A_170, %add3A_169, %dma_start3A_174] : memref<2x10000x80xf32, #tpu.memory_space<hbm>> -> memref<1x125x80xf32, #tpu.memory_space<hbm>>
      %dma_start3A_176 = tpu.memref_squeeze %dma_start3A_175 : memref<1x125x80xf32, #tpu.memory_space<hbm>> -> memref<125x80xf32, #tpu.memory_space<hbm>>
      tpu.enqueue_dma source(%arg12 : memref<125x80xf32, #tpu.memory_space<vmem>>) target(%dma_start3A_176 : memref<125x80xf32, #tpu.memory_space<hbm>>) target_semaphore(%arg23 : memref<!tpu.dma_semaphore, #tpu.memory_space<semaphore_mem>>)
      %add3A_177 = arith.constant 0 : i32
      %add3A_178 = vector.broadcast %add3A_177 : i32 to vector<16xi32>
      %add3A_179 = arith.addi %iota3A, %add3A_178 : vector<16xi32>
      %mul3A_180 = arith.constant 0 : i32
      %mul3A_181 = vector.broadcast %mul3A_180 : i32 to vector<16xi32>
      %mul3A_182 = arith.muli %iota3A, %mul3A_181 : vector<16xi32>
      %add3A_183 = arith.constant 64 : i32
      %add3A_184 = vector.broadcast %add3A_183 : i32 to vector<16xi32>
      %add3A_185 = arith.addi %mul3A_182, %add3A_184 : vector<16xi32>
      %lt3A_186 = arith.constant 125 : i32
      %lt3A_187 = vector.broadcast %lt3A_186 : i32 to vector<16xi32>
      %lt3A_188 = arith.cmpi slt, %add3A_179, %lt3A_187 : vector<16xi32>
      %gather3A_189 = tpu.vector_load_idx %arg12[%add3A_179, %add3A_185] masked %lt3A_188 : memref<125x80xf32, #tpu.memory_space<vmem>>[vector<16xi32>, vector<16xi32>], vector<16xf32>, vector<16xi1>
      %swap3A_190 = arith.constant 125 : index
      %swap3A_191 = tpu.vector_load %arg13[%swap3A_190] {strides = array<i32>} : memref<640xf32, #tpu.memory_space<vmem>>, vector<16xf32>,
      tpu.vector_store %arg13[%swap3A_190], %gather3A_189 {strides = array<i32>} : memref<640xf32, #tpu.memory_space<vmem>>, vector<16xf32>,
      %add3A_192 = arith.constant 16 : i32
      %add3A_193 = vector.broadcast %add3A_192 : i32 to vector<16xi32>
      %add3A_194 = arith.addi %iota3A, %add3A_193 : vector<16xi32>
      %mul3A_195 = arith.constant 0 : i32
      %mul3A_196 = vector.broadcast %mul3A_195 : i32 to vector<16xi32>
      %mul3A_197 = arith.muli %iota3A, %mul3A_196 : vector<16xi32>
      %add3A_198 = arith.constant 64 : i32
      %add3A_199 = vector.broadcast %add3A_198 : i32 to vector<16xi32>
      %add3A_200 = arith.addi %mul3A_197, %add3A_199 : vector<16xi32>
      %lt3A_201 = arith.constant 125 : i32
      %lt3A_202 = vector.broadcast %lt3A_201 : i32 to vector<16xi32>
      %lt3A_203 = arith.cmpi slt, %add3A_194, %lt3A_202 : vector<16xi32>
      %gather3A_204 = tpu.vector_load_idx %arg12[%add3A_194, %add3A_200] masked %lt3A_203 : memref<125x80xf32, #tpu.memory_space<vmem>>[vector<16xi32>, vector<16xi32>], vector<16xf32>, vector<16xi1>
      %swap3A_205 = arith.constant 141 : index
      %swap3A_206 = tpu.vector_load %arg13[%swap3A_205] {strides = array<i32>} : memref<640xf32, #tpu.memory_space<vmem>>, vector<16xf32>,
      tpu.vector_store %arg13[%swap3A_205], %gather3A_204 {strides = array<i32>} : memref<640xf32, #tpu.memory_space<vmem>>, vector<16xf32>,
      %add3A_207 = arith.constant 32 : i32
      %add3A_208 = vector.broadcast %add3A_207 : i32 to vector<16xi32>
      %add3A_209 = arith.addi %iota3A, %add3A_208 : vector<16xi32>
      %mul3A_210 = arith.constant 0 : i32
      %mul3A_211 = vector.broadcast %mul3A_210 : i32 to vector<16xi32>
      %mul3A_212 = arith.muli %iota3A, %mul3A_211 : vector<16xi32>
      %add3A_213 = arith.constant 64 : i32
      %add3A_214 = vector.broadcast %add3A_213 : i32 to vector<16xi32>
      %add3A_215 = arith.addi %mul3A_212, %add3A_214 : vector<16xi32>
      %lt3A_216 = arith.constant 125 : i32
      %lt3A_217 = vector.broadcast %lt3A_216 : i32 to vector<16xi32>
      %lt3A_218 = arith.cmpi slt, %add3A_209, %lt3A_217 : vector<16xi32>
      %gather3A_219 = tpu.vector_load_idx %arg12[%add3A_209, %add3A_215] masked %lt3A_218 : memref<125x80xf32, #tpu.memory_space<vmem>>[vector<16xi32>, vector<16xi32>], vector<16xf32>, vector<16xi1>
      %swap3A_220 = arith.constant 157 : index
      %swap3A_221 = tpu.vector_load %arg13[%swap3A_220] {strides = array<i32>} : memref<640xf32, #tpu.memory_space<vmem>>, vector<16xf32>,
      tpu.vector_store %arg13[%swap3A_220], %gather3A_219 {strides = array<i32>} : memref<640xf32, #tpu.memory_space<vmem>>, vector<16xf32>,
      %add3A_222 = arith.constant 48 : i32
      %add3A_223 = vector.broadcast %add3A_222 : i32 to vector<16xi32>
      %add3A_224 = arith.addi %iota3A, %add3A_223 : vector<16xi32>
      %mul3A_225 = arith.constant 0 : i32
      %mul3A_226 = vector.broadcast %mul3A_225 : i32 to vector<16xi32>
      %mul3A_227 = arith.muli %iota3A, %mul3A_226 : vector<16xi32>
      %add3A_228 = arith.constant 64 : i32
      %add3A_229 = vector.broadcast %add3A_228 : i32 to vector<16xi32>
      %add3A_230 = arith.addi %mul3A_227, %add3A_229 : vector<16xi32>
      %lt3A_231 = arith.constant 125 : i32
      %lt3A_232 = vector.broadcast %lt3A_231 : i32 to vector<16xi32>
      %lt3A_233 = arith.cmpi slt, %add3A_224, %lt3A_232 : vector<16xi32>
      %gather3A_234 = tpu.vector_load_idx %arg12[%add3A_224, %add3A_230] masked %lt3A_233 : memref<125x80xf32, #tpu.memory_space<vmem>>[vector<16xi32>, vector<16xi32>], vector<16xf32>, vector<16xi1>
      %swap3A_235 = arith.constant 173 : index
      %swap3A_236 = tpu.vector_load %arg13[%swap3A_235] {strides = array<i32>} : memref<640xf32, #tpu.memory_space<vmem>>, vector<16xf32>,
      tpu.vector_store %arg13[%swap3A_235], %gather3A_234 {strides = array<i32>} : memref<640xf32, #tpu.memory_space<vmem>>, vector<16xf32>,
      %add3A_237 = arith.constant 64 : i32
      %add3A_238 = vector.broadcast %add3A_237 : i32 to vector<16xi32>
      %add3A_239 = arith.addi %iota3A, %add3A_238 : vector<16xi32>
      %mul3A_240 = arith.constant 0 : i32
      %mul3A_241 = vector.broadcast %mul3A_240 : i32 to vector<16xi32>
      %mul3A_242 = arith.muli %iota3A, %mul3A_241 : vector<16xi32>
      %add3A_243 = arith.constant 64 : i32
      %add3A_244 = vector.broadcast %add3A_243 : i32 to vector<16xi32>
      %add3A_245 = arith.addi %mul3A_242, %add3A_244 : vector<16xi32>
      %lt3A_246 = arith.constant 125 : i32
      %lt3A_247 = vector.broadcast %lt3A_246 : i32 to vector<16xi32>
      %lt3A_248 = arith.cmpi slt, %add3A_239, %lt3A_247 : vector<16xi32>
      %gather3A_249 = tpu.vector_load_idx %arg12[%add3A_239, %add3A_245] masked %lt3A_248 : memref<125x80xf32, #tpu.memory_space<vmem>>[vector<16xi32>, vector<16xi32>], vector<16xf32>, vector<16xi1>
      %swap3A_250 = arith.constant 189 : index
      %swap3A_251 = tpu.vector_load %arg13[%swap3A_250] {strides = array<i32>} : memref<640xf32, #tpu.memory_space<vmem>>, vector<16xf32>,
      tpu.vector_store %arg13[%swap3A_250], %gather3A_249 {strides = array<i32>} : memref<640xf32, #tpu.memory_space<vmem>>, vector<16xf32>,
      %add3A_252 = arith.constant 80 : i32
      %add3A_253 = vector.broadcast %add3A_252 : i32 to vector<16xi32>
      %add3A_254 = arith.addi %iota3A, %add3A_253 : vector<16xi32>
      %mul3A_255 = arith.constant 0 : i32
      %mul3A_256 = vector.broadcast %mul3A_255 : i32 to vector<16xi32>
      %mul3A_257 = arith.muli %iota3A, %mul3A_256 : vector<16xi32>
      %add3A_258 = arith.constant 64 : i32
      %add3A_259 = vector.broadcast %add3A_258 : i32 to vector<16xi32>
      %add3A_260 = arith.addi %mul3A_257, %add3A_259 : vector<16xi32>
      %lt3A_261 = arith.constant 125 : i32
      %lt3A_262 = vector.broadcast %lt3A_261 : i32 to vector<16xi32>
      %lt3A_263 = arith.cmpi slt, %add3A_254, %lt3A_262 : vector<16xi32>
      %gather3A_264 = tpu.vector_load_idx %arg12[%add3A_254, %add3A_260] masked %lt3A_263 : memref<125x80xf32, #tpu.memory_space<vmem>>[vector<16xi32>, vector<16xi32>], vector<16xf32>, vector<16xi1>
      %swap3A_265 = arith.constant 205 : index
      %swap3A_266 = tpu.vector_load %arg13[%swap3A_265] {strides = array<i32>} : memref<640xf32, #tpu.memory_space<vmem>>, vector<16xf32>,
      tpu.vector_store %arg13[%swap3A_265], %gather3A_264 {strides = array<i32>} : memref<640xf32, #tpu.memory_space<vmem>>, vector<16xf32>,
      %add3A_267 = arith.constant 96 : i32
      %add3A_268 = vector.broadcast %add3A_267 : i32 to vector<16xi32>
      %add3A_269 = arith.addi %iota3A, %add3A_268 : vector<16xi32>
      %mul3A_270 = arith.constant 0 : i32
      %mul3A_271 = vector.broadcast %mul3A_270 : i32 to vector<16xi32>
      %mul3A_272 = arith.muli %iota3A, %mul3A_271 : vector<16xi32>
      %add3A_273 = arith.constant 64 : i32
      %add3A_274 = vector.broadcast %add3A_273 : i32 to vector<16xi32>
      %add3A_275 = arith.addi %mul3A_272, %add3A_274 : vector<16xi32>
      %lt3A_276 = arith.constant 125 : i32
      %lt3A_277 = vector.broadcast %lt3A_276 : i32 to vector<16xi32>
      %lt3A_278 = arith.cmpi slt, %add3A_269, %lt3A_277 : vector<16xi32>
      %gather3A_279 = tpu.vector_load_idx %arg12[%add3A_269, %add3A_275] masked %lt3A_278 : memref<125x80xf32, #tpu.memory_space<vmem>>[vector<16xi32>, vector<16xi32>], vector<16xf32>, vector<16xi1>
      %swap3A_280 = arith.constant 221 : index
      %swap3A_281 = tpu.vector_load %arg13[%swap3A_280] {strides = array<i32>} : memref<640xf32, #tpu.memory_space<vmem>>, vector<16xf32>,
      tpu.vector_store %arg13[%swap3A_280], %gather3A_279 {strides = array<i32>} : memref<640xf32, #tpu.memory_space<vmem>>, vector<16xf32>,
      %add3A_282 = arith.constant 112 : i32
      %add3A_283 = vector.broadcast %add3A_282 : i32 to vector<16xi32>
      %add3A_284 = arith.addi %iota3A, %add3A_283 : vector<16xi32>
      %mul3A_285 = arith.constant 0 : i32
      %mul3A_286 = vector.broadcast %mul3A_285 : i32 to vector<16xi32>
      %mul3A_287 = arith.muli %iota3A, %mul3A_286 : vector<16xi32>
      %add3A_288 = arith.constant 64 : i32
      %add3A_289 = vector.broadcast %add3A_288 : i32 to vector<16xi32>
      %add3A_290 = arith.addi %mul3A_287, %add3A_289 : vector<16xi32>
      %lt3A_291 = arith.constant 125 : i32
      %lt3A_292 = vector.broadcast %lt3A_291 : i32 to vector<16xi32>
      %lt3A_293 = arith.cmpi slt, %add3A_284, %lt3A_292 : vector<16xi32>
      %gather3A_294 = tpu.vector_load_idx %arg12[%add3A_284, %add3A_290] masked %lt3A_293 : memref<125x80xf32, #tpu.memory_space<vmem>>[vector<16xi32>, vector<16xi32>], vector<16xf32>, vector<16xi1>
      %swap3A_295 = arith.constant 237 : index
      %swap3A_296 = tpu.vector_load %arg13[%swap3A_295] {strides = array<i32>} : memref<640xf32, #tpu.memory_space<vmem>>, vector<16xf32>,
      tpu.vector_store %arg13[%swap3A_295], %gather3A_294 {strides = array<i32>} : memref<640xf32, #tpu.memory_space<vmem>>, vector<16xf32>,
      %dma_wait3A_297 = arith.constant 0 : i32
      %dma_wait3A_298 = arith.constant 0 : i32
      %dma_wait3A_299 = tpu.memref_slice %arg7[%dma_wait3A_297, %add3A_169, %dma_wait3A_298] : memref<2x10000x80xf32, #tpu.memory_space<hbm>> -> memref<1x125x80xf32, #tpu.memory_space<hbm>>
      %dma_wait3A_300 = tpu.memref_squeeze %dma_wait3A_299 : memref<1x125x80xf32, #tpu.memory_space<hbm>> -> memref<125x80xf32, #tpu.memory_space<hbm>>
      %dma_wait3A_301 = arith.constant 0 : i32
      %dma_wait3A_302 = tpu.memref_slice %arg7[%dma_wait3A_297, %add3A_169, %dma_wait3A_301] : memref<2x10000x80xf32, #tpu.memory_space<hbm>> -> memref<1x125x80xf32, #tpu.memory_space<hbm>>
      %dma_wait3A_303 = tpu.memref_squeeze %dma_wait3A_302 : memref<1x125x80xf32, #tpu.memory_space<hbm>> -> memref<125x80xf32, #tpu.memory_space<hbm>>
      tpu.wait_dma2 semaphore(%arg23 : memref<!tpu.dma_semaphore, #tpu.memory_space<semaphore_mem>>) src(%arg12 : memref<125x80xf32, #tpu.memory_space<vmem>>) dst(%dma_wait3A_303 : memref<125x80xf32, #tpu.memory_space<hbm>>)
      %add3A_304 = arith.constant 250 : i32
      %add3A_305 = arith.addi %mul3A_0, %add3A_304 : i32
      "tpu.region"() ({
        %run_scoped3A = tpu.sem_alloc : memref<!tpu.dma_semaphore, #tpu.memory_space<semaphore_mem>>
        %dma_start3A_712 = arith.constant 0 : i32
        %dma_start3A_713 = tpu.memref_slice %arg14[%add3A_305, %dma_start3A_712] : memref<10000x80xf32, #tpu.memory_space<vmem_shared>> -> memref<125x80xf32, #tpu.memory_space<vmem_shared>>
        %dma_start3A_714 = arith.constant 0 : i32
        %dma_start3A_715 = tpu.memref_slice %arg14[%add3A_305, %dma_start3A_714] : memref<10000x80xf32, #tpu.memory_space<vmem_shared>> -> memref<125x80xf32, #tpu.memory_space<vmem_shared>>
        tpu.enqueue_dma source(%dma_start3A_715 : memref<125x80xf32, #tpu.memory_space<vmem_shared>>) target(%arg12 : memref<125x80xf32, #tpu.memory_space<vmem>>) target_semaphore(%run_scoped3A : memref<!tpu.dma_semaphore, #tpu.memory_space<semaphore_mem>>)
        %dma_wait3A_716 = arith.constant 0 : i32
        %dma_wait3A_717 = tpu.memref_slice %arg14[%add3A_305, %dma_wait3A_716] : memref<10000x80xf32, #tpu.memory_space<vmem_shared>> -> memref<125x80xf32, #tpu.memory_space<vmem_shared>>
        %dma_wait3A_718 = arith.constant 0 : i32
        %dma_wait3A_719 = tpu.memref_slice %arg14[%add3A_305, %dma_wait3A_718] : memref<10000x80xf32, #tpu.memory_space<vmem_shared>> -> memref<125x80xf32, #tpu.memory_space<vmem_shared>>
        tpu.wait_dma2 semaphore(%run_scoped3A : memref<!tpu.dma_semaphore, #tpu.memory_space<semaphore_mem>>) src(%dma_wait3A_719 : memref<125x80xf32, #tpu.memory_space<vmem_shared>>) dst(%arg12 : memref<125x80xf32, #tpu.memory_space<vmem>>)
        tpu.yield
      }) : () -> ()
      %dma_start3A_306 = arith.constant 0 : i32
      %dma_start3A_307 = arith.constant 0 : i32
      %dma_start3A_308 = tpu.memref_slice %arg7[%dma_start3A_306, %add3A_305, %dma_start3A_307] : memref<2x10000x80xf32, #tpu.memory_space<hbm>> -> memref<1x125x80xf32, #tpu.memory_space<hbm>>
      %dma_start3A_309 = tpu.memref_squeeze %dma_start3A_308 : memref<1x125x80xf32, #tpu.memory_space<hbm>> -> memref<125x80xf32, #tpu.memory_space<hbm>>
      %dma_start3A_310 = arith.constant 0 : i32
      %dma_start3A_311 = tpu.memref_slice %arg7[%dma_start3A_306, %add3A_305, %dma_start3A_310] : memref<2x10000x80xf32, #tpu.memory_space<hbm>> -> memref<1x125x80xf32, #tpu.memory_space<hbm>>
      %dma_start3A_312 = tpu.memref_squeeze %dma_start3A_311 : memref<1x125x80xf32, #tpu.memory_space<hbm>> -> memref<125x80xf32, #tpu.memory_space<hbm>>
      tpu.enqueue_dma source(%arg12 : memref<125x80xf32, #tpu.memory_space<vmem>>) target(%dma_start3A_312 : memref<125x80xf32, #tpu.memory_space<hbm>>) target_semaphore(%arg23 : memref<!tpu.dma_semaphore, #tpu.memory_space<semaphore_mem>>)
      %add3A_313 = arith.constant 0 : i32
      %add3A_314 = vector.broadcast %add3A_313 : i32 to vector<16xi32>
      %add3A_315 = arith.addi %iota3A, %add3A_314 : vector<16xi32>
      %mul3A_316 = arith.constant 0 : i32
      %mul3A_317 = vector.broadcast %mul3A_316 : i32 to vector<16xi32>
      %mul3A_318 = arith.muli %iota3A, %mul3A_317 : vector<16xi32>
      %add3A_319 = arith.constant 64 : i32
      %add3A_320 = vector.broadcast %add3A_319 : i32 to vector<16xi32>
      %add3A_321 = arith.addi %mul3A_318, %add3A_320 : vector<16xi32>
      %lt3A_322 = arith.constant 125 : i32
      %lt3A_323 = vector.broadcast %lt3A_322 : i32 to vector<16xi32>
      %lt3A_324 = arith.cmpi slt, %add3A_315, %lt3A_323 : vector<16xi32>
      %gather3A_325 = tpu.vector_load_idx %arg12[%add3A_315, %add3A_321] masked %lt3A_324 : memref<125x80xf32, #tpu.memory_space<vmem>>[vector<16xi32>, vector<16xi32>], vector<16xf32>, vector<16xi1>
      %swap3A_326 = arith.constant 250 : index
      %swap3A_327 = tpu.vector_load %arg13[%swap3A_326] {strides = array<i32>} : memref<640xf32, #tpu.memory_space<vmem>>, vector<16xf32>,
      tpu.vector_store %arg13[%swap3A_326], %gather3A_325 {strides = array<i32>} : memref<640xf32, #tpu.memory_space<vmem>>, vector<16xf32>,
      %add3A_328 = arith.constant 16 : i32
      %add3A_329 = vector.broadcast %add3A_328 : i32 to vector<16xi32>
      %add3A_330 = arith.addi %iota3A, %add3A_329 : vector<16xi32>
      %mul3A_331 = arith.constant 0 : i32
      %mul3A_332 = vector.broadcast %mul3A_331 : i32 to vector<16xi32>
      %mul3A_333 = arith.muli %iota3A, %mul3A_332 : vector<16xi32>
      %add3A_334 = arith.constant 64 : i32
      %add3A_335 = vector.broadcast %add3A_334 : i32 to vector<16xi32>
      %add3A_336 = arith.addi %mul3A_333, %add3A_335 : vector<16xi32>
      %lt3A_337 = arith.constant 125 : i32
      %lt3A_338 = vector.broadcast %lt3A_337 : i32 to vector<16xi32>
      %lt3A_339 = arith.cmpi slt, %add3A_330, %lt3A_338 : vector<16xi32>
      %gather3A_340 = tpu.vector_load_idx %arg12[%add3A_330, %add3A_336] masked %lt3A_339 : memref<125x80xf32, #tpu.memory_space<vmem>>[vector<16xi32>, vector<16xi32>], vector<16xf32>, vector<16xi1>
      %swap3A_341 = arith.constant 266 : index
      %swap3A_342 = tpu.vector_load %arg13[%swap3A_341] {strides = array<i32>} : memref<640xf32, #tpu.memory_space<vmem>>, vector<16xf32>,
      tpu.vector_store %arg13[%swap3A_341], %gather3A_340 {strides = array<i32>} : memref<640xf32, #tpu.memory_space<vmem>>, vector<16xf32>,
      %add3A_343 = arith.constant 32 : i32
      %add3A_344 = vector.broadcast %add3A_343 : i32 to vector<16xi32>
      %add3A_345 = arith.addi %iota3A, %add3A_344 : vector<16xi32>
      %mul3A_346 = arith.constant 0 : i32
      %mul3A_347 = vector.broadcast %mul3A_346 : i32 to vector<16xi32>
      %mul3A_348 = arith.muli %iota3A, %mul3A_347 : vector<16xi32>
      %add3A_349 = arith.constant 64 : i32
      %add3A_350 = vector.broadcast %add3A_349 : i32 to vector<16xi32>
      %add3A_351 = arith.addi %mul3A_348, %add3A_350 : vector<16xi32>
      %lt3A_352 = arith.constant 125 : i32
      %lt3A_353 = vector.broadcast %lt3A_352 : i32 to vector<16xi32>
      %lt3A_354 = arith.cmpi slt, %add3A_345, %lt3A_353 : vector<16xi32>
      %gather3A_355 = tpu.vector_load_idx %arg12[%add3A_345, %add3A_351] masked %lt3A_354 : memref<125x80xf32, #tpu.memory_space<vmem>>[vector<16xi32>, vector<16xi32>], vector<16xf32>, vector<16xi1>
      %swap3A_356 = arith.constant 282 : index
      %swap3A_357 = tpu.vector_load %arg13[%swap3A_356] {strides = array<i32>} : memref<640xf32, #tpu.memory_space<vmem>>, vector<16xf32>,
      tpu.vector_store %arg13[%swap3A_356], %gather3A_355 {strides = array<i32>} : memref<640xf32, #tpu.memory_space<vmem>>, vector<16xf32>,
      %add3A_358 = arith.constant 48 : i32
      %add3A_359 = vector.broadcast %add3A_358 : i32 to vector<16xi32>
      %add3A_360 = arith.addi %iota3A, %add3A_359 : vector<16xi32>
      %mul3A_361 = arith.constant 0 : i32
      %mul3A_362 = vector.broadcast %mul3A_361 : i32 to vector<16xi32>
      %mul3A_363 = arith.muli %iota3A, %mul3A_362 : vector<16xi32>
      %add3A_364 = arith.constant 64 : i32
      %add3A_365 = vector.broadcast %add3A_364 : i32 to vector<16xi32>
      %add3A_366 = arith.addi %mul3A_363, %add3A_365 : vector<16xi32>
      %lt3A_367 = arith.constant 125 : i32
      %lt3A_368 = vector.broadcast %lt3A_367 : i32 to vector<16xi32>
      %lt3A_369 = arith.cmpi slt, %add3A_360, %lt3A_368 : vector<16xi32>
      %gather3A_370 = tpu.vector_load_idx %arg12[%add3A_360, %add3A_366] masked %lt3A_369 : memref<125x80xf32, #tpu.memory_space<vmem>>[vector<16xi32>, vector<16xi32>], vector<16xf32>, vector<16xi1>
      %swap3A_371 = arith.constant 298 : index
      %swap3A_372 = tpu.vector_load %arg13[%swap3A_371] {strides = array<i32>} : memref<640xf32, #tpu.memory_space<vmem>>, vector<16xf32>,
      tpu.vector_store %arg13[%swap3A_371], %gather3A_370 {strides = array<i32>} : memref<640xf32, #tpu.memory_space<vmem>>, vector<16xf32>,
      %add3A_373 = arith.constant 64 : i32
      %add3A_374 = vector.broadcast %add3A_373 : i32 to vector<16xi32>
      %add3A_375 = arith.addi %iota3A, %add3A_374 : vector<16xi32>
      %mul3A_376 = arith.constant 0 : i32
      %mul3A_377 = vector.broadcast %mul3A_376 : i32 to vector<16xi32>
      %mul3A_378 = arith.muli %iota3A, %mul3A_377 : vector<16xi32>
      %add3A_379 = arith.constant 64 : i32
      %add3A_380 = vector.broadcast %add3A_379 : i32 to vector<16xi32>
      %add3A_381 = arith.addi %mul3A_378, %add3A_380 : vector<16xi32>
      %lt3A_382 = arith.constant 125 : i32
      %lt3A_383 = vector.broadcast %lt3A_382 : i32 to vector<16xi32>
      %lt3A_384 = arith.cmpi slt, %add3A_375, %lt3A_383 : vector<16xi32>
      %gather3A_385 = tpu.vector_load_idx %arg12[%add3A_375, %add3A_381] masked %lt3A_384 : memref<125x80xf32, #tpu.memory_space<vmem>>[vector<16xi32>, vector<16xi32>], vector<16xf32>, vector<16xi1>
      %swap3A_386 = arith.constant 314 : index
      %swap3A_387 = tpu.vector_load %arg13[%swap3A_386] {strides = array<i32>} : memref<640xf32, #tpu.memory_space<vmem>>, vector<16xf32>,
      tpu.vector_store %arg13[%swap3A_386], %gather3A_385 {strides = array<i32>} : memref<640xf32, #tpu.memory_space<vmem>>, vector<16xf32>,
      %add3A_388 = arith.constant 80 : i32
      %add3A_389 = vector.broadcast %add3A_388 : i32 to vector<16xi32>
      %add3A_390 = arith.addi %iota3A, %add3A_389 : vector<16xi32>
      %mul3A_391 = arith.constant 0 : i32
      %mul3A_392 = vector.broadcast %mul3A_391 : i32 to vector<16xi32>
      %mul3A_393 = arith.muli %iota3A, %mul3A_392 : vector<16xi32>
      %add3A_394 = arith.constant 64 : i32
      %add3A_395 = vector.broadcast %add3A_394 : i32 to vector<16xi32>
      %add3A_396 = arith.addi %mul3A_393, %add3A_395 : vector<16xi32>
      %lt3A_397 = arith.constant 125 : i32
      %lt3A_398 = vector.broadcast %lt3A_397 : i32 to vector<16xi32>
      %lt3A_399 = arith.cmpi slt, %add3A_390, %lt3A_398 : vector<16xi32>
      %gather3A_400 = tpu.vector_load_idx %arg12[%add3A_390, %add3A_396] masked %lt3A_399 : memref<125x80xf32, #tpu.memory_space<vmem>>[vector<16xi32>, vector<16xi32>], vector<16xf32>, vector<16xi1>
      %swap3A_401 = arith.constant 330 : index
      %swap3A_402 = tpu.vector_load %arg13[%swap3A_401] {strides = array<i32>} : memref<640xf32, #tpu.memory_space<vmem>>, vector<16xf32>,
      tpu.vector_store %arg13[%swap3A_401], %gather3A_400 {strides = array<i32>} : memref<640xf32, #tpu.memory_space<vmem>>, vector<16xf32>,
      %add3A_403 = arith.constant 96 : i32
      %add3A_404 = vector.broadcast %add3A_403 : i32 to vector<16xi32>
      %add3A_405 = arith.addi %iota3A, %add3A_404 : vector<16xi32>
      %mul3A_406 = arith.constant 0 : i32
      %mul3A_407 = vector.broadcast %mul3A_406 : i32 to vector<16xi32>
      %mul3A_408 = arith.muli %iota3A, %mul3A_407 : vector<16xi32>
      %add3A_409 = arith.constant 64 : i32
      %add3A_410 = vector.broadcast %add3A_409 : i32 to vector<16xi32>
      %add3A_411 = arith.addi %mul3A_408, %add3A_410 : vector<16xi32>
      %lt3A_412 = arith.constant 125 : i32
      %lt3A_413 = vector.broadcast %lt3A_412 : i32 to vector<16xi32>
      %lt3A_414 = arith.cmpi slt, %add3A_405, %lt3A_413 : vector<16xi32>
      %gather3A_415 = tpu.vector_load_idx %arg12[%add3A_405, %add3A_411] masked %lt3A_414 : memref<125x80xf32, #tpu.memory_space<vmem>>[vector<16xi32>, vector<16xi32>], vector<16xf32>, vector<16xi1>
      %swap3A_416 = arith.constant 346 : index
      %swap3A_417 = tpu.vector_load %arg13[%swap3A_416] {strides = array<i32>} : memref<640xf32, #tpu.memory_space<vmem>>, vector<16xf32>,
      tpu.vector_store %arg13[%swap3A_416], %gather3A_415 {strides = array<i32>} : memref<640xf32, #tpu.memory_space<vmem>>, vector<16xf32>,
      %add3A_418 = arith.constant 112 : i32
      %add3A_419 = vector.broadcast %add3A_418 : i32 to vector<16xi32>
      %add3A_420 = arith.addi %iota3A, %add3A_419 : vector<16xi32>
      %mul3A_421 = arith.constant 0 : i32
      %mul3A_422 = vector.broadcast %mul3A_421 : i32 to vector<16xi32>
      %mul3A_423 = arith.muli %iota3A, %mul3A_422 : vector<16xi32>
      %add3A_424 = arith.constant 64 : i32
      %add3A_425 = vector.broadcast %add3A_424 : i32 to vector<16xi32>
      %add3A_426 = arith.addi %mul3A_423, %add3A_425 : vector<16xi32>
      %lt3A_427 = arith.constant 125 : i32
      %lt3A_428 = vector.broadcast %lt3A_427 : i32 to vector<16xi32>
      %lt3A_429 = arith.cmpi slt, %add3A_420, %lt3A_428 : vector<16xi32>
      %gather3A_430 = tpu.vector_load_idx %arg12[%add3A_420, %add3A_426] masked %lt3A_429 : memref<125x80xf32, #tpu.memory_space<vmem>>[vector<16xi32>, vector<16xi32>], vector<16xf32>, vector<16xi1>
      %swap3A_431 = arith.constant 362 : index
      %swap3A_432 = tpu.vector_load %arg13[%swap3A_431] {strides = array<i32>} : memref<640xf32, #tpu.memory_space<vmem>>, vector<16xf32>,
      tpu.vector_store %arg13[%swap3A_431], %gather3A_430 {strides = array<i32>} : memref<640xf32, #tpu.memory_space<vmem>>, vector<16xf32>,
      %dma_wait3A_433 = arith.constant 0 : i32
      %dma_wait3A_434 = arith.constant 0 : i32
      %dma_wait3A_435 = tpu.memref_slice %arg7[%dma_wait3A_433, %add3A_305, %dma_wait3A_434] : memref<2x10000x80xf32, #tpu.memory_space<hbm>> -> memref<1x125x80xf32, #tpu.memory_space<hbm>>
      %dma_wait3A_436 = tpu.memref_squeeze %dma_wait3A_435 : memref<1x125x80xf32, #tpu.memory_space<hbm>> -> memref<125x80xf32, #tpu.memory_space<hbm>>
      %dma_wait3A_437 = arith.constant 0 : i32
      %dma_wait3A_438 = tpu.memref_slice %arg7[%dma_wait3A_433, %add3A_305, %dma_wait3A_437] : memref<2x10000x80xf32, #tpu.memory_space<hbm>> -> memref<1x125x80xf32, #tpu.memory_space<hbm>>
      %dma_wait3A_439 = tpu.memref_squeeze %dma_wait3A_438 : memref<1x125x80xf32, #tpu.memory_space<hbm>> -> memref<125x80xf32, #tpu.memory_space<hbm>>
      tpu.wait_dma2 semaphore(%arg23 : memref<!tpu.dma_semaphore, #tpu.memory_space<semaphore_mem>>) src(%arg12 : memref<125x80xf32, #tpu.memory_space<vmem>>) dst(%dma_wait3A_439 : memref<125x80xf32, #tpu.memory_space<hbm>>)
      %add3A_440 = arith.constant 375 : i32
      %add3A_441 = arith.addi %mul3A_0, %add3A_440 : i32
      "tpu.region"() ({
        %run_scoped3A = tpu.sem_alloc : memref<!tpu.dma_semaphore, #tpu.memory_space<semaphore_mem>>
        %dma_start3A_712 = arith.constant 0 : i32
        %dma_start3A_713 = tpu.memref_slice %arg14[%add3A_441, %dma_start3A_712] : memref<10000x80xf32, #tpu.memory_space<vmem_shared>> -> memref<125x80xf32, #tpu.memory_space<vmem_shared>>
        %dma_start3A_714 = arith.constant 0 : i32
        %dma_start3A_715 = tpu.memref_slice %arg14[%add3A_441, %dma_start3A_714] : memref<10000x80xf32, #tpu.memory_space<vmem_shared>> -> memref<125x80xf32, #tpu.memory_space<vmem_shared>>
        tpu.enqueue_dma source(%dma_start3A_715 : memref<125x80xf32, #tpu.memory_space<vmem_shared>>) target(%arg12 : memref<125x80xf32, #tpu.memory_space<vmem>>) target_semaphore(%run_scoped3A : memref<!tpu.dma_semaphore, #tpu.memory_space<semaphore_mem>>)
        %dma_wait3A_716 = arith.constant 0 : i32
        %dma_wait3A_717 = tpu.memref_slice %arg14[%add3A_441, %dma_wait3A_716] : memref<10000x80xf32, #tpu.memory_space<vmem_shared>> -> memref<125x80xf32, #tpu.memory_space<vmem_shared>>
        %dma_wait3A_718 = arith.constant 0 : i32
        %dma_wait3A_719 = tpu.memref_slice %arg14[%add3A_441, %dma_wait3A_718] : memref<10000x80xf32, #tpu.memory_space<vmem_shared>> -> memref<125x80xf32, #tpu.memory_space<vmem_shared>>
        tpu.wait_dma2 semaphore(%run_scoped3A : memref<!tpu.dma_semaphore, #tpu.memory_space<semaphore_mem>>) src(%dma_wait3A_719 : memref<125x80xf32, #tpu.memory_space<vmem_shared>>) dst(%arg12 : memref<125x80xf32, #tpu.memory_space<vmem>>)
        tpu.yield
      }) : () -> ()
      %dma_start3A_442 = arith.constant 0 : i32
      %dma_start3A_443 = arith.constant 0 : i32
      %dma_start3A_444 = tpu.memref_slice %arg7[%dma_start3A_442, %add3A_441, %dma_start3A_443] : memref<2x10000x80xf32, #tpu.memory_space<hbm>> -> memref<1x125x80xf32, #tpu.memory_space<hbm>>
      %dma_start3A_445 = tpu.memref_squeeze %dma_start3A_444 : memref<1x125x80xf32, #tpu.memory_space<hbm>> -> memref<125x80xf32, #tpu.memory_space<hbm>>
      %dma_start3A_446 = arith.constant 0 : i32
      %dma_start3A_447 = tpu.memref_slice %arg7[%dma_start3A_442, %add3A_441, %dma_start3A_446] : memref<2x10000x80xf32, #tpu.memory_space<hbm>> -> memref<1x125x80xf32, #tpu.memory_space<hbm>>
      %dma_start3A_448 = tpu.memref_squeeze %dma_start3A_447 : memref<1x125x80xf32, #tpu.memory_space<hbm>> -> memref<125x80xf32, #tpu.memory_space<hbm>>
      tpu.enqueue_dma source(%arg12 : memref<125x80xf32, #tpu.memory_space<vmem>>) target(%dma_start3A_448 : memref<125x80xf32, #tpu.memory_space<hbm>>) target_semaphore(%arg23 : memref<!tpu.dma_semaphore, #tpu.memory_space<semaphore_mem>>)
      %add3A_449 = arith.constant 0 : i32
      %add3A_450 = vector.broadcast %add3A_449 : i32 to vector<16xi32>
      %add3A_451 = arith.addi %iota3A, %add3A_450 : vector<16xi32>
      %mul3A_452 = arith.constant 0 : i32
      %mul3A_453 = vector.broadcast %mul3A_452 : i32 to vector<16xi32>
      %mul3A_454 = arith.muli %iota3A, %mul3A_453 : vector<16xi32>
      %add3A_455 = arith.constant 64 : i32
      %add3A_456 = vector.broadcast %add3A_455 : i32 to vector<16xi32>
      %add3A_457 = arith.addi %mul3A_454, %add3A_456 : vector<16xi32>
      %lt3A_458 = arith.constant 125 : i32
      %lt3A_459 = vector.broadcast %lt3A_458 : i32 to vector<16xi32>
      %lt3A_460 = arith.cmpi slt, %add3A_451, %lt3A_459 : vector<16xi32>
      %gather3A_461 = tpu.vector_load_idx %arg12[%add3A_451, %add3A_457] masked %lt3A_460 : memref<125x80xf32, #tpu.memory_space<vmem>>[vector<16xi32>, vector<16xi32>], vector<16xf32>, vector<16xi1>
      %swap3A_462 = arith.constant 375 : index
      %swap3A_463 = tpu.vector_load %arg13[%swap3A_462] {strides = array<i32>} : memref<640xf32, #tpu.memory_space<vmem>>, vector<16xf32>,
      tpu.vector_store %arg13[%swap3A_462], %gather3A_461 {strides = array<i32>} : memref<640xf32, #tpu.memory_space<vmem>>, vector<16xf32>,
      %add3A_464 = arith.constant 16 : i32
      %add3A_465 = vector.broadcast %add3A_464 : i32 to vector<16xi32>
      %add3A_466 = arith.addi %iota3A, %add3A_465 : vector<16xi32>
      %mul3A_467 = arith.constant 0 : i32
      %mul3A_468 = vector.broadcast %mul3A_467 : i32 to vector<16xi32>
      %mul3A_469 = arith.muli %iota3A, %mul3A_468 : vector<16xi32>
      %add3A_470 = arith.constant 64 : i32
      %add3A_471 = vector.broadcast %add3A_470 : i32 to vector<16xi32>
      %add3A_472 = arith.addi %mul3A_469, %add3A_471 : vector<16xi32>
      %lt3A_473 = arith.constant 125 : i32
      %lt3A_474 = vector.broadcast %lt3A_473 : i32 to vector<16xi32>
      %lt3A_475 = arith.cmpi slt, %add3A_466, %lt3A_474 : vector<16xi32>
      %gather3A_476 = tpu.vector_load_idx %arg12[%add3A_466, %add3A_472] masked %lt3A_475 : memref<125x80xf32, #tpu.memory_space<vmem>>[vector<16xi32>, vector<16xi32>], vector<16xf32>, vector<16xi1>
      %swap3A_477 = arith.constant 391 : index
      %swap3A_478 = tpu.vector_load %arg13[%swap3A_477] {strides = array<i32>} : memref<640xf32, #tpu.memory_space<vmem>>, vector<16xf32>,
      tpu.vector_store %arg13[%swap3A_477], %gather3A_476 {strides = array<i32>} : memref<640xf32, #tpu.memory_space<vmem>>, vector<16xf32>,
      %add3A_479 = arith.constant 32 : i32
      %add3A_480 = vector.broadcast %add3A_479 : i32 to vector<16xi32>
      %add3A_481 = arith.addi %iota3A, %add3A_480 : vector<16xi32>
      %mul3A_482 = arith.constant 0 : i32
      %mul3A_483 = vector.broadcast %mul3A_482 : i32 to vector<16xi32>
      %mul3A_484 = arith.muli %iota3A, %mul3A_483 : vector<16xi32>
      %add3A_485 = arith.constant 64 : i32
      %add3A_486 = vector.broadcast %add3A_485 : i32 to vector<16xi32>
      %add3A_487 = arith.addi %mul3A_484, %add3A_486 : vector<16xi32>
      %lt3A_488 = arith.constant 125 : i32
      %lt3A_489 = vector.broadcast %lt3A_488 : i32 to vector<16xi32>
      %lt3A_490 = arith.cmpi slt, %add3A_481, %lt3A_489 : vector<16xi32>
      %gather3A_491 = tpu.vector_load_idx %arg12[%add3A_481, %add3A_487] masked %lt3A_490 : memref<125x80xf32, #tpu.memory_space<vmem>>[vector<16xi32>, vector<16xi32>], vector<16xf32>, vector<16xi1>
      %swap3A_492 = arith.constant 407 : index
      %swap3A_493 = tpu.vector_load %arg13[%swap3A_492] {strides = array<i32>} : memref<640xf32, #tpu.memory_space<vmem>>, vector<16xf32>,
      tpu.vector_store %arg13[%swap3A_492], %gather3A_491 {strides = array<i32>} : memref<640xf32, #tpu.memory_space<vmem>>, vector<16xf32>,
      %add3A_494 = arith.constant 48 : i32
      %add3A_495 = vector.broadcast %add3A_494 : i32 to vector<16xi32>
      %add3A_496 = arith.addi %iota3A, %add3A_495 : vector<16xi32>
      %mul3A_497 = arith.constant 0 : i32
      %mul3A_498 = vector.broadcast %mul3A_497 : i32 to vector<16xi32>
      %mul3A_499 = arith.muli %iota3A, %mul3A_498 : vector<16xi32>
      %add3A_500 = arith.constant 64 : i32
      %add3A_501 = vector.broadcast %add3A_500 : i32 to vector<16xi32>
      %add3A_502 = arith.addi %mul3A_499, %add3A_501 : vector<16xi32>
      %lt3A_503 = arith.constant 125 : i32
      %lt3A_504 = vector.broadcast %lt3A_503 : i32 to vector<16xi32>
      %lt3A_505 = arith.cmpi slt, %add3A_496, %lt3A_504 : vector<16xi32>
      %gather3A_506 = tpu.vector_load_idx %arg12[%add3A_496, %add3A_502] masked %lt3A_505 : memref<125x80xf32, #tpu.memory_space<vmem>>[vector<16xi32>, vector<16xi32>], vector<16xf32>, vector<16xi1>
      %swap3A_507 = arith.constant 423 : index
      %swap3A_508 = tpu.vector_load %arg13[%swap3A_507] {strides = array<i32>} : memref<640xf32, #tpu.memory_space<vmem>>, vector<16xf32>,
      tpu.vector_store %arg13[%swap3A_507], %gather3A_506 {strides = array<i32>} : memref<640xf32, #tpu.memory_space<vmem>>, vector<16xf32>,
      %add3A_509 = arith.constant 64 : i32
      %add3A_510 = vector.broadcast %add3A_509 : i32 to vector<16xi32>
      %add3A_511 = arith.addi %iota3A, %add3A_510 : vector<16xi32>
      %mul3A_512 = arith.constant 0 : i32
      %mul3A_513 = vector.broadcast %mul3A_512 : i32 to vector<16xi32>
      %mul3A_514 = arith.muli %iota3A, %mul3A_513 : vector<16xi32>
      %add3A_515 = arith.constant 64 : i32
      %add3A_516 = vector.broadcast %add3A_515 : i32 to vector<16xi32>
      %add3A_517 = arith.addi %mul3A_514, %add3A_516 : vector<16xi32>
      %lt3A_518 = arith.constant 125 : i32
      %lt3A_519 = vector.broadcast %lt3A_518 : i32 to vector<16xi32>
      %lt3A_520 = arith.cmpi slt, %add3A_511, %lt3A_519 : vector<16xi32>
      %gather3A_521 = tpu.vector_load_idx %arg12[%add3A_511, %add3A_517] masked %lt3A_520 : memref<125x80xf32, #tpu.memory_space<vmem>>[vector<16xi32>, vector<16xi32>], vector<16xf32>, vector<16xi1>
      %swap3A_522 = arith.constant 439 : index
      %swap3A_523 = tpu.vector_load %arg13[%swap3A_522] {strides = array<i32>} : memref<640xf32, #tpu.memory_space<vmem>>, vector<16xf32>,
      tpu.vector_store %arg13[%swap3A_522], %gather3A_521 {strides = array<i32>} : memref<640xf32, #tpu.memory_space<vmem>>, vector<16xf32>,
      %add3A_524 = arith.constant 80 : i32
      %add3A_525 = vector.broadcast %add3A_524 : i32 to vector<16xi32>
      %add3A_526 = arith.addi %iota3A, %add3A_525 : vector<16xi32>
      %mul3A_527 = arith.constant 0 : i32
      %mul3A_528 = vector.broadcast %mul3A_527 : i32 to vector<16xi32>
      %mul3A_529 = arith.muli %iota3A, %mul3A_528 : vector<16xi32>
      %add3A_530 = arith.constant 64 : i32
      %add3A_531 = vector.broadcast %add3A_530 : i32 to vector<16xi32>
      %add3A_532 = arith.addi %mul3A_529, %add3A_531 : vector<16xi32>
      %lt3A_533 = arith.constant 125 : i32
      %lt3A_534 = vector.broadcast %lt3A_533 : i32 to vector<16xi32>
      %lt3A_535 = arith.cmpi slt, %add3A_526, %lt3A_534 : vector<16xi32>
      %gather3A_536 = tpu.vector_load_idx %arg12[%add3A_526, %add3A_532] masked %lt3A_535 : memref<125x80xf32, #tpu.memory_space<vmem>>[vector<16xi32>, vector<16xi32>], vector<16xf32>, vector<16xi1>
      %swap3A_537 = arith.constant 455 : index
      %swap3A_538 = tpu.vector_load %arg13[%swap3A_537] {strides = array<i32>} : memref<640xf32, #tpu.memory_space<vmem>>, vector<16xf32>,
      tpu.vector_store %arg13[%swap3A_537], %gather3A_536 {strides = array<i32>} : memref<640xf32, #tpu.memory_space<vmem>>, vector<16xf32>,
      %add3A_539 = arith.constant 96 : i32
      %add3A_540 = vector.broadcast %add3A_539 : i32 to vector<16xi32>
      %add3A_541 = arith.addi %iota3A, %add3A_540 : vector<16xi32>
      %mul3A_542 = arith.constant 0 : i32
      %mul3A_543 = vector.broadcast %mul3A_542 : i32 to vector<16xi32>
      %mul3A_544 = arith.muli %iota3A, %mul3A_543 : vector<16xi32>
      %add3A_545 = arith.constant 64 : i32
      %add3A_546 = vector.broadcast %add3A_545 : i32 to vector<16xi32>
      %add3A_547 = arith.addi %mul3A_544, %add3A_546 : vector<16xi32>
      %lt3A_548 = arith.constant 125 : i32
      %lt3A_549 = vector.broadcast %lt3A_548 : i32 to vector<16xi32>
      %lt3A_550 = arith.cmpi slt, %add3A_541, %lt3A_549 : vector<16xi32>
      %gather3A_551 = tpu.vector_load_idx %arg12[%add3A_541, %add3A_547] masked %lt3A_550 : memref<125x80xf32, #tpu.memory_space<vmem>>[vector<16xi32>, vector<16xi32>], vector<16xf32>, vector<16xi1>
      %swap3A_552 = arith.constant 471 : index
      %swap3A_553 = tpu.vector_load %arg13[%swap3A_552] {strides = array<i32>} : memref<640xf32, #tpu.memory_space<vmem>>, vector<16xf32>,
      tpu.vector_store %arg13[%swap3A_552], %gather3A_551 {strides = array<i32>} : memref<640xf32, #tpu.memory_space<vmem>>, vector<16xf32>,
      %add3A_554 = arith.constant 112 : i32
      %add3A_555 = vector.broadcast %add3A_554 : i32 to vector<16xi32>
      %add3A_556 = arith.addi %iota3A, %add3A_555 : vector<16xi32>
      %mul3A_557 = arith.constant 0 : i32
      %mul3A_558 = vector.broadcast %mul3A_557 : i32 to vector<16xi32>
      %mul3A_559 = arith.muli %iota3A, %mul3A_558 : vector<16xi32>
      %add3A_560 = arith.constant 64 : i32
      %add3A_561 = vector.broadcast %add3A_560 : i32 to vector<16xi32>
      %add3A_562 = arith.addi %mul3A_559, %add3A_561 : vector<16xi32>
      %lt3A_563 = arith.constant 125 : i32
      %lt3A_564 = vector.broadcast %lt3A_563 : i32 to vector<16xi32>
      %lt3A_565 = arith.cmpi slt, %add3A_556, %lt3A_564 : vector<16xi32>
      %gather3A_566 = tpu.vector_load_idx %arg12[%add3A_556, %add3A_562] masked %lt3A_565 : memref<125x80xf32, #tpu.memory_space<vmem>>[vector<16xi32>, vector<16xi32>], vector<16xf32>, vector<16xi1>
      %swap3A_567 = arith.constant 487 : index
      %swap3A_568 = tpu.vector_load %arg13[%swap3A_567] {strides = array<i32>} : memref<640xf32, #tpu.memory_space<vmem>>, vector<16xf32>,
      tpu.vector_store %arg13[%swap3A_567], %gather3A_566 {strides = array<i32>} : memref<640xf32, #tpu.memory_space<vmem>>, vector<16xf32>,
      %dma_wait3A_569 = arith.constant 0 : i32
      %dma_wait3A_570 = arith.constant 0 : i32
      %dma_wait3A_571 = tpu.memref_slice %arg7[%dma_wait3A_569, %add3A_441, %dma_wait3A_570] : memref<2x10000x80xf32, #tpu.memory_space<hbm>> -> memref<1x125x80xf32, #tpu.memory_space<hbm>>
      %dma_wait3A_572 = tpu.memref_squeeze %dma_wait3A_571 : memref<1x125x80xf32, #tpu.memory_space<hbm>> -> memref<125x80xf32, #tpu.memory_space<hbm>>
      %dma_wait3A_573 = arith.constant 0 : i32
      %dma_wait3A_574 = tpu.memref_slice %arg7[%dma_wait3A_569, %add3A_441, %dma_wait3A_573] : memref<2x10000x80xf32, #tpu.memory_space<hbm>> -> memref<1x125x80xf32, #tpu.memory_space<hbm>>
      %dma_wait3A_575 = tpu.memref_squeeze %dma_wait3A_574 : memref<1x125x80xf32, #tpu.memory_space<hbm>> -> memref<125x80xf32, #tpu.memory_space<hbm>>
      tpu.wait_dma2 semaphore(%arg23 : memref<!tpu.dma_semaphore, #tpu.memory_space<semaphore_mem>>) src(%arg12 : memref<125x80xf32, #tpu.memory_space<vmem>>) dst(%dma_wait3A_575 : memref<125x80xf32, #tpu.memory_space<hbm>>)
      %add3A_576 = arith.constant 500 : i32
      %add3A_577 = arith.addi %mul3A_0, %add3A_576 : i32
      "tpu.region"() ({
        %run_scoped3A = tpu.sem_alloc : memref<!tpu.dma_semaphore, #tpu.memory_space<semaphore_mem>>
        %dma_start3A_712 = arith.constant 0 : i32
        %dma_start3A_713 = tpu.memref_slice %arg14[%add3A_577, %dma_start3A_712] : memref<10000x80xf32, #tpu.memory_space<vmem_shared>> -> memref<125x80xf32, #tpu.memory_space<vmem_shared>>
        %dma_start3A_714 = arith.constant 0 : i32
        %dma_start3A_715 = tpu.memref_slice %arg14[%add3A_577, %dma_start3A_714] : memref<10000x80xf32, #tpu.memory_space<vmem_shared>> -> memref<125x80xf32, #tpu.memory_space<vmem_shared>>
        tpu.enqueue_dma source(%dma_start3A_715 : memref<125x80xf32, #tpu.memory_space<vmem_shared>>) target(%arg12 : memref<125x80xf32, #tpu.memory_space<vmem>>) target_semaphore(%run_scoped3A : memref<!tpu.dma_semaphore, #tpu.memory_space<semaphore_mem>>)
        %dma_wait3A_716 = arith.constant 0 : i32
        %dma_wait3A_717 = tpu.memref_slice %arg14[%add3A_577, %dma_wait3A_716] : memref<10000x80xf32, #tpu.memory_space<vmem_shared>> -> memref<125x80xf32, #tpu.memory_space<vmem_shared>>
        %dma_wait3A_718 = arith.constant 0 : i32
        %dma_wait3A_719 = tpu.memref_slice %arg14[%add3A_577, %dma_wait3A_718] : memref<10000x80xf32, #tpu.memory_space<vmem_shared>> -> memref<125x80xf32, #tpu.memory_space<vmem_shared>>
        tpu.wait_dma2 semaphore(%run_scoped3A : memref<!tpu.dma_semaphore, #tpu.memory_space<semaphore_mem>>) src(%dma_wait3A_719 : memref<125x80xf32, #tpu.memory_space<vmem_shared>>) dst(%arg12 : memref<125x80xf32, #tpu.memory_space<vmem>>)
        tpu.yield
      }) : () -> ()
      %dma_start3A_578 = arith.constant 0 : i32
      %dma_start3A_579 = arith.constant 0 : i32
      %dma_start3A_580 = tpu.memref_slice %arg7[%dma_start3A_578, %add3A_577, %dma_start3A_579] : memref<2x10000x80xf32, #tpu.memory_space<hbm>> -> memref<1x125x80xf32, #tpu.memory_space<hbm>>
      %dma_start3A_581 = tpu.memref_squeeze %dma_start3A_580 : memref<1x125x80xf32, #tpu.memory_space<hbm>> -> memref<125x80xf32, #tpu.memory_space<hbm>>
      %dma_start3A_582 = arith.constant 0 : i32
      %dma_start3A_583 = tpu.memref_slice %arg7[%dma_start3A_578, %add3A_577, %dma_start3A_582] : memref<2x10000x80xf32, #tpu.memory_space<hbm>> -> memref<1x125x80xf32, #tpu.memory_space<hbm>>
      %dma_start3A_584 = tpu.memref_squeeze %dma_start3A_583 : memref<1x125x80xf32, #tpu.memory_space<hbm>> -> memref<125x80xf32, #tpu.memory_space<hbm>>
      tpu.enqueue_dma source(%arg12 : memref<125x80xf32, #tpu.memory_space<vmem>>) target(%dma_start3A_584 : memref<125x80xf32, #tpu.memory_space<hbm>>) target_semaphore(%arg23 : memref<!tpu.dma_semaphore, #tpu.memory_space<semaphore_mem>>)
      %add3A_585 = arith.constant 0 : i32
      %add3A_586 = vector.broadcast %add3A_585 : i32 to vector<16xi32>
      %add3A_587 = arith.addi %iota3A, %add3A_586 : vector<16xi32>
      %mul3A_588 = arith.constant 0 : i32
      %mul3A_589 = vector.broadcast %mul3A_588 : i32 to vector<16xi32>
      %mul3A_590 = arith.muli %iota3A, %mul3A_589 : vector<16xi32>
      %add3A_591 = arith.constant 64 : i32
      %add3A_592 = vector.broadcast %add3A_591 : i32 to vector<16xi32>
      %add3A_593 = arith.addi %mul3A_590, %add3A_592 : vector<16xi32>
      %lt3A_594 = arith.constant 125 : i32
      %lt3A_595 = vector.broadcast %lt3A_594 : i32 to vector<16xi32>
      %lt3A_596 = arith.cmpi slt, %add3A_587, %lt3A_595 : vector<16xi32>
      %gather3A_597 = tpu.vector_load_idx %arg12[%add3A_587, %add3A_593] masked %lt3A_596 : memref<125x80xf32, #tpu.memory_space<vmem>>[vector<16xi32>, vector<16xi32>], vector<16xf32>, vector<16xi1>
      %swap3A_598 = arith.constant 500 : index
      %swap3A_599 = tpu.vector_load %arg13[%swap3A_598] {strides = array<i32>} : memref<640xf32, #tpu.memory_space<vmem>>, vector<16xf32>,
      tpu.vector_store %arg13[%swap3A_598], %gather3A_597 {strides = array<i32>} : memref<640xf32, #tpu.memory_space<vmem>>, vector<16xf32>,
      %add3A_600 = arith.constant 16 : i32
      %add3A_601 = vector.broadcast %add3A_600 : i32 to vector<16xi32>
      %add3A_602 = arith.addi %iota3A, %add3A_601 : vector<16xi32>
      %mul3A_603 = arith.constant 0 : i32
      %mul3A_604 = vector.broadcast %mul3A_603 : i32 to vector<16xi32>
      %mul3A_605 = arith.muli %iota3A, %mul3A_604 : vector<16xi32>
      %add3A_606 = arith.constant 64 : i32
      %add3A_607 = vector.broadcast %add3A_606 : i32 to vector<16xi32>
      %add3A_608 = arith.addi %mul3A_605, %add3A_607 : vector<16xi32>
      %lt3A_609 = arith.constant 125 : i32
      %lt3A_610 = vector.broadcast %lt3A_609 : i32 to vector<16xi32>
      %lt3A_611 = arith.cmpi slt, %add3A_602, %lt3A_610 : vector<16xi32>
      %gather3A_612 = tpu.vector_load_idx %arg12[%add3A_602, %add3A_608] masked %lt3A_611 : memref<125x80xf32, #tpu.memory_space<vmem>>[vector<16xi32>, vector<16xi32>], vector<16xf32>, vector<16xi1>
      %swap3A_613 = arith.constant 516 : index
      %swap3A_614 = tpu.vector_load %arg13[%swap3A_613] {strides = array<i32>} : memref<640xf32, #tpu.memory_space<vmem>>, vector<16xf32>,
      tpu.vector_store %arg13[%swap3A_613], %gather3A_612 {strides = array<i32>} : memref<640xf32, #tpu.memory_space<vmem>>, vector<16xf32>,
      %add3A_615 = arith.constant 32 : i32
      %add3A_616 = vector.broadcast %add3A_615 : i32 to vector<16xi32>
      %add3A_617 = arith.addi %iota3A, %add3A_616 : vector<16xi32>
      %mul3A_618 = arith.constant 0 : i32
      %mul3A_619 = vector.broadcast %mul3A_618 : i32 to vector<16xi32>
      %mul3A_620 = arith.muli %iota3A, %mul3A_619 : vector<16xi32>
      %add3A_621 = arith.constant 64 : i32
      %add3A_622 = vector.broadcast %add3A_621 : i32 to vector<16xi32>
      %add3A_623 = arith.addi %mul3A_620, %add3A_622 : vector<16xi32>
      %lt3A_624 = arith.constant 125 : i32
      %lt3A_625 = vector.broadcast %lt3A_624 : i32 to vector<16xi32>
      %lt3A_626 = arith.cmpi slt, %add3A_617, %lt3A_625 : vector<16xi32>
      %gather3A_627 = tpu.vector_load_idx %arg12[%add3A_617, %add3A_623] masked %lt3A_626 : memref<125x80xf32, #tpu.memory_space<vmem>>[vector<16xi32>, vector<16xi32>], vector<16xf32>, vector<16xi1>
      %swap3A_628 = arith.constant 532 : index
      %swap3A_629 = tpu.vector_load %arg13[%swap3A_628] {strides = array<i32>} : memref<640xf32, #tpu.memory_space<vmem>>, vector<16xf32>,
      tpu.vector_store %arg13[%swap3A_628], %gather3A_627 {strides = array<i32>} : memref<640xf32, #tpu.memory_space<vmem>>, vector<16xf32>,
      %add3A_630 = arith.constant 48 : i32
      %add3A_631 = vector.broadcast %add3A_630 : i32 to vector<16xi32>
      %add3A_632 = arith.addi %iota3A, %add3A_631 : vector<16xi32>
      %mul3A_633 = arith.constant 0 : i32
      %mul3A_634 = vector.broadcast %mul3A_633 : i32 to vector<16xi32>
      %mul3A_635 = arith.muli %iota3A, %mul3A_634 : vector<16xi32>
      %add3A_636 = arith.constant 64 : i32
      %add3A_637 = vector.broadcast %add3A_636 : i32 to vector<16xi32>
      %add3A_638 = arith.addi %mul3A_635, %add3A_637 : vector<16xi32>
      %lt3A_639 = arith.constant 125 : i32
      %lt3A_640 = vector.broadcast %lt3A_639 : i32 to vector<16xi32>
      %lt3A_641 = arith.cmpi slt, %add3A_632, %lt3A_640 : vector<16xi32>
      %gather3A_642 = tpu.vector_load_idx %arg12[%add3A_632, %add3A_638] masked %lt3A_641 : memref<125x80xf32, #tpu.memory_space<vmem>>[vector<16xi32>, vector<16xi32>], vector<16xf32>, vector<16xi1>
      %swap3A_643 = arith.constant 548 : index
      %swap3A_644 = tpu.vector_load %arg13[%swap3A_643] {strides = array<i32>} : memref<640xf32, #tpu.memory_space<vmem>>, vector<16xf32>,
      tpu.vector_store %arg13[%swap3A_643], %gather3A_642 {strides = array<i32>} : memref<640xf32, #tpu.memory_space<vmem>>, vector<16xf32>,
      %add3A_645 = arith.constant 64 : i32
      %add3A_646 = vector.broadcast %add3A_645 : i32 to vector<16xi32>
      %add3A_647 = arith.addi %iota3A, %add3A_646 : vector<16xi32>
      %mul3A_648 = arith.constant 0 : i32
      %mul3A_649 = vector.broadcast %mul3A_648 : i32 to vector<16xi32>
      %mul3A_650 = arith.muli %iota3A, %mul3A_649 : vector<16xi32>
      %add3A_651 = arith.constant 64 : i32
      %add3A_652 = vector.broadcast %add3A_651 : i32 to vector<16xi32>
      %add3A_653 = arith.addi %mul3A_650, %add3A_652 : vector<16xi32>
      %lt3A_654 = arith.constant 125 : i32
      %lt3A_655 = vector.broadcast %lt3A_654 : i32 to vector<16xi32>
      %lt3A_656 = arith.cmpi slt, %add3A_647, %lt3A_655 : vector<16xi32>
      %gather3A_657 = tpu.vector_load_idx %arg12[%add3A_647, %add3A_653] masked %lt3A_656 : memref<125x80xf32, #tpu.memory_space<vmem>>[vector<16xi32>, vector<16xi32>], vector<16xf32>, vector<16xi1>
      %swap3A_658 = arith.constant 564 : index
      %swap3A_659 = tpu.vector_load %arg13[%swap3A_658] {strides = array<i32>} : memref<640xf32, #tpu.memory_space<vmem>>, vector<16xf32>,
      tpu.vector_store %arg13[%swap3A_658], %gather3A_657 {strides = array<i32>} : memref<640xf32, #tpu.memory_space<vmem>>, vector<16xf32>,
      %add3A_660 = arith.constant 80 : i32
      %add3A_661 = vector.broadcast %add3A_660 : i32 to vector<16xi32>
      %add3A_662 = arith.addi %iota3A, %add3A_661 : vector<16xi32>
      %mul3A_663 = arith.constant 0 : i32
      %mul3A_664 = vector.broadcast %mul3A_663 : i32 to vector<16xi32>
      %mul3A_665 = arith.muli %iota3A, %mul3A_664 : vector<16xi32>
      %add3A_666 = arith.constant 64 : i32
      %add3A_667 = vector.broadcast %add3A_666 : i32 to vector<16xi32>
      %add3A_668 = arith.addi %mul3A_665, %add3A_667 : vector<16xi32>
      %lt3A_669 = arith.constant 125 : i32
      %lt3A_670 = vector.broadcast %lt3A_669 : i32 to vector<16xi32>
      %lt3A_671 = arith.cmpi slt, %add3A_662, %lt3A_670 : vector<16xi32>
      %gather3A_672 = tpu.vector_load_idx %arg12[%add3A_662, %add3A_668] masked %lt3A_671 : memref<125x80xf32, #tpu.memory_space<vmem>>[vector<16xi32>, vector<16xi32>], vector<16xf32>, vector<16xi1>
      %swap3A_673 = arith.constant 580 : index
      %swap3A_674 = tpu.vector_load %arg13[%swap3A_673] {strides = array<i32>} : memref<640xf32, #tpu.memory_space<vmem>>, vector<16xf32>,
      tpu.vector_store %arg13[%swap3A_673], %gather3A_672 {strides = array<i32>} : memref<640xf32, #tpu.memory_space<vmem>>, vector<16xf32>,
      %add3A_675 = arith.constant 96 : i32
      %add3A_676 = vector.broadcast %add3A_675 : i32 to vector<16xi32>
      %add3A_677 = arith.addi %iota3A, %add3A_676 : vector<16xi32>
      %mul3A_678 = arith.constant 0 : i32
      %mul3A_679 = vector.broadcast %mul3A_678 : i32 to vector<16xi32>
      %mul3A_680 = arith.muli %iota3A, %mul3A_679 : vector<16xi32>
      %add3A_681 = arith.constant 64 : i32
      %add3A_682 = vector.broadcast %add3A_681 : i32 to vector<16xi32>
      %add3A_683 = arith.addi %mul3A_680, %add3A_682 : vector<16xi32>
      %lt3A_684 = arith.constant 125 : i32
      %lt3A_685 = vector.broadcast %lt3A_684 : i32 to vector<16xi32>
      %lt3A_686 = arith.cmpi slt, %add3A_677, %lt3A_685 : vector<16xi32>
      %gather3A_687 = tpu.vector_load_idx %arg12[%add3A_677, %add3A_683] masked %lt3A_686 : memref<125x80xf32, #tpu.memory_space<vmem>>[vector<16xi32>, vector<16xi32>], vector<16xf32>, vector<16xi1>
      %swap3A_688 = arith.constant 596 : index
      %swap3A_689 = tpu.vector_load %arg13[%swap3A_688] {strides = array<i32>} : memref<640xf32, #tpu.memory_space<vmem>>, vector<16xf32>,
      tpu.vector_store %arg13[%swap3A_688], %gather3A_687 {strides = array<i32>} : memref<640xf32, #tpu.memory_space<vmem>>, vector<16xf32>,
      %add3A_690 = arith.constant 112 : i32
      %add3A_691 = vector.broadcast %add3A_690 : i32 to vector<16xi32>
      %add3A_692 = arith.addi %iota3A, %add3A_691 : vector<16xi32>
      %mul3A_693 = arith.constant 0 : i32
      %mul3A_694 = vector.broadcast %mul3A_693 : i32 to vector<16xi32>
      %mul3A_695 = arith.muli %iota3A, %mul3A_694 : vector<16xi32>
      %add3A_696 = arith.constant 64 : i32
      %add3A_697 = vector.broadcast %add3A_696 : i32 to vector<16xi32>
      %add3A_698 = arith.addi %mul3A_695, %add3A_697 : vector<16xi32>
      %lt3A_699 = arith.constant 125 : i32
      %lt3A_700 = vector.broadcast %lt3A_699 : i32 to vector<16xi32>
      %lt3A_701 = arith.cmpi slt, %add3A_692, %lt3A_700 : vector<16xi32>
      %gather3A_702 = tpu.vector_load_idx %arg12[%add3A_692, %add3A_698] masked %lt3A_701 : memref<125x80xf32, #tpu.memory_space<vmem>>[vector<16xi32>, vector<16xi32>], vector<16xf32>, vector<16xi1>
      %swap3A_703 = arith.constant 612 : index
      %swap3A_704 = tpu.vector_load %arg13[%swap3A_703] {strides = array<i32>} : memref<640xf32, #tpu.memory_space<vmem>>, vector<16xf32>,
      tpu.vector_store %arg13[%swap3A_703], %gather3A_702 {strides = array<i32>} : memref<640xf32, #tpu.memory_space<vmem>>, vector<16xf32>,
      %dma_wait3A_705 = arith.constant 0 : i32
      %dma_wait3A_706 = arith.constant 0 : i32
      %dma_wait3A_707 = tpu.memref_slice %arg7[%dma_wait3A_705, %add3A_577, %dma_wait3A_706] : memref<2x10000x80xf32, #tpu.memory_space<hbm>> -> memref<1x125x80xf32, #tpu.memory_space<hbm>>
      %dma_wait3A_708 = tpu.memref_squeeze %dma_wait3A_707 : memref<1x125x80xf32, #tpu.memory_space<hbm>> -> memref<125x80xf32, #tpu.memory_space<hbm>>
      %dma_wait3A_709 = arith.constant 0 : i32
      %dma_wait3A_710 = tpu.memref_slice %arg7[%dma_wait3A_705, %add3A_577, %dma_wait3A_709] : memref<2x10000x80xf32, #tpu.memory_space<hbm>> -> memref<1x125x80xf32, #tpu.memory_space<hbm>>
      %dma_wait3A_711 = tpu.memref_squeeze %dma_wait3A_710 : memref<1x125x80xf32, #tpu.memory_space<hbm>> -> memref<125x80xf32, #tpu.memory_space<hbm>>
      tpu.wait_dma2 semaphore(%arg23 : memref<!tpu.dma_semaphore, #tpu.memory_space<semaphore_mem>>) src(%arg12 : memref<125x80xf32, #tpu.memory_space<vmem>>) dst(%dma_wait3A_711 : memref<125x80xf32, #tpu.memory_space<hbm>>)
    } else {
    }
    %eq3A_27 = arith.constant 1 : i32
    %eq3A_28 = arith.cmpi eq, %arg0, %eq3A_27 : i32
    %convert_element_type3A_29 = arith.extui %eq3A_28 : i1 to i32
    %cond3A_30 = arith.constant 0 : i32
    %cond3A_31 = arith.cmpi ne, %convert_element_type3A_29, %cond3A_30 : i32
    scf.if %cond3A_31 {
      %add3A_37 = arith.constant 0 : i32
      %add3A_38 = arith.addi %mul3A_0, %add3A_37 : i32
      "tpu.region"() ({
        %run_scoped3A = tpu.sem_alloc : memref<!tpu.dma_semaphore, #tpu.memory_space<semaphore_mem>>
        %dma_start3A_712 = arith.constant 0 : i32
        %dma_start3A_713 = tpu.memref_slice %arg14[%add3A_38, %dma_start3A_712] : memref<10000x80xf32, #tpu.memory_space<vmem_shared>> -> memref<125x80xf32, #tpu.memory_space<vmem_shared>>
        %dma_start3A_714 = arith.constant 0 : i32
        %dma_start3A_715 = tpu.memref_slice %arg14[%add3A_38, %dma_start3A_714] : memref<10000x80xf32, #tpu.memory_space<vmem_shared>> -> memref<125x80xf32, #tpu.memory_space<vmem_shared>>
        tpu.enqueue_dma source(%dma_start3A_715 : memref<125x80xf32, #tpu.memory_space<vmem_shared>>) target(%arg12 : memref<125x80xf32, #tpu.memory_space<vmem>>) target_semaphore(%run_scoped3A : memref<!tpu.dma_semaphore, #tpu.memory_space<semaphore_mem>>)
        %dma_wait3A_716 = arith.constant 0 : i32
        %dma_wait3A_717 = tpu.memref_slice %arg14[%add3A_38, %dma_wait3A_716] : memref<10000x80xf32, #tpu.memory_space<vmem_shared>> -> memref<125x80xf32, #tpu.memory_space<vmem_shared>>
        %dma_wait3A_718 = arith.constant 0 : i32
        %dma_wait3A_719 = tpu.memref_slice %arg14[%add3A_38, %dma_wait3A_718] : memref<10000x80xf32, #tpu.memory_space<vmem_shared>> -> memref<125x80xf32, #tpu.memory_space<vmem_shared>>
        tpu.wait_dma2 semaphore(%run_scoped3A : memref<!tpu.dma_semaphore, #tpu.memory_space<semaphore_mem>>) src(%dma_wait3A_719 : memref<125x80xf32, #tpu.memory_space<vmem_shared>>) dst(%arg12 : memref<125x80xf32, #tpu.memory_space<vmem>>)
        tpu.yield
      }) : () -> ()
      %dma_start3A = arith.constant 1 : i32
      %dma_start3A_39 = arith.constant 0 : i32
      %dma_start3A_40 = tpu.memref_slice %arg7[%dma_start3A, %add3A_38, %dma_start3A_39] : memref<2x10000x80xf32, #tpu.memory_space<hbm>> -> memref<1x125x80xf32, #tpu.memory_space<hbm>>
      %dma_start3A_41 = tpu.memref_squeeze %dma_start3A_40 : memref<1x125x80xf32, #tpu.memory_space<hbm>> -> memref<125x80xf32, #tpu.memory_space<hbm>>
      %dma_start3A_42 = arith.constant 0 : i32
      %dma_start3A_43 = tpu.memref_slice %arg7[%dma_start3A, %add3A_38, %dma_start3A_42] : memref<2x10000x80xf32, #tpu.memory_space<hbm>> -> memref<1x125x80xf32, #tpu.memory_space<hbm>>
      %dma_start3A_44 = tpu.memref_squeeze %dma_start3A_43 : memref<1x125x80xf32, #tpu.memory_space<hbm>> -> memref<125x80xf32, #tpu.memory_space<hbm>>
      tpu.enqueue_dma source(%arg12 : memref<125x80xf32, #tpu.memory_space<vmem>>) target(%dma_start3A_44 : memref<125x80xf32, #tpu.memory_space<hbm>>) target_semaphore(%arg23 : memref<!tpu.dma_semaphore, #tpu.memory_space<semaphore_mem>>)
      %add3A_45 = arith.constant 0 : i32
      %add3A_46 = vector.broadcast %add3A_45 : i32 to vector<16xi32>
      %add3A_47 = arith.addi %iota3A, %add3A_46 : vector<16xi32>
      %mul3A_48 = arith.constant 0 : i32
      %mul3A_49 = vector.broadcast %mul3A_48 : i32 to vector<16xi32>
      %mul3A_50 = arith.muli %iota3A, %mul3A_49 : vector<16xi32>
      %add3A_51 = arith.constant 64 : i32
      %add3A_52 = vector.broadcast %add3A_51 : i32 to vector<16xi32>
      %add3A_53 = arith.addi %mul3A_50, %add3A_52 : vector<16xi32>
      %lt3A = arith.constant 125 : i32
      %lt3A_54 = vector.broadcast %lt3A : i32 to vector<16xi32>
      %lt3A_55 = arith.cmpi slt, %add3A_47, %lt3A_54 : vector<16xi32>
      %gather3A = tpu.vector_load_idx %arg12[%add3A_47, %add3A_53] masked %lt3A_55 : memref<125x80xf32, #tpu.memory_space<vmem>>[vector<16xi32>, vector<16xi32>], vector<16xf32>, vector<16xi1>
      %swap3A = arith.constant 0 : index
      %swap3A_56 = tpu.vector_load %arg13[%swap3A] {strides = array<i32>} : memref<640xf32, #tpu.memory_space<vmem>>, vector<16xf32>,
      tpu.vector_store %arg13[%swap3A], %gather3A {strides = array<i32>} : memref<640xf32, #tpu.memory_space<vmem>>, vector<16xf32>,
      %add3A_57 = arith.constant 16 : i32
      %add3A_58 = vector.broadcast %add3A_57 : i32 to vector<16xi32>
      %add3A_59 = arith.addi %iota3A, %add3A_58 : vector<16xi32>
      %mul3A_60 = arith.constant 0 : i32
      %mul3A_61 = vector.broadcast %mul3A_60 : i32 to vector<16xi32>
      %mul3A_62 = arith.muli %iota3A, %mul3A_61 : vector<16xi32>
      %add3A_63 = arith.constant 64 : i32
      %add3A_64 = vector.broadcast %add3A_63 : i32 to vector<16xi32>
      %add3A_65 = arith.addi %mul3A_62, %add3A_64 : vector<16xi32>
      %lt3A_66 = arith.constant 125 : i32
      %lt3A_67 = vector.broadcast %lt3A_66 : i32 to vector<16xi32>
      %lt3A_68 = arith.cmpi slt, %add3A_59, %lt3A_67 : vector<16xi32>
      %gather3A_69 = tpu.vector_load_idx %arg12[%add3A_59, %add3A_65] masked %lt3A_68 : memref<125x80xf32, #tpu.memory_space<vmem>>[vector<16xi32>, vector<16xi32>], vector<16xf32>, vector<16xi1>
      %swap3A_70 = arith.constant 16 : index
      %swap3A_71 = tpu.vector_load %arg13[%swap3A_70] {strides = array<i32>} : memref<640xf32, #tpu.memory_space<vmem>>, vector<16xf32>,
      tpu.vector_store %arg13[%swap3A_70], %gather3A_69 {strides = array<i32>} : memref<640xf32, #tpu.memory_space<vmem>>, vector<16xf32>,
      %add3A_72 = arith.constant 32 : i32
      %add3A_73 = vector.broadcast %add3A_72 : i32 to vector<16xi32>
      %add3A_74 = arith.addi %iota3A, %add3A_73 : vector<16xi32>
      %mul3A_75 = arith.constant 0 : i32
      %mul3A_76 = vector.broadcast %mul3A_75 : i32 to vector<16xi32>
      %mul3A_77 = arith.muli %iota3A, %mul3A_76 : vector<16xi32>
      %add3A_78 = arith.constant 64 : i32
      %add3A_79 = vector.broadcast %add3A_78 : i32 to vector<16xi32>
      %add3A_80 = arith.addi %mul3A_77, %add3A_79 : vector<16xi32>
      %lt3A_81 = arith.constant 125 : i32
      %lt3A_82 = vector.broadcast %lt3A_81 : i32 to vector<16xi32>
      %lt3A_83 = arith.cmpi slt, %add3A_74, %lt3A_82 : vector<16xi32>
      %gather3A_84 = tpu.vector_load_idx %arg12[%add3A_74, %add3A_80] masked %lt3A_83 : memref<125x80xf32, #tpu.memory_space<vmem>>[vector<16xi32>, vector<16xi32>], vector<16xf32>, vector<16xi1>
      %swap3A_85 = arith.constant 32 : index
      %swap3A_86 = tpu.vector_load %arg13[%swap3A_85] {strides = array<i32>} : memref<640xf32, #tpu.memory_space<vmem>>, vector<16xf32>,
      tpu.vector_store %arg13[%swap3A_85], %gather3A_84 {strides = array<i32>} : memref<640xf32, #tpu.memory_space<vmem>>, vector<16xf32>,
      %add3A_87 = arith.constant 48 : i32
      %add3A_88 = vector.broadcast %add3A_87 : i32 to vector<16xi32>
      %add3A_89 = arith.addi %iota3A, %add3A_88 : vector<16xi32>
      %mul3A_90 = arith.constant 0 : i32
      %mul3A_91 = vector.broadcast %mul3A_90 : i32 to vector<16xi32>
      %mul3A_92 = arith.muli %iota3A, %mul3A_91 : vector<16xi32>
      %add3A_93 = arith.constant 64 : i32
      %add3A_94 = vector.broadcast %add3A_93 : i32 to vector<16xi32>
      %add3A_95 = arith.addi %mul3A_92, %add3A_94 : vector<16xi32>
      %lt3A_96 = arith.constant 125 : i32
      %lt3A_97 = vector.broadcast %lt3A_96 : i32 to vector<16xi32>
      %lt3A_98 = arith.cmpi slt, %add3A_89, %lt3A_97 : vector<16xi32>
      %gather3A_99 = tpu.vector_load_idx %arg12[%add3A_89, %add3A_95] masked %lt3A_98 : memref<125x80xf32, #tpu.memory_space<vmem>>[vector<16xi32>, vector<16xi32>], vector<16xf32>, vector<16xi1>
      %swap3A_100 = arith.constant 48 : index
      %swap3A_101 = tpu.vector_load %arg13[%swap3A_100] {strides = array<i32>} : memref<640xf32, #tpu.memory_space<vmem>>, vector<16xf32>,
      tpu.vector_store %arg13[%swap3A_100], %gather3A_99 {strides = array<i32>} : memref<640xf32, #tpu.memory_space<vmem>>, vector<16xf32>,
      %add3A_102 = arith.constant 64 : i32
      %add3A_103 = vector.broadcast %add3A_102 : i32 to vector<16xi32>
      %add3A_104 = arith.addi %iota3A, %add3A_103 : vector<16xi32>
      %mul3A_105 = arith.constant 0 : i32
      %mul3A_106 = vector.broadcast %mul3A_105 : i32 to vector<16xi32>
      %mul3A_107 = arith.muli %iota3A, %mul3A_106 : vector<16xi32>
      %add3A_108 = arith.constant 64 : i32
      %add3A_109 = vector.broadcast %add3A_108 : i32 to vector<16xi32>
      %add3A_110 = arith.addi %mul3A_107, %add3A_109 : vector<16xi32>
      %lt3A_111 = arith.constant 125 : i32
      %lt3A_112 = vector.broadcast %lt3A_111 : i32 to vector<16xi32>
      %lt3A_113 = arith.cmpi slt, %add3A_104, %lt3A_112 : vector<16xi32>
      %gather3A_114 = tpu.vector_load_idx %arg12[%add3A_104, %add3A_110] masked %lt3A_113 : memref<125x80xf32, #tpu.memory_space<vmem>>[vector<16xi32>, vector<16xi32>], vector<16xf32>, vector<16xi1>
      %swap3A_115 = arith.constant 64 : index
      %swap3A_116 = tpu.vector_load %arg13[%swap3A_115] {strides = array<i32>} : memref<640xf32, #tpu.memory_space<vmem>>, vector<16xf32>,
      tpu.vector_store %arg13[%swap3A_115], %gather3A_114 {strides = array<i32>} : memref<640xf32, #tpu.memory_space<vmem>>, vector<16xf32>,
      %add3A_117 = arith.constant 80 : i32
      %add3A_118 = vector.broadcast %add3A_117 : i32 to vector<16xi32>
      %add3A_119 = arith.addi %iota3A, %add3A_118 : vector<16xi32>
      %mul3A_120 = arith.constant 0 : i32
      %mul3A_121 = vector.broadcast %mul3A_120 : i32 to vector<16xi32>
      %mul3A_122 = arith.muli %iota3A, %mul3A_121 : vector<16xi32>
      %add3A_123 = arith.constant 64 : i32
      %add3A_124 = vector.broadcast %add3A_123 : i32 to vector<16xi32>
      %add3A_125 = arith.addi %mul3A_122, %add3A_124 : vector<16xi32>
      %lt3A_126 = arith.constant 125 : i32
      %lt3A_127 = vector.broadcast %lt3A_126 : i32 to vector<16xi32>
      %lt3A_128 = arith.cmpi slt, %add3A_119, %lt3A_127 : vector<16xi32>
      %gather3A_129 = tpu.vector_load_idx %arg12[%add3A_119, %add3A_125] masked %lt3A_128 : memref<125x80xf32, #tpu.memory_space<vmem>>[vector<16xi32>, vector<16xi32>], vector<16xf32>, vector<16xi1>
      %swap3A_130 = arith.constant 80 : index
      %swap3A_131 = tpu.vector_load %arg13[%swap3A_130] {strides = array<i32>} : memref<640xf32, #tpu.memory_space<vmem>>, vector<16xf32>,
      tpu.vector_store %arg13[%swap3A_130], %gather3A_129 {strides = array<i32>} : memref<640xf32, #tpu.memory_space<vmem>>, vector<16xf32>,
      %add3A_132 = arith.constant 96 : i32
      %add3A_133 = vector.broadcast %add3A_132 : i32 to vector<16xi32>
      %add3A_134 = arith.addi %iota3A, %add3A_133 : vector<16xi32>
      %mul3A_135 = arith.constant 0 : i32
      %mul3A_136 = vector.broadcast %mul3A_135 : i32 to vector<16xi32>
      %mul3A_137 = arith.muli %iota3A, %mul3A_136 : vector<16xi32>
      %add3A_138 = arith.constant 64 : i32
      %add3A_139 = vector.broadcast %add3A_138 : i32 to vector<16xi32>
      %add3A_140 = arith.addi %mul3A_137, %add3A_139 : vector<16xi32>
      %lt3A_141 = arith.constant 125 : i32
      %lt3A_142 = vector.broadcast %lt3A_141 : i32 to vector<16xi32>
      %lt3A_143 = arith.cmpi slt, %add3A_134, %lt3A_142 : vector<16xi32>
      %gather3A_144 = tpu.vector_load_idx %arg12[%add3A_134, %add3A_140] masked %lt3A_143 : memref<125x80xf32, #tpu.memory_space<vmem>>[vector<16xi32>, vector<16xi32>], vector<16xf32>, vector<16xi1>
      %swap3A_145 = arith.constant 96 : index
      %swap3A_146 = tpu.vector_load %arg13[%swap3A_145] {strides = array<i32>} : memref<640xf32, #tpu.memory_space<vmem>>, vector<16xf32>,
      tpu.vector_store %arg13[%swap3A_145], %gather3A_144 {strides = array<i32>} : memref<640xf32, #tpu.memory_space<vmem>>, vector<16xf32>,
      %add3A_147 = arith.constant 112 : i32
      %add3A_148 = vector.broadcast %add3A_147 : i32 to vector<16xi32>
      %add3A_149 = arith.addi %iota3A, %add3A_148 : vector<16xi32>
      %mul3A_150 = arith.constant 0 : i32
      %mul3A_151 = vector.broadcast %mul3A_150 : i32 to vector<16xi32>
      %mul3A_152 = arith.muli %iota3A, %mul3A_151 : vector<16xi32>
      %add3A_153 = arith.constant 64 : i32
      %add3A_154 = vector.broadcast %add3A_153 : i32 to vector<16xi32>
      %add3A_155 = arith.addi %mul3A_152, %add3A_154 : vector<16xi32>
      %lt3A_156 = arith.constant 125 : i32
      %lt3A_157 = vector.broadcast %lt3A_156 : i32 to vector<16xi32>
      %lt3A_158 = arith.cmpi slt, %add3A_149, %lt3A_157 : vector<16xi32>
      %gather3A_159 = tpu.vector_load_idx %arg12[%add3A_149, %add3A_155] masked %lt3A_158 : memref<125x80xf32, #tpu.memory_space<vmem>>[vector<16xi32>, vector<16xi32>], vector<16xf32>, vector<16xi1>
      %swap3A_160 = arith.constant 112 : index
      %swap3A_161 = tpu.vector_load %arg13[%swap3A_160] {strides = array<i32>} : memref<640xf32, #tpu.memory_space<vmem>>, vector<16xf32>,
      tpu.vector_store %arg13[%swap3A_160], %gather3A_159 {strides = array<i32>} : memref<640xf32, #tpu.memory_space<vmem>>, vector<16xf32>,
      %dma_wait3A = arith.constant 1 : i32
      %dma_wait3A_162 = arith.constant 0 : i32
      %dma_wait3A_163 = tpu.memref_slice %arg7[%dma_wait3A, %add3A_38, %dma_wait3A_162] : memref<2x10000x80xf32, #tpu.memory_space<hbm>> -> memref<1x125x80xf32, #tpu.memory_space<hbm>>
      %dma_wait3A_164 = tpu.memref_squeeze %dma_wait3A_163 : memref<1x125x80xf32, #tpu.memory_space<hbm>> -> memref<125x80xf32, #tpu.memory_space<hbm>>
      %dma_wait3A_165 = arith.constant 0 : i32
      %dma_wait3A_166 = tpu.memref_slice %arg7[%dma_wait3A, %add3A_38, %dma_wait3A_165] : memref<2x10000x80xf32, #tpu.memory_space<hbm>> -> memref<1x125x80xf32, #tpu.memory_space<hbm>>
      %dma_wait3A_167 = tpu.memref_squeeze %dma_wait3A_166 : memref<1x125x80xf32, #tpu.memory_space<hbm>> -> memref<125x80xf32, #tpu.memory_space<hbm>>
      tpu.wait_dma2 semaphore(%arg23 : memref<!tpu.dma_semaphore, #tpu.memory_space<semaphore_mem>>) src(%arg12 : memref<125x80xf32, #tpu.memory_space<vmem>>) dst(%dma_wait3A_167 : memref<125x80xf32, #tpu.memory_space<hbm>>)
      %add3A_168 = arith.constant 125 : i32
      %add3A_169 = arith.addi %mul3A_0, %add3A_168 : i32
      "tpu.region"() ({
        %run_scoped3A = tpu.sem_alloc : memref<!tpu.dma_semaphore, #tpu.memory_space<semaphore_mem>>
        %dma_start3A_712 = arith.constant 0 : i32
        %dma_start3A_713 = tpu.memref_slice %arg14[%add3A_169, %dma_start3A_712] : memref<10000x80xf32, #tpu.memory_space<vmem_shared>> -> memref<125x80xf32, #tpu.memory_space<vmem_shared>>
        %dma_start3A_714 = arith.constant 0 : i32
        %dma_start3A_715 = tpu.memref_slice %arg14[%add3A_169, %dma_start3A_714] : memref<10000x80xf32, #tpu.memory_space<vmem_shared>> -> memref<125x80xf32, #tpu.memory_space<vmem_shared>>
        tpu.enqueue_dma source(%dma_start3A_715 : memref<125x80xf32, #tpu.memory_space<vmem_shared>>) target(%arg12 : memref<125x80xf32, #tpu.memory_space<vmem>>) target_semaphore(%run_scoped3A : memref<!tpu.dma_semaphore, #tpu.memory_space<semaphore_mem>>)
        %dma_wait3A_716 = arith.constant 0 : i32
        %dma_wait3A_717 = tpu.memref_slice %arg14[%add3A_169, %dma_wait3A_716] : memref<10000x80xf32, #tpu.memory_space<vmem_shared>> -> memref<125x80xf32, #tpu.memory_space<vmem_shared>>
        %dma_wait3A_718 = arith.constant 0 : i32
        %dma_wait3A_719 = tpu.memref_slice %arg14[%add3A_169, %dma_wait3A_718] : memref<10000x80xf32, #tpu.memory_space<vmem_shared>> -> memref<125x80xf32, #tpu.memory_space<vmem_shared>>
        tpu.wait_dma2 semaphore(%run_scoped3A : memref<!tpu.dma_semaphore, #tpu.memory_space<semaphore_mem>>) src(%dma_wait3A_719 : memref<125x80xf32, #tpu.memory_space<vmem_shared>>) dst(%arg12 : memref<125x80xf32, #tpu.memory_space<vmem>>)
        tpu.yield
      }) : () -> ()
      %dma_start3A_170 = arith.constant 1 : i32
      %dma_start3A_171 = arith.constant 0 : i32
      %dma_start3A_172 = tpu.memref_slice %arg7[%dma_start3A_170, %add3A_169, %dma_start3A_171] : memref<2x10000x80xf32, #tpu.memory_space<hbm>> -> memref<1x125x80xf32, #tpu.memory_space<hbm>>
      %dma_start3A_173 = tpu.memref_squeeze %dma_start3A_172 : memref<1x125x80xf32, #tpu.memory_space<hbm>> -> memref<125x80xf32, #tpu.memory_space<hbm>>
      %dma_start3A_174 = arith.constant 0 : i32
      %dma_start3A_175 = tpu.memref_slice %arg7[%dma_start3A_170, %add3A_169, %dma_start3A_174] : memref<2x10000x80xf32, #tpu.memory_space<hbm>> -> memref<1x125x80xf32, #tpu.memory_space<hbm>>
      %dma_start3A_176 = tpu.memref_squeeze %dma_start3A_175 : memref<1x125x80xf32, #tpu.memory_space<hbm>> -> memref<125x80xf32, #tpu.memory_space<hbm>>
      tpu.enqueue_dma source(%arg12 : memref<125x80xf32, #tpu.memory_space<vmem>>) target(%dma_start3A_176 : memref<125x80xf32, #tpu.memory_space<hbm>>) target_semaphore(%arg23 : memref<!tpu.dma_semaphore, #tpu.memory_space<semaphore_mem>>)
      %add3A_177 = arith.constant 0 : i32
      %add3A_178 = vector.broadcast %add3A_177 : i32 to vector<16xi32>
      %add3A_179 = arith.addi %iota3A, %add3A_178 : vector<16xi32>
      %mul3A_180 = arith.constant 0 : i32
      %mul3A_181 = vector.broadcast %mul3A_180 : i32 to vector<16xi32>
      %mul3A_182 = arith.muli %iota3A, %mul3A_181 : vector<16xi32>
      %add3A_183 = arith.constant 64 : i32
      %add3A_184 = vector.broadcast %add3A_183 : i32 to vector<16xi32>
      %add3A_185 = arith.addi %mul3A_182, %add3A_184 : vector<16xi32>
      %lt3A_186 = arith.constant 125 : i32
      %lt3A_187 = vector.broadcast %lt3A_186 : i32 to vector<16xi32>
      %lt3A_188 = arith.cmpi slt, %add3A_179, %lt3A_187 : vector<16xi32>
      %gather3A_189 = tpu.vector_load_idx %arg12[%add3A_179, %add3A_185] masked %lt3A_188 : memref<125x80xf32, #tpu.memory_space<vmem>>[vector<16xi32>, vector<16xi32>], vector<16xf32>, vector<16xi1>
      %swap3A_190 = arith.constant 125 : index
      %swap3A_191 = tpu.vector_load %arg13[%swap3A_190] {strides = array<i32>} : memref<640xf32, #tpu.memory_space<vmem>>, vector<16xf32>,
      tpu.vector_store %arg13[%swap3A_190], %gather3A_189 {strides = array<i32>} : memref<640xf32, #tpu.memory_space<vmem>>, vector<16xf32>,
      %add3A_192 = arith.constant 16 : i32
      %add3A_193 = vector.broadcast %add3A_192 : i32 to vector<16xi32>
      %add3A_194 = arith.addi %iota3A, %add3A_193 : vector<16xi32>
      %mul3A_195 = arith.constant 0 : i32
      %mul3A_196 = vector.broadcast %mul3A_195 : i32 to vector<16xi32>
      %mul3A_197 = arith.muli %iota3A, %mul3A_196 : vector<16xi32>
      %add3A_198 = arith.constant 64 : i32
      %add3A_199 = vector.broadcast %add3A_198 : i32 to vector<16xi32>
      %add3A_200 = arith.addi %mul3A_197, %add3A_199 : vector<16xi32>
      %lt3A_201 = arith.constant 125 : i32
      %lt3A_202 = vector.broadcast %lt3A_201 : i32 to vector<16xi32>
      %lt3A_203 = arith.cmpi slt, %add3A_194, %lt3A_202 : vector<16xi32>
      %gather3A_204 = tpu.vector_load_idx %arg12[%add3A_194, %add3A_200] masked %lt3A_203 : memref<125x80xf32, #tpu.memory_space<vmem>>[vector<16xi32>, vector<16xi32>], vector<16xf32>, vector<16xi1>
      %swap3A_205 = arith.constant 141 : index
      %swap3A_206 = tpu.vector_load %arg13[%swap3A_205] {strides = array<i32>} : memref<640xf32, #tpu.memory_space<vmem>>, vector<16xf32>,
      tpu.vector_store %arg13[%swap3A_205], %gather3A_204 {strides = array<i32>} : memref<640xf32, #tpu.memory_space<vmem>>, vector<16xf32>,
      %add3A_207 = arith.constant 32 : i32
      %add3A_208 = vector.broadcast %add3A_207 : i32 to vector<16xi32>
      %add3A_209 = arith.addi %iota3A, %add3A_208 : vector<16xi32>
      %mul3A_210 = arith.constant 0 : i32
      %mul3A_211 = vector.broadcast %mul3A_210 : i32 to vector<16xi32>
      %mul3A_212 = arith.muli %iota3A, %mul3A_211 : vector<16xi32>
      %add3A_213 = arith.constant 64 : i32
      %add3A_214 = vector.broadcast %add3A_213 : i32 to vector<16xi32>
      %add3A_215 = arith.addi %mul3A_212, %add3A_214 : vector<16xi32>
      %lt3A_216 = arith.constant 125 : i32
      %lt3A_217 = vector.broadcast %lt3A_216 : i32 to vector<16xi32>
      %lt3A_218 = arith.cmpi slt, %add3A_209, %lt3A_217 : vector<16xi32>
      %gather3A_219 = tpu.vector_load_idx %arg12[%add3A_209, %add3A_215] masked %lt3A_218 : memref<125x80xf32, #tpu.memory_space<vmem>>[vector<16xi32>, vector<16xi32>], vector<16xf32>, vector<16xi1>
      %swap3A_220 = arith.constant 157 : index
      %swap3A_221 = tpu.vector_load %arg13[%swap3A_220] {strides = array<i32>} : memref<640xf32, #tpu.memory_space<vmem>>, vector<16xf32>,
      tpu.vector_store %arg13[%swap3A_220], %gather3A_219 {strides = array<i32>} : memref<640xf32, #tpu.memory_space<vmem>>, vector<16xf32>,
      %add3A_222 = arith.constant 48 : i32
      %add3A_223 = vector.broadcast %add3A_222 : i32 to vector<16xi32>
      %add3A_224 = arith.addi %iota3A, %add3A_223 : vector<16xi32>
      %mul3A_225 = arith.constant 0 : i32
      %mul3A_226 = vector.broadcast %mul3A_225 : i32 to vector<16xi32>
      %mul3A_227 = arith.muli %iota3A, %mul3A_226 : vector<16xi32>
      %add3A_228 = arith.constant 64 : i32
      %add3A_229 = vector.broadcast %add3A_228 : i32 to vector<16xi32>
      %add3A_230 = arith.addi %mul3A_227, %add3A_229 : vector<16xi32>
      %lt3A_231 = arith.constant 125 : i32
      %lt3A_232 = vector.broadcast %lt3A_231 : i32 to vector<16xi32>
      %lt3A_233 = arith.cmpi slt, %add3A_224, %lt3A_232 : vector<16xi32>
      %gather3A_234 = tpu.vector_load_idx %arg12[%add3A_224, %add3A_230] masked %lt3A_233 : memref<125x80xf32, #tpu.memory_space<vmem>>[vector<16xi32>, vector<16xi32>], vector<16xf32>, vector<16xi1>
      %swap3A_235 = arith.constant 173 : index
      %swap3A_236 = tpu.vector_load %arg13[%swap3A_235] {strides = array<i32>} : memref<640xf32, #tpu.memory_space<vmem>>, vector<16xf32>,
      tpu.vector_store %arg13[%swap3A_235], %gather3A_234 {strides = array<i32>} : memref<640xf32, #tpu.memory_space<vmem>>, vector<16xf32>,
      %add3A_237 = arith.constant 64 : i32
      %add3A_238 = vector.broadcast %add3A_237 : i32 to vector<16xi32>
      %add3A_239 = arith.addi %iota3A, %add3A_238 : vector<16xi32>
      %mul3A_240 = arith.constant 0 : i32
      %mul3A_241 = vector.broadcast %mul3A_240 : i32 to vector<16xi32>
      %mul3A_242 = arith.muli %iota3A, %mul3A_241 : vector<16xi32>
      %add3A_243 = arith.constant 64 : i32
      %add3A_244 = vector.broadcast %add3A_243 : i32 to vector<16xi32>
      %add3A_245 = arith.addi %mul3A_242, %add3A_244 : vector<16xi32>
      %lt3A_246 = arith.constant 125 : i32
      %lt3A_247 = vector.broadcast %lt3A_246 : i32 to vector<16xi32>
      %lt3A_248 = arith.cmpi slt, %add3A_239, %lt3A_247 : vector<16xi32>
      %gather3A_249 = tpu.vector_load_idx %arg12[%add3A_239, %add3A_245] masked %lt3A_248 : memref<125x80xf32, #tpu.memory_space<vmem>>[vector<16xi32>, vector<16xi32>], vector<16xf32>, vector<16xi1>
      %swap3A_250 = arith.constant 189 : index
      %swap3A_251 = tpu.vector_load %arg13[%swap3A_250] {strides = array<i32>} : memref<640xf32, #tpu.memory_space<vmem>>, vector<16xf32>,
      tpu.vector_store %arg13[%swap3A_250], %gather3A_249 {strides = array<i32>} : memref<640xf32, #tpu.memory_space<vmem>>, vector<16xf32>,
      %add3A_252 = arith.constant 80 : i32
      %add3A_253 = vector.broadcast %add3A_252 : i32 to vector<16xi32>
      %add3A_254 = arith.addi %iota3A, %add3A_253 : vector<16xi32>
      %mul3A_255 = arith.constant 0 : i32
      %mul3A_256 = vector.broadcast %mul3A_255 : i32 to vector<16xi32>
      %mul3A_257 = arith.muli %iota3A, %mul3A_256 : vector<16xi32>
      %add3A_258 = arith.constant 64 : i32
      %add3A_259 = vector.broadcast %add3A_258 : i32 to vector<16xi32>
      %add3A_260 = arith.addi %mul3A_257, %add3A_259 : vector<16xi32>
      %lt3A_261 = arith.constant 125 : i32
      %lt3A_262 = vector.broadcast %lt3A_261 : i32 to vector<16xi32>
      %lt3A_263 = arith.cmpi slt, %add3A_254, %lt3A_262 : vector<16xi32>
      %gather3A_264 = tpu.vector_load_idx %arg12[%add3A_254, %add3A_260] masked %lt3A_263 : memref<125x80xf32, #tpu.memory_space<vmem>>[vector<16xi32>, vector<16xi32>], vector<16xf32>, vector<16xi1>
      %swap3A_265 = arith.constant 205 : index
      %swap3A_266 = tpu.vector_load %arg13[%swap3A_265] {strides = array<i32>} : memref<640xf32, #tpu.memory_space<vmem>>, vector<16xf32>,
      tpu.vector_store %arg13[%swap3A_265], %gather3A_264 {strides = array<i32>} : memref<640xf32, #tpu.memory_space<vmem>>, vector<16xf32>,
      %add3A_267 = arith.constant 96 : i32
      %add3A_268 = vector.broadcast %add3A_267 : i32 to vector<16xi32>
      %add3A_269 = arith.addi %iota3A, %add3A_268 : vector<16xi32>
      %mul3A_270 = arith.constant 0 : i32
      %mul3A_271 = vector.broadcast %mul3A_270 : i32 to vector<16xi32>
      %mul3A_272 = arith.muli %iota3A, %mul3A_271 : vector<16xi32>
      %add3A_273 = arith.constant 64 : i32
      %add3A_274 = vector.broadcast %add3A_273 : i32 to vector<16xi32>
      %add3A_275 = arith.addi %mul3A_272, %add3A_274 : vector<16xi32>
      %lt3A_276 = arith.constant 125 : i32
      %lt3A_277 = vector.broadcast %lt3A_276 : i32 to vector<16xi32>
      %lt3A_278 = arith.cmpi slt, %add3A_269, %lt3A_277 : vector<16xi32>
      %gather3A_279 = tpu.vector_load_idx %arg12[%add3A_269, %add3A_275] masked %lt3A_278 : memref<125x80xf32, #tpu.memory_space<vmem>>[vector<16xi32>, vector<16xi32>], vector<16xf32>, vector<16xi1>
      %swap3A_280 = arith.constant 221 : index
      %swap3A_281 = tpu.vector_load %arg13[%swap3A_280] {strides = array<i32>} : memref<640xf32, #tpu.memory_space<vmem>>, vector<16xf32>,
      tpu.vector_store %arg13[%swap3A_280], %gather3A_279 {strides = array<i32>} : memref<640xf32, #tpu.memory_space<vmem>>, vector<16xf32>,
      %add3A_282 = arith.constant 112 : i32
      %add3A_283 = vector.broadcast %add3A_282 : i32 to vector<16xi32>
      %add3A_284 = arith.addi %iota3A, %add3A_283 : vector<16xi32>
      %mul3A_285 = arith.constant 0 : i32
      %mul3A_286 = vector.broadcast %mul3A_285 : i32 to vector<16xi32>
      %mul3A_287 = arith.muli %iota3A, %mul3A_286 : vector<16xi32>
      %add3A_288 = arith.constant 64 : i32
      %add3A_289 = vector.broadcast %add3A_288 : i32 to vector<16xi32>
      %add3A_290 = arith.addi %mul3A_287, %add3A_289 : vector<16xi32>
      %lt3A_291 = arith.constant 125 : i32
      %lt3A_292 = vector.broadcast %lt3A_291 : i32 to vector<16xi32>
      %lt3A_293 = arith.cmpi slt, %add3A_284, %lt3A_292 : vector<16xi32>
      %gather3A_294 = tpu.vector_load_idx %arg12[%add3A_284, %add3A_290] masked %lt3A_293 : memref<125x80xf32, #tpu.memory_space<vmem>>[vector<16xi32>, vector<16xi32>], vector<16xf32>, vector<16xi1>
      %swap3A_295 = arith.constant 237 : index
      %swap3A_296 = tpu.vector_load %arg13[%swap3A_295] {strides = array<i32>} : memref<640xf32, #tpu.memory_space<vmem>>, vector<16xf32>,
      tpu.vector_store %arg13[%swap3A_295], %gather3A_294 {strides = array<i32>} : memref<640xf32, #tpu.memory_space<vmem>>, vector<16xf32>,
      %dma_wait3A_297 = arith.constant 1 : i32
      %dma_wait3A_298 = arith.constant 0 : i32
      %dma_wait3A_299 = tpu.memref_slice %arg7[%dma_wait3A_297, %add3A_169, %dma_wait3A_298] : memref<2x10000x80xf32, #tpu.memory_space<hbm>> -> memref<1x125x80xf32, #tpu.memory_space<hbm>>
      %dma_wait3A_300 = tpu.memref_squeeze %dma_wait3A_299 : memref<1x125x80xf32, #tpu.memory_space<hbm>> -> memref<125x80xf32, #tpu.memory_space<hbm>>
      %dma_wait3A_301 = arith.constant 0 : i32
      %dma_wait3A_302 = tpu.memref_slice %arg7[%dma_wait3A_297, %add3A_169, %dma_wait3A_301] : memref<2x10000x80xf32, #tpu.memory_space<hbm>> -> memref<1x125x80xf32, #tpu.memory_space<hbm>>
      %dma_wait3A_303 = tpu.memref_squeeze %dma_wait3A_302 : memref<1x125x80xf32, #tpu.memory_space<hbm>> -> memref<125x80xf32, #tpu.memory_space<hbm>>
      tpu.wait_dma2 semaphore(%arg23 : memref<!tpu.dma_semaphore, #tpu.memory_space<semaphore_mem>>) src(%arg12 : memref<125x80xf32, #tpu.memory_space<vmem>>) dst(%dma_wait3A_303 : memref<125x80xf32, #tpu.memory_space<hbm>>)
      %add3A_304 = arith.constant 250 : i32
      %add3A_305 = arith.addi %mul3A_0, %add3A_304 : i32
      "tpu.region"() ({
        %run_scoped3A = tpu.sem_alloc : memref<!tpu.dma_semaphore, #tpu.memory_space<semaphore_mem>>
        %dma_start3A_712 = arith.constant 0 : i32
        %dma_start3A_713 = tpu.memref_slice %arg14[%add3A_305, %dma_start3A_712] : memref<10000x80xf32, #tpu.memory_space<vmem_shared>> -> memref<125x80xf32, #tpu.memory_space<vmem_shared>>
        %dma_start3A_714 = arith.constant 0 : i32
        %dma_start3A_715 = tpu.memref_slice %arg14[%add3A_305, %dma_start3A_714] : memref<10000x80xf32, #tpu.memory_space<vmem_shared>> -> memref<125x80xf32, #tpu.memory_space<vmem_shared>>
        tpu.enqueue_dma source(%dma_start3A_715 : memref<125x80xf32, #tpu.memory_space<vmem_shared>>) target(%arg12 : memref<125x80xf32, #tpu.memory_space<vmem>>) target_semaphore(%run_scoped3A : memref<!tpu.dma_semaphore, #tpu.memory_space<semaphore_mem>>)
        %dma_wait3A_716 = arith.constant 0 : i32
        %dma_wait3A_717 = tpu.memref_slice %arg14[%add3A_305, %dma_wait3A_716] : memref<10000x80xf32, #tpu.memory_space<vmem_shared>> -> memref<125x80xf32, #tpu.memory_space<vmem_shared>>
        %dma_wait3A_718 = arith.constant 0 : i32
        %dma_wait3A_719 = tpu.memref_slice %arg14[%add3A_305, %dma_wait3A_718] : memref<10000x80xf32, #tpu.memory_space<vmem_shared>> -> memref<125x80xf32, #tpu.memory_space<vmem_shared>>
        tpu.wait_dma2 semaphore(%run_scoped3A : memref<!tpu.dma_semaphore, #tpu.memory_space<semaphore_mem>>) src(%dma_wait3A_719 : memref<125x80xf32, #tpu.memory_space<vmem_shared>>) dst(%arg12 : memref<125x80xf32, #tpu.memory_space<vmem>>)
        tpu.yield
      }) : () -> ()
      %dma_start3A_306 = arith.constant 1 : i32
      %dma_start3A_307 = arith.constant 0 : i32
      %dma_start3A_308 = tpu.memref_slice %arg7[%dma_start3A_306, %add3A_305, %dma_start3A_307] : memref<2x10000x80xf32, #tpu.memory_space<hbm>> -> memref<1x125x80xf32, #tpu.memory_space<hbm>>
      %dma_start3A_309 = tpu.memref_squeeze %dma_start3A_308 : memref<1x125x80xf32, #tpu.memory_space<hbm>> -> memref<125x80xf32, #tpu.memory_space<hbm>>
      %dma_start3A_310 = arith.constant 0 : i32
      %dma_start3A_311 = tpu.memref_slice %arg7[%dma_start3A_306, %add3A_305, %dma_start3A_310] : memref<2x10000x80xf32, #tpu.memory_space<hbm>> -> memref<1x125x80xf32, #tpu.memory_space<hbm>>
      %dma_start3A_312 = tpu.memref_squeeze %dma_start3A_311 : memref<1x125x80xf32, #tpu.memory_space<hbm>> -> memref<125x80xf32, #tpu.memory_space<hbm>>
      tpu.enqueue_dma source(%arg12 : memref<125x80xf32, #tpu.memory_space<vmem>>) target(%dma_start3A_312 : memref<125x80xf32, #tpu.memory_space<hbm>>) target_semaphore(%arg23 : memref<!tpu.dma_semaphore, #tpu.memory_space<semaphore_mem>>)
      %add3A_313 = arith.constant 0 : i32
      %add3A_314 = vector.broadcast %add3A_313 : i32 to vector<16xi32>
      %add3A_315 = arith.addi %iota3A, %add3A_314 : vector<16xi32>
      %mul3A_316 = arith.constant 0 : i32
      %mul3A_317 = vector.broadcast %mul3A_316 : i32 to vector<16xi32>
      %mul3A_318 = arith.muli %iota3A, %mul3A_317 : vector<16xi32>
      %add3A_319 = arith.constant 64 : i32
      %add3A_320 = vector.broadcast %add3A_319 : i32 to vector<16xi32>
      %add3A_321 = arith.addi %mul3A_318, %add3A_320 : vector<16xi32>
      %lt3A_322 = arith.constant 125 : i32
      %lt3A_323 = vector.broadcast %lt3A_322 : i32 to vector<16xi32>
      %lt3A_324 = arith.cmpi slt, %add3A_315, %lt3A_323 : vector<16xi32>
      %gather3A_325 = tpu.vector_load_idx %arg12[%add3A_315, %add3A_321] masked %lt3A_324 : memref<125x80xf32, #tpu.memory_space<vmem>>[vector<16xi32>, vector<16xi32>], vector<16xf32>, vector<16xi1>
      %swap3A_326 = arith.constant 250 : index
      %swap3A_327 = tpu.vector_load %arg13[%swap3A_326] {strides = array<i32>} : memref<640xf32, #tpu.memory_space<vmem>>, vector<16xf32>,
      tpu.vector_store %arg13[%swap3A_326], %gather3A_325 {strides = array<i32>} : memref<640xf32, #tpu.memory_space<vmem>>, vector<16xf32>,
      %add3A_328 = arith.constant 16 : i32
      %add3A_329 = vector.broadcast %add3A_328 : i32 to vector<16xi32>
      %add3A_330 = arith.addi %iota3A, %add3A_329 : vector<16xi32>
      %mul3A_331 = arith.constant 0 : i32
      %mul3A_332 = vector.broadcast %mul3A_331 : i32 to vector<16xi32>
      %mul3A_333 = arith.muli %iota3A, %mul3A_332 : vector<16xi32>
      %add3A_334 = arith.constant 64 : i32
      %add3A_335 = vector.broadcast %add3A_334 : i32 to vector<16xi32>
      %add3A_336 = arith.addi %mul3A_333, %add3A_335 : vector<16xi32>
      %lt3A_337 = arith.constant 125 : i32
      %lt3A_338 = vector.broadcast %lt3A_337 : i32 to vector<16xi32>
      %lt3A_339 = arith.cmpi slt, %add3A_330, %lt3A_338 : vector<16xi32>
      %gather3A_340 = tpu.vector_load_idx %arg12[%add3A_330, %add3A_336] masked %lt3A_339 : memref<125x80xf32, #tpu.memory_space<vmem>>[vector<16xi32>, vector<16xi32>], vector<16xf32>, vector<16xi1>
      %swap3A_341 = arith.constant 266 : index
      %swap3A_342 = tpu.vector_load %arg13[%swap3A_341] {strides = array<i32>} : memref<640xf32, #tpu.memory_space<vmem>>, vector<16xf32>,
      tpu.vector_store %arg13[%swap3A_341], %gather3A_340 {strides = array<i32>} : memref<640xf32, #tpu.memory_space<vmem>>, vector<16xf32>,
      %add3A_343 = arith.constant 32 : i32
      %add3A_344 = vector.broadcast %add3A_343 : i32 to vector<16xi32>
      %add3A_345 = arith.addi %iota3A, %add3A_344 : vector<16xi32>
      %mul3A_346 = arith.constant 0 : i32
      %mul3A_347 = vector.broadcast %mul3A_346 : i32 to vector<16xi32>
      %mul3A_348 = arith.muli %iota3A, %mul3A_347 : vector<16xi32>
      %add3A_349 = arith.constant 64 : i32
      %add3A_350 = vector.broadcast %add3A_349 : i32 to vector<16xi32>
      %add3A_351 = arith.addi %mul3A_348, %add3A_350 : vector<16xi32>
      %lt3A_352 = arith.constant 125 : i32
      %lt3A_353 = vector.broadcast %lt3A_352 : i32 to vector<16xi32>
      %lt3A_354 = arith.cmpi slt, %add3A_345, %lt3A_353 : vector<16xi32>
      %gather3A_355 = tpu.vector_load_idx %arg12[%add3A_345, %add3A_351] masked %lt3A_354 : memref<125x80xf32, #tpu.memory_space<vmem>>[vector<16xi32>, vector<16xi32>], vector<16xf32>, vector<16xi1>
      %swap3A_356 = arith.constant 282 : index
      %swap3A_357 = tpu.vector_load %arg13[%swap3A_356] {strides = array<i32>} : memref<640xf32, #tpu.memory_space<vmem>>, vector<16xf32>,
      tpu.vector_store %arg13[%swap3A_356], %gather3A_355 {strides = array<i32>} : memref<640xf32, #tpu.memory_space<vmem>>, vector<16xf32>,
      %add3A_358 = arith.constant 48 : i32
      %add3A_359 = vector.broadcast %add3A_358 : i32 to vector<16xi32>
      %add3A_360 = arith.addi %iota3A, %add3A_359 : vector<16xi32>
      %mul3A_361 = arith.constant 0 : i32
      %mul3A_362 = vector.broadcast %mul3A_361 : i32 to vector<16xi32>
      %mul3A_363 = arith.muli %iota3A, %mul3A_362 : vector<16xi32>
      %add3A_364 = arith.constant 64 : i32
      %add3A_365 = vector.broadcast %add3A_364 : i32 to vector<16xi32>
      %add3A_366 = arith.addi %mul3A_363, %add3A_365 : vector<16xi32>
      %lt3A_367 = arith.constant 125 : i32
      %lt3A_368 = vector.broadcast %lt3A_367 : i32 to vector<16xi32>
      %lt3A_369 = arith.cmpi slt, %add3A_360, %lt3A_368 : vector<16xi32>
      %gather3A_370 = tpu.vector_load_idx %arg12[%add3A_360, %add3A_366] masked %lt3A_369 : memref<125x80xf32, #tpu.memory_space<vmem>>[vector<16xi32>, vector<16xi32>], vector<16xf32>, vector<16xi1>
      %swap3A_371 = arith.constant 298 : index
      %swap3A_372 = tpu.vector_load %arg13[%swap3A_371] {strides = array<i32>} : memref<640xf32, #tpu.memory_space<vmem>>, vector<16xf32>,
      tpu.vector_store %arg13[%swap3A_371], %gather3A_370 {strides = array<i32>} : memref<640xf32, #tpu.memory_space<vmem>>, vector<16xf32>,
      %add3A_373 = arith.constant 64 : i32
      %add3A_374 = vector.broadcast %add3A_373 : i32 to vector<16xi32>
      %add3A_375 = arith.addi %iota3A, %add3A_374 : vector<16xi32>
      %mul3A_376 = arith.constant 0 : i32
      %mul3A_377 = vector.broadcast %mul3A_376 : i32 to vector<16xi32>
      %mul3A_378 = arith.muli %iota3A, %mul3A_377 : vector<16xi32>
      %add3A_379 = arith.constant 64 : i32
      %add3A_380 = vector.broadcast %add3A_379 : i32 to vector<16xi32>
      %add3A_381 = arith.addi %mul3A_378, %add3A_380 : vector<16xi32>
      %lt3A_382 = arith.constant 125 : i32
      %lt3A_383 = vector.broadcast %lt3A_382 : i32 to vector<16xi32>
      %lt3A_384 = arith.cmpi slt, %add3A_375, %lt3A_383 : vector<16xi32>
      %gather3A_385 = tpu.vector_load_idx %arg12[%add3A_375, %add3A_381] masked %lt3A_384 : memref<125x80xf32, #tpu.memory_space<vmem>>[vector<16xi32>, vector<16xi32>], vector<16xf32>, vector<16xi1>
      %swap3A_386 = arith.constant 314 : index
      %swap3A_387 = tpu.vector_load %arg13[%swap3A_386] {strides = array<i32>} : memref<640xf32, #tpu.memory_space<vmem>>, vector<16xf32>,
      tpu.vector_store %arg13[%swap3A_386], %gather3A_385 {strides = array<i32>} : memref<640xf32, #tpu.memory_space<vmem>>, vector<16xf32>,
      %add3A_388 = arith.constant 80 : i32
      %add3A_389 = vector.broadcast %add3A_388 : i32 to vector<16xi32>
      %add3A_390 = arith.addi %iota3A, %add3A_389 : vector<16xi32>
      %mul3A_391 = arith.constant 0 : i32
      %mul3A_392 = vector.broadcast %mul3A_391 : i32 to vector<16xi32>
      %mul3A_393 = arith.muli %iota3A, %mul3A_392 : vector<16xi32>
      %add3A_394 = arith.constant 64 : i32
      %add3A_395 = vector.broadcast %add3A_394 : i32 to vector<16xi32>
      %add3A_396 = arith.addi %mul3A_393, %add3A_395 : vector<16xi32>
      %lt3A_397 = arith.constant 125 : i32
      %lt3A_398 = vector.broadcast %lt3A_397 : i32 to vector<16xi32>
      %lt3A_399 = arith.cmpi slt, %add3A_390, %lt3A_398 : vector<16xi32>
      %gather3A_400 = tpu.vector_load_idx %arg12[%add3A_390, %add3A_396] masked %lt3A_399 : memref<125x80xf32, #tpu.memory_space<vmem>>[vector<16xi32>, vector<16xi32>], vector<16xf32>, vector<16xi1>
      %swap3A_401 = arith.constant 330 : index
      %swap3A_402 = tpu.vector_load %arg13[%swap3A_401] {strides = array<i32>} : memref<640xf32, #tpu.memory_space<vmem>>, vector<16xf32>,
      tpu.vector_store %arg13[%swap3A_401], %gather3A_400 {strides = array<i32>} : memref<640xf32, #tpu.memory_space<vmem>>, vector<16xf32>,
      %add3A_403 = arith.constant 96 : i32
      %add3A_404 = vector.broadcast %add3A_403 : i32 to vector<16xi32>
      %add3A_405 = arith.addi %iota3A, %add3A_404 : vector<16xi32>
      %mul3A_406 = arith.constant 0 : i32
      %mul3A_407 = vector.broadcast %mul3A_406 : i32 to vector<16xi32>
      %mul3A_408 = arith.muli %iota3A, %mul3A_407 : vector<16xi32>
      %add3A_409 = arith.constant 64 : i32
      %add3A_410 = vector.broadcast %add3A_409 : i32 to vector<16xi32>
      %add3A_411 = arith.addi %mul3A_408, %add3A_410 : vector<16xi32>
      %lt3A_412 = arith.constant 125 : i32
      %lt3A_413 = vector.broadcast %lt3A_412 : i32 to vector<16xi32>
      %lt3A_414 = arith.cmpi slt, %add3A_405, %lt3A_413 : vector<16xi32>
      %gather3A_415 = tpu.vector_load_idx %arg12[%add3A_405, %add3A_411] masked %lt3A_414 : memref<125x80xf32, #tpu.memory_space<vmem>>[vector<16xi32>, vector<16xi32>], vector<16xf32>, vector<16xi1>
      %swap3A_416 = arith.constant 346 : index
      %swap3A_417 = tpu.vector_load %arg13[%swap3A_416] {strides = array<i32>} : memref<640xf32, #tpu.memory_space<vmem>>, vector<16xf32>,
      tpu.vector_store %arg13[%swap3A_416], %gather3A_415 {strides = array<i32>} : memref<640xf32, #tpu.memory_space<vmem>>, vector<16xf32>,
      %add3A_418 = arith.constant 112 : i32
      %add3A_419 = vector.broadcast %add3A_418 : i32 to vector<16xi32>
      %add3A_420 = arith.addi %iota3A, %add3A_419 : vector<16xi32>
      %mul3A_421 = arith.constant 0 : i32
      %mul3A_422 = vector.broadcast %mul3A_421 : i32 to vector<16xi32>
      %mul3A_423 = arith.muli %iota3A, %mul3A_422 : vector<16xi32>
      %add3A_424 = arith.constant 64 : i32
      %add3A_425 = vector.broadcast %add3A_424 : i32 to vector<16xi32>
      %add3A_426 = arith.addi %mul3A_423, %add3A_425 : vector<16xi32>
      %lt3A_427 = arith.constant 125 : i32
      %lt3A_428 = vector.broadcast %lt3A_427 : i32 to vector<16xi32>
      %lt3A_429 = arith.cmpi slt, %add3A_420, %lt3A_428 : vector<16xi32>
      %gather3A_430 = tpu.vector_load_idx %arg12[%add3A_420, %add3A_426] masked %lt3A_429 : memref<125x80xf32, #tpu.memory_space<vmem>>[vector<16xi32>, vector<16xi32>], vector<16xf32>, vector<16xi1>
      %swap3A_431 = arith.constant 362 : index
      %swap3A_432 = tpu.vector_load %arg13[%swap3A_431] {strides = array<i32>} : memref<640xf32, #tpu.memory_space<vmem>>, vector<16xf32>,
      tpu.vector_store %arg13[%swap3A_431], %gather3A_430 {strides = array<i32>} : memref<640xf32, #tpu.memory_space<vmem>>, vector<16xf32>,
      %dma_wait3A_433 = arith.constant 1 : i32
      %dma_wait3A_434 = arith.constant 0 : i32
      %dma_wait3A_435 = tpu.memref_slice %arg7[%dma_wait3A_433, %add3A_305, %dma_wait3A_434] : memref<2x10000x80xf32, #tpu.memory_space<hbm>> -> memref<1x125x80xf32, #tpu.memory_space<hbm>>
      %dma_wait3A_436 = tpu.memref_squeeze %dma_wait3A_435 : memref<1x125x80xf32, #tpu.memory_space<hbm>> -> memref<125x80xf32, #tpu.memory_space<hbm>>
      %dma_wait3A_437 = arith.constant 0 : i32
      %dma_wait3A_438 = tpu.memref_slice %arg7[%dma_wait3A_433, %add3A_305, %dma_wait3A_437] : memref<2x10000x80xf32, #tpu.memory_space<hbm>> -> memref<1x125x80xf32, #tpu.memory_space<hbm>>
      %dma_wait3A_439 = tpu.memref_squeeze %dma_wait3A_438 : memref<1x125x80xf32, #tpu.memory_space<hbm>> -> memref<125x80xf32, #tpu.memory_space<hbm>>
      tpu.wait_dma2 semaphore(%arg23 : memref<!tpu.dma_semaphore, #tpu.memory_space<semaphore_mem>>) src(%arg12 : memref<125x80xf32, #tpu.memory_space<vmem>>) dst(%dma_wait3A_439 : memref<125x80xf32, #tpu.memory_space<hbm>>)
      %add3A_440 = arith.constant 375 : i32
      %add3A_441 = arith.addi %mul3A_0, %add3A_440 : i32
      "tpu.region"() ({
        %run_scoped3A = tpu.sem_alloc : memref<!tpu.dma_semaphore, #tpu.memory_space<semaphore_mem>>
        %dma_start3A_712 = arith.constant 0 : i32
        %dma_start3A_713 = tpu.memref_slice %arg14[%add3A_441, %dma_start3A_712] : memref<10000x80xf32, #tpu.memory_space<vmem_shared>> -> memref<125x80xf32, #tpu.memory_space<vmem_shared>>
        %dma_start3A_714 = arith.constant 0 : i32
        %dma_start3A_715 = tpu.memref_slice %arg14[%add3A_441, %dma_start3A_714] : memref<10000x80xf32, #tpu.memory_space<vmem_shared>> -> memref<125x80xf32, #tpu.memory_space<vmem_shared>>
        tpu.enqueue_dma source(%dma_start3A_715 : memref<125x80xf32, #tpu.memory_space<vmem_shared>>) target(%arg12 : memref<125x80xf32, #tpu.memory_space<vmem>>) target_semaphore(%run_scoped3A : memref<!tpu.dma_semaphore, #tpu.memory_space<semaphore_mem>>)
        %dma_wait3A_716 = arith.constant 0 : i32
        %dma_wait3A_717 = tpu.memref_slice %arg14[%add3A_441, %dma_wait3A_716] : memref<10000x80xf32, #tpu.memory_space<vmem_shared>> -> memref<125x80xf32, #tpu.memory_space<vmem_shared>>
        %dma_wait3A_718 = arith.constant 0 : i32
        %dma_wait3A_719 = tpu.memref_slice %arg14[%add3A_441, %dma_wait3A_718] : memref<10000x80xf32, #tpu.memory_space<vmem_shared>> -> memref<125x80xf32, #tpu.memory_space<vmem_shared>>
        tpu.wait_dma2 semaphore(%run_scoped3A : memref<!tpu.dma_semaphore, #tpu.memory_space<semaphore_mem>>) src(%dma_wait3A_719 : memref<125x80xf32, #tpu.memory_space<vmem_shared>>) dst(%arg12 : memref<125x80xf32, #tpu.memory_space<vmem>>)
        tpu.yield
      }) : () -> ()
      %dma_start3A_442 = arith.constant 1 : i32
      %dma_start3A_443 = arith.constant 0 : i32
      %dma_start3A_444 = tpu.memref_slice %arg7[%dma_start3A_442, %add3A_441, %dma_start3A_443] : memref<2x10000x80xf32, #tpu.memory_space<hbm>> -> memref<1x125x80xf32, #tpu.memory_space<hbm>>
      %dma_start3A_445 = tpu.memref_squeeze %dma_start3A_444 : memref<1x125x80xf32, #tpu.memory_space<hbm>> -> memref<125x80xf32, #tpu.memory_space<hbm>>
      %dma_start3A_446 = arith.constant 0 : i32
      %dma_start3A_447 = tpu.memref_slice %arg7[%dma_start3A_442, %add3A_441, %dma_start3A_446] : memref<2x10000x80xf32, #tpu.memory_space<hbm>> -> memref<1x125x80xf32, #tpu.memory_space<hbm>>
      %dma_start3A_448 = tpu.memref_squeeze %dma_start3A_447 : memref<1x125x80xf32, #tpu.memory_space<hbm>> -> memref<125x80xf32, #tpu.memory_space<hbm>>
      tpu.enqueue_dma source(%arg12 : memref<125x80xf32, #tpu.memory_space<vmem>>) target(%dma_start3A_448 : memref<125x80xf32, #tpu.memory_space<hbm>>) target_semaphore(%arg23 : memref<!tpu.dma_semaphore, #tpu.memory_space<semaphore_mem>>)
      %add3A_449 = arith.constant 0 : i32
      %add3A_450 = vector.broadcast %add3A_449 : i32 to vector<16xi32>
      %add3A_451 = arith.addi %iota3A, %add3A_450 : vector<16xi32>
      %mul3A_452 = arith.constant 0 : i32
      %mul3A_453 = vector.broadcast %mul3A_452 : i32 to vector<16xi32>
      %mul3A_454 = arith.muli %iota3A, %mul3A_453 : vector<16xi32>
      %add3A_455 = arith.constant 64 : i32
      %add3A_456 = vector.broadcast %add3A_455 : i32 to vector<16xi32>
      %add3A_457 = arith.addi %mul3A_454, %add3A_456 : vector<16xi32>
      %lt3A_458 = arith.constant 125 : i32
      %lt3A_459 = vector.broadcast %lt3A_458 : i32 to vector<16xi32>
      %lt3A_460 = arith.cmpi slt, %add3A_451, %lt3A_459 : vector<16xi32>
      %gather3A_461 = tpu.vector_load_idx %arg12[%add3A_451, %add3A_457] masked %lt3A_460 : memref<125x80xf32, #tpu.memory_space<vmem>>[vector<16xi32>, vector<16xi32>], vector<16xf32>, vector<16xi1>
      %swap3A_462 = arith.constant 375 : index
      %swap3A_463 = tpu.vector_load %arg13[%swap3A_462] {strides = array<i32>} : memref<640xf32, #tpu.memory_space<vmem>>, vector<16xf32>,
      tpu.vector_store %arg13[%swap3A_462], %gather3A_461 {strides = array<i32>} : memref<640xf32, #tpu.memory_space<vmem>>, vector<16xf32>,
      %add3A_464 = arith.constant 16 : i32
      %add3A_465 = vector.broadcast %add3A_464 : i32 to vector<16xi32>
      %add3A_466 = arith.addi %iota3A, %add3A_465 : vector<16xi32>
      %mul3A_467 = arith.constant 0 : i32
      %mul3A_468 = vector.broadcast %mul3A_467 : i32 to vector<16xi32>
      %mul3A_469 = arith.muli %iota3A, %mul3A_468 : vector<16xi32>
      %add3A_470 = arith.constant 64 : i32
      %add3A_471 = vector.broadcast %add3A_470 : i32 to vector<16xi32>
      %add3A_472 = arith.addi %mul3A_469, %add3A_471 : vector<16xi32>
      %lt3A_473 = arith.constant 125 : i32
      %lt3A_474 = vector.broadcast %lt3A_473 : i32 to vector<16xi32>
      %lt3A_475 = arith.cmpi slt, %add3A_466, %lt3A_474 : vector<16xi32>
      %gather3A_476 = tpu.vector_load_idx %arg12[%add3A_466, %add3A_472] masked %lt3A_475 : memref<125x80xf32, #tpu.memory_space<vmem>>[vector<16xi32>, vector<16xi32>], vector<16xf32>, vector<16xi1>
      %swap3A_477 = arith.constant 391 : index
      %swap3A_478 = tpu.vector_load %arg13[%swap3A_477] {strides = array<i32>} : memref<640xf32, #tpu.memory_space<vmem>>, vector<16xf32>,
      tpu.vector_store %arg13[%swap3A_477], %gather3A_476 {strides = array<i32>} : memref<640xf32, #tpu.memory_space<vmem>>, vector<16xf32>,
      %add3A_479 = arith.constant 32 : i32
      %add3A_480 = vector.broadcast %add3A_479 : i32 to vector<16xi32>
      %add3A_481 = arith.addi %iota3A, %add3A_480 : vector<16xi32>
      %mul3A_482 = arith.constant 0 : i32
      %mul3A_483 = vector.broadcast %mul3A_482 : i32 to vector<16xi32>
      %mul3A_484 = arith.muli %iota3A, %mul3A_483 : vector<16xi32>
      %add3A_485 = arith.constant 64 : i32
      %add3A_486 = vector.broadcast %add3A_485 : i32 to vector<16xi32>
      %add3A_487 = arith.addi %mul3A_484, %add3A_486 : vector<16xi32>
      %lt3A_488 = arith.constant 125 : i32
      %lt3A_489 = vector.broadcast %lt3A_488 : i32 to vector<16xi32>
      %lt3A_490 = arith.cmpi slt, %add3A_481, %lt3A_489 : vector<16xi32>
      %gather3A_491 = tpu.vector_load_idx %arg12[%add3A_481, %add3A_487] masked %lt3A_490 : memref<125x80xf32, #tpu.memory_space<vmem>>[vector<16xi32>, vector<16xi32>], vector<16xf32>, vector<16xi1>
      %swap3A_492 = arith.constant 407 : index
      %swap3A_493 = tpu.vector_load %arg13[%swap3A_492] {strides = array<i32>} : memref<640xf32, #tpu.memory_space<vmem>>, vector<16xf32>,
      tpu.vector_store %arg13[%swap3A_492], %gather3A_491 {strides = array<i32>} : memref<640xf32, #tpu.memory_space<vmem>>, vector<16xf32>,
      %add3A_494 = arith.constant 48 : i32
      %add3A_495 = vector.broadcast %add3A_494 : i32 to vector<16xi32>
      %add3A_496 = arith.addi %iota3A, %add3A_495 : vector<16xi32>
      %mul3A_497 = arith.constant 0 : i32
      %mul3A_498 = vector.broadcast %mul3A_497 : i32 to vector<16xi32>
      %mul3A_499 = arith.muli %iota3A, %mul3A_498 : vector<16xi32>
      %add3A_500 = arith.constant 64 : i32
      %add3A_501 = vector.broadcast %add3A_500 : i32 to vector<16xi32>
      %add3A_502 = arith.addi %mul3A_499, %add3A_501 : vector<16xi32>
      %lt3A_503 = arith.constant 125 : i32
      %lt3A_504 = vector.broadcast %lt3A_503 : i32 to vector<16xi32>
      %lt3A_505 = arith.cmpi slt, %add3A_496, %lt3A_504 : vector<16xi32>
      %gather3A_506 = tpu.vector_load_idx %arg12[%add3A_496, %add3A_502] masked %lt3A_505 : memref<125x80xf32, #tpu.memory_space<vmem>>[vector<16xi32>, vector<16xi32>], vector<16xf32>, vector<16xi1>
      %swap3A_507 = arith.constant 423 : index
      %swap3A_508 = tpu.vector_load %arg13[%swap3A_507] {strides = array<i32>} : memref<640xf32, #tpu.memory_space<vmem>>, vector<16xf32>,
      tpu.vector_store %arg13[%swap3A_507], %gather3A_506 {strides = array<i32>} : memref<640xf32, #tpu.memory_space<vmem>>, vector<16xf32>,
      %add3A_509 = arith.constant 64 : i32
      %add3A_510 = vector.broadcast %add3A_509 : i32 to vector<16xi32>
      %add3A_511 = arith.addi %iota3A, %add3A_510 : vector<16xi32>
      %mul3A_512 = arith.constant 0 : i32
      %mul3A_513 = vector.broadcast %mul3A_512 : i32 to vector<16xi32>
      %mul3A_514 = arith.muli %iota3A, %mul3A_513 : vector<16xi32>
      %add3A_515 = arith.constant 64 : i32
      %add3A_516 = vector.broadcast %add3A_515 : i32 to vector<16xi32>
      %add3A_517 = arith.addi %mul3A_514, %add3A_516 : vector<16xi32>
      %lt3A_518 = arith.constant 125 : i32
      %lt3A_519 = vector.broadcast %lt3A_518 : i32 to vector<16xi32>
      %lt3A_520 = arith.cmpi slt, %add3A_511, %lt3A_519 : vector<16xi32>
      %gather3A_521 = tpu.vector_load_idx %arg12[%add3A_511, %add3A_517] masked %lt3A_520 : memref<125x80xf32, #tpu.memory_space<vmem>>[vector<16xi32>, vector<16xi32>], vector<16xf32>, vector<16xi1>
      %swap3A_522 = arith.constant 439 : index
      %swap3A_523 = tpu.vector_load %arg13[%swap3A_522] {strides = array<i32>} : memref<640xf32, #tpu.memory_space<vmem>>, vector<16xf32>,
      tpu.vector_store %arg13[%swap3A_522], %gather3A_521 {strides = array<i32>} : memref<640xf32, #tpu.memory_space<vmem>>, vector<16xf32>,
      %add3A_524 = arith.constant 80 : i32
      %add3A_525 = vector.broadcast %add3A_524 : i32 to vector<16xi32>
      %add3A_526 = arith.addi %iota3A, %add3A_525 : vector<16xi32>
      %mul3A_527 = arith.constant 0 : i32
      %mul3A_528 = vector.broadcast %mul3A_527 : i32 to vector<16xi32>
      %mul3A_529 = arith.muli %iota3A, %mul3A_528 : vector<16xi32>
      %add3A_530 = arith.constant 64 : i32
      %add3A_531 = vector.broadcast %add3A_530 : i32 to vector<16xi32>
      %add3A_532 = arith.addi %mul3A_529, %add3A_531 : vector<16xi32>
      %lt3A_533 = arith.constant 125 : i32
      %lt3A_534 = vector.broadcast %lt3A_533 : i32 to vector<16xi32>
      %lt3A_535 = arith.cmpi slt, %add3A_526, %lt3A_534 : vector<16xi32>
      %gather3A_536 = tpu.vector_load_idx %arg12[%add3A_526, %add3A_532] masked %lt3A_535 : memref<125x80xf32, #tpu.memory_space<vmem>>[vector<16xi32>, vector<16xi32>], vector<16xf32>, vector<16xi1>
      %swap3A_537 = arith.constant 455 : index
      %swap3A_538 = tpu.vector_load %arg13[%swap3A_537] {strides = array<i32>} : memref<640xf32, #tpu.memory_space<vmem>>, vector<16xf32>,
      tpu.vector_store %arg13[%swap3A_537], %gather3A_536 {strides = array<i32>} : memref<640xf32, #tpu.memory_space<vmem>>, vector<16xf32>,
      %add3A_539 = arith.constant 96 : i32
      %add3A_540 = vector.broadcast %add3A_539 : i32 to vector<16xi32>
      %add3A_541 = arith.addi %iota3A, %add3A_540 : vector<16xi32>
      %mul3A_542 = arith.constant 0 : i32
      %mul3A_543 = vector.broadcast %mul3A_542 : i32 to vector<16xi32>
      %mul3A_544 = arith.muli %iota3A, %mul3A_543 : vector<16xi32>
      %add3A_545 = arith.constant 64 : i32
      %add3A_546 = vector.broadcast %add3A_545 : i32 to vector<16xi32>
      %add3A_547 = arith.addi %mul3A_544, %add3A_546 : vector<16xi32>
      %lt3A_548 = arith.constant 125 : i32
      %lt3A_549 = vector.broadcast %lt3A_548 : i32 to vector<16xi32>
      %lt3A_550 = arith.cmpi slt, %add3A_541, %lt3A_549 : vector<16xi32>
      %gather3A_551 = tpu.vector_load_idx %arg12[%add3A_541, %add3A_547] masked %lt3A_550 : memref<125x80xf32, #tpu.memory_space<vmem>>[vector<16xi32>, vector<16xi32>], vector<16xf32>, vector<16xi1>
      %swap3A_552 = arith.constant 471 : index
      %swap3A_553 = tpu.vector_load %arg13[%swap3A_552] {strides = array<i32>} : memref<640xf32, #tpu.memory_space<vmem>>, vector<16xf32>,
      tpu.vector_store %arg13[%swap3A_552], %gather3A_551 {strides = array<i32>} : memref<640xf32, #tpu.memory_space<vmem>>, vector<16xf32>,
      %add3A_554 = arith.constant 112 : i32
      %add3A_555 = vector.broadcast %add3A_554 : i32 to vector<16xi32>
      %add3A_556 = arith.addi %iota3A, %add3A_555 : vector<16xi32>
      %mul3A_557 = arith.constant 0 : i32
      %mul3A_558 = vector.broadcast %mul3A_557 : i32 to vector<16xi32>
      %mul3A_559 = arith.muli %iota3A, %mul3A_558 : vector<16xi32>
      %add3A_560 = arith.constant 64 : i32
      %add3A_561 = vector.broadcast %add3A_560 : i32 to vector<16xi32>
      %add3A_562 = arith.addi %mul3A_559, %add3A_561 : vector<16xi32>
      %lt3A_563 = arith.constant 125 : i32
      %lt3A_564 = vector.broadcast %lt3A_563 : i32 to vector<16xi32>
      %lt3A_565 = arith.cmpi slt, %add3A_556, %lt3A_564 : vector<16xi32>
      %gather3A_566 = tpu.vector_load_idx %arg12[%add3A_556, %add3A_562] masked %lt3A_565 : memref<125x80xf32, #tpu.memory_space<vmem>>[vector<16xi32>, vector<16xi32>], vector<16xf32>, vector<16xi1>
      %swap3A_567 = arith.constant 487 : index
      %swap3A_568 = tpu.vector_load %arg13[%swap3A_567] {strides = array<i32>} : memref<640xf32, #tpu.memory_space<vmem>>, vector<16xf32>,
      tpu.vector_store %arg13[%swap3A_567], %gather3A_566 {strides = array<i32>} : memref<640xf32, #tpu.memory_space<vmem>>, vector<16xf32>,
      %dma_wait3A_569 = arith.constant 1 : i32
      %dma_wait3A_570 = arith.constant 0 : i32
      %dma_wait3A_571 = tpu.memref_slice %arg7[%dma_wait3A_569, %add3A_441, %dma_wait3A_570] : memref<2x10000x80xf32, #tpu.memory_space<hbm>> -> memref<1x125x80xf32, #tpu.memory_space<hbm>>
      %dma_wait3A_572 = tpu.memref_squeeze %dma_wait3A_571 : memref<1x125x80xf32, #tpu.memory_space<hbm>> -> memref<125x80xf32, #tpu.memory_space<hbm>>
      %dma_wait3A_573 = arith.constant 0 : i32
      %dma_wait3A_574 = tpu.memref_slice %arg7[%dma_wait3A_569, %add3A_441, %dma_wait3A_573] : memref<2x10000x80xf32, #tpu.memory_space<hbm>> -> memref<1x125x80xf32, #tpu.memory_space<hbm>>
      %dma_wait3A_575 = tpu.memref_squeeze %dma_wait3A_574 : memref<1x125x80xf32, #tpu.memory_space<hbm>> -> memref<125x80xf32, #tpu.memory_space<hbm>>
      tpu.wait_dma2 semaphore(%arg23 : memref<!tpu.dma_semaphore, #tpu.memory_space<semaphore_mem>>) src(%arg12 : memref<125x80xf32, #tpu.memory_space<vmem>>) dst(%dma_wait3A_575 : memref<125x80xf32, #tpu.memory_space<hbm>>)
      %add3A_576 = arith.constant 500 : i32
      %add3A_577 = arith.addi %mul3A_0, %add3A_576 : i32
      "tpu.region"() ({
        %run_scoped3A = tpu.sem_alloc : memref<!tpu.dma_semaphore, #tpu.memory_space<semaphore_mem>>
        %dma_start3A_712 = arith.constant 0 : i32
        %dma_start3A_713 = tpu.memref_slice %arg14[%add3A_577, %dma_start3A_712] : memref<10000x80xf32, #tpu.memory_space<vmem_shared>> -> memref<125x80xf32, #tpu.memory_space<vmem_shared>>
        %dma_start3A_714 = arith.constant 0 : i32
        %dma_start3A_715 = tpu.memref_slice %arg14[%add3A_577, %dma_start3A_714] : memref<10000x80xf32, #tpu.memory_space<vmem_shared>> -> memref<125x80xf32, #tpu.memory_space<vmem_shared>>
        tpu.enqueue_dma source(%dma_start3A_715 : memref<125x80xf32, #tpu.memory_space<vmem_shared>>) target(%arg12 : memref<125x80xf32, #tpu.memory_space<vmem>>) target_semaphore(%run_scoped3A : memref<!tpu.dma_semaphore, #tpu.memory_space<semaphore_mem>>)
        %dma_wait3A_716 = arith.constant 0 : i32
        %dma_wait3A_717 = tpu.memref_slice %arg14[%add3A_577, %dma_wait3A_716] : memref<10000x80xf32, #tpu.memory_space<vmem_shared>> -> memref<125x80xf32, #tpu.memory_space<vmem_shared>>
        %dma_wait3A_718 = arith.constant 0 : i32
        %dma_wait3A_719 = tpu.memref_slice %arg14[%add3A_577, %dma_wait3A_718] : memref<10000x80xf32, #tpu.memory_space<vmem_shared>> -> memref<125x80xf32, #tpu.memory_space<vmem_shared>>
        tpu.wait_dma2 semaphore(%run_scoped3A : memref<!tpu.dma_semaphore, #tpu.memory_space<semaphore_mem>>) src(%dma_wait3A_719 : memref<125x80xf32, #tpu.memory_space<vmem_shared>>) dst(%arg12 : memref<125x80xf32, #tpu.memory_space<vmem>>)
        tpu.yield
      }) : () -> ()
      %dma_start3A_578 = arith.constant 1 : i32
      %dma_start3A_579 = arith.constant 0 : i32
      %dma_start3A_580 = tpu.memref_slice %arg7[%dma_start3A_578, %add3A_577, %dma_start3A_579] : memref<2x10000x80xf32, #tpu.memory_space<hbm>> -> memref<1x125x80xf32, #tpu.memory_space<hbm>>
      %dma_start3A_581 = tpu.memref_squeeze %dma_start3A_580 : memref<1x125x80xf32, #tpu.memory_space<hbm>> -> memref<125x80xf32, #tpu.memory_space<hbm>>
      %dma_start3A_582 = arith.constant 0 : i32
      %dma_start3A_583 = tpu.memref_slice %arg7[%dma_start3A_578, %add3A_577, %dma_start3A_582] : memref<2x10000x80xf32, #tpu.memory_space<hbm>> -> memref<1x125x80xf32, #tpu.memory_space<hbm>>
      %dma_start3A_584 = tpu.memref_squeeze %dma_start3A_583 : memref<1x125x80xf32, #tpu.memory_space<hbm>> -> memref<125x80xf32, #tpu.memory_space<hbm>>
      tpu.enqueue_dma source(%arg12 : memref<125x80xf32, #tpu.memory_space<vmem>>) target(%dma_start3A_584 : memref<125x80xf32, #tpu.memory_space<hbm>>) target_semaphore(%arg23 : memref<!tpu.dma_semaphore, #tpu.memory_space<semaphore_mem>>)
      %add3A_585 = arith.constant 0 : i32
      %add3A_586 = vector.broadcast %add3A_585 : i32 to vector<16xi32>
      %add3A_587 = arith.addi %iota3A, %add3A_586 : vector<16xi32>
      %mul3A_588 = arith.constant 0 : i32
      %mul3A_589 = vector.broadcast %mul3A_588 : i32 to vector<16xi32>
      %mul3A_590 = arith.muli %iota3A, %mul3A_589 : vector<16xi32>
      %add3A_591 = arith.constant 64 : i32
      %add3A_592 = vector.broadcast %add3A_591 : i32 to vector<16xi32>
      %add3A_593 = arith.addi %mul3A_590, %add3A_592 : vector<16xi32>
      %lt3A_594 = arith.constant 125 : i32
      %lt3A_595 = vector.broadcast %lt3A_594 : i32 to vector<16xi32>
      %lt3A_596 = arith.cmpi slt, %add3A_587, %lt3A_595 : vector<16xi32>
      %gather3A_597 = tpu.vector_load_idx %arg12[%add3A_587, %add3A_593] masked %lt3A_596 : memref<125x80xf32, #tpu.memory_space<vmem>>[vector<16xi32>, vector<16xi32>], vector<16xf32>, vector<16xi1>
      %swap3A_598 = arith.constant 500 : index
      %swap3A_599 = tpu.vector_load %arg13[%swap3A_598] {strides = array<i32>} : memref<640xf32, #tpu.memory_space<vmem>>, vector<16xf32>,
      tpu.vector_store %arg13[%swap3A_598], %gather3A_597 {strides = array<i32>} : memref<640xf32, #tpu.memory_space<vmem>>, vector<16xf32>,
      %add3A_600 = arith.constant 16 : i32
      %add3A_601 = vector.broadcast %add3A_600 : i32 to vector<16xi32>
      %add3A_602 = arith.addi %iota3A, %add3A_601 : vector<16xi32>
      %mul3A_603 = arith.constant 0 : i32
      %mul3A_604 = vector.broadcast %mul3A_603 : i32 to vector<16xi32>
      %mul3A_605 = arith.muli %iota3A, %mul3A_604 : vector<16xi32>
      %add3A_606 = arith.constant 64 : i32
      %add3A_607 = vector.broadcast %add3A_606 : i32 to vector<16xi32>
      %add3A_608 = arith.addi %mul3A_605, %add3A_607 : vector<16xi32>
      %lt3A_609 = arith.constant 125 : i32
      %lt3A_610 = vector.broadcast %lt3A_609 : i32 to vector<16xi32>
      %lt3A_611 = arith.cmpi slt, %add3A_602, %lt3A_610 : vector<16xi32>
      %gather3A_612 = tpu.vector_load_idx %arg12[%add3A_602, %add3A_608] masked %lt3A_611 : memref<125x80xf32, #tpu.memory_space<vmem>>[vector<16xi32>, vector<16xi32>], vector<16xf32>, vector<16xi1>
      %swap3A_613 = arith.constant 516 : index
      %swap3A_614 = tpu.vector_load %arg13[%swap3A_613] {strides = array<i32>} : memref<640xf32, #tpu.memory_space<vmem>>, vector<16xf32>,
      tpu.vector_store %arg13[%swap3A_613], %gather3A_612 {strides = array<i32>} : memref<640xf32, #tpu.memory_space<vmem>>, vector<16xf32>,
      %add3A_615 = arith.constant 32 : i32
      %add3A_616 = vector.broadcast %add3A_615 : i32 to vector<16xi32>
      %add3A_617 = arith.addi %iota3A, %add3A_616 : vector<16xi32>
      %mul3A_618 = arith.constant 0 : i32
      %mul3A_619 = vector.broadcast %mul3A_618 : i32 to vector<16xi32>
      %mul3A_620 = arith.muli %iota3A, %mul3A_619 : vector<16xi32>
      %add3A_621 = arith.constant 64 : i32
      %add3A_622 = vector.broadcast %add3A_621 : i32 to vector<16xi32>
      %add3A_623 = arith.addi %mul3A_620, %add3A_622 : vector<16xi32>
      %lt3A_624 = arith.constant 125 : i32
      %lt3A_625 = vector.broadcast %lt3A_624 : i32 to vector<16xi32>
      %lt3A_626 = arith.cmpi slt, %add3A_617, %lt3A_625 : vector<16xi32>
      %gather3A_627 = tpu.vector_load_idx %arg12[%add3A_617, %add3A_623] masked %lt3A_626 : memref<125x80xf32, #tpu.memory_space<vmem>>[vector<16xi32>, vector<16xi32>], vector<16xf32>, vector<16xi1>
      %swap3A_628 = arith.constant 532 : index
      %swap3A_629 = tpu.vector_load %arg13[%swap3A_628] {strides = array<i32>} : memref<640xf32, #tpu.memory_space<vmem>>, vector<16xf32>,
      tpu.vector_store %arg13[%swap3A_628], %gather3A_627 {strides = array<i32>} : memref<640xf32, #tpu.memory_space<vmem>>, vector<16xf32>,
      %add3A_630 = arith.constant 48 : i32
      %add3A_631 = vector.broadcast %add3A_630 : i32 to vector<16xi32>
      %add3A_632 = arith.addi %iota3A, %add3A_631 : vector<16xi32>
      %mul3A_633 = arith.constant 0 : i32
      %mul3A_634 = vector.broadcast %mul3A_633 : i32 to vector<16xi32>
      %mul3A_635 = arith.muli %iota3A, %mul3A_634 : vector<16xi32>
      %add3A_636 = arith.constant 64 : i32
      %add3A_637 = vector.broadcast %add3A_636 : i32 to vector<16xi32>
      %add3A_638 = arith.addi %mul3A_635, %add3A_637 : vector<16xi32>
      %lt3A_639 = arith.constant 125 : i32
      %lt3A_640 = vector.broadcast %lt3A_639 : i32 to vector<16xi32>
      %lt3A_641 = arith.cmpi slt, %add3A_632, %lt3A_640 : vector<16xi32>
      %gather3A_642 = tpu.vector_load_idx %arg12[%add3A_632, %add3A_638] masked %lt3A_641 : memref<125x80xf32, #tpu.memory_space<vmem>>[vector<16xi32>, vector<16xi32>], vector<16xf32>, vector<16xi1>
      %swap3A_643 = arith.constant 548 : index
      %swap3A_644 = tpu.vector_load %arg13[%swap3A_643] {strides = array<i32>} : memref<640xf32, #tpu.memory_space<vmem>>, vector<16xf32>,
      tpu.vector_store %arg13[%swap3A_643], %gather3A_642 {strides = array<i32>} : memref<640xf32, #tpu.memory_space<vmem>>, vector<16xf32>,
      %add3A_645 = arith.constant 64 : i32
      %add3A_646 = vector.broadcast %add3A_645 : i32 to vector<16xi32>
      %add3A_647 = arith.addi %iota3A, %add3A_646 : vector<16xi32>
      %mul3A_648 = arith.constant 0 : i32
      %mul3A_649 = vector.broadcast %mul3A_648 : i32 to vector<16xi32>
      %mul3A_650 = arith.muli %iota3A, %mul3A_649 : vector<16xi32>
      %add3A_651 = arith.constant 64 : i32
      %add3A_652 = vector.broadcast %add3A_651 : i32 to vector<16xi32>
      %add3A_653 = arith.addi %mul3A_650, %add3A_652 : vector<16xi32>
      %lt3A_654 = arith.constant 125 : i32
      %lt3A_655 = vector.broadcast %lt3A_654 : i32 to vector<16xi32>
      %lt3A_656 = arith.cmpi slt, %add3A_647, %lt3A_655 : vector<16xi32>
      %gather3A_657 = tpu.vector_load_idx %arg12[%add3A_647, %add3A_653] masked %lt3A_656 : memref<125x80xf32, #tpu.memory_space<vmem>>[vector<16xi32>, vector<16xi32>], vector<16xf32>, vector<16xi1>
      %swap3A_658 = arith.constant 564 : index
      %swap3A_659 = tpu.vector_load %arg13[%swap3A_658] {strides = array<i32>} : memref<640xf32, #tpu.memory_space<vmem>>, vector<16xf32>,
      tpu.vector_store %arg13[%swap3A_658], %gather3A_657 {strides = array<i32>} : memref<640xf32, #tpu.memory_space<vmem>>, vector<16xf32>,
      %add3A_660 = arith.constant 80 : i32
      %add3A_661 = vector.broadcast %add3A_660 : i32 to vector<16xi32>
      %add3A_662 = arith.addi %iota3A, %add3A_661 : vector<16xi32>
      %mul3A_663 = arith.constant 0 : i32
      %mul3A_664 = vector.broadcast %mul3A_663 : i32 to vector<16xi32>
      %mul3A_665 = arith.muli %iota3A, %mul3A_664 : vector<16xi32>
      %add3A_666 = arith.constant 64 : i32
      %add3A_667 = vector.broadcast %add3A_666 : i32 to vector<16xi32>
      %add3A_668 = arith.addi %mul3A_665, %add3A_667 : vector<16xi32>
      %lt3A_669 = arith.constant 125 : i32
      %lt3A_670 = vector.broadcast %lt3A_669 : i32 to vector<16xi32>
      %lt3A_671 = arith.cmpi slt, %add3A_662, %lt3A_670 : vector<16xi32>
      %gather3A_672 = tpu.vector_load_idx %arg12[%add3A_662, %add3A_668] masked %lt3A_671 : memref<125x80xf32, #tpu.memory_space<vmem>>[vector<16xi32>, vector<16xi32>], vector<16xf32>, vector<16xi1>
      %swap3A_673 = arith.constant 580 : index
      %swap3A_674 = tpu.vector_load %arg13[%swap3A_673] {strides = array<i32>} : memref<640xf32, #tpu.memory_space<vmem>>, vector<16xf32>,
      tpu.vector_store %arg13[%swap3A_673], %gather3A_672 {strides = array<i32>} : memref<640xf32, #tpu.memory_space<vmem>>, vector<16xf32>,
      %add3A_675 = arith.constant 96 : i32
      %add3A_676 = vector.broadcast %add3A_675 : i32 to vector<16xi32>
      %add3A_677 = arith.addi %iota3A, %add3A_676 : vector<16xi32>
      %mul3A_678 = arith.constant 0 : i32
      %mul3A_679 = vector.broadcast %mul3A_678 : i32 to vector<16xi32>
      %mul3A_680 = arith.muli %iota3A, %mul3A_679 : vector<16xi32>
      %add3A_681 = arith.constant 64 : i32
      %add3A_682 = vector.broadcast %add3A_681 : i32 to vector<16xi32>
      %add3A_683 = arith.addi %mul3A_680, %add3A_682 : vector<16xi32>
      %lt3A_684 = arith.constant 125 : i32
      %lt3A_685 = vector.broadcast %lt3A_684 : i32 to vector<16xi32>
      %lt3A_686 = arith.cmpi slt, %add3A_677, %lt3A_685 : vector<16xi32>
      %gather3A_687 = tpu.vector_load_idx %arg12[%add3A_677, %add3A_683] masked %lt3A_686 : memref<125x80xf32, #tpu.memory_space<vmem>>[vector<16xi32>, vector<16xi32>], vector<16xf32>, vector<16xi1>
      %swap3A_688 = arith.constant 596 : index
      %swap3A_689 = tpu.vector_load %arg13[%swap3A_688] {strides = array<i32>} : memref<640xf32, #tpu.memory_space<vmem>>, vector<16xf32>,
      tpu.vector_store %arg13[%swap3A_688], %gather3A_687 {strides = array<i32>} : memref<640xf32, #tpu.memory_space<vmem>>, vector<16xf32>,
      %add3A_690 = arith.constant 112 : i32
      %add3A_691 = vector.broadcast %add3A_690 : i32 to vector<16xi32>
      %add3A_692 = arith.addi %iota3A, %add3A_691 : vector<16xi32>
      %mul3A_693 = arith.constant 0 : i32
      %mul3A_694 = vector.broadcast %mul3A_693 : i32 to vector<16xi32>
      %mul3A_695 = arith.muli %iota3A, %mul3A_694 : vector<16xi32>
      %add3A_696 = arith.constant 64 : i32
      %add3A_697 = vector.broadcast %add3A_696 : i32 to vector<16xi32>
      %add3A_698 = arith.addi %mul3A_695, %add3A_697 : vector<16xi32>
      %lt3A_699 = arith.constant 125 : i32
      %lt3A_700 = vector.broadcast %lt3A_699 : i32 to vector<16xi32>
      %lt3A_701 = arith.cmpi slt, %add3A_692, %lt3A_700 : vector<16xi32>
      %gather3A_702 = tpu.vector_load_idx %arg12[%add3A_692, %add3A_698] masked %lt3A_701 : memref<125x80xf32, #tpu.memory_space<vmem>>[vector<16xi32>, vector<16xi32>], vector<16xf32>, vector<16xi1>
      %swap3A_703 = arith.constant 612 : index
      %swap3A_704 = tpu.vector_load %arg13[%swap3A_703] {strides = array<i32>} : memref<640xf32, #tpu.memory_space<vmem>>, vector<16xf32>,
      tpu.vector_store %arg13[%swap3A_703], %gather3A_702 {strides = array<i32>} : memref<640xf32, #tpu.memory_space<vmem>>, vector<16xf32>,
      %dma_wait3A_705 = arith.constant 1 : i32
      %dma_wait3A_706 = arith.constant 0 : i32
      %dma_wait3A_707 = tpu.memref_slice %arg7[%dma_wait3A_705, %add3A_577, %dma_wait3A_706] : memref<2x10000x80xf32, #tpu.memory_space<hbm>> -> memref<1x125x80xf32, #tpu.memory_space<hbm>>
      %dma_wait3A_708 = tpu.memref_squeeze %dma_wait3A_707 : memref<1x125x80xf32, #tpu.memory_space<hbm>> -> memref<125x80xf32, #tpu.memory_space<hbm>>
      %dma_wait3A_709 = arith.constant 0 : i32
      %dma_wait3A_710 = tpu.memref_slice %arg7[%dma_wait3A_705, %add3A_577, %dma_wait3A_709] : memref<2x10000x80xf32, #tpu.memory_space<hbm>> -> memref<1x125x80xf32, #tpu.memory_space<hbm>>
      %dma_wait3A_711 = tpu.memref_squeeze %dma_wait3A_710 : memref<1x125x80xf32, #tpu.memory_space<hbm>> -> memref<125x80xf32, #tpu.memory_space<hbm>>
      tpu.wait_dma2 semaphore(%arg23 : memref<!tpu.dma_semaphore, #tpu.memory_space<semaphore_mem>>) src(%arg12 : memref<125x80xf32, #tpu.memory_space<vmem>>) dst(%dma_wait3A_711 : memref<125x80xf32, #tpu.memory_space<hbm>>)
    } else {
    }
    %eq3A_32 = arith.constant 0 : i32
    %eq3A_33 = arith.cmpi eq, %arg0, %eq3A_32 : i32
    %convert_element_type3A_34 = arith.extui %eq3A_33 : i1 to i32
    %cond3A_35 = arith.constant 0 : i32
    %cond3A_36 = arith.cmpi ne, %convert_element_type3A_34, %cond3A_35 : i32
    scf.if %cond3A_36 {
      "tpu.region"() ({
        %run_scoped3A = tpu.sem_alloc : memref<!tpu.dma_semaphore, #tpu.memory_space<semaphore_mem>>
        %dma_start3A = arith.constant 0 : i32
        %dma_start3A_37 = tpu.memref_slice %arg8[%arg1, %dma_start3A] : memref<16x640xf32, #tpu.memory_space<hbm>> -> memref<1x640xf32, #tpu.memory_space<hbm>>
        %dma_start3A_38 = tpu.memref_squeeze %dma_start3A_37 : memref<1x640xf32, #tpu.memory_space<hbm>> -> memref<640xf32, #tpu.memory_space<hbm>>
        %dma_start3A_39 = arith.constant 0 : i32
        %dma_start3A_40 = tpu.memref_slice %arg8[%arg1, %dma_start3A_39] : memref<16x640xf32, #tpu.memory_space<hbm>> -> memref<1x640xf32, #tpu.memory_space<hbm>>
        %dma_start3A_41 = tpu.memref_squeeze %dma_start3A_40 : memref<1x640xf32, #tpu.memory_space<hbm>> -> memref<640xf32, #tpu.memory_space<hbm>>
        tpu.enqueue_dma source(%arg13 : memref<640xf32, #tpu.memory_space<vmem>>) target(%dma_start3A_41 : memref<640xf32, #tpu.memory_space<hbm>>) target_semaphore(%run_scoped3A : memref<!tpu.dma_semaphore, #tpu.memory_space<semaphore_mem>>)
        %dma_wait3A = arith.constant 0 : i32
        %dma_wait3A_42 = tpu.memref_slice %arg8[%arg1, %dma_wait3A] : memref<16x640xf32, #tpu.memory_space<hbm>> -> memref<1x640xf32, #tpu.memory_space<hbm>>
        %dma_wait3A_43 = tpu.memref_squeeze %dma_wait3A_42 : memref<1x640xf32, #tpu.memory_space<hbm>> -> memref<640xf32, #tpu.memory_space<hbm>>
        %dma_wait3A_44 = arith.constant 0 : i32
        %dma_wait3A_45 = tpu.memref_slice %arg8[%arg1, %dma_wait3A_44] : memref<16x640xf32, #tpu.memory_space<hbm>> -> memref<1x640xf32, #tpu.memory_space<hbm>>
        %dma_wait3A_46 = tpu.memref_squeeze %dma_wait3A_45 : memref<1x640xf32, #tpu.memory_space<hbm>> -> memref<640xf32, #tpu.memory_space<hbm>>
        tpu.wait_dma2 semaphore(%run_scoped3A : memref<!tpu.dma_semaphore, #tpu.memory_space<semaphore_mem>>) src(%arg13 : memref<640xf32, #tpu.memory_space<vmem>>) dst(%dma_wait3A_46 : memref<640xf32, #tpu.memory_space<hbm>>)
        tpu.yield
      }) : () -> ()
    } else {
    }
    return
  }
}

module attributes {stable_mosaic.version = 14 : i64} {
  func.func @_prep_body(%arg0: i32, %arg1: memref<1000x128xf32, #tpu.memory_space<vmem>>, %arg2: memref<128x64xf32, #tpu.memory_space<vmem>>, %arg3: memref<1x64xf32, #tpu.memory_space<vmem>>, %arg4: memref<64x1xf32, #tpu.memory_space<vmem>>, %arg5: memref<1x1xf32, #tpu.memory_space<vmem>>, %arg6: memref<1000x80xf32, #tpu.memory_space<vmem>>, %arg7: memref<1000x80xf32, #tpu.memory_space<vmem>>, %arg8: memref<1000x1xf32, #tpu.memory_space<vmem>>) attributes {dimension_semantics = [#tpu.dimension_semantics<arbitrary>], iteration_bounds = array<i64: 10>, scalar_prefetch = 0 : i64, scratch_operands = 0 : i64, tpu.core_type = #tpu.core_type<tc>, window_params = [{transform_indices = @transform_0, window_bounds = array<i64: 1000, 128>}, {pipeline_mode = #tpu.pipeline_mode<synchronous>, transform_indices = @transform_1, window_bounds = array<i64: 128, 64>}, {pipeline_mode = #tpu.pipeline_mode<synchronous>, transform_indices = @transform_2, window_bounds = array<i64: 1, 64>}, {pipeline_mode = #tpu.pipeline_mode<synchronous>, transform_indices = @transform_3, window_bounds = array<i64: 64, 1>}, {pipeline_mode = #tpu.pipeline_mode<synchronous>, transform_indices = @transform_4, window_bounds = array<i64: 1, 1>}, {transform_indices = @transform_5, window_bounds = array<i64: 1000, 80>}, {transform_indices = @transform_6, window_bounds = array<i64: 1000, 80>}, {transform_indices = @transform_7, window_bounds = array<i64: 1000, 1>}]} {
    %get3A = arith.constant 0 : index
    %get3A_0 = arith.constant 0 : index
    %get3A_1 = vector.load %arg1[%get3A, %get3A_0] : memref<1000x128xf32, #tpu.memory_space<vmem>>, vector<1000x128xf32>
    %get3A_2 = arith.constant 0 : index
    %get3A_3 = arith.constant 0 : index
    %get3A_4 = vector.load %arg2[%get3A_2, %get3A_3] : memref<128x64xf32, #tpu.memory_space<vmem>>, vector<128x64xf32>
    %dot_general3A = arith.constant dense<0.000000e+00> : vector<1000x64xf32>
    %dot_general3A_5 = tpu.matmul %get3A_1, %get3A_4, %dot_general3A {dimension_numbers = #tpu.dot_dimension_numbers<[1], [0], [0], [1], [0, 0, 1, 1], [], []>, transpose_lhs_hint = false} : vector<1000x128xf32>, vector<128x64xf32>, vector<1000x64xf32> -> vector<1000x64xf32>
    %get3A_6 = arith.constant 0 : index
    %get3A_7 = arith.constant 0 : index
    %get3A_8 = vector.load %arg3[%get3A_6, %get3A_7] : memref<1x64xf32, #tpu.memory_space<vmem>>, vector<1x64xf32>
    %add3A = vector.broadcast %get3A_8 : vector<1x64xf32> to vector<1000x64xf32>
    %add3A_9 = arith.addf %dot_general3A_5, %add3A : vector<1000x64xf32>
    %ge3A = arith.constant 0.000000e+00 : f32
    %ge3A_10 = vector.broadcast %ge3A : f32 to vector<1000x64xf32>
    %ge3A_11 = arith.cmpf oge, %add3A_9, %ge3A_10 : vector<1000x64xf32>
    %mul3A = arith.constant 0.00999999977 : f32
    %mul3A_12 = vector.broadcast %mul3A : f32 to vector<1000x64xf32>
    %mul3A_13 = arith.mulf %mul3A_12, %add3A_9 : vector<1000x64xf32>
    %select_n3A = arith.select %ge3A_11, %add3A_9, %mul3A_13 : vector<1000x64xi1>, vector<1000x64xf32>
    %get3A_14 = arith.constant 0 : index
    %get3A_15 = arith.constant 0 : index
    %get3A_16 = vector.load %arg4[%get3A_14, %get3A_15] : memref<64x1xf32, #tpu.memory_space<vmem>>, vector<64x1xf32>
    %dot_general3A_17 = arith.constant dense<0.000000e+00> : vector<1000x1xf32>
    %dot_general3A_18 = tpu.matmul %select_n3A, %get3A_16, %dot_general3A_17 {dimension_numbers = #tpu.dot_dimension_numbers<[1], [0], [0], [1], [0, 0, 1, 1], [], []>, transpose_lhs_hint = false} : vector<1000x64xf32>, vector<64x1xf32>, vector<1000x1xf32> -> vector<1000x1xf32>
    %get3A_19 = arith.constant 0 : index
    %get3A_20 = arith.constant 0 : index
    %get3A_21 = vector.load %arg5[%get3A_19, %get3A_20] : memref<1x1xf32, #tpu.memory_space<vmem>>, vector<1x1xf32>
    %add3A_22 = vector.broadcast %get3A_21 : vector<1x1xf32> to vector<1000x1xf32>
    %add3A_23 = arith.addf %dot_general3A_18, %add3A_22 : vector<1000x1xf32>
    %exp3A = math.exp %add3A_23 : vector<1000x1xf32>
    %broadcast_in_dim3A = arith.constant 0.000000e+00 : f32
    %broadcast_in_dim3A_24 = vector.broadcast %broadcast_in_dim3A : f32 to vector<1000x15xf32>
    %slice3A = vector.extract_strided_slice %get3A_1 {offsets = [0, 0], sizes = [1000, 64], strides = [1, 1]} : vector<1000x128xf32> to vector<1000x64xf32>
    %mul3A_25 = vector.broadcast %exp3A : vector<1000x1xf32> to vector<1000x64xf32>
    %mul3A_26 = arith.mulf %slice3A, %mul3A_25 : vector<1000x64xf32>
    %concatenate3A = tpu.concatenate %mul3A_26, %exp3A, %broadcast_in_dim3A_24 in 1 : vector<1000x64xf32>, vector<1000x1xf32>, vector<1000x15xf32> -> vector<1000x80xf32>
    %swap3A = arith.constant 0 : index
    %swap3A_27 = arith.constant 0 : index
    %swap3A_28 = vector.load %arg6[%swap3A, %swap3A_27] : memref<1000x80xf32, #tpu.memory_space<vmem>>, vector<1000x80xf32>
    tpu.vector_store %arg6[%swap3A, %swap3A_27], %concatenate3A {strides = array<i32>} : memref<1000x80xf32, #tpu.memory_space<vmem>>, vector<1000x80xf32>,
    %slice3A_29 = vector.extract_strided_slice %get3A_1 {offsets = [0, 64], sizes = [1000, 64], strides = [1, 1]} : vector<1000x128xf32> to vector<1000x64xf32>
    %mul3A_30 = vector.broadcast %exp3A : vector<1000x1xf32> to vector<1000x64xf32>
    %mul3A_31 = arith.mulf %slice3A_29, %mul3A_30 : vector<1000x64xf32>
    %concatenate3A_32 = tpu.concatenate %mul3A_31, %exp3A, %broadcast_in_dim3A_24 in 1 : vector<1000x64xf32>, vector<1000x1xf32>, vector<1000x15xf32> -> vector<1000x80xf32>
    %swap3A_33 = arith.constant 0 : index
    %swap3A_34 = arith.constant 0 : index
    %swap3A_35 = vector.load %arg7[%swap3A_33, %swap3A_34] : memref<1000x80xf32, #tpu.memory_space<vmem>>, vector<1000x80xf32>
    tpu.vector_store %arg7[%swap3A_33, %swap3A_34], %concatenate3A_32 {strides = array<i32>} : memref<1000x80xf32, #tpu.memory_space<vmem>>, vector<1000x80xf32>,
    %swap3A_36 = arith.constant 0 : index
    %swap3A_37 = arith.constant 0 : index
    %swap3A_38 = vector.load %arg8[%swap3A_36, %swap3A_37] : memref<1000x1xf32, #tpu.memory_space<vmem>>, vector<1000x1xf32>
    tpu.vector_store %arg8[%swap3A_36, %swap3A_37], %exp3A {strides = array<i32>} : memref<1000x1xf32, #tpu.memory_space<vmem>>, vector<1000x1xf32>,
    return
  }
  func.func @transform_0(%arg0: i32) -> (i32, i32) {
    %c0_i32 = arith.constant 0 : i32
    %c0_i32_0 = arith.constant 0 : i32
    return %arg0, %c0_i32 : i32, i32
  }
  func.func @transform_1(%arg0: i32) -> (i32, i32) {
    %c0_i32 = arith.constant 0 : i32
    %c0_i32_0 = arith.constant 0 : i32
    %c0_i32_1 = arith.constant 0 : i32
    return %c0_i32, %c0_i32_0 : i32, i32
  }
  func.func @transform_2(%arg0: i32) -> (i32, i32) {
    %c0_i32 = arith.constant 0 : i32
    %c0_i32_0 = arith.constant 0 : i32
    %c0_i32_1 = arith.constant 0 : i32
    return %c0_i32, %c0_i32_0 : i32, i32
  }
  func.func @transform_3(%arg0: i32) -> (i32, i32) {
    %c0_i32 = arith.constant 0 : i32
    %c0_i32_0 = arith.constant 0 : i32
    %c0_i32_1 = arith.constant 0 : i32
    return %c0_i32, %c0_i32_0 : i32, i32
  }
  func.func @transform_4(%arg0: i32) -> (i32, i32) {
    %c0_i32 = arith.constant 0 : i32
    %c0_i32_0 = arith.constant 0 : i32
    %c0_i32_1 = arith.constant 0 : i32
    return %c0_i32, %c0_i32_0 : i32, i32
  }
  func.func @transform_5(%arg0: i32) -> (i32, i32) {
    %c0_i32 = arith.constant 0 : i32
    %c0_i32_0 = arith.constant 0 : i32
    return %arg0, %c0_i32 : i32, i32
  }
  func.func @transform_6(%arg0: i32) -> (i32, i32) {
    %c0_i32 = arith.constant 0 : i32
    %c0_i32_0 = arith.constant 0 : i32
    return %arg0, %c0_i32 : i32, i32
  }
  func.func @transform_7(%arg0: i32) -> (i32, i32) {
    %c0_i32 = arith.constant 0 : i32
    %c0_i32_0 = arith.constant 0 : i32
    return %arg0, %c0_i32 : i32, i32
  }
}

module attributes {stable_mosaic.version = 14 : i64} {
  func.func @_final_body(%arg0: i32, %arg1: memref<1000x80xf32, #tpu.memory_space<vmem>>, %arg2: memref<1000x80xf32, #tpu.memory_space<vmem>>, %arg3: memref<1000x128xf32, #tpu.memory_space<vmem>>) attributes {dimension_semantics = [#tpu.dimension_semantics<arbitrary>], iteration_bounds = array<i64: 10>, scalar_prefetch = 0 : i64, scratch_operands = 0 : i64, tpu.core_type = #tpu.core_type<tc>, window_params = [{transform_indices = @transform_0, window_bounds = array<i64: 1000, 80>}, {transform_indices = @transform_1, window_bounds = array<i64: 1000, 80>}, {transform_indices = @transform_2, window_bounds = array<i64: 1000, 128>}]} {
    %get3A = arith.constant 0 : index
    %get3A_0 = arith.constant 0 : index
    %get3A_1 = vector.load %arg1[%get3A, %get3A_0] : memref<1000x80xf32, #tpu.memory_space<vmem>>, vector<1000x80xf32>
    %get3A_2 = arith.constant 0 : index
    %get3A_3 = arith.constant 0 : index
    %get3A_4 = vector.load %arg2[%get3A_2, %get3A_3] : memref<1000x80xf32, #tpu.memory_space<vmem>>, vector<1000x80xf32>
    %slice3A = vector.extract_strided_slice %get3A_1 {offsets = [0, 64], sizes = [1000, 1], strides = [1, 1]} : vector<1000x80xf32> to vector<1000x1xf32>
    %gt3A = arith.constant 0.000000e+00 : f32
    %gt3A_5 = vector.broadcast %gt3A : f32 to vector<1000x1xf32>
    %gt3A_6 = arith.cmpf ogt, %slice3A, %gt3A_5 : vector<1000x1xf32>
    %div3A = arith.constant 1.000000e+00 : f32
    %div3A_7 = vector.broadcast %div3A : f32 to vector<1000x1xf32>
    %div3A_8 = arith.divf %div3A_7, %slice3A : vector<1000x1xf32>
    %jit3A = arith.constant 0.000000e+00 : f32
    %broadcast_in_dim3A = vector.broadcast %jit3A : f32 to vector<1000x1xf32>
    %select_n3A = arith.select %gt3A_6, %div3A_8, %broadcast_in_dim3A : vector<1000x1xi1>, vector<1000x1xf32>
    %slice3A_9 = vector.extract_strided_slice %get3A_1 {offsets = [0, 0], sizes = [1000, 64], strides = [1, 1]} : vector<1000x80xf32> to vector<1000x64xf32>
    %slice3A_10 = vector.extract_strided_slice %get3A_4 {offsets = [0, 0], sizes = [1000, 64], strides = [1, 1]} : vector<1000x80xf32> to vector<1000x64xf32>
    %concatenate3A = tpu.concatenate %slice3A_9, %slice3A_10 in 1 : vector<1000x64xf32>, vector<1000x64xf32> -> vector<1000x128xf32>
    %mul3A = vector.broadcast %select_n3A : vector<1000x1xf32> to vector<1000x128xf32>
    %mul3A_11 = arith.mulf %concatenate3A, %mul3A : vector<1000x128xf32>
    %ge3A = arith.constant 0.000000e+00 : f32
    %ge3A_12 = vector.broadcast %ge3A : f32 to vector<1000x128xf32>
    %ge3A_13 = arith.cmpf oge, %mul3A_11, %ge3A_12 : vector<1000x128xf32>
    %mul3A_14 = arith.constant 0.00999999977 : f32
    %mul3A_15 = vector.broadcast %mul3A_14 : f32 to vector<1000x128xf32>
    %mul3A_16 = arith.mulf %mul3A_15, %mul3A_11 : vector<1000x128xf32>
    %select_n3A_17 = arith.select %ge3A_13, %mul3A_11, %mul3A_16 : vector<1000x128xi1>, vector<1000x128xf32>
    %tanh3A = math.tanh %select_n3A_17 : vector<1000x128xf32>
    %swap3A = arith.constant 0 : index
    %swap3A_18 = arith.constant 0 : index
    %swap3A_19 = vector.load %arg3[%swap3A, %swap3A_18] : memref<1000x128xf32, #tpu.memory_space<vmem>>, vector<1000x128xf32>
    tpu.vector_store %arg3[%swap3A, %swap3A_18], %tanh3A {strides = array<i32>} : memref<1000x128xf32, #tpu.memory_space<vmem>>, vector<1000x128xf32>,
    return
  }
  func.func @transform_0(%arg0: i32) -> (i32, i32) {
    %c0_i32 = arith.constant 0 : i32
    %c0_i32_0 = arith.constant 0 : i32
    return %arg0, %c0_i32 : i32, i32
  }
  func.func @transform_1(%arg0: i32) -> (i32, i32) {
    %c0_i32 = arith.constant 0 : i32
    %c0_i32_0 = arith.constant 0 : i32
    return %arg0, %c0_i32 : i32, i32
  }
  func.func @transform_2(%arg0: i32) -> (i32, i32) {
    %c0_i32 = arith.constant 0 : i32
    %c0_i32_0 = arith.constant 0 : i32
    return %arg0, %c0_i32 : i32, i32
  }
}

</mosaic_0001>

<sc_bundles>
// kernel: kernel.6.cloned.1.call-start
scs
__scs_entry_jumppad:
0x0: {  	(pc) =	sbr.rel $0x88, $3  }
0x1: {  	(tag) =	ssettag $0x0;
	lr =	simm.s32 $0x1  }
0x2: {  	[smem:$0x3F9A] =	sst lr;
	_ =	strace $0xD0000000  }
0x3: {  	_ = 	snop  }
0x4: {  	_ = 	snop  }
0x5: {  	_ = 	snop  }
0x6: {  	_ = 	snop  }
0x7: {  	_ = 	snop  }
__scs_overlays_trampoline_lowered:
0x8: {  	[smem:$0x3FA9] =	sst s0  }
0x9: {  	[smem:$0x3FAA] =	sst s1  }
0xa: {  	[smem:$0x3FAB] =	sst s2  }
0xb: {  	[smem:$0x3FAC] =	sst s3  }
0xc: {  	[smem:$0x3FAD] =	sst s4  }
0xd: {  	[smem:$0x3FAE] =	sst s5  }
0xe: {  	[smem:$0x3FAF] =	sst s6  }
0xf: {  	[smem:$0x3FB0] =	sst s7  }
0x10: {  	[smem:$0x3FB1] =	sst s8  }
0x11: {  	[smem:$0x3FB2] =	sst s9;
	s0 =	simm.s32 @!p0 $0x0  }
0x12: {  	s1 =	sld [smem:$0x3F98];
	s0 =	simm.s32 @p0 $0x1  }
0x13: {  	[smem:$0x3FB3] =	sst s0;
	s0 =	simm.s32 @!p1 $0x0  }
0x14: {  	s2 =	sld [smem:$0x3F97];
	s0 =	simm.s32 @p1 $0x1  }
0x15: {  	[smem:$0x3FB4] =	sst s0;
	s0 =	simm.s32 @!p2 $0x0  }
0x16: {  	s3 =	sld [smem:$0x3FDB];
	s0 =	simm.s32 @p2 $0x1  }
0x17: {  	s4 =	simm.s32 $0x1BF5;
	[smem:$0x3FB6] =	sst s0  }
0x18: {  	s0 =	sld [smem:$0x3F99];
	_ =	swait.ge [sflag:s4], $0x0  }
0x19: {  	s7 =	sld [smem:$0x3F9A]  }
0x1a: {  	s8 =	sadd.s32 $0xFFFFE003, lr  }
0x1b: {  	s9 =	sadd.s32 $0xFFFFFEF7, lr;
	s5 =	simm.s32 $0xFFFFFFFF;
	p2 =	slt.u32 s8, $0xFFFFF086  }
0x1c: {  	p1 =	slt.u32 s9, $0xF7A;
	s5 =	simm.s32 @!p2 $0x0  }
0x1d: {  	s5 =	simm.s32 @p1 $0x1;
	p0 =	seq.s32 s7, s2  }
0x1e: {  	s7 =	smul.u32 @!p0 $0xF7A, s2;
	p2 =	seq.s32 @!p0 s5, $0x0  }
0x1f: {  	s9 =	smul.u32 $0xF7A, s1;
	s8 =	simm.s32 @!p0 $0x1BF5;
	p2 =	por !p2, p0  }
0x20: {  	[sflag:s8] =	ssyncset.s32 @!p0 $0xFFFFF086;
	s6 =	sadd.s32 @!p0 s3, s7;
	s7 =	simm.s32 @!p0 $0x108  }
0x21: {  	s3 =	sadd.s32 s3, s9;
	s6 =	sadd.s32 @!p0 $0x88, s6;
	s7 =	simm.s32 @p2 $0x1082  }
0x22: {  	[simem:s7], [sflag:s8] =	dma.local @!p0 [hbm:s6], $0xF7A  }
0x23: {  	s9 =	sor.u32 $0xD0000000, s2;
	s6 =	simm.s32 $0x108;
	_ =	swait.ge @!p0 [sflag:s8], $0x0  }
0x24: {  	s3 =	sadd.s32 $0x88, s3;
	s6 =	simm.s32 @!p1 $0x1082;
	[sflag:s4] =	ssyncset.s32 $0xFFFFF086  }
0x25: {  	[simem:s6], [sflag:s4] =	dma.local [hbm:s3], $0xF7A  }
0x26: {  	[smem:$0x3F9A] =	sst s1;
	(tag) =	ssettag s2;
	_ =	strace s9  }
0x27: {  	s1 =	sld [smem:$0x3FAA]  }
0x28: {  	s2 =	sld [smem:$0x3FAB]  }
0x29: {  	s4 =	sld [smem:$0x3FAD]  }
0x2a: {  	p0 =	seq.s32 s5, $0x0;
	s5 =	sld [smem:$0x3FAE]  }
0x2b: {  	s6 =	sld [smem:$0x3FAF]  }
0x2c: {  	s7 =	sld [smem:$0x3FB0]  }
0x2d: {  	s3 =	simm.s32 $0x108;
	s8 =	sld [smem:$0x3FB1]  }
0x2e: {  	s3 =	simm.s32 @!p0 $0x1082;
	s9 =	sld [smem:$0x3FB2]  }
0x2f: {  	lr =	sadd.s32 s0, s3;
	s0 =	sld [smem:$0x3FA9]  }
0x30: {  	s3 =	sld [smem:$0x3FAC]  }
0x31: {  	[smem:$0x3FB5] =	sst s10  }
0x32: {  	s10 =	sld [smem:$0x3FB3];
	_ =	sdelay $0x3  }
0x33: {  	p0 =	seq.s32 s10, $0x1;
	s10 =	sld [smem:$0x3FB5];
	_ =	sdelay $0x3  }
0x34: {  	[smem:$0x3FB5] =	sst s10  }
0x35: {  	s10 =	sld [smem:$0x3FB4];
	_ =	sdelay $0x3  }
0x36: {  	p1 =	seq.s32 s10, $0x1;
	s10 =	sld [smem:$0x3FB5];
	_ =	sdelay $0x3  }
0x37: {  	[smem:$0x3FB5] =	sst s10  }
0x38: {  	s10 =	sld [smem:$0x3FB6]  }
0x39: {  	_ = 	snop;
	(pc) =	sbr.ind lr, $3  }
0x3a: {  	_ = 	snop  }
0x3b: {  	_ = 	snop  }
0x3c: {  	p2 =	seq.s32 s10, $0x1;
	s10 =	sld [smem:$0x3FB5]  }
0x3d: {  	_ =	shalt  }
0x3e: {  	_ =	shalt  }
0x3f: {  	_ =	shalt  }
0x40: {  	_ =	shalt  }
0x41: {  	_ =	shalt  }
0x42: {  	_ =	shalt  }
0x43: {  	_ =	shalt  }
0x44: {  	_ =	shalt  }
0x45: {  	_ =	shalt  }
0x46: {  	_ =	shalt  }
0x47: {  	_ =	shalt  }
0x48: {  	_ =	shalt  }
0x49: {  	_ =	shalt  }
0x4a: {  	_ =	shalt  }
0x4b: {  	_ =	shalt  }
0x4c: {  	_ =	shalt  }
0x4d: {  	_ =	shalt  }
0x4e: {  	_ =	shalt  }
0x4f: {  	_ =	shalt  }
0x50: {  	_ =	shalt  }
0x51: {  	_ =	shalt  }
0x52: {  	_ =	shalt  }
0x53: {  	_ =	shalt  }
0x54: {  	_ =	shalt  }
0x55: {  	_ =	shalt  }
0x56: {  	_ =	shalt  }
0x57: {  	_ =	shalt  }
0x58: {  	_ =	shalt  }
0x59: {  	_ =	shalt  }
0x5a: {  	_ =	shalt  }
0x5b: {  	_ =	shalt  }
0x5c: {  	_ =	shalt  }
0x5d: {  	_ =	shalt  }
0x5e: {  	_ =	shalt  }
0x5f: {  	_ =	shalt  }
0x60: {  	_ =	shalt  }
0x61: {  	_ =	shalt  }
0x62: {  	_ =	shalt  }
0x63: {  	_ =	shalt  }
0x64: {  	_ =	shalt  }
0x65: {  	_ =	shalt  }
0x66: {  	_ =	shalt  }
0x67: {  	_ =	shalt  }
0x68: {  	_ =	shalt  }
0x69: {  	_ =	shalt  }
0x6a: {  	_ =	shalt  }
0x6b: {  	_ =	shalt  }
0x6c: {  	_ =	shalt  }
0x6d: {  	_ =	shalt  }
0x6e: {  	_ =	shalt  }
0x6f: {  	_ =	shalt  }
0x70: {  	_ =	shalt  }
0x71: {  	_ =	shalt  }
0x72: {  	_ =	shalt  }
0x73: {  	_ =	shalt  }
0x74: {  	_ =	shalt  }
0x75: {  	_ =	shalt  }
0x76: {  	_ =	shalt  }
0x77: {  	_ =	shalt  }
0x78: {  	_ =	shalt  }
0x79: {  	_ =	shalt  }
0x7a: {  	_ =	shalt  }
0x7b: {  	_ =	shalt  }
0x7c: {  	_ =	shalt  }
0x7d: {  	_ =	shalt  }
0x7e: {  	_ =	shalt  }
0x7f: {  	_ =	shalt  }
0x80: {  	_ =	shalt  }
0x81: {  	_ =	shalt  }
0x82: {  	_ =	shalt  }
0x83: {  	_ =	shalt  }
0x84: {  	_ =	shalt  }
0x85: {  	_ =	shalt  }
0x86: {  	_ =	shalt  }
0x87: {  	_ =	shalt  }
.Lfunc_end0:
.L_simem_size_0:
called_computation_lowered:
.L_overlay_start_0:
0x88: {  	s2 =	sld [smem:$0x3FD9]  }
0x89: {  	s3 =	sld [smem:$0x3FFE];
	_ =	sdelay $0x1  }
0x8a: {  	s1 =	srdreg.scid  }
0x8b: {  	s0 =	sand.u32 $0x1, s1  }
0x8c: {  	s14 =	sshll.u32 s0, $0xA;
	s2 =	sadd.s32 s3, s2  }
0x8d: {  	s2 =	sadd.s32 s2, s14  }
0x8e: {  	[smem:$0x3FC1] =	sst s2  }
0x8f: {  	_ = 	snop  }
0x90: {  	s2 =	sld [smem:$0x3FD0];
	_ =	sdelay $0x1  }
0x91: {  	s15 =	sld [smem:$0x3FC8]  }
0x92: {  	s5 =	simm.s32 $0xA;
	s6 =	simm.s32 $0x10;
	s4 =	sld [smem:$0x3FC7]  }
0x93: {  	[smem:s6], [sflag:s5] =	dma.local [hbm:s2], $0x1  }
0x94: {  	_ =	swait.eq [sflag:s5], $0x1  }
0x95: {  	[sflag:s5] =	ssyncset.done $0x0  }
0x96: {  	s16 =	sld [smem:$0x10];
	[sflag:s5] =	ssyncadd.s32 $0xFFFFFFFF  }
0x97: {  	s17 =	sld [smem:$0x11];
	(tm) =	ssettm $0x1  }
0x98: {  	s18 =	sld [smem:$0x3FFB];
	_ =	sdelay $0x3  }
0x99: {  	_ =	strace s18  }
0x9a: {  	s6 =	sld [smem:$0x3FFC];
	_ =	sdelay $0x3  }
0x9b: {  	_ =	strace s6  }
0x9c: {  	s6 =	sld [smem:$0x3FFD];
	_ =	sdelay $0x3  }
0x9d: {  	_ =	strace s6  }
0x9e: {  	_ =	strace $0x8FFFFFFF  }
0x9f: {  	s19 =	sld [smem:$0x3FDB];
	_ =	sdelay $0x1  }
0xa0: {  	s7 =	simm.s32 $_scs_section_size  }
0xa1: {  	s8 =	simm.s32 $_size__tile_overlayer_lowered;
	s9 =	simm.s32 $_tile_overlayer_lowered  }
0xa2: {  	s22 =	simm.s32 $0x1BFF;
	s21 =	sshll.u32 s9, $0x1;
	s6 =	sadd.s32 s7, s19  }
0xa3: {  	s10 =	simm.s32 $0x0;
	s20 =	sshll.u32 s8, $0x1;
	s8 =	sadd.s32 s21, s6  }
0xa4: {  	[timem:s10], [sflag:s22] =	dma.local [hbm:s8], s20  }
0xa5: {  	_ =	swait.ge [sflag:s22], s20  }
0xa6: {  	s7 =	ssub.s32 $0x0, s20;
	[sflag:s22] =	ssyncset.done $0x0  }
0xa7: {  	[sflag:s22] =	ssyncadd.s32 s7;
	_ =	sdelay $0x1  }
0xa8: {  	s23 =	simm.s32 $0x1B8B  }
0xa9: {  	_ =	swait.ge [sflag:s23], $0x1  }
0xaa: {  	[sflag:s23] =	ssyncset.done $0x0  }
0xab: {  	s25 =	simm.s32 $0x1B8E;
	s24 =	sld [smem:$0x3FFE];
	[sflag:s23] =	ssyncadd.s32 $0xFFFFFFFF  }
0xac: {  	s26 =	simm.s32 $execute0_lowered;
	[smem:$0x3FD2] =	sst s25  }
0xad: {  	s8 =	sshll.u32 s26, $0x1;
	_ =	strace $0x80000046;
	[dreg:$0x1] =	wrdreg $0xFFFFFFFF  }
0xae: {  	s28 =	simm.s32 $_size_execute0_lowered;
	s6 =	sadd.s32 s6, s8;
	[dreg:$0x0] =	wrdreg $0x0  }
0xaf: {  	s8 =	sshll.u32 s28, $0x1;
	[dreg:$0x2] =	wrdreg s6  }
0xb0: {  	[dreg:$0x3] =	wrdreg s8  }
0xb1: {  	[dreg:$0x4] =	wrdreg $0xC0  }
0xb2: {  	_ =	task [dreg:s10], $0x5FFFF  }
0xb3: {  	[dreg:$0x1] =	wrdreg $0xFFFFFFFF  }
0xb4: {  	[dreg:$0x0] =	wrdreg $0x60  }
0xb5: {  	[dreg:$0x2] =	wrdreg s16  }
0xb6: {  	[dreg:$0x3] =	wrdreg s24  }
0xb7: {  	[dreg:$0x4] =	wrdreg s15  }
0xb8: {  	[dreg:$0x5] =	wrdreg s4  }
0xb9: {  	[dreg:$0x6] =	wrdreg s17  }
0xba: {  	[dreg:$0x7] =	wrdreg $0x129D00  }
0xbb: {  	[dreg:$0x8] =	wrdreg $0x9  }
0xbc: {  	_ =	task.clear_ibuf [dreg:s10], $0x9FFFF;
	_ =	strace $0x90000046  }
0xbd: {  	s29 =	simm.s32 $0x9;
	_ =	strace $0x80000048  }
0xbe: {  	_ =	swait.ge [sflag:s29], $0x1  }
0xbf: {  	[sflag:s29] =	ssyncadd.s32 $0xFFFFFFFF  }
0xc0: {  	_ =	strace $0x90000048  }
0xc1: {  	_ =	sfence  }
0xc2: {  	s30 =	sld [smem:$0x0];
	_ =	sdelay $0x2  }
0xc3: {  	s31 =	sshll.u32 s1, $0xD;
	s1 =	sshrl.u32 s1, $0x2  }
0xc4: {  	s3 =	sand.u32 $0x4000, s31;
	s1 =	sadd.s32 s1, s30  }
0xc5: {  	s0 =	sor.u32 s3, s0;
	s1 =	sshll.u32 s1, $0x11  }
0xc6: {  	s0 =	sor.u32 s1, s0  }
0xc7: {  	s0 =	sadd.s32 $0x8F2B, s0  }
0xc8: {  	[sflag:s0] =	ssyncadd.remote.s32 $0x1  }
0xc9: {  	_ =	sfence.sel $0xFFFF  }
0xca: {  	[dreg:$0x0] =	wrdreg $0xFFFFFFFF;
	(pc) =	sbr.abs _section_cstart, $3  }
0xcb: {  	[dreg:$0x1] =	wrdreg $0xFFFFFFFF  }
0xcc: {  	_ =	task.clear_ibuf [dreg:s10], $0x2FFFF;
	_ =	strace $0x9FFFFFFF  }
0xcd: {  	(tm) =	ssettm $0x7FFFFFFF  }
tec
execute0_lowered:
.L_overlay_start_1:
0x0: {  	(tag) =	ssettag $0x1  }
0x1: {  	s1 =	rddreg [dreg:$0x0]  }
0x2: {  	s0 =	rddreg [dreg:$0x1]  }
0x3: {  	s2 =	rddreg [dreg:$0x2]  }
0x4: {  	s3 =	rddreg [dreg:$0x3]  }
0x5: {  	s4 =	rddreg [dreg:$0x5];
	s5 =	simm.s32 $0x0;
	s10 =	stileid.u32  }
0x6: {  	s6 =	srdreg.scid;
	s28 =	simm.s32 $0xA;
	s30 =	simm.s32 $0x50  }
0x7: {  	s31 =	simm.s32 $0x9C40;
	s29 =	simm.s32 $0x4;
	s7 =	smul.u32 $0x50, s10  }
0x8: {  	[smem:$0x7FF] =	sst s5;
	s14 =	sand.u32 $0x1, s6;
	s12 =	smul.u32 $0xC350, s10  }
0x9: {  	s6 =	sadd.s32 $0x1200, s0;
	s15 =	sadd.s32 $0x19A00, s0;
	s13 =	smul.u32 $0x9C4, s10  }
0xa: {  	_ =	strace $0x80000047;
	s8 =	ssub.s32 $0x2, s14;
	p0 =	sne.s32 s14, $0x0  }
0xb: {  	s0 =	sadd.s32 s7, s0;
	s23 =	sshrl.u32 s8, $0x1;
	s17 =	sadd.s32 $0x2710, s12  }
0xc: {  	s18 =	sadd.s32 $0x4E20, s12;
	s7 =	sadd.s32 s12, s4;
	s19 =	sadd.s32 $0x7530, s12  }
0xd: {  	s20 =	sadd.s32 $0x9C40, s12;
	s21 =	sshrl.u32 s12, $0x3;
	s2 =	sadd.s32 s2, s13  }
0xe: {  	s13 =	sadd.s32 s3, s13;
	s3 =	simm.s32 $0x2;
	s16 =	ssub.s32 s8, s23  }
0xf: {  	s8 =	sadd.s32 s17, s4;
	s9 =	sadd.s32 s18, s4;
	s10 =	sadd.s32 s19, s4  }
0x10: {  	s11 =	sadd.s32 s20, s4;
	[dreg:$0x7] =	wrdreg s2;
	s12 =	sadd.s32 s15, s21  }
0x11: {  	s26 =	sshrl.u32 s17, $0x3;
	s21 =	sshrl.u32 s18, $0x3;
	s22 =	sshrl.u32 s19, $0x3  }
0x12: {  	s23 =	sshrl.u32 s20, $0x3;
	s0 =	sadd.s32 $0x4A800, s0;
	[dreg:$0x8] =	wrdreg s12  }
0x13: {  	s18 =	simm.s32 $0x5;
	s24 =	sadd.s32 $0x186A0, s12;
	[dreg:$0x12] =	wrdreg s0  }
0x14: {  	s19 =	simm.s32 $0x6;
	s25 =	sadd.s32 $0x18B82, s12;
	[dreg:$0x9] =	wrdreg s24  }
0x15: {  	s20 =	simm.s32 $0x7;
	s17 =	sadd.s32 $0x19064, s12;
	[dreg:$0xa] =	wrdreg s25  }
0x16: {  	s2 =	sadd.s32 s15, s26;
	s26 =	sadd.s32 $0x19A28, s12;
	[dreg:$0xb] =	wrdreg s17  }
0x17: {  	s0 =	simm.s32 $0xB540;
	[dreg:$0xc] =	wrdreg s2;
	s2 =	sadd.s32 s15, s21  }
0x18: {  	v0 =	vlaneseq.u32;
	s24 =	sadd.s32 s15, s23;
	s25 =	sadd.s32 $0x19546, s12;
	[dreg:$0x11] =	wrdreg s26  }
.Ltmp0:
0x19: {  	v7 =	vmul.u32 $0x50, v0;
	s26 =	simm.s32 $0x10040;
	[dreg:$0xd] =	wrdreg s2;
	(pc) =	sbr.rel .LBB2_1-.Ltmp0, $4  }
0x1a: {  	s17 =	simm.s32 $0x3;
	s21 =	simm.s32 $0x8;
	[dreg:$0xf] =	wrdreg s24  }
0x1b: {  	v0 =	vadd.s32 $0x40, v7;
	v1 =	vadd.s32 $0x540, v7;
	s2 =	sadd.s32 s15, s22;
	[dreg:$0x10] =	wrdreg s25;
	s25 =	smax.u32 s16, $0x1  }
0x1c: {  	v2 =	vadd.s32 $0xA40, v7;
	v3 =	vadd.s32 $0xF40, v7;
	v4 =	vadd.s32 $0x1440, v7;
	s15 =	simm.s32 $0xE740;
	s16 =	simm.s32 $0x1;
	s24 =	simm.s32 $0x9  }
0x1d: {  	v5 =	vadd.s32 $0x1940, v7;
	v6 =	vadd.s32 $0x1E40, v7;
	v7 =	vadd.s32 $0x2340, v7;
	s22 =	simm.s32 $0x0;
	[dreg:$0xe] =	wrdreg s2;
	s2 =	simm.s32 $0xCE40  }
.LBB2_7:
0x1e: {  	[tilespmem:s15], [sflag:$0x4] =	stream.indirect.gather [hbm4b:s6+s30], $0x50, s14, s30, $0xb8;
	[tilespmem:$0x1ED20] =	vst v63  }
0x1f: {  	_ =	swait.ge [sflag:s16], $0x1900  }
0x20: {  	[sflag:s16] =	ssyncset.done $0x0  }
0x21: {  	s12 =	simm.s32 $0x9A60;
	[sflag:s16] =	ssyncadd.s32 $0xFFFFE700  }
0x22: {  	[spmem:s4] =	stream.indirect.scatter.add.f32 [tilespmem:s31], [sflag:$0x5], $0x50, s12, s30, $0xb8;
	[tilespmem:$0x1ED20] =	vst v63  }
0x23: {  	_ =	swait.ge [sflag:s3], $0x1900  }
0x24: {  	[sflag:s3] =	ssyncset.done $0x0  }
0x25: {  	s14 =	simm.s32 $0x9AB0;
	[sflag:s3] =	ssyncadd.s32 $0xFFFFE700  }
0x26: {  	[spmem:s4] =	stream.indirect.scatter.add.f32 [tilespmem:s0], [sflag:$0x6], $0x50, s14, s30, $0xb8;
	[tilespmem:$0x1ED20] =	vst v63  }
0x27: {  	_ =	swait.ge [sflag:s17], $0x1900  }
0x28: {  	[sflag:s17] =	ssyncset.done $0x0  }
0x29: {  	s23 =	simm.s32 $0x9B00;
	[sflag:s17] =	ssyncadd.s32 $0xFFFFE700  }
0x2a: {  	[spmem:s4] =	stream.indirect.scatter.add.f32 [tilespmem:s2], [sflag:$0x7], $0x50, s23, s30, $0xb8;
	[tilespmem:$0x1ED20] =	vst v63  }
0x2b: {  	_ =	swait.ge [sflag:s29], $0x1900  }
0x2c: {  	[sflag:s29] =	ssyncset.done $0x0  }
0x2d: {  	s14 =	simm.s32 $0x9B50;
	[sflag:s29] =	ssyncadd.s32 $0xFFFFE700  }
0x2e: {  	[spmem:s4] =	stream.indirect.scatter.add.f32 [tilespmem:s15], [sflag:$0x8], $0x50, s14, s30, $0xb8;
	[tilespmem:$0x1ED20] =	vst v63  }
0x2f: {  	_ =	swait.ge [sflag:s18], $0x1900  }
0x30: {  	[sflag:s18] =	ssyncset.done $0x0  }
0x31: {  	s23 =	simm.s32 $0x4D80;
	[sflag:s18] =	ssyncadd.s32 $0xFFFFE700  }
0x32: {  	[tilespmem:s31], [sflag:$0x1] =	stream.indirect.gather [hbm4b:s6+s30], $0x50, s23, s30, $0xb8;
	[tilespmem:$0x1ED20] =	vst v63  }
0x33: {  	_ =	swait.ge [sflag:s19], $0x1900  }
0x34: {  	[sflag:s19] =	ssyncset.done $0x0  }
0x35: {  	s14 =	simm.s32 $0x4DD0;
	[sflag:s19] =	ssyncadd.s32 $0xFFFFE700  }
0x36: {  	[tilespmem:s0], [sflag:$0x2] =	stream.indirect.gather [hbm4b:s6+s30], $0x50, s14, s30, $0xb8;
	[tilespmem:$0x1ED20] =	vst v63  }
0x37: {  	_ =	swait.ge [sflag:s20], $0x1900  }
0x38: {  	[sflag:s20] =	ssyncset.done $0x0  }
0x39: {  	[sflag:s20] =	ssyncadd.s32 $0xFFFFE700  }
0x3a: {  	_ =	swait.ge [sflag:s21], $0x1900  }
0x3b: {  	[sflag:s21] =	ssyncset.done $0x0  }
0x3c: {  	[sflag:s21] =	ssyncadd.s32 $0xFFFFE700  }
0x3d: {  	_ =	swait.ge [sflag:s16], $0x1900  }
0x3e: {  	[sflag:s16] =	ssyncset.done $0x0  }
0x3f: {  	s23 =	simm.s32 $0x9BA0;
	[sflag:s16] =	ssyncadd.s32 $0xFFFFE700  }
0x40: {  	[spmem:s4] =	stream.indirect.scatter.add.f32 [tilespmem:s31], [sflag:$0x5], $0x50, s23, s30, $0xb8;
	[tilespmem:$0x1ED20] =	vst v63  }
0x41: {  	_ =	swait.ge [sflag:s3], $0x1900  }
0x42: {  	[sflag:s3] =	ssyncset.done $0x0  }
0x43: {  	s14 =	simm.s32 $0x9BF0;
	[sflag:s3] =	ssyncadd.s32 $0xFFFFE700  }
0x44: {  	[spmem:s4] =	stream.indirect.scatter.add.f32 [tilespmem:s0], [sflag:$0x6], $0x50, s14, s30, $0xb8;
	[tilespmem:$0x1ED20] =	vst v63  }
0x45: {  	_ =	swait.ge [sflag:s18], $0x1900  }
0x46: {  	[sflag:s18] =	ssyncset.done $0x0  }
0x47: {  	[sflag:s18] =	ssyncadd.s32 $0xFFFFE700  }
0x48: {  	_ =	swait.ge [sflag:s19], $0x1900  }
0x49: {  	[sflag:s19] =	ssyncset.done $0x0  }
0x4a: {  	[sflag:s19] =	ssyncadd.s32 $0xFFFFE700  }
0x4b: {  	[bflag:$0x0] =	sbarrier.arrive $0xFFFF  }
0x4c: {  	[tilespmem:s26], [sflag:$0xA] =	stream.linear.gather [spmem:s7], $0x2710, $0x38;
	[tilespmem:$0x1ED20] =	vst v63  }
0x4d: {  	_ =	swait.ge [sflag:s28], $0x2710  }
0x4e: {  	[sflag:s28] =	ssyncset.done $0x0  }
0x4f: {  	s23 =	rddreg [dreg:$0x9];
	[sflag:s28] =	ssyncadd.s32 $0xFFFFD8F0  }
0x50: {  	[hbm4b:s23+s5] =	stream.linear.scatter [tilespmem:s26], [sflag:$0x9], $0x2710, $0x38;
	[tilespmem:$0x1ED20] =	vst v63  }
0x51: {  	v8 =	vld.idx.msk [tilespmem:v0+s26+$0x0], $0xffff;
	_ =	sdelay $0x4  }
0x52: {  	[tilespmem:$0x12750] =	vst v8  }
0x53: {  	v8 =	vld.idx.msk [tilespmem:v1+s26+$0x0], $0xffff;
	_ =	sdelay $0x4  }
0x54: {  	[tilespmem:$0x12760] =	vst v8  }
0x55: {  	v8 =	vld.idx.msk [tilespmem:v2+s26+$0x0], $0xffff;
	_ =	sdelay $0x4  }
0x56: {  	[tilespmem:$0x12770] =	vst v8  }
0x57: {  	v8 =	vld.idx.msk [tilespmem:v3+s26+$0x0], $0xffff;
	_ =	sdelay $0x4  }
0x58: {  	[tilespmem:$0x12780] =	vst v8  }
0x59: {  	v8 =	vld.idx.msk [tilespmem:v4+s26+$0x0], $0xffff;
	_ =	sdelay $0x4  }
0x5a: {  	[tilespmem:$0x12790] =	vst v8  }
0x5b: {  	v8 =	vld.idx.msk [tilespmem:v5+s26+$0x0], $0xffff;
	_ =	sdelay $0x4  }
0x5c: {  	[tilespmem:$0x127A0] =	vst v8  }
0x5d: {  	v8 =	vld.idx.msk [tilespmem:v6+s26+$0x0], $0xffff;
	_ =	sdelay $0x4  }
0x5e: {  	[tilespmem:$0x127B0] =	vst v8  }
0x5f: {  	v8 =	vld.idx.msk [tilespmem:v7+s26+$0x0], $0x1fff;
	_ =	sdelay $0x4  }
0x60: {  	[tilespmem:$0x127C0] =	vst v8  }
0x61: {  	_ =	swait.ge [sflag:s24], $0x2710  }
0x62: {  	[sflag:s24] =	ssyncset.done $0x0  }
0x63: {  	[sflag:s24] =	ssyncadd.s32 $0xFFFFD8F0  }
0x64: {  	[tilespmem:s26], [sflag:$0xA] =	stream.linear.gather [spmem:s8], $0x2710, $0x38;
	[tilespmem:$0x1ED20] =	vst v63  }
0x65: {  	_ =	swait.ge [sflag:s28], $0x2710  }
0x66: {  	[sflag:s28] =	ssyncset.done $0x0  }
0x67: {  	s14 =	rddreg [dreg:$0xa];
	[sflag:s28] =	ssyncadd.s32 $0xFFFFD8F0  }
0x68: {  	[hbm4b:s14+s5] =	stream.linear.scatter [tilespmem:s26], [sflag:$0x9], $0x2710, $0x38;
	[tilespmem:$0x1ED20] =	vst v63  }
0x69: {  	v8 =	vld.idx.msk [tilespmem:v0+s26+$0x0], $0xffff;
	_ =	sdelay $0x4  }
0x6a: {  	[tilespmem:$0x127CD] =	vst v8  }
0x6b: {  	v8 =	vld.idx.msk [tilespmem:v1+s26+$0x0], $0xffff;
	_ =	sdelay $0x4  }
0x6c: {  	[tilespmem:$0x127DD] =	vst v8  }
0x6d: {  	v8 =	vld.idx.msk [tilespmem:v2+s26+$0x0], $0xffff;
	_ =	sdelay $0x4  }
0x6e: {  	[tilespmem:$0x127ED] =	vst v8  }
0x6f: {  	v8 =	vld.idx.msk [tilespmem:v3+s26+$0x0], $0xffff;
	_ =	sdelay $0x4  }
0x70: {  	[tilespmem:$0x127FD] =	vst v8  }
0x71: {  	v8 =	vld.idx.msk [tilespmem:v4+s26+$0x0], $0xffff;
	_ =	sdelay $0x4  }
0x72: {  	[tilespmem:$0x1280D] =	vst v8  }
0x73: {  	v8 =	vld.idx.msk [tilespmem:v5+s26+$0x0], $0xffff;
	_ =	sdelay $0x4  }
0x74: {  	[tilespmem:$0x1281D] =	vst v8  }
0x75: {  	v8 =	vld.idx.msk [tilespmem:v6+s26+$0x0], $0xffff;
	_ =	sdelay $0x4  }
0x76: {  	[tilespmem:$0x1282D] =	vst v8  }
0x77: {  	v8 =	vld.idx.msk [tilespmem:v7+s26+$0x0], $0x1fff;
	_ =	sdelay $0x4  }
0x78: {  	[tilespmem:$0x1283D] =	vst v8  }
0x79: {  	_ =	swait.ge [sflag:s24], $0x2710  }
0x7a: {  	[sflag:s24] =	ssyncset.done $0x0  }
0x7b: {  	[sflag:s24] =	ssyncadd.s32 $0xFFFFD8F0  }
0x7c: {  	[tilespmem:s26], [sflag:$0xA] =	stream.linear.gather [spmem:s9], $0x2710, $0x38;
	[tilespmem:$0x1ED20] =	vst v63  }
0x7d: {  	_ =	swait.ge [sflag:s28], $0x2710  }
0x7e: {  	[sflag:s28] =	ssyncset.done $0x0  }
0x7f: {  	s23 =	rddreg [dreg:$0xb];
	[sflag:s28] =	ssyncadd.s32 $0xFFFFD8F0  }
0x80: {  	[hbm4b:s23+s5] =	stream.linear.scatter [tilespmem:s26], [sflag:$0x9], $0x2710, $0x38;
	[tilespmem:$0x1ED20] =	vst v63  }
0x81: {  	v8 =	vld.idx.msk [tilespmem:v0+s26+$0x0], $0xffff;
	_ =	sdelay $0x4  }
0x82: {  	[tilespmem:$0x1284A] =	vst v8  }
0x83: {  	v8 =	vld.idx.msk [tilespmem:v1+s26+$0x0], $0xffff;
	_ =	sdelay $0x4  }
0x84: {  	[tilespmem:$0x1285A] =	vst v8  }
0x85: {  	v8 =	vld.idx.msk [tilespmem:v2+s26+$0x0], $0xffff;
	_ =	sdelay $0x4  }
0x86: {  	[tilespmem:$0x1286A] =	vst v8  }
0x87: {  	v8 =	vld.idx.msk [tilespmem:v3+s26+$0x0], $0xffff;
	_ =	sdelay $0x4  }
0x88: {  	[tilespmem:$0x1287A] =	vst v8  }
0x89: {  	v8 =	vld.idx.msk [tilespmem:v4+s26+$0x0], $0xffff;
	_ =	sdelay $0x4  }
0x8a: {  	[tilespmem:$0x1288A] =	vst v8  }
0x8b: {  	v8 =	vld.idx.msk [tilespmem:v5+s26+$0x0], $0xffff;
	_ =	sdelay $0x4  }
0x8c: {  	[tilespmem:$0x1289A] =	vst v8  }
0x8d: {  	v8 =	vld.idx.msk [tilespmem:v6+s26+$0x0], $0xffff;
	_ =	sdelay $0x4  }
0x8e: {  	[tilespmem:$0x128AA] =	vst v8  }
0x8f: {  	v8 =	vld.idx.msk [tilespmem:v7+s26+$0x0], $0x1fff;
	_ =	sdelay $0x4  }
0x90: {  	[tilespmem:$0x128BA] =	vst v8  }
0x91: {  	_ =	swait.ge [sflag:s24], $0x2710  }
0x92: {  	[sflag:s24] =	ssyncset.done $0x0  }
0x93: {  	[sflag:s24] =	ssyncadd.s32 $0xFFFFD8F0  }
0x94: {  	[tilespmem:s26], [sflag:$0xA] =	stream.linear.gather [spmem:s10], $0x2710, $0x38;
	[tilespmem:$0x1ED20] =	vst v63  }
0x95: {  	_ =	swait.ge [sflag:s28], $0x2710  }
0x96: {  	[sflag:s28] =	ssyncset.done $0x0  }
0x97: {  	s14 =	rddreg [dreg:$0x10];
	[sflag:s28] =	ssyncadd.s32 $0xFFFFD8F0  }
0x98: {  	[hbm4b:s14+s5] =	stream.linear.scatter [tilespmem:s26], [sflag:$0x9], $0x2710, $0x38;
	[tilespmem:$0x1ED20] =	vst v63  }
0x99: {  	v8 =	vld.idx.msk [tilespmem:v0+s26+$0x0], $0xffff;
	_ =	sdelay $0x4  }
0x9a: {  	[tilespmem:$0x128C7] =	vst v8  }
0x9b: {  	v8 =	vld.idx.msk [tilespmem:v1+s26+$0x0], $0xffff;
	_ =	sdelay $0x4  }
0x9c: {  	[tilespmem:$0x128D7] =	vst v8  }
0x9d: {  	v8 =	vld.idx.msk [tilespmem:v2+s26+$0x0], $0xffff;
	_ =	sdelay $0x4  }
0x9e: {  	[tilespmem:$0x128E7] =	vst v8  }
0x9f: {  	v8 =	vld.idx.msk [tilespmem:v3+s26+$0x0], $0xffff;
	_ =	sdelay $0x4  }
0xa0: {  	[tilespmem:$0x128F7] =	vst v8  }
0xa1: {  	v8 =	vld.idx.msk [tilespmem:v4+s26+$0x0], $0xffff;
	_ =	sdelay $0x4  }
0xa2: {  	[tilespmem:$0x12907] =	vst v8  }
0xa3: {  	v8 =	vld.idx.msk [tilespmem:v5+s26+$0x0], $0xffff;
	_ =	sdelay $0x4  }
0xa4: {  	[tilespmem:$0x12917] =	vst v8  }
0xa5: {  	v8 =	vld.idx.msk [tilespmem:v6+s26+$0x0], $0xffff;
	_ =	sdelay $0x4  }
0xa6: {  	[tilespmem:$0x12927] =	vst v8  }
0xa7: {  	v8 =	vld.idx.msk [tilespmem:v7+s26+$0x0], $0x1fff;
	_ =	sdelay $0x4  }
0xa8: {  	[tilespmem:$0x12937] =	vst v8  }
0xa9: {  	_ =	swait.ge [sflag:s24], $0x2710  }
0xaa: {  	[sflag:s24] =	ssyncset.done $0x0  }
0xab: {  	[sflag:s24] =	ssyncadd.s32 $0xFFFFD8F0  }
0xac: {  	[tilespmem:s26], [sflag:$0xA] =	stream.linear.gather [spmem:s11], $0x2710, $0x38;
	[tilespmem:$0x1ED20] =	vst v63  }
0xad: {  	_ =	swait.ge [sflag:s28], $0x2710  }
0xae: {  	[sflag:s28] =	ssyncset.done $0x0  }
0xaf: {  	s23 =	rddreg [dreg:$0x11];
	[sflag:s28] =	ssyncadd.s32 $0xFFFFD8F0  }
0xb0: {  	[hbm4b:s23+s5] =	stream.linear.scatter [tilespmem:s26], [sflag:$0x9], $0x2710, $0x38;
	[tilespmem:$0x1ED20] =	vst v63  }
0xb1: {  	v8 =	vld.idx.msk [tilespmem:v0+s26+$0x0], $0xffff;
	_ =	sdelay $0x4  }
0xb2: {  	[tilespmem:$0x12944] =	vst v8  }
0xb3: {  	v8 =	vld.idx.msk [tilespmem:v1+s26+$0x0], $0xffff;
	_ =	sdelay $0x4  }
0xb4: {  	[tilespmem:$0x12954] =	vst v8  }
0xb5: {  	v8 =	vld.idx.msk [tilespmem:v2+s26+$0x0], $0xffff;
	_ =	sdelay $0x4  }
0xb6: {  	[tilespmem:$0x12964] =	vst v8  }
0xb7: {  	v8 =	vld.idx.msk [tilespmem:v3+s26+$0x0], $0xffff;
	_ =	sdelay $0x4  }
0xb8: {  	[tilespmem:$0x12974] =	vst v8  }
0xb9: {  	v8 =	vld.idx.msk [tilespmem:v4+s26+$0x0], $0xffff;
	_ =	sdelay $0x4  }
0xba: {  	[tilespmem:$0x12984] =	vst v8  }
0xbb: {  	v8 =	vld.idx.msk [tilespmem:v5+s26+$0x0], $0xffff;
	_ =	sdelay $0x4  }
0xbc: {  	[tilespmem:$0x12994] =	vst v8  }
0xbd: {  	v8 =	vld.idx.msk [tilespmem:v6+s26+$0x0], $0xffff;
	_ =	sdelay $0x4  }
0xbe: {  	[tilespmem:$0x129A4] =	vst v8  }
0xbf: {  	v8 =	vld.idx.msk [tilespmem:v7+s26+$0x0], $0x1fff;
	_ =	sdelay $0x4  }
0xc0: {  	[tilespmem:$0x129B4] =	vst v8  }
0xc1: {  	_ =	swait.ge [sflag:s24], $0x2710  }
0xc2: {  	[sflag:s24] =	ssyncset.done $0x0  }
0xc3: {  	[sflag:s24] =	ssyncadd.s32 $0xFFFFD8F0  }
.LBB2_8:
0xc4: {  	s22 =	sadd.s32 $0x1, s22  }
0xc5: {  	p1 =	sne.s32 s22, s25  }
.Ltmp1:
0xc6: {  	_ = 	snop;
	(pc) =	sbr.rel @!p1 .LBB2_9-.Ltmp1, $1  }
0xc7: {  	_ =	sdelay $0x3  }
.LBB2_1:
0xc8: {  	s12 =	rddreg [dreg:$0x4]  }
0xc9: {  	[tilespmem:s26], [sflag:$0xA] =	stream.linear.gather [hbm4b:s12+s5], $0x2710, $0x38;
	[tilespmem:$0x1ED20] =	vst v63  }
0xca: {  	_ =	swait.ge [sflag:s28], $0x2710  }
0xcb: {  	[sflag:s28] =	ssyncset.done $0x0  }
0xcc: {  	[sflag:s28] =	ssyncadd.s32 $0xFFFFD8F0  }
0xcd: {  	[spmem:s7] =	stream.linear.scatter [tilespmem:s26], [sflag:$0xA], $0x2710, $0x38;
	[tilespmem:$0x1ED20] =	vst v63  }
0xce: {  	_ =	swait.ge [sflag:s28], $0x2710  }
0xcf: {  	[sflag:s28] =	ssyncset.done $0x0  }
0xd0: {  	[sflag:s28] =	ssyncadd.s32 $0xFFFFD8F0  }
0xd1: {  	[spmem:s8] =	stream.linear.scatter [tilespmem:s26], [sflag:$0xA], $0x2710, $0x38;
	[tilespmem:$0x1ED20] =	vst v63  }
0xd2: {  	_ =	swait.ge [sflag:s28], $0x2710  }
0xd3: {  	[sflag:s28] =	ssyncset.done $0x0  }
0xd4: {  	[sflag:s28] =	ssyncadd.s32 $0xFFFFD8F0  }
0xd5: {  	[spmem:s9] =	stream.linear.scatter [tilespmem:s26], [sflag:$0xA], $0x2710, $0x38;
	[tilespmem:$0x1ED20] =	vst v63  }
0xd6: {  	_ =	swait.ge [sflag:s28], $0x2710  }
0xd7: {  	[sflag:s28] =	ssyncset.done $0x0  }
0xd8: {  	[sflag:s28] =	ssyncadd.s32 $0xFFFFD8F0  }
0xd9: {  	[spmem:s10] =	stream.linear.scatter [tilespmem:s26], [sflag:$0xA], $0x2710, $0x38;
	[tilespmem:$0x1ED20] =	vst v63  }
0xda: {  	_ =	swait.ge [sflag:s28], $0x2710  }
0xdb: {  	[sflag:s28] =	ssyncset.done $0x0  }
0xdc: {  	[sflag:s28] =	ssyncadd.s32 $0xFFFFD8F0  }
0xdd: {  	[spmem:s11] =	stream.linear.scatter [tilespmem:s26], [sflag:$0xA], $0x2710, $0x38;
	[tilespmem:$0x1ED20] =	vst v63  }
0xde: {  	_ =	swait.ge [sflag:s28], $0x2710  }
0xdf: {  	[sflag:s28] =	ssyncset.done $0x0  }
0xe0: {  	s14 =	rddreg [dreg:$0x7];
	[sflag:s28] =	ssyncadd.s32 $0xFFFFD8F0  }
0xe1: {  	[tilespmem:s5], [sflag:$0xA] =	stream.linear.gather [hbm4b:s14+s5], $0x4E20, $0x38;
	[tilespmem:$0x1ED20] =	vst v63  }
0xe2: {  	_ =	swait.ge [sflag:s28], $0x4E20  }
0xe3: {  	[sflag:s28] =	ssyncset.done $0x0  }
0xe4: {  	s23 =	simm.s32 $0x4E20;
	[sflag:s28] =	ssyncadd.s32 $0xFFFFB1E0  }
0xe5: {  	[tilespmem:s23], [sflag:$0xA] =	stream.linear.gather [hbm4b:s13+s5], $0x4E20, $0x38;
	[tilespmem:$0x1ED20] =	vst v63  }
.Ltmp2:
0xe6: {  	_ =	swait.ge [sflag:s28], $0x4E20;
	(pc) =	sbr.rel @p0 .LBB2_5-.Ltmp2, $3  }
0xe7: {  	[sflag:s28] =	ssyncset.done $0x0  }
0xe8: {  	[sflag:s28] =	ssyncadd.s32 $0xFFFFB1E0  }
0xe9: {  	[bflag:$0x0] =	sbarrier.arrive $0xFFFF;
	_ =	sdelay $0x1  }
0xea: {  	s14 =	simm.s32 $0x0  }
0xeb: {  	[tilespmem:s31], [sflag:$0x1] =	stream.indirect.gather [hbm4b:s1+s30], $0x50, s14, s30, $0xb8;
	[tilespmem:$0x1ED20] =	vst v63  }
0xec: {  	_ = 	snop  }
0xed: {  	[tilespmem:s0], [sflag:$0x2] =	stream.indirect.gather [hbm4b:s1+s30], $0x50, s30, s30, $0xb8;
	[tilespmem:$0x1ED20] =	vst v63  }
0xee: {  	s12 =	simm.s32 $0xA0  }
0xef: {  	[tilespmem:s2], [sflag:$0x3] =	stream.indirect.gather [hbm4b:s1+s30], $0x50, s12, s30, $0xb8;
	[tilespmem:$0x1ED20] =	vst v63  }
0xf0: {  	s14 =	simm.s32 $0xF0  }
0xf1: {  	[tilespmem:s15], [sflag:$0x4] =	stream.indirect.gather [hbm4b:s1+s30], $0x50, s14, s30, $0xb8;
	[tilespmem:$0x1ED20] =	vst v63  }
0xf2: {  	_ =	swait.ge [sflag:s16], $0x1900  }
0xf3: {  	[sflag:s16] =	ssyncset.done $0x0  }
0xf4: {  	s23 =	simm.s32 $0x4E20;
	[sflag:s16] =	ssyncadd.s32 $0xFFFFE700  }
0xf5: {  	[spmem:s4] =	stream.indirect.scatter.add.f32 [tilespmem:s31], [sflag:$0x5], $0x50, s23, s30, $0xb8;
	[tilespmem:$0x1ED20] =	vst v63  }
0xf6: {  	_ =	swait.ge [sflag:s3], $0x1900  }
0xf7: {  	[sflag:s3] =	ssyncset.done $0x0  }
0xf8: {  	s12 =	simm.s32 $0x4E70;
	[sflag:s3] =	ssyncadd.s32 $0xFFFFE700  }
0xf9: {  	[spmem:s4] =	stream.indirect.scatter.add.f32 [tilespmem:s0], [sflag:$0x6], $0x50, s12, s30, $0xb8;
	[tilespmem:$0x1ED20] =	vst v63  }
0xfa: {  	_ =	swait.ge [sflag:s17], $0x1900  }
0xfb: {  	[sflag:s17] =	ssyncset.done $0x0  }
0xfc: {  	s23 =	simm.s32 $0x4EC0;
	[sflag:s17] =	ssyncadd.s32 $0xFFFFE700  }
0xfd: {  	[spmem:s4] =	stream.indirect.scatter.add.f32 [tilespmem:s2], [sflag:$0x7], $0x50, s23, s30, $0xb8;
	[tilespmem:$0x1ED20] =	vst v63  }
0xfe: {  	_ =	swait.ge [sflag:s29], $0x1900  }
0xff: {  	[sflag:s29] =	ssyncset.done $0x0  }
0x100: {  	s12 =	simm.s32 $0x4F10;
	[sflag:s29] =	ssyncadd.s32 $0xFFFFE700  }
0x101: {  	[spmem:s4] =	stream.indirect.scatter.add.f32 [tilespmem:s15], [sflag:$0x8], $0x50, s12, s30, $0xb8;
	[tilespmem:$0x1ED20] =	vst v63  }
0x102: {  	_ =	swait.ge [sflag:s18], $0x1900  }
0x103: {  	[sflag:s18] =	ssyncset.done $0x0  }
0x104: {  	s23 =	simm.s32 $0x140;
	[sflag:s18] =	ssyncadd.s32 $0xFFFFE700  }
0x105: {  	[tilespmem:s31], [sflag:$0x1] =	stream.indirect.gather [hbm4b:s1+s30], $0x50, s23, s30, $0xb8;
	[tilespmem:$0x1ED20] =	vst v63  }
0x106: {  	_ =	swait.ge [sflag:s19], $0x1900  }
0x107: {  	[sflag:s19] =	ssyncset.done $0x0  }
0x108: {  	s12 =	simm.s32 $0x190;
	[sflag:s19] =	ssyncadd.s32 $0xFFFFE700  }
0x109: {  	[tilespmem:s0], [sflag:$0x2] =	stream.indirect.gather [hbm4b:s1+s30], $0x50, s12, s30, $0xb8;
	[tilespmem:$0x1ED20] =	vst v63  }
0x10a: {  	_ =	swait.ge [sflag:s20], $0x1900  }
0x10b: {  	[sflag:s20] =	ssyncset.done $0x0  }
0x10c: {  	s23 =	simm.s32 $0x1E0;
	[sflag:s20] =	ssyncadd.s32 $0xFFFFE700  }
0x10d: {  	[tilespmem:s2], [sflag:$0x3] =	stream.indirect.gather [hbm4b:s1+s30], $0x50, s23, s30, $0xb8;
	[tilespmem:$0x1ED20] =	vst v63  }
0x10e: {  	_ =	swait.ge [sflag:s21], $0x1900  }
0x10f: {  	[sflag:s21] =	ssyncset.done $0x0  }
0x110: {  	s14 =	simm.s32 $0x230;
	s23 =	simm.s32 $0x500;
	[sflag:s21] =	ssyncadd.s32 $0xFFFFE700  }
.LBB2_3:
0x111: {  	[tilespmem:s15], [sflag:$0x4] =	stream.indirect.gather [hbm4b:s1+s30], $0x50, s14, s30, $0xb8;
	[tilespmem:$0x1ED20] =	vst v63  }
0x112: {  	s14 =	smov.u32 s23  }
0x113: {  	p1 =	sne.s32 s23, $0x12C00;
	s23 =	sadd.s32 $0x500, s23;
	_ =	swait.ge [sflag:s16], $0x1900  }
0x114: {  	s14 =	sshra.s32 s14, $0x2;
	[sflag:s16] =	ssyncset.done $0x0  }
0x115: {  	s12 =	sadd.s32 $0x4E20, s14;
	[sflag:s16] =	ssyncadd.s32 $0xFFFFE700  }
0x116: {  	[spmem:s4] =	stream.indirect.scatter.add.f32 [tilespmem:s31], [sflag:$0x5], $0x50, s12, s30, $0xb8;
	[tilespmem:$0x1ED20] =	vst v63  }
0x117: {  	_ =	swait.ge [sflag:s3], $0x1900  }
0x118: {  	[sflag:s3] =	ssyncset.done $0x0  }
0x119: {  	s12 =	sadd.s32 $0x4E70, s14;
	[sflag:s3] =	ssyncadd.s32 $0xFFFFE700  }
0x11a: {  	[spmem:s4] =	stream.indirect.scatter.add.f32 [tilespmem:s0], [sflag:$0x6], $0x50, s12, s30, $0xb8;
	[tilespmem:$0x1ED20] =	vst v63  }
0x11b: {  	_ =	swait.ge [sflag:s17], $0x1900  }
0x11c: {  	[sflag:s17] =	ssyncset.done $0x0  }
0x11d: {  	s12 =	sadd.s32 $0x4EC0, s14;
	[sflag:s17] =	ssyncadd.s32 $0xFFFFE700  }
0x11e: {  	[spmem:s4] =	stream.indirect.scatter.add.f32 [tilespmem:s2], [sflag:$0x7], $0x50, s12, s30, $0xb8;
	[tilespmem:$0x1ED20] =	vst v63  }
0x11f: {  	_ =	swait.ge [sflag:s29], $0x1900  }
0x120: {  	[sflag:s29] =	ssyncset.done $0x0  }
0x121: {  	s12 =	sadd.s32 $0x4F10, s14;
	[sflag:s29] =	ssyncadd.s32 $0xFFFFE700  }
0x122: {  	[spmem:s4] =	stream.indirect.scatter.add.f32 [tilespmem:s15], [sflag:$0x8], $0x50, s12, s30, $0xb8;
	[tilespmem:$0x1ED20] =	vst v63  }
0x123: {  	_ =	swait.ge [sflag:s18], $0x1900  }
0x124: {  	[sflag:s18] =	ssyncset.done $0x0  }
0x125: {  	s12 =	sadd.s32 $0x140, s14;
	[sflag:s18] =	ssyncadd.s32 $0xFFFFE700  }
0x126: {  	[tilespmem:s31], [sflag:$0x1] =	stream.indirect.gather [hbm4b:s1+s30], $0x50, s12, s30, $0xb8;
	[tilespmem:$0x1ED20] =	vst v63  }
0x127: {  	_ =	swait.ge [sflag:s19], $0x1900  }
0x128: {  	[sflag:s19] =	ssyncset.done $0x0  }
0x129: {  	s12 =	sadd.s32 $0x190, s14;
	[sflag:s19] =	ssyncadd.s32 $0xFFFFE700  }
0x12a: {  	[tilespmem:s0], [sflag:$0x2] =	stream.indirect.gather [hbm4b:s1+s30], $0x50, s12, s30, $0xb8;
	[tilespmem:$0x1ED20] =	vst v63  }
0x12b: {  	_ =	swait.ge [sflag:s20], $0x1900  }
0x12c: {  	[sflag:s20] =	ssyncset.done $0x0  }
.Ltmp3:
0x12d: {  	s12 =	sadd.s32 $0x1E0, s14;
	[sflag:s20] =	ssyncadd.s32 $0xFFFFE700;
	(pc) =	sbr.rel @p1 .LBB2_3-.Ltmp3, $4  }
0x12e: {  	[tilespmem:s2], [sflag:$0x3] =	stream.indirect.gather [hbm4b:s1+s30], $0x50, s12, s30, $0xb8;
	[tilespmem:$0x1ED20] =	vst v63  }
0x12f: {  	_ =	swait.ge [sflag:s21], $0x1900  }
0x130: {  	[sflag:s21] =	ssyncset.done $0x0  }
0x131: {  	s14 =	sadd.s32 $0x230, s14;
	[sflag:s21] =	ssyncadd.s32 $0xFFFFE700  }
0x132: {  	[tilespmem:s15], [sflag:$0x4] =	stream.indirect.gather [hbm4b:s1+s30], $0x50, s14, s30, $0xb8;
	[tilespmem:$0x1ED20] =	vst v63  }
0x133: {  	_ =	swait.ge [sflag:s16], $0x1900  }
0x134: {  	[sflag:s16] =	ssyncset.done $0x0  }
0x135: {  	s12 =	simm.s32 $0x9A60;
	[sflag:s16] =	ssyncadd.s32 $0xFFFFE700  }
0x136: {  	[spmem:s4] =	stream.indirect.scatter.add.f32 [tilespmem:s31], [sflag:$0x5], $0x50, s12, s30, $0xb8;
	[tilespmem:$0x1ED20] =	vst v63  }
0x137: {  	_ =	swait.ge [sflag:s3], $0x1900  }
0x138: {  	[sflag:s3] =	ssyncset.done $0x0  }
0x139: {  	s14 =	simm.s32 $0x9AB0;
	[sflag:s3] =	ssyncadd.s32 $0xFFFFE700  }
0x13a: {  	[spmem:s4] =	stream.indirect.scatter.add.f32 [tilespmem:s0], [sflag:$0x6], $0x50, s14, s30, $0xb8;
	[tilespmem:$0x1ED20] =	vst v63  }
0x13b: {  	_ =	swait.ge [sflag:s17], $0x1900  }
0x13c: {  	[sflag:s17] =	ssyncset.done $0x0  }
0x13d: {  	s23 =	simm.s32 $0x9B00;
	[sflag:s17] =	ssyncadd.s32 $0xFFFFE700  }
0x13e: {  	[spmem:s4] =	stream.indirect.scatter.add.f32 [tilespmem:s2], [sflag:$0x7], $0x50, s23, s30, $0xb8;
	[tilespmem:$0x1ED20] =	vst v63  }
0x13f: {  	_ =	swait.ge [sflag:s29], $0x1900  }
0x140: {  	[sflag:s29] =	ssyncset.done $0x0  }
0x141: {  	s14 =	simm.s32 $0x9B50;
	[sflag:s29] =	ssyncadd.s32 $0xFFFFE700  }
0x142: {  	[spmem:s4] =	stream.indirect.scatter.add.f32 [tilespmem:s15], [sflag:$0x8], $0x50, s14, s30, $0xb8;
	[tilespmem:$0x1ED20] =	vst v63  }
0x143: {  	_ =	swait.ge [sflag:s18], $0x1900  }
0x144: {  	[sflag:s18] =	ssyncset.done $0x0  }
0x145: {  	s23 =	simm.s32 $0x4D80;
	[sflag:s18] =	ssyncadd.s32 $0xFFFFE700  }
0x146: {  	[tilespmem:s31], [sflag:$0x1] =	stream.indirect.gather [hbm4b:s1+s30], $0x50, s23, s30, $0xb8;
	[tilespmem:$0x1ED20] =	vst v63  }
0x147: {  	_ =	swait.ge [sflag:s19], $0x1900  }
0x148: {  	[sflag:s19] =	ssyncset.done $0x0  }
0x149: {  	s14 =	simm.s32 $0x4DD0;
	[sflag:s19] =	ssyncadd.s32 $0xFFFFE700  }
0x14a: {  	[tilespmem:s0], [sflag:$0x2] =	stream.indirect.gather [hbm4b:s1+s30], $0x50, s14, s30, $0xb8;
	[tilespmem:$0x1ED20] =	vst v63  }
0x14b: {  	_ =	swait.ge [sflag:s20], $0x1900  }
0x14c: {  	[sflag:s20] =	ssyncset.done $0x0  }
0x14d: {  	[sflag:s20] =	ssyncadd.s32 $0xFFFFE700  }
0x14e: {  	_ =	swait.ge [sflag:s21], $0x1900  }
0x14f: {  	[sflag:s21] =	ssyncset.done $0x0  }
0x150: {  	[sflag:s21] =	ssyncadd.s32 $0xFFFFE700  }
0x151: {  	_ =	swait.ge [sflag:s16], $0x1900  }
0x152: {  	[sflag:s16] =	ssyncset.done $0x0  }
0x153: {  	s23 =	simm.s32 $0x9BA0;
	[sflag:s16] =	ssyncadd.s32 $0xFFFFE700  }
0x154: {  	[spmem:s4] =	stream.indirect.scatter.add.f32 [tilespmem:s31], [sflag:$0x5], $0x50, s23, s30, $0xb8;
	[tilespmem:$0x1ED20] =	vst v63  }
0x155: {  	_ =	swait.ge [sflag:s3], $0x1900  }
0x156: {  	[sflag:s3] =	ssyncset.done $0x0  }
0x157: {  	s14 =	simm.s32 $0x9BF0;
	[sflag:s3] =	ssyncadd.s32 $0xFFFFE700  }
0x158: {  	[spmem:s4] =	stream.indirect.scatter.add.f32 [tilespmem:s0], [sflag:$0x6], $0x50, s14, s30, $0xb8;
	[tilespmem:$0x1ED20] =	vst v63  }
0x159: {  	_ =	swait.ge [sflag:s18], $0x1900  }
0x15a: {  	[sflag:s18] =	ssyncset.done $0x0  }
0x15b: {  	[sflag:s18] =	ssyncadd.s32 $0xFFFFE700  }
0x15c: {  	_ =	swait.ge [sflag:s19], $0x1900  }
0x15d: {  	[sflag:s19] =	ssyncset.done $0x0  }
0x15e: {  	[sflag:s19] =	ssyncadd.s32 $0xFFFFE700  }
0x15f: {  	[bflag:$0x0] =	sbarrier.arrive $0xFFFF  }
0x160: {  	[tilespmem:s26], [sflag:$0xA] =	stream.linear.gather [spmem:s7], $0x2710, $0x38;
	[tilespmem:$0x1ED20] =	vst v63  }
0x161: {  	_ =	swait.ge [sflag:s28], $0x2710  }
0x162: {  	[sflag:s28] =	ssyncset.done $0x0  }
0x163: {  	s23 =	rddreg [dreg:$0x8];
	[sflag:s28] =	ssyncadd.s32 $0xFFFFD8F0  }
0x164: {  	[hbm4b:s23+s5] =	stream.linear.scatter [tilespmem:s26], [sflag:$0x9], $0x2710, $0x38;
	[tilespmem:$0x1ED20] =	vst v63  }
0x165: {  	v8 =	vld.idx.msk [tilespmem:v0+s26+$0x0], $0xffff;
	_ =	sdelay $0x4  }
0x166: {  	[tilespmem:$0x12750] =	vst v8  }
0x167: {  	v8 =	vld.idx.msk [tilespmem:v1+s26+$0x0], $0xffff;
	_ =	sdelay $0x4  }
0x168: {  	[tilespmem:$0x12760] =	vst v8  }
0x169: {  	v8 =	vld.idx.msk [tilespmem:v2+s26+$0x0], $0xffff;
	_ =	sdelay $0x4  }
0x16a: {  	[tilespmem:$0x12770] =	vst v8  }
0x16b: {  	v8 =	vld.idx.msk [tilespmem:v3+s26+$0x0], $0xffff;
	_ =	sdelay $0x4  }
0x16c: {  	[tilespmem:$0x12780] =	vst v8  }
0x16d: {  	v8 =	vld.idx.msk [tilespmem:v4+s26+$0x0], $0xffff;
	_ =	sdelay $0x4  }
0x16e: {  	[tilespmem:$0x12790] =	vst v8  }
0x16f: {  	v8 =	vld.idx.msk [tilespmem:v5+s26+$0x0], $0xffff;
	_ =	sdelay $0x4  }
0x170: {  	[tilespmem:$0x127A0] =	vst v8  }
0x171: {  	v8 =	vld.idx.msk [tilespmem:v6+s26+$0x0], $0xffff;
	_ =	sdelay $0x4  }
0x172: {  	[tilespmem:$0x127B0] =	vst v8  }
0x173: {  	v8 =	vld.idx.msk [tilespmem:v7+s26+$0x0], $0x1fff;
	_ =	sdelay $0x4  }
0x174: {  	[tilespmem:$0x127C0] =	vst v8  }
0x175: {  	_ =	swait.ge [sflag:s24], $0x2710  }
0x176: {  	[sflag:s24] =	ssyncset.done $0x0  }
0x177: {  	[sflag:s24] =	ssyncadd.s32 $0xFFFFD8F0  }
0x178: {  	[tilespmem:s26], [sflag:$0xA] =	stream.linear.gather [spmem:s8], $0x2710, $0x38;
	[tilespmem:$0x1ED20] =	vst v63  }
0x179: {  	_ =	swait.ge [sflag:s28], $0x2710  }
0x17a: {  	[sflag:s28] =	ssyncset.done $0x0  }
0x17b: {  	s14 =	rddreg [dreg:$0xc];
	[sflag:s28] =	ssyncadd.s32 $0xFFFFD8F0  }
0x17c: {  	[hbm4b:s14+s5] =	stream.linear.scatter [tilespmem:s26], [sflag:$0x9], $0x2710, $0x38;
	[tilespmem:$0x1ED20] =	vst v63  }
0x17d: {  	v8 =	vld.idx.msk [tilespmem:v0+s26+$0x0], $0xffff;
	_ =	sdelay $0x4  }
0x17e: {  	[tilespmem:$0x127CD] =	vst v8  }
0x17f: {  	v8 =	vld.idx.msk [tilespmem:v1+s26+$0x0], $0xffff;
	_ =	sdelay $0x4  }
0x180: {  	[tilespmem:$0x127DD] =	vst v8  }
0x181: {  	v8 =	vld.idx.msk [tilespmem:v2+s26+$0x0], $0xffff;
	_ =	sdelay $0x4  }
0x182: {  	[tilespmem:$0x127ED] =	vst v8  }
0x183: {  	v8 =	vld.idx.msk [tilespmem:v3+s26+$0x0], $0xffff;
	_ =	sdelay $0x4  }
0x184: {  	[tilespmem:$0x127FD] =	vst v8  }
0x185: {  	v8 =	vld.idx.msk [tilespmem:v4+s26+$0x0], $0xffff;
	_ =	sdelay $0x4  }
0x186: {  	[tilespmem:$0x1280D] =	vst v8  }
0x187: {  	v8 =	vld.idx.msk [tilespmem:v5+s26+$0x0], $0xffff;
	_ =	sdelay $0x4  }
0x188: {  	[tilespmem:$0x1281D] =	vst v8  }
0x189: {  	v8 =	vld.idx.msk [tilespmem:v6+s26+$0x0], $0xffff;
	_ =	sdelay $0x4  }
0x18a: {  	[tilespmem:$0x1282D] =	vst v8  }
0x18b: {  	v8 =	vld.idx.msk [tilespmem:v7+s26+$0x0], $0x1fff;
	_ =	sdelay $0x4  }
0x18c: {  	[tilespmem:$0x1283D] =	vst v8  }
0x18d: {  	_ =	swait.ge [sflag:s24], $0x2710  }
0x18e: {  	[sflag:s24] =	ssyncset.done $0x0  }
0x18f: {  	[sflag:s24] =	ssyncadd.s32 $0xFFFFD8F0  }
0x190: {  	[tilespmem:s26], [sflag:$0xA] =	stream.linear.gather [spmem:s9], $0x2710, $0x38;
	[tilespmem:$0x1ED20] =	vst v63  }
0x191: {  	_ =	swait.ge [sflag:s28], $0x2710  }
0x192: {  	[sflag:s28] =	ssyncset.done $0x0  }
0x193: {  	s23 =	rddreg [dreg:$0xd];
	[sflag:s28] =	ssyncadd.s32 $0xFFFFD8F0  }
0x194: {  	[hbm4b:s23+s5] =	stream.linear.scatter [tilespmem:s26], [sflag:$0x9], $0x2710, $0x38;
	[tilespmem:$0x1ED20] =	vst v63  }
0x195: {  	v8 =	vld.idx.msk [tilespmem:v0+s26+$0x0], $0xffff;
	_ =	sdelay $0x4  }
0x196: {  	[tilespmem:$0x1284A] =	vst v8  }
0x197: {  	v8 =	vld.idx.msk [tilespmem:v1+s26+$0x0], $0xffff;
	_ =	sdelay $0x4  }
0x198: {  	[tilespmem:$0x1285A] =	vst v8  }
0x199: {  	v8 =	vld.idx.msk [tilespmem:v2+s26+$0x0], $0xffff;
	_ =	sdelay $0x4  }
0x19a: {  	[tilespmem:$0x1286A] =	vst v8  }
0x19b: {  	v8 =	vld.idx.msk [tilespmem:v3+s26+$0x0], $0xffff;
	_ =	sdelay $0x4  }
0x19c: {  	[tilespmem:$0x1287A] =	vst v8  }
0x19d: {  	v8 =	vld.idx.msk [tilespmem:v4+s26+$0x0], $0xffff;
	_ =	sdelay $0x4  }
0x19e: {  	[tilespmem:$0x1288A] =	vst v8  }
0x19f: {  	v8 =	vld.idx.msk [tilespmem:v5+s26+$0x0], $0xffff;
	_ =	sdelay $0x4  }
0x1a0: {  	[tilespmem:$0x1289A] =	vst v8  }
0x1a1: {  	v8 =	vld.idx.msk [tilespmem:v6+s26+$0x0], $0xffff;
	_ =	sdelay $0x4  }
0x1a2: {  	[tilespmem:$0x128AA] =	vst v8  }
0x1a3: {  	v8 =	vld.idx.msk [tilespmem:v7+s26+$0x0], $0x1fff;
	_ =	sdelay $0x4  }
0x1a4: {  	[tilespmem:$0x128BA] =	vst v8  }
0x1a5: {  	_ =	swait.ge [sflag:s24], $0x2710  }
0x1a6: {  	[sflag:s24] =	ssyncset.done $0x0  }
0x1a7: {  	[sflag:s24] =	ssyncadd.s32 $0xFFFFD8F0  }
0x1a8: {  	[tilespmem:s26], [sflag:$0xA] =	stream.linear.gather [spmem:s10], $0x2710, $0x38;
	[tilespmem:$0x1ED20] =	vst v63  }
0x1a9: {  	_ =	swait.ge [sflag:s28], $0x2710  }
0x1aa: {  	[sflag:s28] =	ssyncset.done $0x0  }
0x1ab: {  	s14 =	rddreg [dreg:$0xe];
	[sflag:s28] =	ssyncadd.s32 $0xFFFFD8F0  }
0x1ac: {  	[hbm4b:s14+s5] =	stream.linear.scatter [tilespmem:s26], [sflag:$0x9], $0x2710, $0x38;
	[tilespmem:$0x1ED20] =	vst v63  }
0x1ad: {  	v8 =	vld.idx.msk [tilespmem:v0+s26+$0x0], $0xffff;
	_ =	sdelay $0x4  }
0x1ae: {  	[tilespmem:$0x128C7] =	vst v8  }
0x1af: {  	v8 =	vld.idx.msk [tilespmem:v1+s26+$0x0], $0xffff;
	_ =	sdelay $0x4  }
0x1b0: {  	[tilespmem:$0x128D7] =	vst v8  }
0x1b1: {  	v8 =	vld.idx.msk [tilespmem:v2+s26+$0x0], $0xffff;
	_ =	sdelay $0x4  }
0x1b2: {  	[tilespmem:$0x128E7] =	vst v8  }
0x1b3: {  	v8 =	vld.idx.msk [tilespmem:v3+s26+$0x0], $0xffff;
	_ =	sdelay $0x4  }
0x1b4: {  	[tilespmem:$0x128F7] =	vst v8  }
0x1b5: {  	v8 =	vld.idx.msk [tilespmem:v4+s26+$0x0], $0xffff;
	_ =	sdelay $0x4  }
0x1b6: {  	[tilespmem:$0x12907] =	vst v8  }
0x1b7: {  	v8 =	vld.idx.msk [tilespmem:v5+s26+$0x0], $0xffff;
	_ =	sdelay $0x4  }
0x1b8: {  	[tilespmem:$0x12917] =	vst v8  }
0x1b9: {  	v8 =	vld.idx.msk [tilespmem:v6+s26+$0x0], $0xffff;
	_ =	sdelay $0x4  }
0x1ba: {  	[tilespmem:$0x12927] =	vst v8  }
0x1bb: {  	v8 =	vld.idx.msk [tilespmem:v7+s26+$0x0], $0x1fff;
	_ =	sdelay $0x4  }
0x1bc: {  	[tilespmem:$0x12937] =	vst v8  }
0x1bd: {  	_ =	swait.ge [sflag:s24], $0x2710  }
0x1be: {  	[sflag:s24] =	ssyncset.done $0x0  }
0x1bf: {  	[sflag:s24] =	ssyncadd.s32 $0xFFFFD8F0  }
0x1c0: {  	[tilespmem:s26], [sflag:$0xA] =	stream.linear.gather [spmem:s11], $0x2710, $0x38;
	[tilespmem:$0x1ED20] =	vst v63  }
0x1c1: {  	_ =	swait.ge [sflag:s28], $0x2710  }
0x1c2: {  	[sflag:s28] =	ssyncset.done $0x0  }
0x1c3: {  	s23 =	rddreg [dreg:$0xf];
	[sflag:s28] =	ssyncadd.s32 $0xFFFFD8F0  }
0x1c4: {  	[hbm4b:s23+s5] =	stream.linear.scatter [tilespmem:s26], [sflag:$0x9], $0x2710, $0x38;
	[tilespmem:$0x1ED20] =	vst v63  }
0x1c5: {  	v8 =	vld.idx.msk [tilespmem:v0+s26+$0x0], $0xffff;
	_ =	sdelay $0x4  }
0x1c6: {  	[tilespmem:$0x12944] =	vst v8  }
0x1c7: {  	v8 =	vld.idx.msk [tilespmem:v1+s26+$0x0], $0xffff;
	_ =	sdelay $0x4  }
0x1c8: {  	[tilespmem:$0x12954] =	vst v8  }
0x1c9: {  	v8 =	vld.idx.msk [tilespmem:v2+s26+$0x0], $0xffff;
	_ =	sdelay $0x4  }
0x1ca: {  	[tilespmem:$0x12964] =	vst v8  }
0x1cb: {  	v8 =	vld.idx.msk [tilespmem:v3+s26+$0x0], $0xffff;
	_ =	sdelay $0x4  }
0x1cc: {  	[tilespmem:$0x12974] =	vst v8  }
0x1cd: {  	v8 =	vld.idx.msk [tilespmem:v4+s26+$0x0], $0xffff;
	_ =	sdelay $0x4  }
0x1ce: {  	[tilespmem:$0x12984] =	vst v8  }
0x1cf: {  	v8 =	vld.idx.msk [tilespmem:v5+s26+$0x0], $0xffff;
	_ =	sdelay $0x4  }
0x1d0: {  	[tilespmem:$0x12994] =	vst v8  }
0x1d1: {  	v8 =	vld.idx.msk [tilespmem:v6+s26+$0x0], $0xffff;
	_ =	sdelay $0x4  }
0x1d2: {  	[tilespmem:$0x129A4] =	vst v8  }
0x1d3: {  	v8 =	vld.idx.msk [tilespmem:v7+s26+$0x0], $0x1fff;
	_ =	sdelay $0x4  }
0x1d4: {  	[tilespmem:$0x129B4] =	vst v8  }
0x1d5: {  	_ =	swait.ge [sflag:s24], $0x2710  }
0x1d6: {  	s23 =	simm.s32 $0x12750;
	[sflag:s24] =	ssyncset.done $0x0  }
.Ltmp4:
0x1d7: {  	s14 =	rddreg [dreg:$0x12];
	[sflag:s24] =	ssyncadd.s32 $0xFFFFD8F0;
	(pc) =	sbr.rel .LBB2_8-.Ltmp4, $4  }
0x1d8: {  	[hbm4b:s14+s5] =	stream.linear.scatter [tilespmem:s23], [sflag:$0xA], $0x280, $0x38;
	[tilespmem:$0x1ED20] =	vst v63  }
0x1d9: {  	_ =	swait.ge [sflag:s28], $0x280  }
0x1da: {  	[sflag:s28] =	ssyncset.done $0x0  }
0x1db: {  	[sflag:s28] =	ssyncadd.s32 $0xFFFFFD80  }
.LBB2_5:
0x1dc: {  	s12 =	simm.s32 $0x0  }
0x1dd: {  	[tilespmem:s31], [sflag:$0x1] =	stream.indirect.gather [hbm4b:s6+s30], $0x50, s12, s30, $0xb8;
	[tilespmem:$0x1ED20] =	vst v63  }
0x1de: {  	_ = 	snop  }
0x1df: {  	[tilespmem:s0], [sflag:$0x2] =	stream.indirect.gather [hbm4b:s6+s30], $0x50, s30, s30, $0xb8;
	[tilespmem:$0x1ED20] =	vst v63  }
0x1e0: {  	s23 =	simm.s32 $0xA0  }
0x1e1: {  	[tilespmem:s2], [sflag:$0x3] =	stream.indirect.gather [hbm4b:s6+s30], $0x50, s23, s30, $0xb8;
	[tilespmem:$0x1ED20] =	vst v63  }
0x1e2: {  	s14 =	simm.s32 $0xF0  }
0x1e3: {  	[tilespmem:s15], [sflag:$0x4] =	stream.indirect.gather [hbm4b:s6+s30], $0x50, s14, s30, $0xb8;
	[tilespmem:$0x1ED20] =	vst v63  }
0x1e4: {  	_ =	swait.ge [sflag:s16], $0x1900  }
0x1e5: {  	[sflag:s16] =	ssyncset.done $0x0  }
0x1e6: {  	s23 =	simm.s32 $0x4E20;
	[sflag:s16] =	ssyncadd.s32 $0xFFFFE700  }
0x1e7: {  	[spmem:s4] =	stream.indirect.scatter.add.f32 [tilespmem:s31], [sflag:$0x5], $0x50, s23, s30, $0xb8;
	[tilespmem:$0x1ED20] =	vst v63  }
0x1e8: {  	_ =	swait.ge [sflag:s3], $0x1900  }
0x1e9: {  	[sflag:s3] =	ssyncset.done $0x0  }
0x1ea: {  	s14 =	simm.s32 $0x4E70;
	[sflag:s3] =	ssyncadd.s32 $0xFFFFE700  }
0x1eb: {  	[spmem:s4] =	stream.indirect.scatter.add.f32 [tilespmem:s0], [sflag:$0x6], $0x50, s14, s30, $0xb8;
	[tilespmem:$0x1ED20] =	vst v63  }
0x1ec: {  	_ =	swait.ge [sflag:s17], $0x1900  }
0x1ed: {  	[sflag:s17] =	ssyncset.done $0x0  }
0x1ee: {  	s23 =	simm.s32 $0x4EC0;
	[sflag:s17] =	ssyncadd.s32 $0xFFFFE700  }
0x1ef: {  	[spmem:s4] =	stream.indirect.scatter.add.f32 [tilespmem:s2], [sflag:$0x7], $0x50, s23, s30, $0xb8;
	[tilespmem:$0x1ED20] =	vst v63  }
0x1f0: {  	_ =	swait.ge [sflag:s29], $0x1900  }
0x1f1: {  	[sflag:s29] =	ssyncset.done $0x0  }
0x1f2: {  	s14 =	simm.s32 $0x4F10;
	[sflag:s29] =	ssyncadd.s32 $0xFFFFE700  }
0x1f3: {  	[spmem:s4] =	stream.indirect.scatter.add.f32 [tilespmem:s15], [sflag:$0x8], $0x50, s14, s30, $0xb8;
	[tilespmem:$0x1ED20] =	vst v63  }
0x1f4: {  	_ =	swait.ge [sflag:s18], $0x1900  }
0x1f5: {  	[sflag:s18] =	ssyncset.done $0x0  }
0x1f6: {  	s23 =	simm.s32 $0x140;
	[sflag:s18] =	ssyncadd.s32 $0xFFFFE700  }
0x1f7: {  	[tilespmem:s31], [sflag:$0x1] =	stream.indirect.gather [hbm4b:s6+s30], $0x50, s23, s30, $0xb8;
	[tilespmem:$0x1ED20] =	vst v63  }
0x1f8: {  	_ =	swait.ge [sflag:s19], $0x1900  }
0x1f9: {  	[sflag:s19] =	ssyncset.done $0x0  }
0x1fa: {  	s14 =	simm.s32 $0x190;
	[sflag:s19] =	ssyncadd.s32 $0xFFFFE700  }
0x1fb: {  	[tilespmem:s0], [sflag:$0x2] =	stream.indirect.gather [hbm4b:s6+s30], $0x50, s14, s30, $0xb8;
	[tilespmem:$0x1ED20] =	vst v63  }
0x1fc: {  	_ =	swait.ge [sflag:s20], $0x1900  }
0x1fd: {  	[sflag:s20] =	ssyncset.done $0x0  }
0x1fe: {  	s23 =	simm.s32 $0x1E0;
	[sflag:s20] =	ssyncadd.s32 $0xFFFFE700  }
0x1ff: {  	[tilespmem:s2], [sflag:$0x3] =	stream.indirect.gather [hbm4b:s6+s30], $0x50, s23, s30, $0xb8;
	[tilespmem:$0x1ED20] =	vst v63  }
0x200: {  	_ =	swait.ge [sflag:s21], $0x1900  }
0x201: {  	[sflag:s21] =	ssyncset.done $0x0  }
0x202: {  	s14 =	simm.s32 $0x230;
	s23 =	simm.s32 $0x500;
	[sflag:s21] =	ssyncadd.s32 $0xFFFFE700  }
.LBB2_6:
0x203: {  	[tilespmem:s15], [sflag:$0x4] =	stream.indirect.gather [hbm4b:s6+s30], $0x50, s14, s30, $0xb8;
	[tilespmem:$0x1ED20] =	vst v63  }
0x204: {  	s12 =	smov.u32 s23  }
0x205: {  	p1 =	sne.s32 s23, $0x12C00;
	s23 =	sadd.s32 $0x500, s23;
	_ =	swait.ge [sflag:s16], $0x1900  }
0x206: {  	s14 =	sshra.s32 s12, $0x2;
	[sflag:s16] =	ssyncset.done $0x0  }
0x207: {  	s12 =	sadd.s32 $0x4E20, s14;
	[sflag:s16] =	ssyncadd.s32 $0xFFFFE700  }
0x208: {  	[spmem:s4] =	stream.indirect.scatter.add.f32 [tilespmem:s31], [sflag:$0x5], $0x50, s12, s30, $0xb8;
	[tilespmem:$0x1ED20] =	vst v63  }
0x209: {  	_ =	swait.ge [sflag:s3], $0x1900  }
0x20a: {  	[sflag:s3] =	ssyncset.done $0x0  }
0x20b: {  	s12 =	sadd.s32 $0x4E70, s14;
	[sflag:s3] =	ssyncadd.s32 $0xFFFFE700  }
0x20c: {  	[spmem:s4] =	stream.indirect.scatter.add.f32 [tilespmem:s0], [sflag:$0x6], $0x50, s12, s30, $0xb8;
	[tilespmem:$0x1ED20] =	vst v63  }
0x20d: {  	_ =	swait.ge [sflag:s17], $0x1900  }
0x20e: {  	[sflag:s17] =	ssyncset.done $0x0  }
0x20f: {  	s12 =	sadd.s32 $0x4EC0, s14;
	[sflag:s17] =	ssyncadd.s32 $0xFFFFE700  }
0x210: {  	[spmem:s4] =	stream.indirect.scatter.add.f32 [tilespmem:s2], [sflag:$0x7], $0x50, s12, s30, $0xb8;
	[tilespmem:$0x1ED20] =	vst v63  }
0x211: {  	_ =	swait.ge [sflag:s29], $0x1900  }
0x212: {  	[sflag:s29] =	ssyncset.done $0x0  }
0x213: {  	s12 =	sadd.s32 $0x4F10, s14;
	[sflag:s29] =	ssyncadd.s32 $0xFFFFE700  }
0x214: {  	[spmem:s4] =	stream.indirect.scatter.add.f32 [tilespmem:s15], [sflag:$0x8], $0x50, s12, s30, $0xb8;
	[tilespmem:$0x1ED20] =	vst v63  }
0x215: {  	_ =	swait.ge [sflag:s18], $0x1900  }
0x216: {  	[sflag:s18] =	ssyncset.done $0x0  }
0x217: {  	s12 =	sadd.s32 $0x140, s14;
	[sflag:s18] =	ssyncadd.s32 $0xFFFFE700  }
0x218: {  	[tilespmem:s31], [sflag:$0x1] =	stream.indirect.gather [hbm4b:s6+s30], $0x50, s12, s30, $0xb8;
	[tilespmem:$0x1ED20] =	vst v63  }
0x219: {  	_ =	swait.ge [sflag:s19], $0x1900  }
0x21a: {  	[sflag:s19] =	ssyncset.done $0x0  }
0x21b: {  	s12 =	sadd.s32 $0x190, s14;
	[sflag:s19] =	ssyncadd.s32 $0xFFFFE700  }
0x21c: {  	[tilespmem:s0], [sflag:$0x2] =	stream.indirect.gather [hbm4b:s6+s30], $0x50, s12, s30, $0xb8;
	[tilespmem:$0x1ED20] =	vst v63  }
0x21d: {  	_ =	swait.ge [sflag:s20], $0x1900  }
0x21e: {  	[sflag:s20] =	ssyncset.done $0x0  }
.Ltmp5:
0x21f: {  	s12 =	sadd.s32 $0x1E0, s14;
	[sflag:s20] =	ssyncadd.s32 $0xFFFFE700;
	(pc) =	sbr.rel @p1 .LBB2_6-.Ltmp5, $4  }
0x220: {  	[tilespmem:s2], [sflag:$0x3] =	stream.indirect.gather [hbm4b:s6+s30], $0x50, s12, s30, $0xb8;
	[tilespmem:$0x1ED20] =	vst v63  }
0x221: {  	_ =	swait.ge [sflag:s21], $0x1900  }
0x222: {  	[sflag:s21] =	ssyncset.done $0x0  }
0x223: {  	s14 =	sadd.s32 $0x230, s14;
	[sflag:s21] =	ssyncadd.s32 $0xFFFFE700  }
.Ltmp6:
0x224: {  	_ = 	snop;
	(pc) =	sbr.rel .LBB2_7-.Ltmp6, $1  }
0x225: {  	_ =	sdelay $0x3  }
.LBB2_9:
0x226: {  	_ =	sfence.sel $0x180000  }
0x227: {  	[bflag:$0x0] =	sbarrier.arrive $0xFFFF  }
0x228: {  	_ =	strace $0x90000047  }
0x229: {  	s0 =	stileid.u32;
	[bflag:$0x2] =	sbarrier.arrive $0xFFFF  }
0x22a: {  	p0 =	sne.s32 s0, $0x0;
	s0 =	rddreg [dreg:$0x6]  }
0x22b: {  	s0 =	sadd.s32 @!p0 $0x100000, s0  }
0x22c: {  	[sflag:s0] =	ssyncadd.tile.s32 @!p0 $0x1;
	_ =	shalt  }
.Lfunc_end2:
_tile_overlayer_lowered:
.L_overlay_start_2:
0x22d: {  	(tag) =	ssettag $0x2  }
0x22e: {  	s0 =	rddreg [dreg:$0x0];
	s2 =	stileid.u32  }
0x22f: {  	s1 =	rddreg [dreg:$0x1];
	p0 =	sne.s32 s2, $0x0  }
0x230: {  	s3 =	rddreg [dreg:$0x2];
	[bflag:$0x3] =	sbarrier.arrive $0xFFFF;
	s2 =	simm.s32 @!p0 $0x1C0A  }
0x231: {  	[timem:s3], [sflag:s2] =	dma.local @!p0 [hbm:s0], s1  }
0x232: {  	s0 =	simm.s32 @!p0 $0xA  }
0x233: {  	_ =	swait.ge @!p0 [sflag:s0], s1  }
0x234: {  	s1 =	ssub.s32 @!p0 $0x0, s1;
	[sflag:s0] =	ssyncset.done @!p0 $0x0  }
0x235: {  	[sflag:s0] =	ssyncadd.s32 @!p0 s1  }
0x236: {  	[bflag:$0x3] =	sbarrier.arrive $0xFFFF  }
0x237: {  	_ =	shalt  }

// kernel: kernel.9.cloned.1.call-start
scs
__scs_entry_jumppad:
0x0: {  	(pc) =	sbr.rel $0x88, $3  }
0x1: {  	(tag) =	ssettag $0x0;
	lr =	simm.s32 $0x1  }
0x2: {  	[smem:$0x3F9A] =	sst lr;
	_ =	strace $0xD0000000  }
0x3: {  	_ = 	snop  }
0x4: {  	_ = 	snop  }
0x5: {  	_ = 	snop  }
0x6: {  	_ = 	snop  }
0x7: {  	_ = 	snop  }
__scs_overlays_trampoline_lowered:
0x8: {  	[smem:$0x3FA9] =	sst s0  }
0x9: {  	[smem:$0x3FAA] =	sst s1  }
0xa: {  	[smem:$0x3FAB] =	sst s2  }
0xb: {  	[smem:$0x3FAC] =	sst s3  }
0xc: {  	[smem:$0x3FAD] =	sst s4  }
0xd: {  	[smem:$0x3FAE] =	sst s5  }
0xe: {  	[smem:$0x3FAF] =	sst s6  }
0xf: {  	[smem:$0x3FB0] =	sst s7  }
0x10: {  	[smem:$0x3FB1] =	sst s8  }
0x11: {  	[smem:$0x3FB2] =	sst s9;
	s0 =	simm.s32 @!p0 $0x0  }
0x12: {  	s1 =	sld [smem:$0x3F98];
	s0 =	simm.s32 @p0 $0x1  }
0x13: {  	[smem:$0x3FB3] =	sst s0;
	s0 =	simm.s32 @!p1 $0x0  }
0x14: {  	s2 =	sld [smem:$0x3F97];
	s0 =	simm.s32 @p1 $0x1  }
0x15: {  	[smem:$0x3FB4] =	sst s0;
	s0 =	simm.s32 @!p2 $0x0  }
0x16: {  	s3 =	sld [smem:$0x3FDB];
	s0 =	simm.s32 @p2 $0x1  }
0x17: {  	s4 =	simm.s32 $0x1BF5;
	[smem:$0x3FB6] =	sst s0  }
0x18: {  	s0 =	sld [smem:$0x3F99];
	_ =	swait.ge [sflag:s4], $0x0  }
0x19: {  	s7 =	sld [smem:$0x3F9A]  }
0x1a: {  	s8 =	sadd.s32 $0xFFFFE003, lr  }
0x1b: {  	s9 =	sadd.s32 $0xFFFFFEF7, lr;
	s5 =	simm.s32 $0xFFFFFFFF;
	p2 =	slt.u32 s8, $0xFFFFF086  }
0x1c: {  	p1 =	slt.u32 s9, $0xF7A;
	s5 =	simm.s32 @!p2 $0x0  }
0x1d: {  	s5 =	simm.s32 @p1 $0x1;
	p0 =	seq.s32 s7, s2  }
0x1e: {  	s7 =	smul.u32 @!p0 $0xF7A, s2;
	p2 =	seq.s32 @!p0 s5, $0x0  }
0x1f: {  	s9 =	smul.u32 $0xF7A, s1;
	s8 =	simm.s32 @!p0 $0x1BF5;
	p2 =	por !p2, p0  }
0x20: {  	[sflag:s8] =	ssyncset.s32 @!p0 $0xFFFFF086;
	s6 =	sadd.s32 @!p0 s3, s7;
	s7 =	simm.s32 @!p0 $0x108  }
0x21: {  	s3 =	sadd.s32 s3, s9;
	s6 =	sadd.s32 @!p0 $0x88, s6;
	s7 =	simm.s32 @p2 $0x1082  }
0x22: {  	[simem:s7], [sflag:s8] =	dma.local @!p0 [hbm:s6], $0xF7A  }
0x23: {  	s9 =	sor.u32 $0xD0000000, s2;
	s6 =	simm.s32 $0x108;
	_ =	swait.ge @!p0 [sflag:s8], $0x0  }
0x24: {  	s3 =	sadd.s32 $0x88, s3;
	s6 =	simm.s32 @!p1 $0x1082;
	[sflag:s4] =	ssyncset.s32 $0xFFFFF086  }
0x25: {  	[simem:s6], [sflag:s4] =	dma.local [hbm:s3], $0xF7A  }
0x26: {  	[smem:$0x3F9A] =	sst s1;
	(tag) =	ssettag s2;
	_ =	strace s9  }
0x27: {  	s1 =	sld [smem:$0x3FAA]  }
0x28: {  	s2 =	sld [smem:$0x3FAB]  }
0x29: {  	s4 =	sld [smem:$0x3FAD]  }
0x2a: {  	p0 =	seq.s32 s5, $0x0;
	s5 =	sld [smem:$0x3FAE]  }
0x2b: {  	s6 =	sld [smem:$0x3FAF]  }
0x2c: {  	s7 =	sld [smem:$0x3FB0]  }
0x2d: {  	s3 =	simm.s32 $0x108;
	s8 =	sld [smem:$0x3FB1]  }
0x2e: {  	s3 =	simm.s32 @!p0 $0x1082;
	s9 =	sld [smem:$0x3FB2]  }
0x2f: {  	lr =	sadd.s32 s0, s3;
	s0 =	sld [smem:$0x3FA9]  }
0x30: {  	s3 =	sld [smem:$0x3FAC]  }
0x31: {  	[smem:$0x3FB5] =	sst s10  }
0x32: {  	s10 =	sld [smem:$0x3FB3];
	_ =	sdelay $0x3  }
0x33: {  	p0 =	seq.s32 s10, $0x1;
	s10 =	sld [smem:$0x3FB5];
	_ =	sdelay $0x3  }
0x34: {  	[smem:$0x3FB5] =	sst s10  }
0x35: {  	s10 =	sld [smem:$0x3FB4];
	_ =	sdelay $0x3  }
0x36: {  	p1 =	seq.s32 s10, $0x1;
	s10 =	sld [smem:$0x3FB5];
	_ =	sdelay $0x3  }
0x37: {  	[smem:$0x3FB5] =	sst s10  }
0x38: {  	s10 =	sld [smem:$0x3FB6]  }
0x39: {  	_ = 	snop;
	(pc) =	sbr.ind lr, $3  }
0x3a: {  	_ = 	snop  }
0x3b: {  	_ = 	snop  }
0x3c: {  	p2 =	seq.s32 s10, $0x1;
	s10 =	sld [smem:$0x3FB5]  }
0x3d: {  	_ =	shalt  }
0x3e: {  	_ =	shalt  }
0x3f: {  	_ =	shalt  }
0x40: {  	_ =	shalt  }
0x41: {  	_ =	shalt  }
0x42: {  	_ =	shalt  }
0x43: {  	_ =	shalt  }
0x44: {  	_ =	shalt  }
0x45: {  	_ =	shalt  }
0x46: {  	_ =	shalt  }
0x47: {  	_ =	shalt  }
0x48: {  	_ =	shalt  }
0x49: {  	_ =	shalt  }
0x4a: {  	_ =	shalt  }
0x4b: {  	_ =	shalt  }
0x4c: {  	_ =	shalt  }
0x4d: {  	_ =	shalt  }
0x4e: {  	_ =	shalt  }
0x4f: {  	_ =	shalt  }
0x50: {  	_ =	shalt  }
0x51: {  	_ =	shalt  }
0x52: {  	_ =	shalt  }
0x53: {  	_ =	shalt  }
0x54: {  	_ =	shalt  }
0x55: {  	_ =	shalt  }
0x56: {  	_ =	shalt  }
0x57: {  	_ =	shalt  }
0x58: {  	_ =	shalt  }
0x59: {  	_ =	shalt  }
0x5a: {  	_ =	shalt  }
0x5b: {  	_ =	shalt  }
0x5c: {  	_ =	shalt  }
0x5d: {  	_ =	shalt  }
0x5e: {  	_ =	shalt  }
0x5f: {  	_ =	shalt  }
0x60: {  	_ =	shalt  }
0x61: {  	_ =	shalt  }
0x62: {  	_ =	shalt  }
0x63: {  	_ =	shalt  }
0x64: {  	_ =	shalt  }
0x65: {  	_ =	shalt  }
0x66: {  	_ =	shalt  }
0x67: {  	_ =	shalt  }
0x68: {  	_ =	shalt  }
0x69: {  	_ =	shalt  }
0x6a: {  	_ =	shalt  }
0x6b: {  	_ =	shalt  }
0x6c: {  	_ =	shalt  }
0x6d: {  	_ =	shalt  }
0x6e: {  	_ =	shalt  }
0x6f: {  	_ =	shalt  }
0x70: {  	_ =	shalt  }
0x71: {  	_ =	shalt  }
0x72: {  	_ =	shalt  }
0x73: {  	_ =	shalt  }
0x74: {  	_ =	shalt  }
0x75: {  	_ =	shalt  }
0x76: {  	_ =	shalt  }
0x77: {  	_ =	shalt  }
0x78: {  	_ =	shalt  }
0x79: {  	_ =	shalt  }
0x7a: {  	_ =	shalt  }
0x7b: {  	_ =	shalt  }
0x7c: {  	_ =	shalt  }
0x7d: {  	_ =	shalt  }
0x7e: {  	_ =	shalt  }
0x7f: {  	_ =	shalt  }
0x80: {  	_ =	shalt  }
0x81: {  	_ =	shalt  }
0x82: {  	_ =	shalt  }
0x83: {  	_ =	shalt  }
0x84: {  	_ =	shalt  }
0x85: {  	_ =	shalt  }
0x86: {  	_ =	shalt  }
0x87: {  	_ =	shalt  }
.Lfunc_end0:
.L_simem_size_0:
called_computation.1_lowered:
.L_overlay_start_0:
0x88: {  	s2 =	sld [smem:$0x3FD9]  }
0x89: {  	s3 =	sld [smem:$0x3FFE];
	_ =	sdelay $0x1  }
0x8a: {  	s1 =	srdreg.scid  }
0x8b: {  	s0 =	sand.u32 $0x1, s1  }
0x8c: {  	s14 =	sshll.u32 s0, $0xA;
	s2 =	sadd.s32 s3, s2  }
0x8d: {  	s2 =	sadd.s32 s2, s14  }
0x8e: {  	[smem:$0x3FC1] =	sst s2  }
0x8f: {  	_ = 	snop  }
0x90: {  	s2 =	sld [smem:$0x3FD0];
	_ =	sdelay $0x1  }
0x91: {  	s15 =	sld [smem:$0x3FC8]  }
0x92: {  	s5 =	simm.s32 $0xA;
	s6 =	simm.s32 $0x10;
	s4 =	sld [smem:$0x3FC7]  }
0x93: {  	[smem:s6], [sflag:s5] =	dma.local [hbm:s2], $0x1  }
0x94: {  	_ =	swait.eq [sflag:s5], $0x1  }
0x95: {  	[sflag:s5] =	ssyncset.done $0x0  }
0x96: {  	[sflag:s5] =	ssyncadd.s32 $0xFFFFFFFF  }
0x97: {  	s16 =	sld [smem:$0x11];
	(tm) =	ssettm $0x1  }
0x98: {  	s17 =	sld [smem:$0x3FFB];
	_ =	sdelay $0x3  }
0x99: {  	_ =	strace s17  }
0x9a: {  	s5 =	sld [smem:$0x3FFC];
	_ =	sdelay $0x3  }
0x9b: {  	_ =	strace s5  }
0x9c: {  	s5 =	sld [smem:$0x3FFD];
	_ =	sdelay $0x3  }
0x9d: {  	_ =	strace s5  }
0x9e: {  	_ =	strace $0x8FFFFFFF  }
0x9f: {  	s18 =	sld [smem:$0x3FDB];
	_ =	sdelay $0x1  }
0xa0: {  	s19 =	simm.s32 $_scs_section_size  }
0xa1: {  	s7 =	simm.s32 $_size__tile_overlayer_lowered;
	s8 =	simm.s32 $_tile_overlayer_lowered  }
0xa2: {  	s22 =	simm.s32 $0x1BFF;
	s21 =	sshll.u32 s8, $0x1;
	s5 =	sadd.s32 s19, s18  }
0xa3: {  	s9 =	simm.s32 $0x0;
	s20 =	sshll.u32 s7, $0x1;
	s7 =	sadd.s32 s21, s5  }
0xa4: {  	[timem:s9], [sflag:s22] =	dma.local [hbm:s7], s20  }
0xa5: {  	_ =	swait.ge [sflag:s22], s20  }
0xa6: {  	s6 =	ssub.s32 $0x0, s20;
	[sflag:s22] =	ssyncset.done $0x0  }
0xa7: {  	[sflag:s22] =	ssyncadd.s32 s6;
	_ =	sdelay $0x1  }
0xa8: {  	s23 =	simm.s32 $0x1B8B  }
0xa9: {  	_ =	swait.ge [sflag:s23], $0x1  }
0xaa: {  	[sflag:s23] =	ssyncset.done $0x0  }
0xab: {  	s25 =	simm.s32 $0x1B8E;
	s24 =	sld [smem:$0x3FFE];
	[sflag:s23] =	ssyncadd.s32 $0xFFFFFFFF  }
0xac: {  	s26 =	simm.s32 $execute0_lowered;
	[smem:$0x3FD2] =	sst s25  }
0xad: {  	s7 =	sshll.u32 s26, $0x1;
	_ =	strace $0x80000049;
	[dreg:$0x1] =	wrdreg $0xFFFFFFFF  }
0xae: {  	s28 =	simm.s32 $_size_execute0_lowered;
	s5 =	sadd.s32 s5, s7;
	[dreg:$0x0] =	wrdreg $0x0  }
0xaf: {  	s7 =	sshll.u32 s28, $0x1;
	[dreg:$0x2] =	wrdreg s5  }
0xb0: {  	[dreg:$0x3] =	wrdreg s7  }
0xb1: {  	[dreg:$0x4] =	wrdreg $0xC0  }
0xb2: {  	_ =	task [dreg:s9], $0x5FFFF  }
0xb3: {  	[dreg:$0x1] =	wrdreg $0xFFFFFFFF  }
0xb4: {  	[dreg:$0x0] =	wrdreg $0x60  }
0xb5: {  	[dreg:$0x2] =	wrdreg s24  }
0xb6: {  	[dreg:$0x3] =	wrdreg s15  }
0xb7: {  	[dreg:$0x4] =	wrdreg s4  }
0xb8: {  	[dreg:$0x5] =	wrdreg s16  }
0xb9: {  	[dreg:$0x6] =	wrdreg $0x9  }
0xba: {  	_ =	task.clear_ibuf [dreg:s9], $0x7FFFF;
	_ =	strace $0x90000049  }
0xbb: {  	s29 =	simm.s32 $0x9;
	_ =	strace $0x8000004B  }
0xbc: {  	_ =	swait.ge [sflag:s29], $0x1  }
0xbd: {  	[sflag:s29] =	ssyncadd.s32 $0xFFFFFFFF  }
0xbe: {  	_ =	strace $0x9000004B  }
0xbf: {  	_ =	sfence  }
0xc0: {  	s30 =	sld [smem:$0x0];
	_ =	sdelay $0x2  }
0xc1: {  	s31 =	sshll.u32 s1, $0xD;
	s1 =	sshrl.u32 s1, $0x2  }
0xc2: {  	s3 =	sand.u32 $0x4000, s31;
	s1 =	sadd.s32 s1, s30  }
0xc3: {  	s0 =	sor.u32 s3, s0;
	s1 =	sshll.u32 s1, $0x11  }
0xc4: {  	s0 =	sor.u32 s1, s0  }
0xc5: {  	s0 =	sadd.s32 $0x8F2B, s0  }
0xc6: {  	[sflag:s0] =	ssyncadd.remote.s32 $0x1  }
0xc7: {  	_ =	sfence.sel $0xFFFF  }
0xc8: {  	[dreg:$0x0] =	wrdreg $0xFFFFFFFF;
	(pc) =	sbr.abs _section_cstart, $3  }
0xc9: {  	[dreg:$0x1] =	wrdreg $0xFFFFFFFF  }
0xca: {  	_ =	task.clear_ibuf [dreg:s9], $0x2FFFF;
	_ =	strace $0x9FFFFFFF  }
0xcb: {  	(tm) =	ssettm $0x7FFFFFFF  }
tec
execute0_lowered:
.L_overlay_start_1:
0x0: {  	(tag) =	ssettag $0x1  }
0x1: {  	s0 =	rddreg [dreg:$0x0]  }
0x2: {  	s1 =	rddreg [dreg:$0x1]  }
0x3: {  	s2 =	srdreg.scid;
	s3 =	rddreg [dreg:$0x2]  }
0x4: {  	s5 =	rddreg [dreg:$0x3];
	s25 =	stileid.u32;
	s7 =	simm.s32 $0x0  }
0x5: {  	s4 =	sand.u32 $0x1, s2;
	[smem:$0x7FF] =	sst s7;
	s26 =	sadd.s32 $0x4AE00, s0  }
0x6: {  	s0 =	sadd.s32 $0x4A800, s0;
	s6 =	sshll.u32 s4, $0x4;
	s4 =	ssub.s32 $0x2, s4  }
0x7: {  	v0 =	vimm.s32 $0xECA86420;
	_ =	strace $0x8000004A;
	s6 =	sor.u32 s25, s6;
	s28 =	sshrl.u32 s4, $0x1  }
0x8: {  	vm0 =	vcmask $0xB08;
	vm1 =	vcmask $0x1310;
	vm2 =	vcmask $0x1B18;
	[dreg:$0x5] =	wrdreg s26;
	s6 =	smul.u32 $0x4E2, s6;
	s29 =	ssub.s32 s4, s28  }
0x9: {  	vm3 =	vcmask $0x300;
	vm4 =	vcmask $0x2320;
	vm5 =	vcmask $0x2B28;
	[dreg:$0x6] =	wrdreg s0;
	s0 =	smax.u32 s29, $0x1  }
0xa: {  	v1 =	vlaneseq.u32;
	vm6 =	vcmask $0x3330;
	vm7 =	vcmask $0x3B38;
	s1 =	sadd.s32 s1, s6;
	[dreg:$0xa] =	wrdreg s0  }
0xb: {  	vm8 =	vmmov $0xff;
	vm12 =	vcmask $0x1F1C;
	v0 =	vunpack.c.l.s4.s8 v0;
	s30 =	sadd.s32 s3, s6;
	[dreg:$0x7] =	wrdreg s1  }
0xc: {  	vm13 =	vcmask $0x2724;
	vm14 =	vcmask $0x2F2C;
	vm15 =	vcmask $0x3734;
	s31 =	sadd.s32 s5, s6;
	[dreg:$0x8] =	wrdreg s30  }
0xd: {  	v2 =	vimm.s32 $0x0;
	v1 =	vmul.u32 $0x2, v1;
	s2 =	simm.s32 $0x1;
	v0 =	vunpack.c.0.s8.s32 v0;
	[dreg:$0x9] =	wrdreg s31;
	s1 =	simm.s32 $0x0  }
.LBB2_1:
0xe: {  	[dreg:$0xb] =	wrdreg s1  }
0xf: {  	s0 =	simm.s32 $0x0;
	s17 =	rddreg [dreg:$0x5]  }
0x10: {  	[tilespmem:s0], [sflag:$0x1] =	stream.linear.gather [hbm4b:s17+s0], $0x2710, $0x38;
	[tilespmem:$0xC440] =	vst v63  }
0x11: {  	_ =	swait.ge [sflag:s2], $0x2710  }
0x12: {  	[sflag:s2] =	ssyncset.done $0x0  }
0x13: {  	s3 =	simm.s32 $0x2710;
	s18 =	rddreg [dreg:$0x6];
	[sflag:s2] =	ssyncadd.s32 $0xFFFFD8F0  }
0x14: {  	[tilespmem:s3], [sflag:$0x1] =	stream.linear.gather [hbm4b:s18+s0], $0x2800, $0x38;
	[tilespmem:$0xC440] =	vst v63  }
0x15: {  	_ =	swait.ge [sflag:s2], $0x2800  }
0x16: {  	[sflag:s2] =	ssyncset.done $0x0  }
0x17: {  	s20 =	simm.s32 $0x4F10;
	s19 =	rddreg [dreg:$0x7];
	[sflag:s2] =	ssyncadd.s32 $0xFFFFD800  }
0x18: {  	[tilespmem:s20], [sflag:$0x1] =	stream.linear.gather [hbm4b:s19+s0], $0x2710, $0x38;
	[tilespmem:$0xC440] =	vst v63  }
0x19: {  	_ =	swait.ge [sflag:s2], $0x2710  }
0x1a: {  	[sflag:s2] =	ssyncset.done $0x0  }
0x1b: {  	s22 =	simm.s32 $0x7620;
	s21 =	rddreg [dreg:$0x8];
	[sflag:s2] =	ssyncadd.s32 $0xFFFFD8F0  }
0x1c: {  	[tilespmem:s22], [sflag:$0x1] =	stream.linear.gather [hbm4b:s21+s0], $0x2710, $0x38;
	[tilespmem:$0xC440] =	vst v63  }
0x1d: {  	_ =	swait.ge [sflag:s2], $0x2710  }
0x1e: {  	[sflag:s2] =	ssyncset.done $0x0  }
0x1f: {  	s15 =	simm.s32 $0x0;
	[sflag:s2] =	ssyncadd.s32 $0xFFFFD8F0  }
0x20: {  	v4 =	vld [tilespmem:s15+$0x7620];
	_ =	sdelay $0x4  }
0x21: {  	(v2sf) =	vpush v4, $0x7;
	_ =	sdelay $0x1  }
0x22: {  	(v2sf) =	vpush v4, $0x0  }
0x23: {  	(v2sf) =	vpush v4, $0x1;
	_ =	sdelay $0x1  }
0x24: {  	(v2sf) =	vpush v4, $0x2;
	_ =	sdelay $0x2  }
0x25: {  	(v2sf) =	vpush v4, $0x3;
	_ =	sdelay $0x1  }
0x26: {  	(v2sf) =	vpush v4, $0x4;
	_ =	sdelay $0x1  }
0x27: {  	(v2sf) =	vpush v4, $0xC  }
0x28: {  	(v2sf) =	vpush v4, $0x8;
	_ =	sdelay $0x1  }
0x29: {  	(v2sf) =	vpush v4, $0xE;
	s23 =	spop (v2sf)  }
0x2a: {  	s24 =	smulhi.u32 $0x68DB8BAD, s23;
	s0 =	sshra.s32 s23, $0x1F  }
0x2b: {  	s5 =	spop (v2sf);
	s0 =	smul.u32 $0x68DB8BAD, s0  }
0x2c: {  	(v2sf) =	vpush v4, $0xA;
	s25 =	spop (v2sf);
	s2 =	sshra.s32 s5, $0x1F;
	s5 =	smulhi.u32 $0x68DB8BAD, s5  }
0x2d: {  	s4 =	smulhi.u32 $0x68DB8BAD, s25  }
0x2e: {  	s6 =	spop (v2sf);
	s23 =	smul.u32 $0x68DB8BAD, s2  }
0x2f: {  	(v2sf) =	vpush v4, $0xD;
	s3 =	sshra.s32 s25, $0x1F;
	s7 =	smulhi.u32 $0x68DB8BAD, s6  }
0x30: {  	(v2sf) =	vpush v4, $0xF;
	s6 =	sshra.s32 s6, $0x1F;
	s3 =	smul.u32 $0x68DB8BAD, s3  }
0x31: {  	s12 =	spop (v2sf);
	s6 =	smul.u32 $0x68DB8BAD, s6  }
0x32: {  	s11 =	sshra.s32 s12, $0x1F;
	s12 =	smulhi.u32 $0x68DB8BAD, s12  }
0x33: {  	(v2sf) =	vpush v4, $0x9;
	s17 =	sadd.s32 s0, s24;
	s13 =	spop (v2sf);
	s16 =	smul.u32 $0x68DB8BAD, s11  }
0x34: {  	(v2sf) =	vpush v4, $0xB;
	s5 =	sadd.s32 s23, s5;
	s26 =	sshra.s32 s13, $0x1F;
	s13 =	smulhi.u32 $0x68DB8BAD, s13  }
0x35: {  	s30 =	spop (v2sf);
	s4 =	sadd.s32 s3, s4;
	s18 =	smul.u32 $0x68DB8BAD, s26  }
0x36: {  	s20 =	smulhi.u32 $0x68DB8BAD, s30;
	s11 =	sshra.s32 s30, $0x1F;
	s19 =	spop (v2sf)  }
0x37: {  	s3 =	sshra.s32 s4, $0x1F;
	s6 =	sadd.s32 s6, s7;
	s21 =	smul.u32 $0x68DB8BAD, s11  }
0x38: {  	s0 =	sshrl.u32 s4, $0x1F;
	s22 =	smulhi.u32 $0x68DB8BAD, s19;
	s8 =	spop (v2sf)  }
0x39: {  	s11 =	sshra.s32 s4, $0x8;
	s9 =	sshra.s32 s19, $0x1F;
	s4 =	sshra.s32 s6, $0x8  }
0x3a: {  	s19 =	sshrl.u32 s6, $0x1F;
	s12 =	sadd.s32 s16, s12;
	s24 =	smulhi.u32 $0x68DB8BAD, s8  }
0x3b: {  	(v2sf) =	vpush v4, $0x5;
	s16 =	simm.s32 $0x10;
	s25 =	spop (v2sf);
	s7 =	smul.u32 $0x68DB8BAD, s9  }
0x3c: {  	s1 =	sshra.s32 s8, $0x1F;
	s9 =	sshrl.u32 s5, $0x1F;
	s26 =	smulhi.u32 $0x68DB8BAD, s25  }
0x3d: {  	s25 =	sshra.s32 s25, $0x1F;
	s28 =	smul.u32 $0x68DB8BAD, s1;
	s1 =	sadd.s32 s18, s13  }
0x3e: {  	v3 =	vld [tilespmem:s16+$0x7620];
	s21 =	sadd.s32 s21, s20;
	s25 =	smul.u32 $0x68DB8BAD, s25;
	s29 =	spop (v2sf)  }
0x3f: {  	s20 =	sshra.s32 s6, $0x1F;
	s10 =	spop (v2sf);
	s31 =	smulhi.u32 $0x68DB8BAD, s29  }
0x40: {  	(v2sf) =	vpush v4, $0x6;
	s7 =	sadd.s32 s7, s22;
	s2 =	sshra.s32 s29, $0x1F;
	s13 =	smulhi.u32 $0x68DB8BAD, s10  }
0x41: {  	s24 =	sadd.s32 s28, s24;
	s14 =	sshra.s32 s10, $0x1F;
	s6 =	smul.u32 $0x68DB8BAD, s2  }
0x42: {  	s23 =	sshra.s32 s24, $0x8;
	s30 =	spop (v2sf);
	s18 =	smul.u32 $0x68DB8BAD, s14  }
0x43: {  	(v2sf) =	vpush v3, $0x7;
	s8 =	spop (v2sf);
	s28 =	sshra.s32 s30, $0x1F;
	s30 =	smulhi.u32 $0x68DB8BAD, s30  }
0x44: {  	s29 =	sshrl.u32 s21, $0x1F;
	s14 =	sshra.s32 s21, $0x8;
	s22 =	smulhi.u32 $0x68DB8BAD, s8  }
0x45: {  	(v2sf) =	vpush v3, $0x0;
	s8 =	sshra.s32 s8, $0x1F;
	s10 =	smul.u32 $0x68DB8BAD, s28;
	s6 =	sadd.s32 s6, s31  }
0x46: {  	(v2sf) =	vpush v3, $0x1;
	v7 =	vmov s14;
	s14 =	sshra.s32 s12, $0x8;
	s8 =	smul.u32 $0x68DB8BAD, s8;
	s28 =	sadd.s32 s18, s13  }
0x47: {  	(v2sf) =	vpush v3, $0x2;
	s18 =	sadd.s32 s25, s26;
	s26 =	sshra.s32 s5, $0x8;
	s5 =	sshra.s32 s5, $0x1F  }
0x48: {  	(v2sf) =	vpush v3, $0x3;
	s13 =	sshrl.u32 s24, $0x1F;
	s25 =	sadd.s32 s10, s30;
	s10 =	sshra.s32 s17, $0x1F  }
0x49: {  	v8 =	vmov s9;
	(v2sf) =	vpush v3, $0x4;
	s24 =	sshra.s32 s7, $0x8;
	s7 =	sshrl.u32 s7, $0x1F;
	s9 =	sshrl.u32 s6, $0x1F;
	v5 =	vmov s10  }
0x4a: {  	vm9 =	vcmask $0x704;
	(v2sf) =	vpush v3, $0xC;
	s6 =	sshra.s32 s6, $0x8;
	s30 =	spop (v2sf);
	s31 =	sshrl.u32 s18, $0x1F;
	v5 =	vsel vm3, s26, v5  }
0x4b: {  	s21 =	sshrl.u32 s28, $0x1F;
	v10 =	vmov s24;
	s24 =	sshrl.u32 s1, $0x1F;
	s22 =	sadd.s32 s8, s22;
	v5 =	vsel vm9, s5, v5  }
0x4c: {  	s2 =	smulhi.u32 $0x68DB8BAD, s30;
	s8 =	sshra.s32 s30, $0x1F;
	s30 =	sshra.s32 s18, $0x8;
	vm9 =	vcmask $0xF0C;
	v5 =	vsel vm0, s11, v5  }
0x4d: {  	v6 =	vmov s29;
	v9 =	vmov s7;
	s29 =	sshrl.u32 s25, $0x1F;
	s7 =	sshra.s32 s25, $0x8;
	s8 =	smul.u32 $0x68DB8BAD, s8;
	v5 =	vsel vm9, s3, v5  }
0x4e: {  	v8 =	vnsel vm3, $0x0, v8;
	s25 =	sshra.s32 s28, $0x8;
	s26 =	sshra.s32 s12, $0x1F;
	s12 =	sshrl.u32 s12, $0x1F;
	vm9 =	vcmask $0x1714;
	v5 =	vsel vm1, s4, v5  }
0x4f: {  	v8 =	vsel vm0, s0, v8;
	v10 =	vsel vm0, s7, v10;
	s7 =	sshrl.u32 s17, $0x1F;
	s5 =	sadd.s32 s8, s2;
	s2 =	spop (v2sf);
	v5 =	vsel vm9, s20, v5  }
0x50: {  	v8 =	vsel vm1, s19, v8;
	s11 =	sshrl.u32 s22, $0x1F;
	s10 =	smulhi.u32 $0x68DB8BAD, s2;
	s8 =	sshra.s32 s2, $0x1F;
	v5 =	vsel vm2, s14, v5  }
0x51: {  	(v2sf) =	vpush v3, $0x8;
	v7 =	vsel vm0, s6, v7;
	s22 =	sshra.s32 s22, $0x8;
	s2 =	sshra.s32 s1, $0x8;
	s8 =	smul.u32 $0x68DB8BAD, s8;
	v5 =	vsel vm12, s26, v5  }
0x52: {  	v6 =	vsel vm0, s9, v6;
	v7 =	vsel vm1, s23, v7;
	s1 =	sshra.s32 s1, $0x1F;
	s0 =	sshrl.u32 s5, $0x1F;
	s23 =	spop (v2sf);
	v5 =	vsel vm4, s2, v5  }
0x53: {  	(v2sf) =	vpush v3, $0xE;
	v9 =	vsel vm0, s29, v9;
	s6 =	sadd.s32 s8, s10;
	s8 =	sshra.s32 s5, $0x8;
	s10 =	sshra.s32 s5, $0x1F;
	v5 =	vsel vm13, s1, v5  }
0x54: {  	(v2sf) =	vpush v3, $0xA;
	v10 =	vsel vm1, s30, v10;
	s30 =	smulhi.u32 $0x68DB8BAD, s23;
	s28 =	spop (v2sf);
	s14 =	sshra.s32 s6, $0x1F;
	v5 =	vsel vm5, s8, v5  }
0x55: {  	v6 =	vsel vm1, s13, v6;
	v9 =	vsel vm1, s31, v9;
	s3 =	sshra.s32 s6, $0x8;
	s13 =	sshra.s32 s28, $0x1F;
	s2 =	spop (v2sf);
	v5 =	vsel vm14, s10, v5  }
0x56: {  	(v2sf) =	vpush v3, $0xD;
	v9 =	vsel vm2, s11, v9;
	s11 =	smul.u32 $0x68DB8BAD, s13;
	s1 =	sshra.s32 s23, $0x1F;
	s19 =	spop (v2sf);
	v5 =	vsel vm6, s3, v5  }
0x57: {  	v7 =	vsel vm2, s25, v7;
	s5 =	sshra.s32 s17, $0x8;
	(v2sf) =	vpush v3, $0xF;
	s1 =	smul.u32 $0x68DB8BAD, s1;
	v5 =	vsel vm15, s14, v5;
	s14 =	spop (v2sf)  }
0x58: {  	v6 =	vsel vm2, s21, v6;
	v8 =	vsel vm2, s12, v8;
	s4 =	sshra.s32 s2, $0x1F;
	s20 =	smulhi.u32 $0x68DB8BAD, s19;
	v5 =	vsel vm7, s5, v5;
	s5 =	spop (v2sf)  }
0x59: {  	v8 =	vsel vm4, s24, v8;
	v10 =	vsel vm2, s22, v10;
	s21 =	smul.u32 $0x68DB8BAD, s4;
	s17 =	sadd.s32 s1, s30;
	s30 =	spop (v2sf);
	(v2sf) =	vpush v3, $0x9  }
0x5a: {  	v7 =	vcombine.low v10, v7;
	v8 =	vsel vm5, s0, v8;
	v6 =	vcombine.low v9, v6;
	s26 =	sshrl.u32 s6, $0x1F;
	s12 =	sshra.s32 s19, $0x1F;
	s10 =	smulhi.u32 $0x68DB8BAD, s2  }
0x5b: {  	v8 =	vsel vm6, s26, v8;
	s22 =	smul.u32 $0x68DB8BAD, s12;
	s24 =	sshra.s32 s14, $0x1F  }
0x5c: {  	s18 =	simm.s32 $0x80;
	v7 =	vperm.xlane v7, v0;
	v6 =	vperm.xlane v6, v0;
	v8 =	vsel vm7, s7, v8;
	s6 =	sshra.s32 s17, $0x1F;
	s8 =	smul.u32 $0x68DB8BAD, s24  }
0x5d: {  	v8 =	vperm.xlane v8, v1;
	s25 =	sadd.s32 s21, s10;
	s2 =	sadd.s32 s22, s20;
	v5 =	vperm.xlane v5, v1;
	s24 =	smulhi.u32 $0x68DB8BAD, s14;
	(v2sf) =	vpush v3, $0xB  }
0x5e: {  	s29 =	sshra.s32 s25, $0x8;
	s26 =	sshra.s32 s5, $0x1F;
	s5 =	smulhi.u32 $0x68DB8BAD, s5  }
0x5f: {  	v6 =	vsel vm8, v8, v6;
	s23 =	sshra.s32 s25, $0x1F;
	s20 =	sshrl.u32 s25, $0x1F;
	s9 =	smul.u32 $0x68DB8BAD, s26;
	v5 =	vsel vm8, v5, v7  }
0x60: {  	s19 =	sshrl.u32 s2, $0x1F;
	s1 =	smulhi.u32 $0x68DB8BAD, s30;
	s0 =	sshra.s32 s30, $0x1F;
	v5 =	vadd.s32 v6, v5  }
0x61: {  	s25 =	sshra.s32 s2, $0x1F;
	s4 =	spop (v2sf);
	s12 =	smul.u32 $0x68DB8BAD, s0;
	v6 =	vmul.u32 $0xFFFFFD8F, v5  }
0x62: {  	s26 =	sshra.s32 s2, $0x8;
	s0 =	smulhi.u32 $0x68DB8BAD, s4;
	s10 =	spop (v2sf);
	(v2sf) =	vpush v3, $0x5  }
0x63: {  	s4 =	sshra.s32 s4, $0x1F;
	s3 =	smulhi.u32 $0x68DB8BAD, s10;
	s30 =	spop (v2sf);
	v6 =	vadd.s32 v4, v6  }
0x64: {  	vm10 =	vlt.s32 v4, $0x1;
	v7 =	vmov s6;
	s24 =	sadd.s32 s8, s24;
	s21 =	sshra.s32 s10, $0x1F;
	s13 =	smulhi.u32 $0x68DB8BAD, s30;
	vm9 =	vne.s32 v6, $0x0  }
0x65: {  	s22 =	sshra.s32 s30, $0x1F;
	s6 =	spop (v2sf);
	s7 =	smul.u32 $0x68DB8BAD, s21;
	v4 =	vadd.s32 $0x271, v6;
	vm10 =	vmand vm10, vm9;
	vm9 =	vlt.s32 v6, $0x0  }
0x66: {  	(v2sf) =	vpush v3, $0x6;
	s21 =	sadd.s32 s9, s5;
	s31 =	sshra.s32 s6, $0x1F;
	s5 =	spop (v2sf);
	v6 =	vsel vm9, v4, v6;
	v8 =	vsel vm10, $0xFFFFFFFF, v2  }
.LBB2_2:
0x67: {  	s8 =	sshra.s32 s5, $0x1F;
	s9 =	smul.u32 $0x68DB8BAD, s22  }
0x68: {  	s14 =	spop (v2sf);
	s22 =	smov.u32 s15;
	s28 =	smulhi.u32 $0x68DB8BAD, s28  }
0x69: {  	s15 =	smov.u32 s16;
	s16 =	smov.u32 s18;
	s4 =	smul.u32 $0x68DB8BAD, s4  }
0x6a: {  	s12 =	sadd.s32 s12, s1;
	s1 =	smulhi.u32 $0x68DB8BAD, s6;
	s30 =	sshra.s32 s14, $0x1F  }
0x6b: {  	s5 =	smulhi.u32 $0x68DB8BAD, s5;
	s16 =	sshra.s32 s18, $0x2;
	s2 =	sshrl.u32 s12, $0x1F  }
0x6c: {  	s3 =	sadd.s32 s7, s3;
	v9 =	vmov s2;
	s2 =	sshra.s32 s12, $0x8;
	v4 =	vld [tilespmem:s16+$0x7620];
	s6 =	spop (v2sf)  }
0x6d: {  	s12 =	sadd.s32 s4, s0;
	s10 =	smulhi.u32 $0x68DB8BAD, s6;
	s0 =	sshra.s32 s6, $0x1F  }
0x6e: {  	s7 =	sadd.s32 s11, s28;
	s4 =	sshra.s32 s3, $0x8;
	v10 =	vmov s2;
	s6 =	smul.u32 $0x68DB8BAD, s8  }
0x6f: {  	v5 =	vadd.s32 v8, v5;
	s9 =	sadd.s32 s9, s13;
	s2 =	smul.u32 $0x68DB8BAD, s0;
	s0 =	sshrl.u32 s7, $0x1F  }
0x70: {  	v8 =	vand.u32 $0x7, v6;
	vm9 =	vcmask $0x704;
	s13 =	smul.u32 $0x68DB8BAD, s31;
	v11 =	vmov s0;
	s0 =	sshra.s32 s7, $0x8;
	s7 =	sshra.s32 s7, $0x1F  }
0x71: {  	v5 =	vmul.u32 $0x280, v5;
	s3 =	sshrl.u32 s3, $0x1F;
	s8 =	smulhi.u32 $0x68DB8BAD, s14;
	v7 =	vsel vm3, s0, v7;
	(v2sf) =	vpush v4, $0x7;
	s14 =	spop (v2sf)  }
0x72: {  	v6 =	vand.u32 $0xFFFFFFF8, v6;
	s11 =	sadd.s32 s6, s5;
	s6 =	sshra.s32 s12, $0x8;
	v7 =	vsel vm9, s7, v7;
	(v2sf) =	vpush v4, $0x0;
	s5 =	smulhi.u32 $0x68DB8BAD, s14  }
0x73: {  	v5 =	vadd.s32 v6, v5;
	s0 =	sshrl.u32 s11, $0x1F;
	s7 =	smul.u32 $0x68DB8BAD, s30;
	v7 =	vsel vm0, s29, v7;
	(v2sf) =	vpush v4, $0x1  }
0x74: {  	v5 =	vor.u32 v8, v5;
	s12 =	sshrl.u32 s12, $0x1F;
	v6 =	vmov s6;
	s2 =	sadd.s32 s2, s10;
	s14 =	sshra.s32 s14, $0x1F;
	(v2sf) =	vpush v4, $0x2  }
0x75: {  	v8 =	vmov s12;
	v11 =	vnsel vm3, $0x0, v11;
	s30 =	sadd.s32 $0x40, s18;
	vm9 =	vcmask $0xF0C;
	s6 =	sadd.s32 s7, s8;
	s7 =	sshra.s32 s9, $0x8  }
0x76: {  	s10 =	sadd.s32 s13, s1;
	s9 =	sshrl.u32 s9, $0x1F;
	v7 =	vsel vm9, s23, v7;
	s8 =	sshrl.u32 s6, $0x1F;
	(v2sf) =	vpush v4, $0x3  }
0x77: {  	s13 =	sshrl.u32 s10, $0x1F;
	v8 =	vsel vm0, s8, v8;
	s8 =	smul.u32 $0x68DB8BAD, s14;
	(v2sf) =	vpush v4, $0x4;
	s12 =	spop (v2sf)  }
0x78: {  	s1 =	sshrl.u32 s2, $0x1F;
	vm9 =	vcmask $0x1714;
	s6 =	sshra.s32 s6, $0x8;
	v7 =	vsel vm1, s26, v7;
	v8 =	vsel vm1, s9, v8;
	s9 =	simm.s32 $0x2710  }
0x79: {  	v6 =	vsel vm0, s6, v6;
	v7 =	vsel vm9, s25, v7;
	s6 =	sshra.s32 s24, $0x8;
	s5 =	sadd.s32 s8, s5;
	s8 =	sshra.s32 s10, $0x8;
	(v2sf) =	vpush v4, $0xC;
	v5 =	vld.idx.msk [tilespmem:v5+s9+$0x0], $0xffff  }
0x7a: {  	v11 =	vsel vm0, s20, v11;
	v7 =	vsel vm2, s6, v7;
	s6 =	sshra.s32 s24, $0x1F;
	s10 =	sshra.s32 s12, $0x1F;
	v10 =	vsel vm0, s8, v10;
	s9 =	smulhi.u32 $0x68DB8BAD, s12  }
0x7b: {  	v7 =	vsel vm12, s6, v7;
	s8 =	sshrl.u32 s24, $0x1F;
	s10 =	smul.u32 $0x68DB8BAD, s10;
	v10 =	vsel vm1, s4, v10;
	s4 =	sshra.s32 s21, $0x8;
	(v2sf) =	vpush v4, $0x8;
	v12 =	vld [tilespmem:s22+$0x4F10]  }
0x7c: {  	s11 =	sshra.s32 s11, $0x8;
	v6 =	vsel vm1, s7, v6;
	s6 =	sshrl.u32 s21, $0x1F;
	v7 =	vsel vm4, s4, v7;
	s4 =	sshra.s32 s21, $0x1F;
	(v2sf) =	vpush v4, $0xE  }
0x7d: {  	p0 =	sne.s32 s18, $0x9C00;
	v9 =	vsel vm0, s13, v9;
	v11 =	vsel vm1, s19, v11;
	s7 =	sadd.s32 s10, s9;
	v7 =	vsel vm13, s4, v7;
	s4 =	sshra.s32 s5, $0x8  }
0x7e: {  	v9 =	vsel vm1, s3, v9;
	s3 =	sshra.s32 s5, $0x1F;
	v11 =	vsel vm2, s8, v11;
	s8 =	sshrl.u32 s5, $0x1F;
	v7 =	vsel vm5, s4, v7;
	s4 =	sshra.s32 s17, $0x8  }
0x7f: {  	s2 =	sshra.s32 s2, $0x8;
	s5 =	sshrl.u32 s17, $0x1F;
	s9 =	sshra.s32 s7, $0x1F;
	v7 =	vsel vm14, s3, v7;
	(v2sf) =	vpush v4, $0xA;
	(erf) = vrcp.f32 v5  }
0x80: {  	v6 =	vsel vm2, s2, v6;
	s10 =	sshrl.u32 s7, $0x1F;
	s2 =	sshra.s32 s7, $0x8;
	v5 =	vsel vm2, s11, v10;
	(v2sf) =	vpush v4, $0xD;
	s3 =	spop (v2sf)  }
0x81: {  	v9 =	vsel vm2, s0, v9;
	v10 =	vsel vm4, s6, v11;
	v5 =	vcombine.low v6, v5;
	s7 =	smulhi.u32 $0x68DB8BAD, s3;
	s11 =	sshra.s32 s3, $0x1F;
	s28 =	spop (v2sf)  }
0x82: {  	s18 =	smov.u32 s30;
	v7 =	vsel vm6, s2, v7;
	s0 =	smul.u32 $0x68DB8BAD, s11;
	s6 =	spop (v2sf)  }
0x83: {  	v7 =	vsel vm15, s9, v7;
	s9 =	simm.s32 $0x0;
	v6 =	vsel vm5, s8, v10;
	s3 =	sshra.s32 s28, $0x1F;
	(v2sf) =	vpush v4, $0xF;
	s2 =	smulhi.u32 $0x68DB8BAD, s6  }
0x84: {  	v6 =	vsel vm6, s10, v6;
	s6 =	sshra.s32 s6, $0x1F;
	(v2sf) =	vpush v4, $0x9;
	s8 =	spop (v2sf);
	v10 =	vld.idx.msk [tilespmem:v12+s9+$0x0], $0xffff;
	s11 =	smul.u32 $0x68DB8BAD, s3  }
0x85: {  	v7 =	vsel vm7, s4, v7;
	v6 =	vsel vm7, s5, v6;
	v5 =	vperm.xlane v5, v0;
	s9 =	smulhi.u32 $0x68DB8BAD, s8;
	s8 =	sshra.s32 s8, $0x1F;
	s17 =	sadd.s32 s0, s7  }
0x86: {  	v8 =	vsel vm2, s1, v8;
	v11 =	vperm.xlane v7, v1;
	s0 =	smul.u32 $0x68DB8BAD, s6;
	s4 =	sshra.s32 s17, $0x1F;
	s5 =	spop (v2sf)  }
0x87: {  	v8 =	vcombine.low v8, v9;
	s6 =	smul.u32 $0x68DB8BAD, s8;
	s1 =	sshra.s32 s5, $0x1F;
	v7 =	vmov s4;
	(v2sf) =	vpush v4, $0xB;
	s7 =	spop (v2sf)  }
0x88: {  	v5 =	vsel vm8, v11, v5;
	s2 =	sadd.s32 s0, s2;
	s8 =	smul.u32 $0x68DB8BAD, s1;
	s0 =	sshra.s32 s7, $0x1F  }
0x89: {  	v8 =	vperm.xlane v8, v0;
	v6 =	vperm.xlane v6, v1;
	s29 =	sshra.s32 s2, $0x8;
	s10 =	smul.u32 $0x68DB8BAD, s0;
	s0 =	spop (v2sf);
	v9 =	vpop (erf)  }
0x8a: {  	s23 =	sshra.s32 s2, $0x1F;
	s1 =	smulhi.u32 $0x68DB8BAD, s0;
	s0 =	sshra.s32 s0, $0x1F;
	v9 =	vmul.f32 v9, v10  }
0x8b: {  	v6 =	vsel vm8, v6, v8;
	s6 =	sadd.s32 s6, s9;
	s12 =	smul.u32 $0x68DB8BAD, s0;
	s4 =	spop (v2sf)  }
0x8c: {  	v5 =	vadd.s32 v6, v5;
	s0 =	smulhi.u32 $0x68DB8BAD, s4;
	s4 =	sshra.s32 s4, $0x1F;
	s9 =	spop (v2sf);
	(v2sf) =	vpush v4, $0x5;
	[tilespmem:s22+$0x9D30] =	vst v9  }
0x8d: {  	s20 =	sshrl.u32 s2, $0x1F;
	v6 =	vmul.u32 $0xFFFFFD8F, v5;
	s26 =	sshra.s32 s6, $0x8;
	s3 =	smulhi.u32 $0x68DB8BAD, s9  }
.Ltmp0:
0x8e: {  	s19 =	sshrl.u32 s6, $0x1F;
	s25 =	sshra.s32 s6, $0x1F;
	(pc) =	sbr.rel @p0 .LBB2_2-.Ltmp0, $4  }
0x8f: {  	vm9 =	vlt.s32 v3, $0x1;
	s5 =	smulhi.u32 $0x68DB8BAD, s5;
	v6 =	vadd.s32 v3, v6;
	v3 =	vmov v4;
	s2 =	sshra.s32 s9, $0x1F;
	s9 =	spop (v2sf)  }
0x90: {  	s14 =	smulhi.u32 $0x68DB8BAD, s7;
	vm10 =	vne.s32 v6, $0x0;
	vm11 =	vlt.s32 v6, $0x0;
	v4 =	vadd.s32 $0x271, v6;
	s22 =	sshra.s32 s9, $0x1F;
	s6 =	spop (v2sf)  }
0x91: {  	s24 =	sadd.s32 s8, s5;
	vm9 =	vmand vm9, vm10;
	v6 =	vsel vm11, v4, v6;
	s13 =	smulhi.u32 $0x68DB8BAD, s9;
	s31 =	sshra.s32 s6, $0x1F  }
0x92: {  	s21 =	sadd.s32 s10, s14;
	v8 =	vsel vm9, $0xFFFFFFFF, v2;
	s7 =	smul.u32 $0x68DB8BAD, s2;
	s5 =	spop (v2sf);
	(v2sf) =	vpush v3, $0x6  }
0x93: {  	s2 =	smul.u32 $0x68DB8BAD, s22  }
0x94: {  	s8 =	smulhi.u32 $0x68DB8BAD, s28  }
0x95: {  	s4 =	smul.u32 $0x68DB8BAD, s4  }
0x96: {  	s6 =	smulhi.u32 $0x68DB8BAD, s6  }
0x97: {  	s14 =	sshra.s32 s5, $0x1F;
	s22 =	smulhi.u32 $0x68DB8BAD, s5  }
0x98: {  	s9 =	spop (v2sf);
	s1 =	sadd.s32 s12, s1;
	s14 =	smul.u32 $0x68DB8BAD, s14  }
0x99: {  	s3 =	sadd.s32 s7, s3;
	s28 =	sshra.s32 s9, $0x1F;
	s9 =	smulhi.u32 $0x68DB8BAD, s9  }
0x9a: {  	s12 =	sshrl.u32 s1, $0x1F;
	s1 =	sshra.s32 s1, $0x8;
	s4 =	sadd.s32 s4, s0  }
0x9b: {  	s30 =	sadd.s32 s11, s8;
	s5 =	smul.u32 $0x68DB8BAD, s28;
	s2 =	sadd.s32 s2, s13  }
0x9c: {  	s28 =	smul.u32 $0x68DB8BAD, s31;
	s8 =	sshra.s32 s21, $0x1F;
	s10 =	spop (v2sf)  }
0x9d: {  	vm9 =	vcmask $0x704;
	v5 =	vadd.s32 v8, v5;
	s0 =	sadd.s32 s14, s22;
	s11 =	sshra.s32 s30, $0x8;
	s14 =	sshra.s32 s30, $0x1F  }
0x9e: {  	v53 =	vand.u32 $0xFFFFFFF8, v6;
	v54 =	vand.u32 $0x7, v6;
	v5 =	vmul.u32 $0x280, v5;
	s7 =	sshrl.u32 s30, $0x1F;
	s30 =	sshrl.u32 s4, $0x1F;
	s4 =	sshra.s32 s4, $0x8  }
0x9f: {  	v50 =	vmov s12;
	v9 =	vmov s1;
	s18 =	smulhi.u32 $0x68DB8BAD, s10;
	s10 =	sshra.s32 s10, $0x1F;
	v4 =	vsel vm3, s11, v7;
	s5 =	sadd.s32 s5, s9  }
0xa0: {  	v5 =	vadd.s32 v53, v5;
	v10 =	vmov s7;
	s10 =	smul.u32 $0x68DB8BAD, s10;
	v4 =	vsel vm9, s14, v4;
	s12 =	sshrl.u32 s5, $0x1F;
	s14 =	sadd.s32 s28, s6  }
0xa1: {  	v11 =	vmov s30;
	v12 =	vmov s4;
	v5 =	vor.u32 v54, v5;
	s5 =	sshra.s32 s5, $0x8;
	s28 =	sshra.s32 s3, $0x8;
	s3 =	sshrl.u32 s3, $0x1F  }
0xa2: {  	vm9 =	vcmask $0xF0C;
	v4 =	vsel vm0, s29, v4;
	v11 =	vsel vm0, s12, v11;
	s29 =	sshra.s32 s24, $0x1F;
	s4 =	sshrl.u32 s14, $0x1F;
	s12 =	sshra.s32 s0, $0x8  }
0xa3: {  	v10 =	vnsel vm3, $0x0, v10;
	v12 =	vsel vm0, s5, v12;
	s0 =	sshrl.u32 s0, $0x1F;
	s1 =	sadd.s32 s10, s18;
	v4 =	vsel vm9, s23, v4;
	s18 =	sshrl.u32 s2, $0x1F  }
0xa4: {  	v10 =	vsel vm0, s20, v10;
	s23 =	sshra.s32 s14, $0x8;
	vm9 =	vcmask $0x1714;
	s2 =	sshra.s32 s2, $0x8;
	s13 =	spop (v2sf);
	v4 =	vsel vm1, s26, v4  }
0xa5: {  	v7 =	vsel vm0, s4, v50;
	v10 =	vsel vm1, s19, v10;
	s26 =	sshra.s32 s24, $0x8;
	s22 =	smulhi.u32 $0x68DB8BAD, s13;
	s31 =	sshra.s32 s13, $0x1F;
	v4 =	vsel vm9, s25, v4  }
0xa6: {  	s10 =	sshrl.u32 s24, $0x1F;
	v11 =	vsel vm1, s18, v11;
	v9 =	vsel vm0, s23, v9;
	s13 =	smul.u32 $0x68DB8BAD, s31;
	v4 =	vsel vm2, s26, v4;
	s30 =	spop (v2sf)  }
0xa7: {  	v12 =	vsel vm1, s2, v12;
	v7 =	vsel vm1, s3, v7;
	s31 =	sshra.s32 s21, $0x8;
	v4 =	vsel vm12, s29, v4;
	s7 =	smulhi.u32 $0x68DB8BAD, s30;
	s9 =	sshra.s32 s30, $0x1F  }
0xa8: {  	v51 =	vsel vm2, s10, v10;
	s14 =	sshra.s32 s1, $0x8;
	v9 =	vsel vm1, s28, v9;
	s22 =	sadd.s32 s13, s22;
	v4 =	vsel vm4, s31, v4;
	s4 =	smul.u32 $0x68DB8BAD, s9  }
0xa9: {  	s18 =	sshrl.u32 s21, $0x1F;
	s1 =	sshrl.u32 s1, $0x1F;
	v52 =	vsel vm2, s14, v12;
	v7 =	vsel vm2, s0, v7;
	v4 =	vsel vm13, s8, v4;
	s11 =	sshra.s32 s22, $0x8  }
0xaa: {  	v8 =	vsel vm4, s18, v51;
	v55 =	vsel vm2, s1, v11;
	s13 =	sshra.s32 s22, $0x1F;
	v4 =	vsel vm5, s11, v4;
	s3 =	sadd.s32 s4, s7  }
0xab: {  	v9 =	vsel vm2, s12, v9;
	v6 =	vcombine.low v55, v7;
	s19 =	sshrl.u32 s22, $0x1F;
	v4 =	vsel vm14, s13, v4;
	s20 =	sshra.s32 s3, $0x8  }
0xac: {  	v9 =	vcombine.low v52, v9;
	v8 =	vsel vm5, s19, v8;
	s21 =	sshra.s32 s3, $0x1F;
	s23 =	sshrl.u32 s3, $0x1F;
	v4 =	vsel vm6, s20, v4  }
0xad: {  	s24 =	sshrl.u32 s17, $0x1F;
	v6 =	vperm.xlane v6, v0;
	s22 =	sshra.s32 s17, $0x8;
	v8 =	vsel vm6, s23, v8;
	v4 =	vsel vm15, s21, v4  }
0xae: {  	v57 =	vperm.xlane v9, v0;
	v56 =	vsel vm7, s24, v8;
	v4 =	vsel vm7, s22, v4  }
0xaf: {  	s25 =	simm.s32 $0x2710;
	v7 =	vperm.xlane v56, v1;
	v4 =	vperm.xlane v4, v1  }
0xb0: {  	v5 =	vld.idx.msk [tilespmem:v5+s25+$0x0], $0xffff  }
0xb1: {  	v6 =	vsel vm8, v7, v6;
	v4 =	vsel vm8, v4, v57  }
0xb2: {  	v58 =	vld [tilespmem:s15+$0x4F10];
	v4 =	vadd.s32 v6, v4  }
0xb3: {  	v6 =	vmul.u32 $0xFFFFFD8F, v4;
	_ =	sdelay $0x1  }
0xb4: {  	(erf) = vrcp.f32 v5;
	v59 =	vadd.s32 v3, v6  }
0xb5: {  	vm9 =	vlt.s32 v3, $0x1;
	vm10 =	vne.s32 v59, $0x0  }
0xb6: {  	vm9 =	vmand vm9, vm10  }
0xb7: {  	v3 =	vsel vm9, $0xFFFFFFFF, v2  }
0xb8: {  	s26 =	simm.s32 $0x0;
	v6 =	vadd.s32 $0x271, v59;
	vm9 =	vlt.s32 v59, $0x0;
	v3 =	vadd.s32 v3, v4  }
0xb9: {  	v61 =	vld.idx.msk [tilespmem:v58+s26+$0x0], $0xffff;
	v60 =	vsel vm9, v6, v59;
	v3 =	vmul.u32 $0x280, v3  }
0xba: {  	v6 =	vand.u32 $0xFFFFFFF8, v60  }
0xbb: {  	v4 =	vand.u32 $0x7, v60;
	v3 =	vadd.s32 v6, v3  }
0xbc: {  	v3 =	vor.u32 v4, v3  }
0xbd: {  	v62 =	vpop (erf)  }
0xbe: {  	v4 =	vmul.f32 v62, v61;
	_ =	sdelay $0x1  }
0xbf: {  	[tilespmem:s15+$0x9D30] =	vst v4  }
0xc0: {  	v3 =	vld.idx.msk [tilespmem:v3+s25+$0x0], $0xffff;
	_ =	sdelay $0x1  }
0xc1: {  	v4 =	vld [tilespmem:s16+$0x4F10];
	_ =	sdelay $0x2  }
0xc2: {  	(erf) = vrcp.f32 v3;
	_ =	sdelay $0x4  }
0xc3: {  	v3 =	vld.idx.msk [tilespmem:v4+s26+$0x0], $0xffff;
	_ =	sdelay $0x3  }
0xc4: {  	v63 =	vpop (erf)  }
0xc5: {  	v3 =	vmul.f32 v63, v3;
	_ =	sdelay $0x1  }
0xc6: {  	s2 =	simm.s32 $0x1;
	s28 =	rddreg [dreg:$0x9];
	s29 =	simm.s32 $0x9D30;
	[tilespmem:s16+$0x9D30] =	vst v3  }
0xc7: {  	[hbm4b:s28+s26] =	stream.linear.scatter [tilespmem:s29], [sflag:$0x1], $0x2710, $0x38;
	[tilespmem:$0xC440] =	vst v63  }
0xc8: {  	_ =	swait.ge [sflag:s2], $0x2710  }
0xc9: {  	s30 =	rddreg [dreg:$0xb]  }
0xca: {  	s31 =	rddreg [dreg:$0xa];
	s1 =	sadd.s32 $0x1, s30  }
0xcb: {  	p0 =	sne.s32 s1, s31  }
.Ltmp1:
0xcc: {  	_ = 	snop;
	(pc) =	sbr.rel @p0 .LBB2_1-.Ltmp1, $3  }
0xcd: {  	_ =	sdelay $0x1  }
0xce: {  	[sflag:s2] =	ssyncset.done $0x0  }
0xcf: {  	[sflag:s2] =	ssyncadd.s32 $0xFFFFD8F0  }
0xd0: {  	_ =	sfence.sel $0x180000  }
0xd1: {  	[bflag:$0x0] =	sbarrier.arrive $0xFFFF  }
0xd2: {  	_ =	strace $0x9000004A  }
0xd3: {  	s0 =	stileid.u32;
	[bflag:$0x2] =	sbarrier.arrive $0xFFFF  }
0xd4: {  	p0 =	sne.s32 s0, $0x0;
	s0 =	rddreg [dreg:$0x4]  }
0xd5: {  	s0 =	sadd.s32 @!p0 $0x100000, s0  }
0xd6: {  	[sflag:s0] =	ssyncadd.tile.s32 @!p0 $0x1;
	_ =	shalt  }
.Lfunc_end2:
_tile_overlayer_lowered:
.L_overlay_start_2:
0xd7: {  	(tag) =	ssettag $0x2  }
0xd8: {  	s0 =	rddreg [dreg:$0x0];
	s2 =	stileid.u32  }
0xd9: {  	s1 =	rddreg [dreg:$0x1];
	p0 =	sne.s32 s2, $0x0  }
0xda: {  	s3 =	rddreg [dreg:$0x2];
	[bflag:$0x3] =	sbarrier.arrive $0xFFFF;
	s2 =	simm.s32 @!p0 $0x1C01  }
0xdb: {  	[timem:s3], [sflag:s2] =	dma.local @!p0 [hbm:s0], s1  }
0xdc: {  	s0 =	simm.s32 @!p0 $0x1  }
0xdd: {  	_ =	swait.ge @!p0 [sflag:s0], s1  }
0xde: {  	s1 =	ssub.s32 @!p0 $0x0, s1;
	[sflag:s0] =	ssyncset.done @!p0 $0x0  }
0xdf: {  	[sflag:s0] =	ssyncadd.s32 @!p0 s1  }
0xe0: {  	[bflag:$0x3] =	sbarrier.arrive $0xFFFF  }
0xe1: {  	_ =	shalt  }

</sc_bundles>
